<compile_context>
chip_gen: v7x
topology: tpu7x:2x2x1
jax: 0.10.2.dev20260603
libtpu: 0.0.44.dev20260713+nightly
codegen_flags: <defaults>
</compile_context>

<pallas_src>
import functools

import jax
import jax.numpy as jnp
from jax import lax
from jax.experimental import pallas as pl
from jax.experimental.pallas import tpu as pltpu
from jax.experimental.pallas import tpu_sc as plsc

N_NODES = 10000
N_EDGES = 320000
D = 128
F = 4

NC = 2
NS = 16
NW = NC * NS
EPW = N_EDGES // NW
EPW_PAD = 10240
CH = 128
NCHUNK = EPW_PAD // CH
NPAIR = NCHUNK // 2
NP = 10240
NPT = NP // NS

_mesh = lambda: plsc.VectorSubcoreMesh(core_axis_name="c", subcore_axis_name="s")


def _zero_fill(ref, nwords):
    zv = jnp.zeros((16,), ref.dtype)

    def body(i, _):
        ref[pl.ds(i * 16, 16)] = zv
        return 0

    lax.fori_loop(0, nwords // 16, body, 0)


def _deg_body(col_hbm, ew_hbm, out_hbm, colv, ewv, onev, idxb0, idxb1, zbuf,
              accw, accc, sem0, sem1):
    cid = lax.axis_index("c")
    sid = lax.axis_index("s")
    wid = cid * NS + sid

    _zero_fill(zbuf, NPT)
    pltpu.sync_copy(zbuf, accw.at[pl.ds(sid * NPT, NPT)])
    pltpu.sync_copy(zbuf, accc.at[pl.ds(sid * NPT, NPT)])

    pltpu.sync_copy(col_hbm.at[pl.ds(wid * EPW, EPW)], colv.at[pl.ds(0, EPW)])
    pltpu.sync_copy(ew_hbm.at[pl.ds(wid * EPW, EPW)], ewv.at[pl.ds(0, EPW)])

    def fill(i, _):
        lane = i * 16 + lax.iota(jnp.int32, 16)
        valid = lane < EPW
        onev[pl.ds(i * 16, 16)] = jnp.where(valid, 1.0, 0.0)
        ewv[pl.ds(i * 16, 16)] = jnp.where(valid, ewv[pl.ds(i * 16, 16)], 0.0)
        colv[pl.ds(i * 16, 16)] = jnp.where(valid, colv[pl.ds(i * 16, 16)], 0)
        return 0

    lax.fori_loop(EPW // 16, EPW_PAD // 16, fill, 0)

    def fill_ones(i, _):
        onev[pl.ds(i * 16, 16)] = jnp.full((16,), 1.0, jnp.float32)
        return 0

    lax.fori_loop(0, EPW // 16, fill_ones, 0)

    plsc.subcore_barrier()

    idxbs = (idxb0, idxb1)
    sems = (sem0, sem1)

    def chunkpair(c2, _):
        for b in range(2):
            off = (c2 * 2 + b) * CH

            @pl.when(c2 > 0)
            def _():
                pltpu.make_async_copy(ewv.at[pl.ds(0, CH)],
                                      accw.at[idxbs[b]], sems[b]).wait()
                pltpu.make_async_copy(onev.at[pl.ds(0, CH)],
                                      accc.at[idxbs[b]], sems[b]).wait()

            for g in range(CH // 16):
                idxbs[b][pl.ds(g * 16, 16)] = colv[pl.ds(off + g * 16, 16)]
            pltpu.async_copy(ewv.at[pl.ds(off, CH)], accw.at[idxbs[b]],
                             sems[b], add=True)
            pltpu.async_copy(onev.at[pl.ds(off, CH)], accc.at[idxbs[b]],
                             sems[b], add=True)
        return 0

    lax.fori_loop(0, NPAIR, chunkpair, 0)
    for b in range(2):
        pltpu.make_async_copy(ewv.at[pl.ds(0, CH)], accw.at[idxbs[b]],
                              sems[b]).wait()
        pltpu.make_async_copy(onev.at[pl.ds(0, CH)], accc.at[idxbs[b]],
                              sems[b]).wait()

    plsc.subcore_barrier()

    sl = pl.ds(sid * NPT, NPT)
    pltpu.sync_copy(accw.at[sl], out_hbm.at[cid, 0, sl])
    pltpu.sync_copy(accc.at[sl], out_hbm.at[cid, 1, sl])


_deg_kernel = functools.partial(
    pl.kernel,
    out_type=jax.ShapeDtypeStruct((NC, 2, NP), jnp.float32),
    mesh=_mesh(),
    compiler_params=pltpu.CompilerParams(needs_layout_passes=False),
    scratch_types=[
        pltpu.VMEM((EPW_PAD,), jnp.int32),
        pltpu.VMEM((EPW_PAD,), jnp.float32),
        pltpu.VMEM((EPW_PAD,), jnp.float32),
        pltpu.VMEM((CH,), jnp.int32),
        pltpu.VMEM((CH,), jnp.int32),
        pltpu.VMEM((NPT,), jnp.float32),
        pltpu.VMEM_SHARED((NP,), jnp.float32),
        pltpu.VMEM_SHARED((NP,), jnp.float32),
        pltpu.SemaphoreType.DMA,
        pltpu.SemaphoreType.DMA,
    ],
)(_deg_body)


def _make_agg_body(weighted):
    def body(row_hbm, col_hbm, ew_hbm, feat_hbm, out_hbm,
             rowv, colv, ewv, featv, idxb0, idxb1,
             va0, va1, va2, va3, vb0, vb1, vb2, vb3, zbuf,
             acc0, acc1, acc2, acc3, sem0, sem1):
        cid = lax.axis_index("c")
        sid = lax.axis_index("s")
        wid = cid * NS + sid
        accs = (acc0, acc1, acc2, acc3)
        vbs = ((va0, va1, va2, va3), (vb0, vb1, vb2, vb3))
        idxbs = (idxb0, idxb1)
        sems = (sem0, sem1)

        _zero_fill(zbuf, NPT)
        for a in accs:
            pltpu.sync_copy(zbuf, a.at[pl.ds(sid * NPT, NPT)])

        pltpu.sync_copy(row_hbm.at[pl.ds(wid * EPW, EPW)], rowv.at[pl.ds(0, EPW)])
        pltpu.sync_copy(col_hbm.at[pl.ds(wid * EPW, EPW)], colv.at[pl.ds(0, EPW)])
        if weighted:
            pltpu.sync_copy(ew_hbm.at[pl.ds(wid * EPW, EPW)], ewv.at[pl.ds(0, EPW)])
        pltpu.sync_copy(feat_hbm, featv)

        def fill(i, _):
            lane = i * 16 + lax.iota(jnp.int32, 16)
            valid = lane < EPW
            rowv[pl.ds(i * 16, 16)] = jnp.where(valid, rowv[pl.ds(i * 16, 16)],
                                                N_NODES)
            colv[pl.ds(i * 16, 16)] = jnp.where(valid, colv[pl.ds(i * 16, 16)], 0)
            ewv[pl.ds(i * 16, 16)] = jnp.where(valid, ewv[pl.ds(i * 16, 16)], 0.0)
            return 0

        lax.fori_loop(EPW // 16, EPW_PAD // 16, fill, 0)

        plsc.subcore_barrier()

        def chunkpair(c2, _):
            for b in range(2):
                off = (c2 * 2 + b) * CH

                @pl.when(c2 > 0)
                def _():
                    for f in range(F):
                        pltpu.make_async_copy(vbs[b][f], accs[f].at[idxbs[b]],
                                              sems[b]).wait()

                for g in range(CH // 16):
                    sl = pl.ds(off + g * 16, 16)
                    bl = pl.ds(g * 16, 16)
                    r = rowv[sl]
                    idxbs[b][bl] = colv[sl]
                    w = ewv[sl] if weighted else None
                    r4 = r * 4
                    for f in range(F):
                        vf = plsc.load_gather(featv, [r4 + f])
                        vbs[b][f][bl] = (w * vf) if weighted else vf
                for f in range(F):
                    pltpu.async_copy(vbs[b][f], accs[f].at[idxbs[b]],
                                     sems[b], add=True)
            return 0

        lax.fori_loop(0, NPAIR, chunkpair, 0)
        for b in range(2):
            for f in range(F):
                pltpu.make_async_copy(vbs[b][f], accs[f].at[idxbs[b]],
                                      sems[b]).wait()

        plsc.subcore_barrier()

        sl = pl.ds(sid * NPT, NPT)
        for f in range(F):
            pltpu.sync_copy(accs[f].at[sl], out_hbm.at[cid, f, sl])

    return body


def _make_agg_kernel(weighted):
    return functools.partial(
        pl.kernel,
        out_type=jax.ShapeDtypeStruct((NC, F, NP), jnp.float32),
        mesh=_mesh(),
        compiler_params=pltpu.CompilerParams(needs_layout_passes=False),
        scratch_types=[
            pltpu.VMEM((EPW_PAD,), jnp.int32),
            pltpu.VMEM((EPW_PAD,), jnp.int32),
            pltpu.VMEM((EPW_PAD,), jnp.float32),
            pltpu.VMEM((NP * F,), jnp.float32),
            pltpu.VMEM((CH,), jnp.int32),
            pltpu.VMEM((CH,), jnp.int32),
            pltpu.VMEM((CH,), jnp.float32),
            pltpu.VMEM((CH,), jnp.float32),
            pltpu.VMEM((CH,), jnp.float32),
            pltpu.VMEM((CH,), jnp.float32),
            pltpu.VMEM((CH,), jnp.float32),
            pltpu.VMEM((CH,), jnp.float32),
            pltpu.VMEM((CH,), jnp.float32),
            pltpu.VMEM((CH,), jnp.float32),
            pltpu.VMEM((NPT,), jnp.float32),
            pltpu.VMEM_SHARED((NP,), jnp.float32),
            pltpu.VMEM_SHARED((NP,), jnp.float32),
            pltpu.VMEM_SHARED((NP,), jnp.float32),
            pltpu.VMEM_SHARED((NP,), jnp.float32),
            pltpu.SemaphoreType.DMA,
            pltpu.SemaphoreType.DMA,
        ],
    )(_make_agg_body(weighted))


_agg_w = _make_agg_kernel(True)
_agg_u = _make_agg_kernel(False)


_HI = lax.Precision.HIGHEST


def _sigmoid(v):
    return 1.0 / (1.0 + jnp.exp(-v))


def _gru_body(xp_ref, vals_ref, W0_ref, Wih_ref, Whh_ref, bih_ref, bhh_ref,
              Wc1_ref, o_ref):
    xt = xp_ref[...] * jnp.tanh(vals_ref[...])
    W0 = W0_ref[...]
    gi = lax.dot_general(xt, Wih_ref[...], (((1,), (1,)), ((), ())),
                         precision=_HI) + bih_ref[...]
    gh = lax.dot_general(W0, Whh_ref[...], (((1,), (1,)), ((), ())),
                         precision=_HI) + bhh_ref[...]
    r = _sigmoid(gi[:, 0:D] + gh[:, 0:D])
    z = _sigmoid(gi[:, D:2 * D] + gh[:, D:2 * D])
    n = jnp.tanh(gi[:, 2 * D:] + r * gh[:, 2 * D:])
    W = (1.0 - z) * n + z * W0
    o_ref[...] = jnp.dot(W, Wc1_ref[...], precision=_HI)


def _z_body(x_ref, wc_ref, d1_ref, o_ref):
    z = jnp.dot(x_ref[...], wc_ref[...], precision=_HI)
    o_ref[0:N_NODES, :] = z * d1_ref[...]
    o_ref[N_NODES:NP, :] = jnp.zeros((NP - N_NODES, F), jnp.float32)


def _mid_body(acc_ref, zs_ref, d1_ref, d2_ref, o_ref):
    o_ref[...] = d1_ref[...] * d2_ref[...] * (acc_ref[...] + 2.0 * zs_ref[...])


def _fin_body(acc_ref, ys_ref, d2_ref, bc_ref, wl_ref, bl_ref, hlin_ref, out_ref):
    h2 = d2_ref[...] * (acc_ref[...] + ys_ref[...]) + bc_ref[...]
    out_ref[...] = jnp.tanh(h2)
    hlin_ref[...] = jnp.dot(h2, wl_ref[...], precision=_HI) + bl_ref[...]


def kernel(x, edge_index, edge_weight, p, W0, W_ih, W_hh, b_ih, b_hh,
           W_conv1, b_conv1, W_lin, b_lin):
    row = edge_index[0]
    col = edge_index[1]

    degp = _deg_kernel(col, edge_weight)
    deg1 = degp[0, 0] + degp[1, 0] + 2.0
    deg2 = degp[0, 1] + degp[1, 1] + 1.0
    dinv1 = lax.rsqrt(deg1)[:, None]
    dinv2 = lax.rsqrt(deg2)[:, None]

    score = (x @ p) / jnp.linalg.norm(p)
    vals, perm = lax.top_k(score, D)
    Wc = pl.pallas_call(
        _gru_body,
        out_shape=jax.ShapeDtypeStruct((D, F), jnp.float32),
    )(x[perm], vals[:, None], W0, W_ih, W_hh, b_ih[None, :], b_hh[None, :],
      W_conv1)

    zs = pl.pallas_call(
        _z_body,
        out_shape=jax.ShapeDtypeStruct((NP, F), jnp.float32),
    )(x, Wc, dinv1[:N_NODES])

    part1 = _agg_w(row, col, edge_weight, zs.reshape(-1))
    acc1 = (part1[0] + part1[1]).T

    ys = pl.pallas_call(
        _mid_body,
        out_shape=jax.ShapeDtypeStruct((NP, F), jnp.float32),
    )(acc1, zs, dinv1, dinv2)

    part2 = _agg_u(row, col, edge_weight, ys.reshape(-1))
    acc2 = (part2[0] + part2[1]).T

    hlin, out = pl.pallas_call(
        _fin_body,
        out_shape=(
            jax.ShapeDtypeStruct((N_NODES, 1), jnp.float32),
            jax.ShapeDtypeStruct((N_NODES, F), jnp.float32),
        ),
    )(acc2[:N_NODES], ys[:N_NODES], dinv2[:N_NODES], b_conv1[None, :],
      W_lin, b_lin[None, :])
    return (hlin, out)

# --- scband reference (transcript-rebuilt; emitter-appended) ---
"""Pipeline reference for scband-recurrent-gcn1-37769942401404 (READ-ONLY COPY).

The authoritative reference and input builder live on the scoring server;
editing this copy changes nothing except your own understanding.
"""

import jax, jax.numpy as jnp
import numpy as np

N_NODES = 10000
N_EDGES = 320000
D_FEAT = 128


def gcn_norm(edge_index, edge_weight, num_nodes, fill_value):
    loop = jnp.arange(num_nodes, dtype=edge_index.dtype)
    row = jnp.concatenate([edge_index[0], loop])
    col = jnp.concatenate([edge_index[1], loop])
    ew = jnp.concatenate([edge_weight, jnp.full((num_nodes,), fill_value, dtype=edge_weight.dtype)])
    deg = jnp.zeros((num_nodes,), ew.dtype).at[col].add(ew)
    dinv = jnp.where(deg > 0, deg ** -0.5, 0.0)
    norm = dinv[row] * ew * dinv[col]
    return row, col, norm


def gru_step(x, h, W_ih, W_hh, b_ih, b_hh):
    gi = x @ W_ih.T + b_ih
    gh = h @ W_hh.T + b_hh
    i_r, i_z, i_n = jnp.split(gi, 3, axis=-1)
    h_r, h_z, h_n = jnp.split(gh, 3, axis=-1)
    r = jax.nn.sigmoid(i_r + h_r)
    z = jax.nn.sigmoid(i_z + h_z)
    n = jnp.tanh(i_n + r * h_n)
    return (1.0 - z) * n + z * h


def _forward(x, edge_index, edge_weight, p, W0, W_ih, W_hh, b_ih, b_hh, W_conv1, b_conv1, W_lin, b_lin):
    N, d = x.shape
    # EvolveGCNH: TopKPooling summary (ratio = d / N -> k = d nodes)
    score = (x @ p) / jnp.linalg.norm(p)
    vals, perm = jax.lax.top_k(score, d)
    x_tilde = x[perm] * jnp.tanh(vals)[:, None]
    # GRU evolves the GCN weight matrix (batch = d rows of W)
    W = gru_step(x_tilde, W0, W_ih, W_hh, b_ih, b_hh)
    # GCNConv_Fixed_W with evolved W (improved: self-loop fill 2.0), weighted edges
    row, col, norm = gcn_norm(edge_index, edge_weight, N, 2.0)
    h = x @ W
    h = jnp.zeros((N, d), h.dtype).at[col].add(norm[:, None] * h[row])
    # conv1: standard GCNConv(d -> 4), unweighted edges, self-loop fill 1.0
    ones_w = jnp.ones((edge_index.shape[1],), x.dtype)
    row2, col2, norm2 = gcn_norm(edge_index, ones_w, N, 1.0)
    h2 = h @ W_conv1
    h2 = jnp.zeros((N, W_conv1.shape[1]), h.dtype).at[col2].add(norm2[:, None] * h2[row2]) + b_conv1
    out = jnp.tanh(h2)
    hlin = h2 @ W_lin + b_lin
    return (hlin, out)


def setup_inputs(seed: int = 0):
    key = jax.random.key(seed)
    ks = jax.random.split(key, 12)
    d = D_FEAT
    s = 1.0 / np.sqrt(d)
    inp = {}
    inp["x"] = jax.random.normal(ks[0], (N_NODES, d), dtype=jnp.float32)
    inp["edge_index"] = jax.random.randint(ks[1], (2, N_EDGES), 0, N_NODES, dtype=jnp.int32)
    inp["edge_weight"] = jax.random.uniform(ks[2], (N_EDGES,), dtype=jnp.float32)
    inp["p"] = jax.random.normal(ks[3], (d,), dtype=jnp.float32) * s
    inp["W0"] = jax.random.normal(ks[4], (d, d), dtype=jnp.float32) * s
    inp["W_ih"] = jax.random.normal(ks[5], (3 * d, d), dtype=jnp.float32) * s
    inp["W_hh"] = jax.random.normal(ks[6], (3 * d, d), dtype=jnp.float32) * s
    inp["b_ih"] = jax.random.normal(ks[7], (3 * d,), dtype=jnp.float32) * s
    inp["b_hh"] = jax.random.normal(ks[8], (3 * d,), dtype=jnp.float32) * s
    inp["W_conv1"] = jax.random.normal(ks[9], (d, 4), dtype=jnp.float32) * s
    inp["b_conv1"] = jnp.zeros((4,), dtype=jnp.float32)
    inp["W_lin"] = jax.random.normal(ks[10], (4, 1), dtype=jnp.float32) * 0.5
    inp["b_lin"] = jnp.zeros((1,), dtype=jnp.float32)
    return inp


def reference(x, edge_index, edge_weight, p, W0, W_ih, W_hh, b_ih, b_hh, W_conv1, b_conv1, W_lin, b_lin):
    return _forward(x, edge_index, edge_weight, p, W0, W_ih, W_hh, b_ih, b_hh, W_conv1, b_conv1, W_lin, b_lin)

if __name__ == "__main__":
    import jax
    _d = setup_inputs()
    print(jax.jit(kernel)(*tuple(_d.values())))

</pallas_src>

<mosaic_0001>
#map = affine_map<(d0, d1) -> (0)>
#map1 = affine_map<(d0, d1) -> (0, 0, 0)>
module attributes {stable_mosaic.version = 14 : i64} {
  func.func @body(%arg0: i32, %arg1: i32, %arg2: memref<320000xi32, #tpu.memory_space<hbm>>, %arg3: memref<320000xi32, #tpu.memory_space<hbm>>, %arg4: memref<320000xf32, #tpu.memory_space<hbm>>, %arg5: memref<40960xf32, #tpu.memory_space<hbm>>, %arg6: memref<2x4x10240xf32, #tpu.memory_space<hbm>>, %arg7: memref<10240xi32, #tpu.memory_space<vmem>>, %arg8: memref<10240xi32, #tpu.memory_space<vmem>>, %arg9: memref<10240xf32, #tpu.memory_space<vmem>>, %arg10: memref<40960xf32, #tpu.memory_space<vmem>>, %arg11: memref<128xi32, #tpu.memory_space<vmem>>, %arg12: memref<128xi32, #tpu.memory_space<vmem>>, %arg13: memref<128xf32, #tpu.memory_space<vmem>>, %arg14: memref<128xf32, #tpu.memory_space<vmem>>, %arg15: memref<128xf32, #tpu.memory_space<vmem>>, %arg16: memref<128xf32, #tpu.memory_space<vmem>>, %arg17: memref<128xf32, #tpu.memory_space<vmem>>, %arg18: memref<128xf32, #tpu.memory_space<vmem>>, %arg19: memref<128xf32, #tpu.memory_space<vmem>>, %arg20: memref<128xf32, #tpu.memory_space<vmem>>, %arg21: memref<640xf32, #tpu.memory_space<vmem>>, %arg22: memref<10240xf32, #tpu.memory_space<vmem_shared>>, %arg23: memref<10240xf32, #tpu.memory_space<vmem_shared>>, %arg24: memref<10240xf32, #tpu.memory_space<vmem_shared>>, %arg25: memref<10240xf32, #tpu.memory_space<vmem_shared>>, %arg26: memref<!tpu.dma_semaphore, #tpu.memory_space<semaphore_mem>>, %arg27: memref<!tpu.dma_semaphore, #tpu.memory_space<semaphore_mem>>) attributes {dimension_semantics = [#tpu.dimension_semantics<core_parallel>, #tpu.dimension_semantics<subcore_parallel>], iteration_bounds = array<i64: 2, 16>, scalar_prefetch = 0 : i64, scratch_operands = 21 : i64, tpu.core_type = #tpu.core_type<sc_vector_subcore>, window_params = [{transform_indices = #map}, {transform_indices = #map}, {transform_indices = #map}, {transform_indices = #map}, {transform_indices = #map1}]} {
    %mul3A = arith.constant 16 : i32
    %mul3A_0 = arith.muli %arg0, %mul3A : i32
    %add3A = arith.addi %mul3A_0, %arg1 : i32
    %broadcast_in_dim3A = arith.constant 0.000000e+00 : f32
    %broadcast_in_dim3A_1 = vector.broadcast %broadcast_in_dim3A : f32 to vector<16xf32>
    %scan3A = arith.constant 0 : i32
    %scan3A_2 = arith.constant 0 : i32
    %scan3A_3 = arith.constant 40 : i32
    %scan3A_4 = arith.addi %scan3A_2, %scan3A_3 : i32
    %scan3A_5 = arith.constant 1 : i32
    %scan3A_6 = scf.for %scan3A_55 = %scan3A_2 to %scan3A_4 step %scan3A_5 iter_args(%scan3A_56 = %scan3A) -> (i32)  : i32 {
      %mul3A_57 = arith.constant 16 : i32
      %mul3A_58 = arith.muli %scan3A_55, %mul3A_57 : i32
      %swap3A = arith.index_cast %mul3A_58 : i32 to index
      %swap3A_59 = tpu.vector_load %arg21[%swap3A] {strides = array<i32>} : memref<640xf32, #tpu.memory_space<vmem>>, vector<16xf32>,
      tpu.vector_store %arg21[%swap3A], %broadcast_in_dim3A_1 {strides = array<i32>} : memref<640xf32, #tpu.memory_space<vmem>>, vector<16xf32>,
      %scan3A_60 = arith.constant 0 : i32
      scf.yield %scan3A_60 : i32
    }
    %scan3A_7 = arith.constant 40 : i32
    %mul3A_8 = arith.constant 640 : i32
    %mul3A_9 = arith.muli %arg1, %mul3A_8 : i32
    "tpu.region"() ({
      %run_scoped3A_55 = tpu.sem_alloc : memref<!tpu.dma_semaphore, #tpu.memory_space<semaphore_mem>>
      %dma_start3A = tpu.memref_slice %arg22[%mul3A_9] : memref<10240xf32, #tpu.memory_space<vmem_shared>> -> memref<640xf32, #tpu.memory_space<vmem_shared>>
      %dma_start3A_56 = tpu.memref_slice %arg22[%mul3A_9] : memref<10240xf32, #tpu.memory_space<vmem_shared>> -> memref<640xf32, #tpu.memory_space<vmem_shared>>
      tpu.enqueue_dma source(%arg21 : memref<640xf32, #tpu.memory_space<vmem>>) target(%dma_start3A_56 : memref<640xf32, #tpu.memory_space<vmem_shared>>) target_semaphore(%run_scoped3A_55 : memref<!tpu.dma_semaphore, #tpu.memory_space<semaphore_mem>>)
      %dma_wait3A_57 = tpu.memref_slice %arg22[%mul3A_9] : memref<10240xf32, #tpu.memory_space<vmem_shared>> -> memref<640xf32, #tpu.memory_space<vmem_shared>>
      %dma_wait3A_58 = tpu.memref_slice %arg22[%mul3A_9] : memref<10240xf32, #tpu.memory_space<vmem_shared>> -> memref<640xf32, #tpu.memory_space<vmem_shared>>
      tpu.wait_dma2 semaphore(%run_scoped3A_55 : memref<!tpu.dma_semaphore, #tpu.memory_space<semaphore_mem>>) src(%arg21 : memref<640xf32, #tpu.memory_space<vmem>>) dst(%dma_wait3A_58 : memref<640xf32, #tpu.memory_space<vmem_shared>>)
      tpu.yield
    }) : () -> ()
    %mul3A_10 = arith.constant 640 : i32
    %mul3A_11 = arith.muli %arg1, %mul3A_10 : i32
    "tpu.region"() ({
      %run_scoped3A_55 = tpu.sem_alloc : memref<!tpu.dma_semaphore, #tpu.memory_space<semaphore_mem>>
      %dma_start3A = tpu.memref_slice %arg23[%mul3A_11] : memref<10240xf32, #tpu.memory_space<vmem_shared>> -> memref<640xf32, #tpu.memory_space<vmem_shared>>
      %dma_start3A_56 = tpu.memref_slice %arg23[%mul3A_11] : memref<10240xf32, #tpu.memory_space<vmem_shared>> -> memref<640xf32, #tpu.memory_space<vmem_shared>>
      tpu.enqueue_dma source(%arg21 : memref<640xf32, #tpu.memory_space<vmem>>) target(%dma_start3A_56 : memref<640xf32, #tpu.memory_space<vmem_shared>>) target_semaphore(%run_scoped3A_55 : memref<!tpu.dma_semaphore, #tpu.memory_space<semaphore_mem>>)
      %dma_wait3A_57 = tpu.memref_slice %arg23[%mul3A_11] : memref<10240xf32, #tpu.memory_space<vmem_shared>> -> memref<640xf32, #tpu.memory_space<vmem_shared>>
      %dma_wait3A_58 = tpu.memref_slice %arg23[%mul3A_11] : memref<10240xf32, #tpu.memory_space<vmem_shared>> -> memref<640xf32, #tpu.memory_space<vmem_shared>>
      tpu.wait_dma2 semaphore(%run_scoped3A_55 : memref<!tpu.dma_semaphore, #tpu.memory_space<semaphore_mem>>) src(%arg21 : memref<640xf32, #tpu.memory_space<vmem>>) dst(%dma_wait3A_58 : memref<640xf32, #tpu.memory_space<vmem_shared>>)
      tpu.yield
    }) : () -> ()
    %mul3A_12 = arith.constant 640 : i32
    %mul3A_13 = arith.muli %arg1, %mul3A_12 : i32
    "tpu.region"() ({
      %run_scoped3A_55 = tpu.sem_alloc : memref<!tpu.dma_semaphore, #tpu.memory_space<semaphore_mem>>
      %dma_start3A = tpu.memref_slice %arg24[%mul3A_13] : memref<10240xf32, #tpu.memory_space<vmem_shared>> -> memref<640xf32, #tpu.memory_space<vmem_shared>>
      %dma_start3A_56 = tpu.memref_slice %arg24[%mul3A_13] : memref<10240xf32, #tpu.memory_space<vmem_shared>> -> memref<640xf32, #tpu.memory_space<vmem_shared>>
      tpu.enqueue_dma source(%arg21 : memref<640xf32, #tpu.memory_space<vmem>>) target(%dma_start3A_56 : memref<640xf32, #tpu.memory_space<vmem_shared>>) target_semaphore(%run_scoped3A_55 : memref<!tpu.dma_semaphore, #tpu.memory_space<semaphore_mem>>)
      %dma_wait3A_57 = tpu.memref_slice %arg24[%mul3A_13] : memref<10240xf32, #tpu.memory_space<vmem_shared>> -> memref<640xf32, #tpu.memory_space<vmem_shared>>
      %dma_wait3A_58 = tpu.memref_slice %arg24[%mul3A_13] : memref<10240xf32, #tpu.memory_space<vmem_shared>> -> memref<640xf32, #tpu.memory_space<vmem_shared>>
      tpu.wait_dma2 semaphore(%run_scoped3A_55 : memref<!tpu.dma_semaphore, #tpu.memory_space<semaphore_mem>>) src(%arg21 : memref<640xf32, #tpu.memory_space<vmem>>) dst(%dma_wait3A_58 : memref<640xf32, #tpu.memory_space<vmem_shared>>)
      tpu.yield
    }) : () -> ()
    %mul3A_14 = arith.constant 640 : i32
    %mul3A_15 = arith.muli %arg1, %mul3A_14 : i32
    "tpu.region"() ({
      %run_scoped3A_55 = tpu.sem_alloc : memref<!tpu.dma_semaphore, #tpu.memory_space<semaphore_mem>>
      %dma_start3A = tpu.memref_slice %arg25[%mul3A_15] : memref<10240xf32, #tpu.memory_space<vmem_shared>> -> memref<640xf32, #tpu.memory_space<vmem_shared>>
      %dma_start3A_56 = tpu.memref_slice %arg25[%mul3A_15] : memref<10240xf32, #tpu.memory_space<vmem_shared>> -> memref<640xf32, #tpu.memory_space<vmem_shared>>
      tpu.enqueue_dma source(%arg21 : memref<640xf32, #tpu.memory_space<vmem>>) target(%dma_start3A_56 : memref<640xf32, #tpu.memory_space<vmem_shared>>) target_semaphore(%run_scoped3A_55 : memref<!tpu.dma_semaphore, #tpu.memory_space<semaphore_mem>>)
      %dma_wait3A_57 = tpu.memref_slice %arg25[%mul3A_15] : memref<10240xf32, #tpu.memory_space<vmem_shared>> -> memref<640xf32, #tpu.memory_space<vmem_shared>>
      %dma_wait3A_58 = tpu.memref_slice %arg25[%mul3A_15] : memref<10240xf32, #tpu.memory_space<vmem_shared>> -> memref<640xf32, #tpu.memory_space<vmem_shared>>
      tpu.wait_dma2 semaphore(%run_scoped3A_55 : memref<!tpu.dma_semaphore, #tpu.memory_space<semaphore_mem>>) src(%arg21 : memref<640xf32, #tpu.memory_space<vmem>>) dst(%dma_wait3A_58 : memref<640xf32, #tpu.memory_space<vmem_shared>>)
      tpu.yield
    }) : () -> ()
    %mul3A_16 = arith.constant 10000 : i32
    %mul3A_17 = arith.muli %add3A, %mul3A_16 : i32
    "tpu.region"() ({
      %run_scoped3A_55 = tpu.sem_alloc : memref<!tpu.dma_semaphore, #tpu.memory_space<semaphore_mem>>
      %dma_start3A = arith.constant 0 : i32
      %dma_start3A_56 = tpu.memref_slice %arg7[%dma_start3A] : memref<10240xi32, #tpu.memory_space<vmem>> -> memref<10000xi32, #tpu.memory_space<vmem>>
      %dma_start3A_57 = tpu.memref_slice %arg2[%mul3A_17] : memref<320000xi32, #tpu.memory_space<hbm>> -> memref<10000xi32, #tpu.memory_space<hbm>>
      %dma_start3A_58 = arith.constant 0 : i32
      %dma_start3A_59 = tpu.memref_slice %arg7[%dma_start3A_58] : memref<10240xi32, #tpu.memory_space<vmem>> -> memref<10000xi32, #tpu.memory_space<vmem>>
      %dma_start3A_60 = tpu.memref_slice %arg2[%mul3A_17] : memref<320000xi32, #tpu.memory_space<hbm>> -> memref<10000xi32, #tpu.memory_space<hbm>>
      tpu.enqueue_dma source(%dma_start3A_60 : memref<10000xi32, #tpu.memory_space<hbm>>) target(%dma_start3A_59 : memref<10000xi32, #tpu.memory_space<vmem>>) target_semaphore(%run_scoped3A_55 : memref<!tpu.dma_semaphore, #tpu.memory_space<semaphore_mem>>)
      %dma_wait3A_61 = arith.constant 0 : i32
      %dma_wait3A_62 = tpu.memref_slice %arg7[%dma_wait3A_61] : memref<10240xi32, #tpu.memory_space<vmem>> -> memref<10000xi32, #tpu.memory_space<vmem>>
      %dma_wait3A_63 = tpu.memref_slice %arg2[%mul3A_17] : memref<320000xi32, #tpu.memory_space<hbm>> -> memref<10000xi32, #tpu.memory_space<hbm>>
      %dma_wait3A_64 = arith.constant 0 : i32
      %dma_wait3A_65 = tpu.memref_slice %arg7[%dma_wait3A_64] : memref<10240xi32, #tpu.memory_space<vmem>> -> memref<10000xi32, #tpu.memory_space<vmem>>
      %dma_wait3A_66 = tpu.memref_slice %arg2[%mul3A_17] : memref<320000xi32, #tpu.memory_space<hbm>> -> memref<10000xi32, #tpu.memory_space<hbm>>
      tpu.wait_dma2 semaphore(%run_scoped3A_55 : memref<!tpu.dma_semaphore, #tpu.memory_space<semaphore_mem>>) src(%dma_wait3A_66 : memref<10000xi32, #tpu.memory_space<hbm>>) dst(%dma_wait3A_65 : memref<10000xi32, #tpu.memory_space<vmem>>)
      tpu.yield
    }) : () -> ()
    %mul3A_18 = arith.constant 10000 : i32
    %mul3A_19 = arith.muli %add3A, %mul3A_18 : i32
    "tpu.region"() ({
      %run_scoped3A_55 = tpu.sem_alloc : memref<!tpu.dma_semaphore, #tpu.memory_space<semaphore_mem>>
      %dma_start3A = arith.constant 0 : i32
      %dma_start3A_56 = tpu.memref_slice %arg8[%dma_start3A] : memref<10240xi32, #tpu.memory_space<vmem>> -> memref<10000xi32, #tpu.memory_space<vmem>>
      %dma_start3A_57 = tpu.memref_slice %arg3[%mul3A_19] : memref<320000xi32, #tpu.memory_space<hbm>> -> memref<10000xi32, #tpu.memory_space<hbm>>
      %dma_start3A_58 = arith.constant 0 : i32
      %dma_start3A_59 = tpu.memref_slice %arg8[%dma_start3A_58] : memref<10240xi32, #tpu.memory_space<vmem>> -> memref<10000xi32, #tpu.memory_space<vmem>>
      %dma_start3A_60 = tpu.memref_slice %arg3[%mul3A_19] : memref<320000xi32, #tpu.memory_space<hbm>> -> memref<10000xi32, #tpu.memory_space<hbm>>
      tpu.enqueue_dma source(%dma_start3A_60 : memref<10000xi32, #tpu.memory_space<hbm>>) target(%dma_start3A_59 : memref<10000xi32, #tpu.memory_space<vmem>>) target_semaphore(%run_scoped3A_55 : memref<!tpu.dma_semaphore, #tpu.memory_space<semaphore_mem>>)
      %dma_wait3A_61 = arith.constant 0 : i32
      %dma_wait3A_62 = tpu.memref_slice %arg8[%dma_wait3A_61] : memref<10240xi32, #tpu.memory_space<vmem>> -> memref<10000xi32, #tpu.memory_space<vmem>>
      %dma_wait3A_63 = tpu.memref_slice %arg3[%mul3A_19] : memref<320000xi32, #tpu.memory_space<hbm>> -> memref<10000xi32, #tpu.memory_space<hbm>>
      %dma_wait3A_64 = arith.constant 0 : i32
      %dma_wait3A_65 = tpu.memref_slice %arg8[%dma_wait3A_64] : memref<10240xi32, #tpu.memory_space<vmem>> -> memref<10000xi32, #tpu.memory_space<vmem>>
      %dma_wait3A_66 = tpu.memref_slice %arg3[%mul3A_19] : memref<320000xi32, #tpu.memory_space<hbm>> -> memref<10000xi32, #tpu.memory_space<hbm>>
      tpu.wait_dma2 semaphore(%run_scoped3A_55 : memref<!tpu.dma_semaphore, #tpu.memory_space<semaphore_mem>>) src(%dma_wait3A_66 : memref<10000xi32, #tpu.memory_space<hbm>>) dst(%dma_wait3A_65 : memref<10000xi32, #tpu.memory_space<vmem>>)
      tpu.yield
    }) : () -> ()
    "tpu.region"() ({
      %run_scoped3A_55 = tpu.sem_alloc : memref<!tpu.dma_semaphore, #tpu.memory_space<semaphore_mem>>
      tpu.enqueue_dma source(%arg5 : memref<40960xf32, #tpu.memory_space<hbm>>) target(%arg10 : memref<40960xf32, #tpu.memory_space<vmem>>) target_semaphore(%run_scoped3A_55 : memref<!tpu.dma_semaphore, #tpu.memory_space<semaphore_mem>>)
      tpu.wait_dma2 semaphore(%run_scoped3A_55 : memref<!tpu.dma_semaphore, #tpu.memory_space<semaphore_mem>>) src(%arg5 : memref<40960xf32, #tpu.memory_space<hbm>>) dst(%arg10 : memref<40960xf32, #tpu.memory_space<vmem>>)
      tpu.yield
    }) : () -> ()
    %scan3A_20 = arith.constant 0 : i32
    %scan3A_21 = arith.constant 625 : i32
    %scan3A_22 = arith.constant 15 : i32
    %scan3A_23 = arith.addi %scan3A_21, %scan3A_22 : i32
    %scan3A_24 = arith.constant 1 : i32
    %scan3A_25 = scf.for %scan3A_55 = %scan3A_21 to %scan3A_23 step %scan3A_24 iter_args(%scan3A_56 = %scan3A_20) -> (i32)  : i32 {
      %mul3A_57 = arith.constant 16 : i32
      %mul3A_58 = arith.muli %scan3A_55, %mul3A_57 : i32
      %iota3A = tpu.iota {dimensions = array<i32: 0>} : vector<16xi32>
      %add3A_59 = vector.broadcast %mul3A_58 : i32 to vector<16xi32>
      %add3A_60 = arith.addi %add3A_59, %iota3A : vector<16xi32>
      %lt3A = arith.constant 10000 : i32
      %lt3A_61 = vector.broadcast %lt3A : i32 to vector<16xi32>
      %lt3A_62 = arith.cmpi slt, %add3A_60, %lt3A_61 : vector<16xi32>
      %mul3A_63 = arith.constant 16 : i32
      %mul3A_64 = arith.muli %scan3A_55, %mul3A_63 : i32
      %get3A = arith.index_cast %mul3A_64 : i32 to index
      %get3A_65 = tpu.vector_load %arg7[%get3A] {strides = array<i32>} : memref<10240xi32, #tpu.memory_space<vmem>>, vector<16xi32>,
      %jit3A = arith.constant 10000 : i32
      %broadcast_in_dim3A_66 = vector.broadcast %jit3A : i32 to vector<16xi32>
      %select_n3A = arith.select %lt3A_62, %get3A_65, %broadcast_in_dim3A_66 : vector<16xi1>, vector<16xi32>
      %mul3A_67 = arith.constant 16 : i32
      %mul3A_68 = arith.muli %scan3A_55, %mul3A_67 : i32
      %swap3A = arith.index_cast %mul3A_68 : i32 to index
      %swap3A_69 = tpu.vector_load %arg7[%swap3A] {strides = array<i32>} : memref<10240xi32, #tpu.memory_space<vmem>>, vector<16xi32>,
      tpu.vector_store %arg7[%swap3A], %select_n3A {strides = array<i32>} : memref<10240xi32, #tpu.memory_space<vmem>>, vector<16xi32>,
      %mul3A_70 = arith.constant 16 : i32
      %mul3A_71 = arith.muli %scan3A_55, %mul3A_70 : i32
      %get3A_72 = arith.index_cast %mul3A_71 : i32 to index
      %get3A_73 = tpu.vector_load %arg8[%get3A_72] {strides = array<i32>} : memref<10240xi32, #tpu.memory_space<vmem>>, vector<16xi32>,
      %jit3A_74 = arith.constant 0 : i32
      %broadcast_in_dim3A_75 = vector.broadcast %jit3A_74 : i32 to vector<16xi32>
      %select_n3A_76 = arith.select %lt3A_62, %get3A_73, %broadcast_in_dim3A_75 : vector<16xi1>, vector<16xi32>
      %mul3A_77 = arith.constant 16 : i32
      %mul3A_78 = arith.muli %scan3A_55, %mul3A_77 : i32
      %swap3A_79 = arith.index_cast %mul3A_78 : i32 to index
      %swap3A_80 = tpu.vector_load %arg8[%swap3A_79] {strides = array<i32>} : memref<10240xi32, #tpu.memory_space<vmem>>, vector<16xi32>,
      tpu.vector_store %arg8[%swap3A_79], %select_n3A_76 {strides = array<i32>} : memref<10240xi32, #tpu.memory_space<vmem>>, vector<16xi32>,
      %mul3A_81 = arith.constant 16 : i32
      %mul3A_82 = arith.muli %scan3A_55, %mul3A_81 : i32
      %get3A_83 = arith.index_cast %mul3A_82 : i32 to index
      %get3A_84 = tpu.vector_load %arg9[%get3A_83] {strides = array<i32>} : memref<10240xf32, #tpu.memory_space<vmem>>, vector<16xf32>,
      %jit3A_85 = arith.constant 0.000000e+00 : f32
      %broadcast_in_dim3A_86 = vector.broadcast %jit3A_85 : f32 to vector<16xf32>
      %select_n3A_87 = arith.select %lt3A_62, %get3A_84, %broadcast_in_dim3A_86 : vector<16xi1>, vector<16xf32>
      %mul3A_88 = arith.constant 16 : i32
      %mul3A_89 = arith.muli %scan3A_55, %mul3A_88 : i32
      %swap3A_90 = arith.index_cast %mul3A_89 : i32 to index
      %swap3A_91 = tpu.vector_load %arg9[%swap3A_90] {strides = array<i32>} : memref<10240xf32, #tpu.memory_space<vmem>>, vector<16xf32>,
      tpu.vector_store %arg9[%swap3A_90], %select_n3A_87 {strides = array<i32>} : memref<10240xf32, #tpu.memory_space<vmem>>, vector<16xf32>,
      %scan3A_92 = arith.constant 0 : i32
      scf.yield %scan3A_92 : i32
    }
    %scan3A_26 = arith.constant 15 : i32
    %barrier3A = arith.constant 0 : index
    tpu.barrier barrier_id(%barrier3A)
    %scan3A_27 = arith.constant 0 : i32
    %scan3A_28 = arith.constant 0 : i32
    %scan3A_29 = arith.constant 40 : i32
    %scan3A_30 = arith.addi %scan3A_28, %scan3A_29 : i32
    %scan3A_31 = arith.constant 1 : i32
    %scan3A_32 = scf.for %scan3A_55 = %scan3A_28 to %scan3A_30 step %scan3A_31 iter_args(%scan3A_56 = %scan3A_27) -> (i32)  : i32 {
      %mul3A_57 = arith.constant 2 : i32
      %mul3A_58 = arith.muli %scan3A_55, %mul3A_57 : i32
      %add3A_59 = arith.constant 0 : i32
      %add3A_60 = arith.addi %mul3A_58, %add3A_59 : i32
      %mul3A_61 = arith.constant 128 : i32
      %mul3A_62 = arith.muli %add3A_60, %mul3A_61 : i32
      %gt3A = arith.constant 0 : i32
      %gt3A_63 = arith.cmpi sgt, %scan3A_55, %gt3A : i32
      %convert_element_type3A = arith.extui %gt3A_63 : i1 to i32
      %cond3A = arith.constant 0 : i32
      %cond3A_64 = arith.cmpi ne, %convert_element_type3A, %cond3A : i32
      scf.if %cond3A_64 {
        %dma_wait3A_649 = arith.constant 0 : i32
        %dma_wait3A_650 = tpu.memref_slice %arg22[%dma_wait3A_649] : memref<10240xf32, #tpu.memory_space<vmem_shared>> -> memref<10240xf32, #tpu.memory_space<vmem_shared>>
        tpu.wait_indirect_dma semaphore(%arg26 : memref<!tpu.dma_semaphore, #tpu.memory_space<semaphore_mem>>) src(%arg13 : memref<128xf32, #tpu.memory_space<vmem>>) dst(%dma_wait3A_650 : memref<10240xf32, #tpu.memory_space<vmem_shared>>)
        %dma_wait3A_651 = arith.constant 0 : i32
        %dma_wait3A_652 = tpu.memref_slice %arg23[%dma_wait3A_651] : memref<10240xf32, #tpu.memory_space<vmem_shared>> -> memref<10240xf32, #tpu.memory_space<vmem_shared>>
        tpu.wait_indirect_dma semaphore(%arg26 : memref<!tpu.dma_semaphore, #tpu.memory_space<semaphore_mem>>) src(%arg14 : memref<128xf32, #tpu.memory_space<vmem>>) dst(%dma_wait3A_652 : memref<10240xf32, #tpu.memory_space<vmem_shared>>)
        %dma_wait3A_653 = arith.constant 0 : i32
        %dma_wait3A_654 = tpu.memref_slice %arg24[%dma_wait3A_653] : memref<10240xf32, #tpu.memory_space<vmem_shared>> -> memref<10240xf32, #tpu.memory_space<vmem_shared>>
        tpu.wait_indirect_dma semaphore(%arg26 : memref<!tpu.dma_semaphore, #tpu.memory_space<semaphore_mem>>) src(%arg15 : memref<128xf32, #tpu.memory_space<vmem>>) dst(%dma_wait3A_654 : memref<10240xf32, #tpu.memory_space<vmem_shared>>)
        %dma_wait3A_655 = arith.constant 0 : i32
        %dma_wait3A_656 = tpu.memref_slice %arg25[%dma_wait3A_655] : memref<10240xf32, #tpu.memory_space<vmem_shared>> -> memref<10240xf32, #tpu.memory_space<vmem_shared>>
        tpu.wait_indirect_dma semaphore(%arg26 : memref<!tpu.dma_semaphore, #tpu.memory_space<semaphore_mem>>) src(%arg16 : memref<128xf32, #tpu.memory_space<vmem>>) dst(%dma_wait3A_656 : memref<10240xf32, #tpu.memory_space<vmem_shared>>)
      } else {
      }
      %add3A_65 = arith.constant 0 : i32
      %add3A_66 = arith.addi %mul3A_62, %add3A_65 : i32
      %get3A = arith.index_cast %add3A_66 : i32 to index
      %get3A_67 = tpu.vector_load %arg7[%get3A] {strides = array<i32>} : memref<10240xi32, #tpu.memory_space<vmem>>, vector<16xi32>,
      %get3A_68 = arith.index_cast %add3A_66 : i32 to index
      %get3A_69 = tpu.vector_load %arg8[%get3A_68] {strides = array<i32>} : memref<10240xi32, #tpu.memory_space<vmem>>, vector<16xi32>,
      %swap3A = arith.constant 0 : index
      %swap3A_70 = tpu.vector_load %arg11[%swap3A] {strides = array<i32>} : memref<128xi32, #tpu.memory_space<vmem>>, vector<16xi32>,
      tpu.vector_store %arg11[%swap3A], %get3A_69 {strides = array<i32>} : memref<128xi32, #tpu.memory_space<vmem>>, vector<16xi32>,
      %mul3A_71 = arith.constant 4 : i32
      %mul3A_72 = vector.broadcast %mul3A_71 : i32 to vector<16xi32>
      %mul3A_73 = arith.muli %get3A_67, %mul3A_72 : vector<16xi32>
      %add3A_74 = arith.constant 0 : i32
      %add3A_75 = vector.broadcast %add3A_74 : i32 to vector<16xi32>
      %add3A_76 = arith.addi %mul3A_73, %add3A_75 : vector<16xi32>
      %gather3A = tpu.vector_load_idx %arg10[%add3A_76] : memref<40960xf32, #tpu.memory_space<vmem>>[vector<16xi32>], vector<16xf32>,
      %swap3A_77 = arith.constant 0 : index
      %swap3A_78 = tpu.vector_load %arg13[%swap3A_77] {strides = array<i32>} : memref<128xf32, #tpu.memory_space<vmem>>, vector<16xf32>,
      tpu.vector_store %arg13[%swap3A_77], %gather3A {strides = array<i32>} : memref<128xf32, #tpu.memory_space<vmem>>, vector<16xf32>,
      %add3A_79 = arith.constant 1 : i32
      %add3A_80 = vector.broadcast %add3A_79 : i32 to vector<16xi32>
      %add3A_81 = arith.addi %mul3A_73, %add3A_80 : vector<16xi32>
      %gather3A_82 = tpu.vector_load_idx %arg10[%add3A_81] : memref<40960xf32, #tpu.memory_space<vmem>>[vector<16xi32>], vector<16xf32>,
      %swap3A_83 = arith.constant 0 : index
      %swap3A_84 = tpu.vector_load %arg14[%swap3A_83] {strides = array<i32>} : memref<128xf32, #tpu.memory_space<vmem>>, vector<16xf32>,
      tpu.vector_store %arg14[%swap3A_83], %gather3A_82 {strides = array<i32>} : memref<128xf32, #tpu.memory_space<vmem>>, vector<16xf32>,
      %add3A_85 = arith.constant 2 : i32
      %add3A_86 = vector.broadcast %add3A_85 : i32 to vector<16xi32>
      %add3A_87 = arith.addi %mul3A_73, %add3A_86 : vector<16xi32>
      %gather3A_88 = tpu.vector_load_idx %arg10[%add3A_87] : memref<40960xf32, #tpu.memory_space<vmem>>[vector<16xi32>], vector<16xf32>,
      %swap3A_89 = arith.constant 0 : index
      %swap3A_90 = tpu.vector_load %arg15[%swap3A_89] {strides = array<i32>} : memref<128xf32, #tpu.memory_space<vmem>>, vector<16xf32>,
      tpu.vector_store %arg15[%swap3A_89], %gather3A_88 {strides = array<i32>} : memref<128xf32, #tpu.memory_space<vmem>>, vector<16xf32>,
      %add3A_91 = arith.constant 3 : i32
      %add3A_92 = vector.broadcast %add3A_91 : i32 to vector<16xi32>
      %add3A_93 = arith.addi %mul3A_73, %add3A_92 : vector<16xi32>
      %gather3A_94 = tpu.vector_load_idx %arg10[%add3A_93] : memref<40960xf32, #tpu.memory_space<vmem>>[vector<16xi32>], vector<16xf32>,
      %swap3A_95 = arith.constant 0 : index
      %swap3A_96 = tpu.vector_load %arg16[%swap3A_95] {strides = array<i32>} : memref<128xf32, #tpu.memory_space<vmem>>, vector<16xf32>,
      tpu.vector_store %arg16[%swap3A_95], %gather3A_94 {strides = array<i32>} : memref<128xf32, #tpu.memory_space<vmem>>, vector<16xf32>,
      %add3A_97 = arith.constant 16 : i32
      %add3A_98 = arith.addi %mul3A_62, %add3A_97 : i32
      %get3A_99 = arith.index_cast %add3A_98 : i32 to index
      %get3A_100 = tpu.vector_load %arg7[%get3A_99] {strides = array<i32>} : memref<10240xi32, #tpu.memory_space<vmem>>, vector<16xi32>,
      %get3A_101 = arith.index_cast %add3A_98 : i32 to index
      %get3A_102 = tpu.vector_load %arg8[%get3A_101] {strides = array<i32>} : memref<10240xi32, #tpu.memory_space<vmem>>, vector<16xi32>,
      %swap3A_103 = arith.constant 16 : index
      %swap3A_104 = tpu.vector_load %arg11[%swap3A_103] {strides = array<i32>} : memref<128xi32, #tpu.memory_space<vmem>>, vector<16xi32>,
      tpu.vector_store %arg11[%swap3A_103], %get3A_102 {strides = array<i32>} : memref<128xi32, #tpu.memory_space<vmem>>, vector<16xi32>,
      %mul3A_105 = arith.constant 4 : i32
      %mul3A_106 = vector.broadcast %mul3A_105 : i32 to vector<16xi32>
      %mul3A_107 = arith.muli %get3A_100, %mul3A_106 : vector<16xi32>
      %add3A_108 = arith.constant 0 : i32
      %add3A_109 = vector.broadcast %add3A_108 : i32 to vector<16xi32>
      %add3A_110 = arith.addi %mul3A_107, %add3A_109 : vector<16xi32>
      %gather3A_111 = tpu.vector_load_idx %arg10[%add3A_110] : memref<40960xf32, #tpu.memory_space<vmem>>[vector<16xi32>], vector<16xf32>,
      %swap3A_112 = arith.constant 16 : index
      %swap3A_113 = tpu.vector_load %arg13[%swap3A_112] {strides = array<i32>} : memref<128xf32, #tpu.memory_space<vmem>>, vector<16xf32>,
      tpu.vector_store %arg13[%swap3A_112], %gather3A_111 {strides = array<i32>} : memref<128xf32, #tpu.memory_space<vmem>>, vector<16xf32>,
      %add3A_114 = arith.constant 1 : i32
      %add3A_115 = vector.broadcast %add3A_114 : i32 to vector<16xi32>
      %add3A_116 = arith.addi %mul3A_107, %add3A_115 : vector<16xi32>
      %gather3A_117 = tpu.vector_load_idx %arg10[%add3A_116] : memref<40960xf32, #tpu.memory_space<vmem>>[vector<16xi32>], vector<16xf32>,
      %swap3A_118 = arith.constant 16 : index
      %swap3A_119 = tpu.vector_load %arg14[%swap3A_118] {strides = array<i32>} : memref<128xf32, #tpu.memory_space<vmem>>, vector<16xf32>,
      tpu.vector_store %arg14[%swap3A_118], %gather3A_117 {strides = array<i32>} : memref<128xf32, #tpu.memory_space<vmem>>, vector<16xf32>,
      %add3A_120 = arith.constant 2 : i32
      %add3A_121 = vector.broadcast %add3A_120 : i32 to vector<16xi32>
      %add3A_122 = arith.addi %mul3A_107, %add3A_121 : vector<16xi32>
      %gather3A_123 = tpu.vector_load_idx %arg10[%add3A_122] : memref<40960xf32, #tpu.memory_space<vmem>>[vector<16xi32>], vector<16xf32>,
      %swap3A_124 = arith.constant 16 : index
      %swap3A_125 = tpu.vector_load %arg15[%swap3A_124] {strides = array<i32>} : memref<128xf32, #tpu.memory_space<vmem>>, vector<16xf32>,
      tpu.vector_store %arg15[%swap3A_124], %gather3A_123 {strides = array<i32>} : memref<128xf32, #tpu.memory_space<vmem>>, vector<16xf32>,
      %add3A_126 = arith.constant 3 : i32
      %add3A_127 = vector.broadcast %add3A_126 : i32 to vector<16xi32>
      %add3A_128 = arith.addi %mul3A_107, %add3A_127 : vector<16xi32>
      %gather3A_129 = tpu.vector_load_idx %arg10[%add3A_128] : memref<40960xf32, #tpu.memory_space<vmem>>[vector<16xi32>], vector<16xf32>,
      %swap3A_130 = arith.constant 16 : index
      %swap3A_131 = tpu.vector_load %arg16[%swap3A_130] {strides = array<i32>} : memref<128xf32, #tpu.memory_space<vmem>>, vector<16xf32>,
      tpu.vector_store %arg16[%swap3A_130], %gather3A_129 {strides = array<i32>} : memref<128xf32, #tpu.memory_space<vmem>>, vector<16xf32>,
      %add3A_132 = arith.constant 32 : i32
      %add3A_133 = arith.addi %mul3A_62, %add3A_132 : i32
      %get3A_134 = arith.index_cast %add3A_133 : i32 to index
      %get3A_135 = tpu.vector_load %arg7[%get3A_134] {strides = array<i32>} : memref<10240xi32, #tpu.memory_space<vmem>>, vector<16xi32>,
      %get3A_136 = arith.index_cast %add3A_133 : i32 to index
      %get3A_137 = tpu.vector_load %arg8[%get3A_136] {strides = array<i32>} : memref<10240xi32, #tpu.memory_space<vmem>>, vector<16xi32>,
      %swap3A_138 = arith.constant 32 : index
      %swap3A_139 = tpu.vector_load %arg11[%swap3A_138] {strides = array<i32>} : memref<128xi32, #tpu.memory_space<vmem>>, vector<16xi32>,
      tpu.vector_store %arg11[%swap3A_138], %get3A_137 {strides = array<i32>} : memref<128xi32, #tpu.memory_space<vmem>>, vector<16xi32>,
      %mul3A_140 = arith.constant 4 : i32
      %mul3A_141 = vector.broadcast %mul3A_140 : i32 to vector<16xi32>
      %mul3A_142 = arith.muli %get3A_135, %mul3A_141 : vector<16xi32>
      %add3A_143 = arith.constant 0 : i32
      %add3A_144 = vector.broadcast %add3A_143 : i32 to vector<16xi32>
      %add3A_145 = arith.addi %mul3A_142, %add3A_144 : vector<16xi32>
      %gather3A_146 = tpu.vector_load_idx %arg10[%add3A_145] : memref<40960xf32, #tpu.memory_space<vmem>>[vector<16xi32>], vector<16xf32>,
      %swap3A_147 = arith.constant 32 : index
      %swap3A_148 = tpu.vector_load %arg13[%swap3A_147] {strides = array<i32>} : memref<128xf32, #tpu.memory_space<vmem>>, vector<16xf32>,
      tpu.vector_store %arg13[%swap3A_147], %gather3A_146 {strides = array<i32>} : memref<128xf32, #tpu.memory_space<vmem>>, vector<16xf32>,
      %add3A_149 = arith.constant 1 : i32
      %add3A_150 = vector.broadcast %add3A_149 : i32 to vector<16xi32>
      %add3A_151 = arith.addi %mul3A_142, %add3A_150 : vector<16xi32>
      %gather3A_152 = tpu.vector_load_idx %arg10[%add3A_151] : memref<40960xf32, #tpu.memory_space<vmem>>[vector<16xi32>], vector<16xf32>,
      %swap3A_153 = arith.constant 32 : index
      %swap3A_154 = tpu.vector_load %arg14[%swap3A_153] {strides = array<i32>} : memref<128xf32, #tpu.memory_space<vmem>>, vector<16xf32>,
      tpu.vector_store %arg14[%swap3A_153], %gather3A_152 {strides = array<i32>} : memref<128xf32, #tpu.memory_space<vmem>>, vector<16xf32>,
      %add3A_155 = arith.constant 2 : i32
      %add3A_156 = vector.broadcast %add3A_155 : i32 to vector<16xi32>
      %add3A_157 = arith.addi %mul3A_142, %add3A_156 : vector<16xi32>
      %gather3A_158 = tpu.vector_load_idx %arg10[%add3A_157] : memref<40960xf32, #tpu.memory_space<vmem>>[vector<16xi32>], vector<16xf32>,
      %swap3A_159 = arith.constant 32 : index
      %swap3A_160 = tpu.vector_load %arg15[%swap3A_159] {strides = array<i32>} : memref<128xf32, #tpu.memory_space<vmem>>, vector<16xf32>,
      tpu.vector_store %arg15[%swap3A_159], %gather3A_158 {strides = array<i32>} : memref<128xf32, #tpu.memory_space<vmem>>, vector<16xf32>,
      %add3A_161 = arith.constant 3 : i32
      %add3A_162 = vector.broadcast %add3A_161 : i32 to vector<16xi32>
      %add3A_163 = arith.addi %mul3A_142, %add3A_162 : vector<16xi32>
      %gather3A_164 = tpu.vector_load_idx %arg10[%add3A_163] : memref<40960xf32, #tpu.memory_space<vmem>>[vector<16xi32>], vector<16xf32>,
      %swap3A_165 = arith.constant 32 : index
      %swap3A_166 = tpu.vector_load %arg16[%swap3A_165] {strides = array<i32>} : memref<128xf32, #tpu.memory_space<vmem>>, vector<16xf32>,
      tpu.vector_store %arg16[%swap3A_165], %gather3A_164 {strides = array<i32>} : memref<128xf32, #tpu.memory_space<vmem>>, vector<16xf32>,
      %add3A_167 = arith.constant 48 : i32
      %add3A_168 = arith.addi %mul3A_62, %add3A_167 : i32
      %get3A_169 = arith.index_cast %add3A_168 : i32 to index
      %get3A_170 = tpu.vector_load %arg7[%get3A_169] {strides = array<i32>} : memref<10240xi32, #tpu.memory_space<vmem>>, vector<16xi32>,
      %get3A_171 = arith.index_cast %add3A_168 : i32 to index
      %get3A_172 = tpu.vector_load %arg8[%get3A_171] {strides = array<i32>} : memref<10240xi32, #tpu.memory_space<vmem>>, vector<16xi32>,
      %swap3A_173 = arith.constant 48 : index
      %swap3A_174 = tpu.vector_load %arg11[%swap3A_173] {strides = array<i32>} : memref<128xi32, #tpu.memory_space<vmem>>, vector<16xi32>,
      tpu.vector_store %arg11[%swap3A_173], %get3A_172 {strides = array<i32>} : memref<128xi32, #tpu.memory_space<vmem>>, vector<16xi32>,
      %mul3A_175 = arith.constant 4 : i32
      %mul3A_176 = vector.broadcast %mul3A_175 : i32 to vector<16xi32>
      %mul3A_177 = arith.muli %get3A_170, %mul3A_176 : vector<16xi32>
      %add3A_178 = arith.constant 0 : i32
      %add3A_179 = vector.broadcast %add3A_178 : i32 to vector<16xi32>
      %add3A_180 = arith.addi %mul3A_177, %add3A_179 : vector<16xi32>
      %gather3A_181 = tpu.vector_load_idx %arg10[%add3A_180] : memref<40960xf32, #tpu.memory_space<vmem>>[vector<16xi32>], vector<16xf32>,
      %swap3A_182 = arith.constant 48 : index
      %swap3A_183 = tpu.vector_load %arg13[%swap3A_182] {strides = array<i32>} : memref<128xf32, #tpu.memory_space<vmem>>, vector<16xf32>,
      tpu.vector_store %arg13[%swap3A_182], %gather3A_181 {strides = array<i32>} : memref<128xf32, #tpu.memory_space<vmem>>, vector<16xf32>,
      %add3A_184 = arith.constant 1 : i32
      %add3A_185 = vector.broadcast %add3A_184 : i32 to vector<16xi32>
      %add3A_186 = arith.addi %mul3A_177, %add3A_185 : vector<16xi32>
      %gather3A_187 = tpu.vector_load_idx %arg10[%add3A_186] : memref<40960xf32, #tpu.memory_space<vmem>>[vector<16xi32>], vector<16xf32>,
      %swap3A_188 = arith.constant 48 : index
      %swap3A_189 = tpu.vector_load %arg14[%swap3A_188] {strides = array<i32>} : memref<128xf32, #tpu.memory_space<vmem>>, vector<16xf32>,
      tpu.vector_store %arg14[%swap3A_188], %gather3A_187 {strides = array<i32>} : memref<128xf32, #tpu.memory_space<vmem>>, vector<16xf32>,
      %add3A_190 = arith.constant 2 : i32
      %add3A_191 = vector.broadcast %add3A_190 : i32 to vector<16xi32>
      %add3A_192 = arith.addi %mul3A_177, %add3A_191 : vector<16xi32>
      %gather3A_193 = tpu.vector_load_idx %arg10[%add3A_192] : memref<40960xf32, #tpu.memory_space<vmem>>[vector<16xi32>], vector<16xf32>,
      %swap3A_194 = arith.constant 48 : index
      %swap3A_195 = tpu.vector_load %arg15[%swap3A_194] {strides = array<i32>} : memref<128xf32, #tpu.memory_space<vmem>>, vector<16xf32>,
      tpu.vector_store %arg15[%swap3A_194], %gather3A_193 {strides = array<i32>} : memref<128xf32, #tpu.memory_space<vmem>>, vector<16xf32>,
      %add3A_196 = arith.constant 3 : i32
      %add3A_197 = vector.broadcast %add3A_196 : i32 to vector<16xi32>
      %add3A_198 = arith.addi %mul3A_177, %add3A_197 : vector<16xi32>
      %gather3A_199 = tpu.vector_load_idx %arg10[%add3A_198] : memref<40960xf32, #tpu.memory_space<vmem>>[vector<16xi32>], vector<16xf32>,
      %swap3A_200 = arith.constant 48 : index
      %swap3A_201 = tpu.vector_load %arg16[%swap3A_200] {strides = array<i32>} : memref<128xf32, #tpu.memory_space<vmem>>, vector<16xf32>,
      tpu.vector_store %arg16[%swap3A_200], %gather3A_199 {strides = array<i32>} : memref<128xf32, #tpu.memory_space<vmem>>, vector<16xf32>,
      %add3A_202 = arith.constant 64 : i32
      %add3A_203 = arith.addi %mul3A_62, %add3A_202 : i32
      %get3A_204 = arith.index_cast %add3A_203 : i32 to index
      %get3A_205 = tpu.vector_load %arg7[%get3A_204] {strides = array<i32>} : memref<10240xi32, #tpu.memory_space<vmem>>, vector<16xi32>,
      %get3A_206 = arith.index_cast %add3A_203 : i32 to index
      %get3A_207 = tpu.vector_load %arg8[%get3A_206] {strides = array<i32>} : memref<10240xi32, #tpu.memory_space<vmem>>, vector<16xi32>,
      %swap3A_208 = arith.constant 64 : index
      %swap3A_209 = tpu.vector_load %arg11[%swap3A_208] {strides = array<i32>} : memref<128xi32, #tpu.memory_space<vmem>>, vector<16xi32>,
      tpu.vector_store %arg11[%swap3A_208], %get3A_207 {strides = array<i32>} : memref<128xi32, #tpu.memory_space<vmem>>, vector<16xi32>,
      %mul3A_210 = arith.constant 4 : i32
      %mul3A_211 = vector.broadcast %mul3A_210 : i32 to vector<16xi32>
      %mul3A_212 = arith.muli %get3A_205, %mul3A_211 : vector<16xi32>
      %add3A_213 = arith.constant 0 : i32
      %add3A_214 = vector.broadcast %add3A_213 : i32 to vector<16xi32>
      %add3A_215 = arith.addi %mul3A_212, %add3A_214 : vector<16xi32>
      %gather3A_216 = tpu.vector_load_idx %arg10[%add3A_215] : memref<40960xf32, #tpu.memory_space<vmem>>[vector<16xi32>], vector<16xf32>,
      %swap3A_217 = arith.constant 64 : index
      %swap3A_218 = tpu.vector_load %arg13[%swap3A_217] {strides = array<i32>} : memref<128xf32, #tpu.memory_space<vmem>>, vector<16xf32>,
      tpu.vector_store %arg13[%swap3A_217], %gather3A_216 {strides = array<i32>} : memref<128xf32, #tpu.memory_space<vmem>>, vector<16xf32>,
      %add3A_219 = arith.constant 1 : i32
      %add3A_220 = vector.broadcast %add3A_219 : i32 to vector<16xi32>
      %add3A_221 = arith.addi %mul3A_212, %add3A_220 : vector<16xi32>
      %gather3A_222 = tpu.vector_load_idx %arg10[%add3A_221] : memref<40960xf32, #tpu.memory_space<vmem>>[vector<16xi32>], vector<16xf32>,
      %swap3A_223 = arith.constant 64 : index
      %swap3A_224 = tpu.vector_load %arg14[%swap3A_223] {strides = array<i32>} : memref<128xf32, #tpu.memory_space<vmem>>, vector<16xf32>,
      tpu.vector_store %arg14[%swap3A_223], %gather3A_222 {strides = array<i32>} : memref<128xf32, #tpu.memory_space<vmem>>, vector<16xf32>,
      %add3A_225 = arith.constant 2 : i32
      %add3A_226 = vector.broadcast %add3A_225 : i32 to vector<16xi32>
      %add3A_227 = arith.addi %mul3A_212, %add3A_226 : vector<16xi32>
      %gather3A_228 = tpu.vector_load_idx %arg10[%add3A_227] : memref<40960xf32, #tpu.memory_space<vmem>>[vector<16xi32>], vector<16xf32>,
      %swap3A_229 = arith.constant 64 : index
      %swap3A_230 = tpu.vector_load %arg15[%swap3A_229] {strides = array<i32>} : memref<128xf32, #tpu.memory_space<vmem>>, vector<16xf32>,
      tpu.vector_store %arg15[%swap3A_229], %gather3A_228 {strides = array<i32>} : memref<128xf32, #tpu.memory_space<vmem>>, vector<16xf32>,
      %add3A_231 = arith.constant 3 : i32
      %add3A_232 = vector.broadcast %add3A_231 : i32 to vector<16xi32>
      %add3A_233 = arith.addi %mul3A_212, %add3A_232 : vector<16xi32>
      %gather3A_234 = tpu.vector_load_idx %arg10[%add3A_233] : memref<40960xf32, #tpu.memory_space<vmem>>[vector<16xi32>], vector<16xf32>,
      %swap3A_235 = arith.constant 64 : index
      %swap3A_236 = tpu.vector_load %arg16[%swap3A_235] {strides = array<i32>} : memref<128xf32, #tpu.memory_space<vmem>>, vector<16xf32>,
      tpu.vector_store %arg16[%swap3A_235], %gather3A_234 {strides = array<i32>} : memref<128xf32, #tpu.memory_space<vmem>>, vector<16xf32>,
      %add3A_237 = arith.constant 80 : i32
      %add3A_238 = arith.addi %mul3A_62, %add3A_237 : i32
      %get3A_239 = arith.index_cast %add3A_238 : i32 to index
      %get3A_240 = tpu.vector_load %arg7[%get3A_239] {strides = array<i32>} : memref<10240xi32, #tpu.memory_space<vmem>>, vector<16xi32>,
      %get3A_241 = arith.index_cast %add3A_238 : i32 to index
      %get3A_242 = tpu.vector_load %arg8[%get3A_241] {strides = array<i32>} : memref<10240xi32, #tpu.memory_space<vmem>>, vector<16xi32>,
      %swap3A_243 = arith.constant 80 : index
      %swap3A_244 = tpu.vector_load %arg11[%swap3A_243] {strides = array<i32>} : memref<128xi32, #tpu.memory_space<vmem>>, vector<16xi32>,
      tpu.vector_store %arg11[%swap3A_243], %get3A_242 {strides = array<i32>} : memref<128xi32, #tpu.memory_space<vmem>>, vector<16xi32>,
      %mul3A_245 = arith.constant 4 : i32
      %mul3A_246 = vector.broadcast %mul3A_245 : i32 to vector<16xi32>
      %mul3A_247 = arith.muli %get3A_240, %mul3A_246 : vector<16xi32>
      %add3A_248 = arith.constant 0 : i32
      %add3A_249 = vector.broadcast %add3A_248 : i32 to vector<16xi32>
      %add3A_250 = arith.addi %mul3A_247, %add3A_249 : vector<16xi32>
      %gather3A_251 = tpu.vector_load_idx %arg10[%add3A_250] : memref<40960xf32, #tpu.memory_space<vmem>>[vector<16xi32>], vector<16xf32>,
      %swap3A_252 = arith.constant 80 : index
      %swap3A_253 = tpu.vector_load %arg13[%swap3A_252] {strides = array<i32>} : memref<128xf32, #tpu.memory_space<vmem>>, vector<16xf32>,
      tpu.vector_store %arg13[%swap3A_252], %gather3A_251 {strides = array<i32>} : memref<128xf32, #tpu.memory_space<vmem>>, vector<16xf32>,
      %add3A_254 = arith.constant 1 : i32
      %add3A_255 = vector.broadcast %add3A_254 : i32 to vector<16xi32>
      %add3A_256 = arith.addi %mul3A_247, %add3A_255 : vector<16xi32>
      %gather3A_257 = tpu.vector_load_idx %arg10[%add3A_256] : memref<40960xf32, #tpu.memory_space<vmem>>[vector<16xi32>], vector<16xf32>,
      %swap3A_258 = arith.constant 80 : index
      %swap3A_259 = tpu.vector_load %arg14[%swap3A_258] {strides = array<i32>} : memref<128xf32, #tpu.memory_space<vmem>>, vector<16xf32>,
      tpu.vector_store %arg14[%swap3A_258], %gather3A_257 {strides = array<i32>} : memref<128xf32, #tpu.memory_space<vmem>>, vector<16xf32>,
      %add3A_260 = arith.constant 2 : i32
      %add3A_261 = vector.broadcast %add3A_260 : i32 to vector<16xi32>
      %add3A_262 = arith.addi %mul3A_247, %add3A_261 : vector<16xi32>
      %gather3A_263 = tpu.vector_load_idx %arg10[%add3A_262] : memref<40960xf32, #tpu.memory_space<vmem>>[vector<16xi32>], vector<16xf32>,
      %swap3A_264 = arith.constant 80 : index
      %swap3A_265 = tpu.vector_load %arg15[%swap3A_264] {strides = array<i32>} : memref<128xf32, #tpu.memory_space<vmem>>, vector<16xf32>,
      tpu.vector_store %arg15[%swap3A_264], %gather3A_263 {strides = array<i32>} : memref<128xf32, #tpu.memory_space<vmem>>, vector<16xf32>,
      %add3A_266 = arith.constant 3 : i32
      %add3A_267 = vector.broadcast %add3A_266 : i32 to vector<16xi32>
      %add3A_268 = arith.addi %mul3A_247, %add3A_267 : vector<16xi32>
      %gather3A_269 = tpu.vector_load_idx %arg10[%add3A_268] : memref<40960xf32, #tpu.memory_space<vmem>>[vector<16xi32>], vector<16xf32>,
      %swap3A_270 = arith.constant 80 : index
      %swap3A_271 = tpu.vector_load %arg16[%swap3A_270] {strides = array<i32>} : memref<128xf32, #tpu.memory_space<vmem>>, vector<16xf32>,
      tpu.vector_store %arg16[%swap3A_270], %gather3A_269 {strides = array<i32>} : memref<128xf32, #tpu.memory_space<vmem>>, vector<16xf32>,
      %add3A_272 = arith.constant 96 : i32
      %add3A_273 = arith.addi %mul3A_62, %add3A_272 : i32
      %get3A_274 = arith.index_cast %add3A_273 : i32 to index
      %get3A_275 = tpu.vector_load %arg7[%get3A_274] {strides = array<i32>} : memref<10240xi32, #tpu.memory_space<vmem>>, vector<16xi32>,
      %get3A_276 = arith.index_cast %add3A_273 : i32 to index
      %get3A_277 = tpu.vector_load %arg8[%get3A_276] {strides = array<i32>} : memref<10240xi32, #tpu.memory_space<vmem>>, vector<16xi32>,
      %swap3A_278 = arith.constant 96 : index
      %swap3A_279 = tpu.vector_load %arg11[%swap3A_278] {strides = array<i32>} : memref<128xi32, #tpu.memory_space<vmem>>, vector<16xi32>,
      tpu.vector_store %arg11[%swap3A_278], %get3A_277 {strides = array<i32>} : memref<128xi32, #tpu.memory_space<vmem>>, vector<16xi32>,
      %mul3A_280 = arith.constant 4 : i32
      %mul3A_281 = vector.broadcast %mul3A_280 : i32 to vector<16xi32>
      %mul3A_282 = arith.muli %get3A_275, %mul3A_281 : vector<16xi32>
      %add3A_283 = arith.constant 0 : i32
      %add3A_284 = vector.broadcast %add3A_283 : i32 to vector<16xi32>
      %add3A_285 = arith.addi %mul3A_282, %add3A_284 : vector<16xi32>
      %gather3A_286 = tpu.vector_load_idx %arg10[%add3A_285] : memref<40960xf32, #tpu.memory_space<vmem>>[vector<16xi32>], vector<16xf32>,
      %swap3A_287 = arith.constant 96 : index
      %swap3A_288 = tpu.vector_load %arg13[%swap3A_287] {strides = array<i32>} : memref<128xf32, #tpu.memory_space<vmem>>, vector<16xf32>,
      tpu.vector_store %arg13[%swap3A_287], %gather3A_286 {strides = array<i32>} : memref<128xf32, #tpu.memory_space<vmem>>, vector<16xf32>,
      %add3A_289 = arith.constant 1 : i32
      %add3A_290 = vector.broadcast %add3A_289 : i32 to vector<16xi32>
      %add3A_291 = arith.addi %mul3A_282, %add3A_290 : vector<16xi32>
      %gather3A_292 = tpu.vector_load_idx %arg10[%add3A_291] : memref<40960xf32, #tpu.memory_space<vmem>>[vector<16xi32>], vector<16xf32>,
      %swap3A_293 = arith.constant 96 : index
      %swap3A_294 = tpu.vector_load %arg14[%swap3A_293] {strides = array<i32>} : memref<128xf32, #tpu.memory_space<vmem>>, vector<16xf32>,
      tpu.vector_store %arg14[%swap3A_293], %gather3A_292 {strides = array<i32>} : memref<128xf32, #tpu.memory_space<vmem>>, vector<16xf32>,
      %add3A_295 = arith.constant 2 : i32
      %add3A_296 = vector.broadcast %add3A_295 : i32 to vector<16xi32>
      %add3A_297 = arith.addi %mul3A_282, %add3A_296 : vector<16xi32>
      %gather3A_298 = tpu.vector_load_idx %arg10[%add3A_297] : memref<40960xf32, #tpu.memory_space<vmem>>[vector<16xi32>], vector<16xf32>,
      %swap3A_299 = arith.constant 96 : index
      %swap3A_300 = tpu.vector_load %arg15[%swap3A_299] {strides = array<i32>} : memref<128xf32, #tpu.memory_space<vmem>>, vector<16xf32>,
      tpu.vector_store %arg15[%swap3A_299], %gather3A_298 {strides = array<i32>} : memref<128xf32, #tpu.memory_space<vmem>>, vector<16xf32>,
      %add3A_301 = arith.constant 3 : i32
      %add3A_302 = vector.broadcast %add3A_301 : i32 to vector<16xi32>
      %add3A_303 = arith.addi %mul3A_282, %add3A_302 : vector<16xi32>
      %gather3A_304 = tpu.vector_load_idx %arg10[%add3A_303] : memref<40960xf32, #tpu.memory_space<vmem>>[vector<16xi32>], vector<16xf32>,
      %swap3A_305 = arith.constant 96 : index
      %swap3A_306 = tpu.vector_load %arg16[%swap3A_305] {strides = array<i32>} : memref<128xf32, #tpu.memory_space<vmem>>, vector<16xf32>,
      tpu.vector_store %arg16[%swap3A_305], %gather3A_304 {strides = array<i32>} : memref<128xf32, #tpu.memory_space<vmem>>, vector<16xf32>,
      %add3A_307 = arith.constant 112 : i32
      %add3A_308 = arith.addi %mul3A_62, %add3A_307 : i32
      %get3A_309 = arith.index_cast %add3A_308 : i32 to index
      %get3A_310 = tpu.vector_load %arg7[%get3A_309] {strides = array<i32>} : memref<10240xi32, #tpu.memory_space<vmem>>, vector<16xi32>,
      %get3A_311 = arith.index_cast %add3A_308 : i32 to index
      %get3A_312 = tpu.vector_load %arg8[%get3A_311] {strides = array<i32>} : memref<10240xi32, #tpu.memory_space<vmem>>, vector<16xi32>,
      %swap3A_313 = arith.constant 112 : index
      %swap3A_314 = tpu.vector_load %arg11[%swap3A_313] {strides = array<i32>} : memref<128xi32, #tpu.memory_space<vmem>>, vector<16xi32>,
      tpu.vector_store %arg11[%swap3A_313], %get3A_312 {strides = array<i32>} : memref<128xi32, #tpu.memory_space<vmem>>, vector<16xi32>,
      %mul3A_315 = arith.constant 4 : i32
      %mul3A_316 = vector.broadcast %mul3A_315 : i32 to vector<16xi32>
      %mul3A_317 = arith.muli %get3A_310, %mul3A_316 : vector<16xi32>
      %add3A_318 = arith.constant 0 : i32
      %add3A_319 = vector.broadcast %add3A_318 : i32 to vector<16xi32>
      %add3A_320 = arith.addi %mul3A_317, %add3A_319 : vector<16xi32>
      %gather3A_321 = tpu.vector_load_idx %arg10[%add3A_320] : memref<40960xf32, #tpu.memory_space<vmem>>[vector<16xi32>], vector<16xf32>,
      %swap3A_322 = arith.constant 112 : index
      %swap3A_323 = tpu.vector_load %arg13[%swap3A_322] {strides = array<i32>} : memref<128xf32, #tpu.memory_space<vmem>>, vector<16xf32>,
      tpu.vector_store %arg13[%swap3A_322], %gather3A_321 {strides = array<i32>} : memref<128xf32, #tpu.memory_space<vmem>>, vector<16xf32>,
      %add3A_324 = arith.constant 1 : i32
      %add3A_325 = vector.broadcast %add3A_324 : i32 to vector<16xi32>
      %add3A_326 = arith.addi %mul3A_317, %add3A_325 : vector<16xi32>
      %gather3A_327 = tpu.vector_load_idx %arg10[%add3A_326] : memref<40960xf32, #tpu.memory_space<vmem>>[vector<16xi32>], vector<16xf32>,
      %swap3A_328 = arith.constant 112 : index
      %swap3A_329 = tpu.vector_load %arg14[%swap3A_328] {strides = array<i32>} : memref<128xf32, #tpu.memory_space<vmem>>, vector<16xf32>,
      tpu.vector_store %arg14[%swap3A_328], %gather3A_327 {strides = array<i32>} : memref<128xf32, #tpu.memory_space<vmem>>, vector<16xf32>,
      %add3A_330 = arith.constant 2 : i32
      %add3A_331 = vector.broadcast %add3A_330 : i32 to vector<16xi32>
      %add3A_332 = arith.addi %mul3A_317, %add3A_331 : vector<16xi32>
      %gather3A_333 = tpu.vector_load_idx %arg10[%add3A_332] : memref<40960xf32, #tpu.memory_space<vmem>>[vector<16xi32>], vector<16xf32>,
      %swap3A_334 = arith.constant 112 : index
      %swap3A_335 = tpu.vector_load %arg15[%swap3A_334] {strides = array<i32>} : memref<128xf32, #tpu.memory_space<vmem>>, vector<16xf32>,
      tpu.vector_store %arg15[%swap3A_334], %gather3A_333 {strides = array<i32>} : memref<128xf32, #tpu.memory_space<vmem>>, vector<16xf32>,
      %add3A_336 = arith.constant 3 : i32
      %add3A_337 = vector.broadcast %add3A_336 : i32 to vector<16xi32>
      %add3A_338 = arith.addi %mul3A_317, %add3A_337 : vector<16xi32>
      %gather3A_339 = tpu.vector_load_idx %arg10[%add3A_338] : memref<40960xf32, #tpu.memory_space<vmem>>[vector<16xi32>], vector<16xf32>,
      %swap3A_340 = arith.constant 112 : index
      %swap3A_341 = tpu.vector_load %arg16[%swap3A_340] {strides = array<i32>} : memref<128xf32, #tpu.memory_space<vmem>>, vector<16xf32>,
      tpu.vector_store %arg16[%swap3A_340], %gather3A_339 {strides = array<i32>} : memref<128xf32, #tpu.memory_space<vmem>>, vector<16xf32>,
      %dma_start3A = arith.constant 0 : i32
      %dma_start3A_342 = tpu.memref_slice %arg22[%dma_start3A] : memref<10240xf32, #tpu.memory_space<vmem_shared>> -> memref<10240xf32, #tpu.memory_space<vmem_shared>>
      tpu.enqueue_indirect_dma source(%arg13 : memref<128xf32, #tpu.memory_space<vmem>>) target(%dma_start3A_342 : memref<10240xf32, #tpu.memory_space<vmem_shared>>) offsets(%arg11 : memref<128xi32, #tpu.memory_space<vmem>>) semaphore(%arg26 : memref<!tpu.dma_semaphore, #tpu.memory_space<semaphore_mem>>) {add = true}
      %dma_start3A_343 = arith.constant 0 : i32
      %dma_start3A_344 = tpu.memref_slice %arg23[%dma_start3A_343] : memref<10240xf32, #tpu.memory_space<vmem_shared>> -> memref<10240xf32, #tpu.memory_space<vmem_shared>>
      tpu.enqueue_indirect_dma source(%arg14 : memref<128xf32, #tpu.memory_space<vmem>>) target(%dma_start3A_344 : memref<10240xf32, #tpu.memory_space<vmem_shared>>) offsets(%arg11 : memref<128xi32, #tpu.memory_space<vmem>>) semaphore(%arg26 : memref<!tpu.dma_semaphore, #tpu.memory_space<semaphore_mem>>) {add = true}
      %dma_start3A_345 = arith.constant 0 : i32
      %dma_start3A_346 = tpu.memref_slice %arg24[%dma_start3A_345] : memref<10240xf32, #tpu.memory_space<vmem_shared>> -> memref<10240xf32, #tpu.memory_space<vmem_shared>>
      tpu.enqueue_indirect_dma source(%arg15 : memref<128xf32, #tpu.memory_space<vmem>>) target(%dma_start3A_346 : memref<10240xf32, #tpu.memory_space<vmem_shared>>) offsets(%arg11 : memref<128xi32, #tpu.memory_space<vmem>>) semaphore(%arg26 : memref<!tpu.dma_semaphore, #tpu.memory_space<semaphore_mem>>) {add = true}
      %dma_start3A_347 = arith.constant 0 : i32
      %dma_start3A_348 = tpu.memref_slice %arg25[%dma_start3A_347] : memref<10240xf32, #tpu.memory_space<vmem_shared>> -> memref<10240xf32, #tpu.memory_space<vmem_shared>>
      tpu.enqueue_indirect_dma source(%arg16 : memref<128xf32, #tpu.memory_space<vmem>>) target(%dma_start3A_348 : memref<10240xf32, #tpu.memory_space<vmem_shared>>) offsets(%arg11 : memref<128xi32, #tpu.memory_space<vmem>>) semaphore(%arg26 : memref<!tpu.dma_semaphore, #tpu.memory_space<semaphore_mem>>) {add = true}
      %mul3A_349 = arith.constant 2 : i32
      %mul3A_350 = arith.muli %scan3A_55, %mul3A_349 : i32
      %add3A_351 = arith.constant 1 : i32
      %add3A_352 = arith.addi %mul3A_350, %add3A_351 : i32
      %mul3A_353 = arith.constant 128 : i32
      %mul3A_354 = arith.muli %add3A_352, %mul3A_353 : i32
      %gt3A_355 = arith.constant 0 : i32
      %gt3A_356 = arith.cmpi sgt, %scan3A_55, %gt3A_355 : i32
      %convert_element_type3A_357 = arith.extui %gt3A_356 : i1 to i32
      %cond3A_358 = arith.constant 0 : i32
      %cond3A_359 = arith.cmpi ne, %convert_element_type3A_357, %cond3A_358 : i32
      scf.if %cond3A_359 {
        %dma_wait3A_649 = arith.constant 0 : i32
        %dma_wait3A_650 = tpu.memref_slice %arg22[%dma_wait3A_649] : memref<10240xf32, #tpu.memory_space<vmem_shared>> -> memref<10240xf32, #tpu.memory_space<vmem_shared>>
        tpu.wait_indirect_dma semaphore(%arg27 : memref<!tpu.dma_semaphore, #tpu.memory_space<semaphore_mem>>) src(%arg17 : memref<128xf32, #tpu.memory_space<vmem>>) dst(%dma_wait3A_650 : memref<10240xf32, #tpu.memory_space<vmem_shared>>)
        %dma_wait3A_651 = arith.constant 0 : i32
        %dma_wait3A_652 = tpu.memref_slice %arg23[%dma_wait3A_651] : memref<10240xf32, #tpu.memory_space<vmem_shared>> -> memref<10240xf32, #tpu.memory_space<vmem_shared>>
        tpu.wait_indirect_dma semaphore(%arg27 : memref<!tpu.dma_semaphore, #tpu.memory_space<semaphore_mem>>) src(%arg18 : memref<128xf32, #tpu.memory_space<vmem>>) dst(%dma_wait3A_652 : memref<10240xf32, #tpu.memory_space<vmem_shared>>)
        %dma_wait3A_653 = arith.constant 0 : i32
        %dma_wait3A_654 = tpu.memref_slice %arg24[%dma_wait3A_653] : memref<10240xf32, #tpu.memory_space<vmem_shared>> -> memref<10240xf32, #tpu.memory_space<vmem_shared>>
        tpu.wait_indirect_dma semaphore(%arg27 : memref<!tpu.dma_semaphore, #tpu.memory_space<semaphore_mem>>) src(%arg19 : memref<128xf32, #tpu.memory_space<vmem>>) dst(%dma_wait3A_654 : memref<10240xf32, #tpu.memory_space<vmem_shared>>)
        %dma_wait3A_655 = arith.constant 0 : i32
        %dma_wait3A_656 = tpu.memref_slice %arg25[%dma_wait3A_655] : memref<10240xf32, #tpu.memory_space<vmem_shared>> -> memref<10240xf32, #tpu.memory_space<vmem_shared>>
        tpu.wait_indirect_dma semaphore(%arg27 : memref<!tpu.dma_semaphore, #tpu.memory_space<semaphore_mem>>) src(%arg20 : memref<128xf32, #tpu.memory_space<vmem>>) dst(%dma_wait3A_656 : memref<10240xf32, #tpu.memory_space<vmem_shared>>)
      } else {
      }
      %add3A_360 = arith.constant 0 : i32
      %add3A_361 = arith.addi %mul3A_354, %add3A_360 : i32
      %get3A_362 = arith.index_cast %add3A_361 : i32 to index
      %get3A_363 = tpu.vector_load %arg7[%get3A_362] {strides = array<i32>} : memref<10240xi32, #tpu.memory_space<vmem>>, vector<16xi32>,
      %get3A_364 = arith.index_cast %add3A_361 : i32 to index
      %get3A_365 = tpu.vector_load %arg8[%get3A_364] {strides = array<i32>} : memref<10240xi32, #tpu.memory_space<vmem>>, vector<16xi32>,
      %swap3A_366 = arith.constant 0 : index
      %swap3A_367 = tpu.vector_load %arg12[%swap3A_366] {strides = array<i32>} : memref<128xi32, #tpu.memory_space<vmem>>, vector<16xi32>,
      tpu.vector_store %arg12[%swap3A_366], %get3A_365 {strides = array<i32>} : memref<128xi32, #tpu.memory_space<vmem>>, vector<16xi32>,
      %mul3A_368 = arith.constant 4 : i32
      %mul3A_369 = vector.broadcast %mul3A_368 : i32 to vector<16xi32>
      %mul3A_370 = arith.muli %get3A_363, %mul3A_369 : vector<16xi32>
      %add3A_371 = arith.constant 0 : i32
      %add3A_372 = vector.broadcast %add3A_371 : i32 to vector<16xi32>
      %add3A_373 = arith.addi %mul3A_370, %add3A_372 : vector<16xi32>
      %gather3A_374 = tpu.vector_load_idx %arg10[%add3A_373] : memref<40960xf32, #tpu.memory_space<vmem>>[vector<16xi32>], vector<16xf32>,
      %swap3A_375 = arith.constant 0 : index
      %swap3A_376 = tpu.vector_load %arg17[%swap3A_375] {strides = array<i32>} : memref<128xf32, #tpu.memory_space<vmem>>, vector<16xf32>,
      tpu.vector_store %arg17[%swap3A_375], %gather3A_374 {strides = array<i32>} : memref<128xf32, #tpu.memory_space<vmem>>, vector<16xf32>,
      %add3A_377 = arith.constant 1 : i32
      %add3A_378 = vector.broadcast %add3A_377 : i32 to vector<16xi32>
      %add3A_379 = arith.addi %mul3A_370, %add3A_378 : vector<16xi32>
      %gather3A_380 = tpu.vector_load_idx %arg10[%add3A_379] : memref<40960xf32, #tpu.memory_space<vmem>>[vector<16xi32>], vector<16xf32>,
      %swap3A_381 = arith.constant 0 : index
      %swap3A_382 = tpu.vector_load %arg18[%swap3A_381] {strides = array<i32>} : memref<128xf32, #tpu.memory_space<vmem>>, vector<16xf32>,
      tpu.vector_store %arg18[%swap3A_381], %gather3A_380 {strides = array<i32>} : memref<128xf32, #tpu.memory_space<vmem>>, vector<16xf32>,
      %add3A_383 = arith.constant 2 : i32
      %add3A_384 = vector.broadcast %add3A_383 : i32 to vector<16xi32>
      %add3A_385 = arith.addi %mul3A_370, %add3A_384 : vector<16xi32>
      %gather3A_386 = tpu.vector_load_idx %arg10[%add3A_385] : memref<40960xf32, #tpu.memory_space<vmem>>[vector<16xi32>], vector<16xf32>,
      %swap3A_387 = arith.constant 0 : index
      %swap3A_388 = tpu.vector_load %arg19[%swap3A_387] {strides = array<i32>} : memref<128xf32, #tpu.memory_space<vmem>>, vector<16xf32>,
      tpu.vector_store %arg19[%swap3A_387], %gather3A_386 {strides = array<i32>} : memref<128xf32, #tpu.memory_space<vmem>>, vector<16xf32>,
      %add3A_389 = arith.constant 3 : i32
      %add3A_390 = vector.broadcast %add3A_389 : i32 to vector<16xi32>
      %add3A_391 = arith.addi %mul3A_370, %add3A_390 : vector<16xi32>
      %gather3A_392 = tpu.vector_load_idx %arg10[%add3A_391] : memref<40960xf32, #tpu.memory_space<vmem>>[vector<16xi32>], vector<16xf32>,
      %swap3A_393 = arith.constant 0 : index
      %swap3A_394 = tpu.vector_load %arg20[%swap3A_393] {strides = array<i32>} : memref<128xf32, #tpu.memory_space<vmem>>, vector<16xf32>,
      tpu.vector_store %arg20[%swap3A_393], %gather3A_392 {strides = array<i32>} : memref<128xf32, #tpu.memory_space<vmem>>, vector<16xf32>,
      %add3A_395 = arith.constant 16 : i32
      %add3A_396 = arith.addi %mul3A_354, %add3A_395 : i32
      %get3A_397 = arith.index_cast %add3A_396 : i32 to index
      %get3A_398 = tpu.vector_load %arg7[%get3A_397] {strides = array<i32>} : memref<10240xi32, #tpu.memory_space<vmem>>, vector<16xi32>,
      %get3A_399 = arith.index_cast %add3A_396 : i32 to index
      %get3A_400 = tpu.vector_load %arg8[%get3A_399] {strides = array<i32>} : memref<10240xi32, #tpu.memory_space<vmem>>, vector<16xi32>,
      %swap3A_401 = arith.constant 16 : index
      %swap3A_402 = tpu.vector_load %arg12[%swap3A_401] {strides = array<i32>} : memref<128xi32, #tpu.memory_space<vmem>>, vector<16xi32>,
      tpu.vector_store %arg12[%swap3A_401], %get3A_400 {strides = array<i32>} : memref<128xi32, #tpu.memory_space<vmem>>, vector<16xi32>,
      %mul3A_403 = arith.constant 4 : i32
      %mul3A_404 = vector.broadcast %mul3A_403 : i32 to vector<16xi32>
      %mul3A_405 = arith.muli %get3A_398, %mul3A_404 : vector<16xi32>
      %add3A_406 = arith.constant 0 : i32
      %add3A_407 = vector.broadcast %add3A_406 : i32 to vector<16xi32>
      %add3A_408 = arith.addi %mul3A_405, %add3A_407 : vector<16xi32>
      %gather3A_409 = tpu.vector_load_idx %arg10[%add3A_408] : memref<40960xf32, #tpu.memory_space<vmem>>[vector<16xi32>], vector<16xf32>,
      %swap3A_410 = arith.constant 16 : index
      %swap3A_411 = tpu.vector_load %arg17[%swap3A_410] {strides = array<i32>} : memref<128xf32, #tpu.memory_space<vmem>>, vector<16xf32>,
      tpu.vector_store %arg17[%swap3A_410], %gather3A_409 {strides = array<i32>} : memref<128xf32, #tpu.memory_space<vmem>>, vector<16xf32>,
      %add3A_412 = arith.constant 1 : i32
      %add3A_413 = vector.broadcast %add3A_412 : i32 to vector<16xi32>
      %add3A_414 = arith.addi %mul3A_405, %add3A_413 : vector<16xi32>
      %gather3A_415 = tpu.vector_load_idx %arg10[%add3A_414] : memref<40960xf32, #tpu.memory_space<vmem>>[vector<16xi32>], vector<16xf32>,
      %swap3A_416 = arith.constant 16 : index
      %swap3A_417 = tpu.vector_load %arg18[%swap3A_416] {strides = array<i32>} : memref<128xf32, #tpu.memory_space<vmem>>, vector<16xf32>,
      tpu.vector_store %arg18[%swap3A_416], %gather3A_415 {strides = array<i32>} : memref<128xf32, #tpu.memory_space<vmem>>, vector<16xf32>,
      %add3A_418 = arith.constant 2 : i32
      %add3A_419 = vector.broadcast %add3A_418 : i32 to vector<16xi32>
      %add3A_420 = arith.addi %mul3A_405, %add3A_419 : vector<16xi32>
      %gather3A_421 = tpu.vector_load_idx %arg10[%add3A_420] : memref<40960xf32, #tpu.memory_space<vmem>>[vector<16xi32>], vector<16xf32>,
      %swap3A_422 = arith.constant 16 : index
      %swap3A_423 = tpu.vector_load %arg19[%swap3A_422] {strides = array<i32>} : memref<128xf32, #tpu.memory_space<vmem>>, vector<16xf32>,
      tpu.vector_store %arg19[%swap3A_422], %gather3A_421 {strides = array<i32>} : memref<128xf32, #tpu.memory_space<vmem>>, vector<16xf32>,
      %add3A_424 = arith.constant 3 : i32
      %add3A_425 = vector.broadcast %add3A_424 : i32 to vector<16xi32>
      %add3A_426 = arith.addi %mul3A_405, %add3A_425 : vector<16xi32>
      %gather3A_427 = tpu.vector_load_idx %arg10[%add3A_426] : memref<40960xf32, #tpu.memory_space<vmem>>[vector<16xi32>], vector<16xf32>,
      %swap3A_428 = arith.constant 16 : index
      %swap3A_429 = tpu.vector_load %arg20[%swap3A_428] {strides = array<i32>} : memref<128xf32, #tpu.memory_space<vmem>>, vector<16xf32>,
      tpu.vector_store %arg20[%swap3A_428], %gather3A_427 {strides = array<i32>} : memref<128xf32, #tpu.memory_space<vmem>>, vector<16xf32>,
      %add3A_430 = arith.constant 32 : i32
      %add3A_431 = arith.addi %mul3A_354, %add3A_430 : i32
      %get3A_432 = arith.index_cast %add3A_431 : i32 to index
      %get3A_433 = tpu.vector_load %arg7[%get3A_432] {strides = array<i32>} : memref<10240xi32, #tpu.memory_space<vmem>>, vector<16xi32>,
      %get3A_434 = arith.index_cast %add3A_431 : i32 to index
      %get3A_435 = tpu.vector_load %arg8[%get3A_434] {strides = array<i32>} : memref<10240xi32, #tpu.memory_space<vmem>>, vector<16xi32>,
      %swap3A_436 = arith.constant 32 : index
      %swap3A_437 = tpu.vector_load %arg12[%swap3A_436] {strides = array<i32>} : memref<128xi32, #tpu.memory_space<vmem>>, vector<16xi32>,
      tpu.vector_store %arg12[%swap3A_436], %get3A_435 {strides = array<i32>} : memref<128xi32, #tpu.memory_space<vmem>>, vector<16xi32>,
      %mul3A_438 = arith.constant 4 : i32
      %mul3A_439 = vector.broadcast %mul3A_438 : i32 to vector<16xi32>
      %mul3A_440 = arith.muli %get3A_433, %mul3A_439 : vector<16xi32>
      %add3A_441 = arith.constant 0 : i32
      %add3A_442 = vector.broadcast %add3A_441 : i32 to vector<16xi32>
      %add3A_443 = arith.addi %mul3A_440, %add3A_442 : vector<16xi32>
      %gather3A_444 = tpu.vector_load_idx %arg10[%add3A_443] : memref<40960xf32, #tpu.memory_space<vmem>>[vector<16xi32>], vector<16xf32>,
      %swap3A_445 = arith.constant 32 : index
      %swap3A_446 = tpu.vector_load %arg17[%swap3A_445] {strides = array<i32>} : memref<128xf32, #tpu.memory_space<vmem>>, vector<16xf32>,
      tpu.vector_store %arg17[%swap3A_445], %gather3A_444 {strides = array<i32>} : memref<128xf32, #tpu.memory_space<vmem>>, vector<16xf32>,
      %add3A_447 = arith.constant 1 : i32
      %add3A_448 = vector.broadcast %add3A_447 : i32 to vector<16xi32>
      %add3A_449 = arith.addi %mul3A_440, %add3A_448 : vector<16xi32>
      %gather3A_450 = tpu.vector_load_idx %arg10[%add3A_449] : memref<40960xf32, #tpu.memory_space<vmem>>[vector<16xi32>], vector<16xf32>,
      %swap3A_451 = arith.constant 32 : index
      %swap3A_452 = tpu.vector_load %arg18[%swap3A_451] {strides = array<i32>} : memref<128xf32, #tpu.memory_space<vmem>>, vector<16xf32>,
      tpu.vector_store %arg18[%swap3A_451], %gather3A_450 {strides = array<i32>} : memref<128xf32, #tpu.memory_space<vmem>>, vector<16xf32>,
      %add3A_453 = arith.constant 2 : i32
      %add3A_454 = vector.broadcast %add3A_453 : i32 to vector<16xi32>
      %add3A_455 = arith.addi %mul3A_440, %add3A_454 : vector<16xi32>
      %gather3A_456 = tpu.vector_load_idx %arg10[%add3A_455] : memref<40960xf32, #tpu.memory_space<vmem>>[vector<16xi32>], vector<16xf32>,
      %swap3A_457 = arith.constant 32 : index
      %swap3A_458 = tpu.vector_load %arg19[%swap3A_457] {strides = array<i32>} : memref<128xf32, #tpu.memory_space<vmem>>, vector<16xf32>,
      tpu.vector_store %arg19[%swap3A_457], %gather3A_456 {strides = array<i32>} : memref<128xf32, #tpu.memory_space<vmem>>, vector<16xf32>,
      %add3A_459 = arith.constant 3 : i32
      %add3A_460 = vector.broadcast %add3A_459 : i32 to vector<16xi32>
      %add3A_461 = arith.addi %mul3A_440, %add3A_460 : vector<16xi32>
      %gather3A_462 = tpu.vector_load_idx %arg10[%add3A_461] : memref<40960xf32, #tpu.memory_space<vmem>>[vector<16xi32>], vector<16xf32>,
      %swap3A_463 = arith.constant 32 : index
      %swap3A_464 = tpu.vector_load %arg20[%swap3A_463] {strides = array<i32>} : memref<128xf32, #tpu.memory_space<vmem>>, vector<16xf32>,
      tpu.vector_store %arg20[%swap3A_463], %gather3A_462 {strides = array<i32>} : memref<128xf32, #tpu.memory_space<vmem>>, vector<16xf32>,
      %add3A_465 = arith.constant 48 : i32
      %add3A_466 = arith.addi %mul3A_354, %add3A_465 : i32
      %get3A_467 = arith.index_cast %add3A_466 : i32 to index
      %get3A_468 = tpu.vector_load %arg7[%get3A_467] {strides = array<i32>} : memref<10240xi32, #tpu.memory_space<vmem>>, vector<16xi32>,
      %get3A_469 = arith.index_cast %add3A_466 : i32 to index
      %get3A_470 = tpu.vector_load %arg8[%get3A_469] {strides = array<i32>} : memref<10240xi32, #tpu.memory_space<vmem>>, vector<16xi32>,
      %swap3A_471 = arith.constant 48 : index
      %swap3A_472 = tpu.vector_load %arg12[%swap3A_471] {strides = array<i32>} : memref<128xi32, #tpu.memory_space<vmem>>, vector<16xi32>,
      tpu.vector_store %arg12[%swap3A_471], %get3A_470 {strides = array<i32>} : memref<128xi32, #tpu.memory_space<vmem>>, vector<16xi32>,
      %mul3A_473 = arith.constant 4 : i32
      %mul3A_474 = vector.broadcast %mul3A_473 : i32 to vector<16xi32>
      %mul3A_475 = arith.muli %get3A_468, %mul3A_474 : vector<16xi32>
      %add3A_476 = arith.constant 0 : i32
      %add3A_477 = vector.broadcast %add3A_476 : i32 to vector<16xi32>
      %add3A_478 = arith.addi %mul3A_475, %add3A_477 : vector<16xi32>
      %gather3A_479 = tpu.vector_load_idx %arg10[%add3A_478] : memref<40960xf32, #tpu.memory_space<vmem>>[vector<16xi32>], vector<16xf32>,
      %swap3A_480 = arith.constant 48 : index
      %swap3A_481 = tpu.vector_load %arg17[%swap3A_480] {strides = array<i32>} : memref<128xf32, #tpu.memory_space<vmem>>, vector<16xf32>,
      tpu.vector_store %arg17[%swap3A_480], %gather3A_479 {strides = array<i32>} : memref<128xf32, #tpu.memory_space<vmem>>, vector<16xf32>,
      %add3A_482 = arith.constant 1 : i32
      %add3A_483 = vector.broadcast %add3A_482 : i32 to vector<16xi32>
      %add3A_484 = arith.addi %mul3A_475, %add3A_483 : vector<16xi32>
      %gather3A_485 = tpu.vector_load_idx %arg10[%add3A_484] : memref<40960xf32, #tpu.memory_space<vmem>>[vector<16xi32>], vector<16xf32>,
      %swap3A_486 = arith.constant 48 : index
      %swap3A_487 = tpu.vector_load %arg18[%swap3A_486] {strides = array<i32>} : memref<128xf32, #tpu.memory_space<vmem>>, vector<16xf32>,
      tpu.vector_store %arg18[%swap3A_486], %gather3A_485 {strides = array<i32>} : memref<128xf32, #tpu.memory_space<vmem>>, vector<16xf32>,
      %add3A_488 = arith.constant 2 : i32
      %add3A_489 = vector.broadcast %add3A_488 : i32 to vector<16xi32>
      %add3A_490 = arith.addi %mul3A_475, %add3A_489 : vector<16xi32>
      %gather3A_491 = tpu.vector_load_idx %arg10[%add3A_490] : memref<40960xf32, #tpu.memory_space<vmem>>[vector<16xi32>], vector<16xf32>,
      %swap3A_492 = arith.constant 48 : index
      %swap3A_493 = tpu.vector_load %arg19[%swap3A_492] {strides = array<i32>} : memref<128xf32, #tpu.memory_space<vmem>>, vector<16xf32>,
      tpu.vector_store %arg19[%swap3A_492], %gather3A_491 {strides = array<i32>} : memref<128xf32, #tpu.memory_space<vmem>>, vector<16xf32>,
      %add3A_494 = arith.constant 3 : i32
      %add3A_495 = vector.broadcast %add3A_494 : i32 to vector<16xi32>
      %add3A_496 = arith.addi %mul3A_475, %add3A_495 : vector<16xi32>
      %gather3A_497 = tpu.vector_load_idx %arg10[%add3A_496] : memref<40960xf32, #tpu.memory_space<vmem>>[vector<16xi32>], vector<16xf32>,
      %swap3A_498 = arith.constant 48 : index
      %swap3A_499 = tpu.vector_load %arg20[%swap3A_498] {strides = array<i32>} : memref<128xf32, #tpu.memory_space<vmem>>, vector<16xf32>,
      tpu.vector_store %arg20[%swap3A_498], %gather3A_497 {strides = array<i32>} : memref<128xf32, #tpu.memory_space<vmem>>, vector<16xf32>,
      %add3A_500 = arith.constant 64 : i32
      %add3A_501 = arith.addi %mul3A_354, %add3A_500 : i32
      %get3A_502 = arith.index_cast %add3A_501 : i32 to index
      %get3A_503 = tpu.vector_load %arg7[%get3A_502] {strides = array<i32>} : memref<10240xi32, #tpu.memory_space<vmem>>, vector<16xi32>,
      %get3A_504 = arith.index_cast %add3A_501 : i32 to index
      %get3A_505 = tpu.vector_load %arg8[%get3A_504] {strides = array<i32>} : memref<10240xi32, #tpu.memory_space<vmem>>, vector<16xi32>,
      %swap3A_506 = arith.constant 64 : index
      %swap3A_507 = tpu.vector_load %arg12[%swap3A_506] {strides = array<i32>} : memref<128xi32, #tpu.memory_space<vmem>>, vector<16xi32>,
      tpu.vector_store %arg12[%swap3A_506], %get3A_505 {strides = array<i32>} : memref<128xi32, #tpu.memory_space<vmem>>, vector<16xi32>,
      %mul3A_508 = arith.constant 4 : i32
      %mul3A_509 = vector.broadcast %mul3A_508 : i32 to vector<16xi32>
      %mul3A_510 = arith.muli %get3A_503, %mul3A_509 : vector<16xi32>
      %add3A_511 = arith.constant 0 : i32
      %add3A_512 = vector.broadcast %add3A_511 : i32 to vector<16xi32>
      %add3A_513 = arith.addi %mul3A_510, %add3A_512 : vector<16xi32>
      %gather3A_514 = tpu.vector_load_idx %arg10[%add3A_513] : memref<40960xf32, #tpu.memory_space<vmem>>[vector<16xi32>], vector<16xf32>,
      %swap3A_515 = arith.constant 64 : index
      %swap3A_516 = tpu.vector_load %arg17[%swap3A_515] {strides = array<i32>} : memref<128xf32, #tpu.memory_space<vmem>>, vector<16xf32>,
      tpu.vector_store %arg17[%swap3A_515], %gather3A_514 {strides = array<i32>} : memref<128xf32, #tpu.memory_space<vmem>>, vector<16xf32>,
      %add3A_517 = arith.constant 1 : i32
      %add3A_518 = vector.broadcast %add3A_517 : i32 to vector<16xi32>
      %add3A_519 = arith.addi %mul3A_510, %add3A_518 : vector<16xi32>
      %gather3A_520 = tpu.vector_load_idx %arg10[%add3A_519] : memref<40960xf32, #tpu.memory_space<vmem>>[vector<16xi32>], vector<16xf32>,
      %swap3A_521 = arith.constant 64 : index
      %swap3A_522 = tpu.vector_load %arg18[%swap3A_521] {strides = array<i32>} : memref<128xf32, #tpu.memory_space<vmem>>, vector<16xf32>,
      tpu.vector_store %arg18[%swap3A_521], %gather3A_520 {strides = array<i32>} : memref<128xf32, #tpu.memory_space<vmem>>, vector<16xf32>,
      %add3A_523 = arith.constant 2 : i32
      %add3A_524 = vector.broadcast %add3A_523 : i32 to vector<16xi32>
      %add3A_525 = arith.addi %mul3A_510, %add3A_524 : vector<16xi32>
      %gather3A_526 = tpu.vector_load_idx %arg10[%add3A_525] : memref<40960xf32, #tpu.memory_space<vmem>>[vector<16xi32>], vector<16xf32>,
      %swap3A_527 = arith.constant 64 : index
      %swap3A_528 = tpu.vector_load %arg19[%swap3A_527] {strides = array<i32>} : memref<128xf32, #tpu.memory_space<vmem>>, vector<16xf32>,
      tpu.vector_store %arg19[%swap3A_527], %gather3A_526 {strides = array<i32>} : memref<128xf32, #tpu.memory_space<vmem>>, vector<16xf32>,
      %add3A_529 = arith.constant 3 : i32
      %add3A_530 = vector.broadcast %add3A_529 : i32 to vector<16xi32>
      %add3A_531 = arith.addi %mul3A_510, %add3A_530 : vector<16xi32>
      %gather3A_532 = tpu.vector_load_idx %arg10[%add3A_531] : memref<40960xf32, #tpu.memory_space<vmem>>[vector<16xi32>], vector<16xf32>,
      %swap3A_533 = arith.constant 64 : index
      %swap3A_534 = tpu.vector_load %arg20[%swap3A_533] {strides = array<i32>} : memref<128xf32, #tpu.memory_space<vmem>>, vector<16xf32>,
      tpu.vector_store %arg20[%swap3A_533], %gather3A_532 {strides = array<i32>} : memref<128xf32, #tpu.memory_space<vmem>>, vector<16xf32>,
      %add3A_535 = arith.constant 80 : i32
      %add3A_536 = arith.addi %mul3A_354, %add3A_535 : i32
      %get3A_537 = arith.index_cast %add3A_536 : i32 to index
      %get3A_538 = tpu.vector_load %arg7[%get3A_537] {strides = array<i32>} : memref<10240xi32, #tpu.memory_space<vmem>>, vector<16xi32>,
      %get3A_539 = arith.index_cast %add3A_536 : i32 to index
      %get3A_540 = tpu.vector_load %arg8[%get3A_539] {strides = array<i32>} : memref<10240xi32, #tpu.memory_space<vmem>>, vector<16xi32>,
      %swap3A_541 = arith.constant 80 : index
      %swap3A_542 = tpu.vector_load %arg12[%swap3A_541] {strides = array<i32>} : memref<128xi32, #tpu.memory_space<vmem>>, vector<16xi32>,
      tpu.vector_store %arg12[%swap3A_541], %get3A_540 {strides = array<i32>} : memref<128xi32, #tpu.memory_space<vmem>>, vector<16xi32>,
      %mul3A_543 = arith.constant 4 : i32
      %mul3A_544 = vector.broadcast %mul3A_543 : i32 to vector<16xi32>
      %mul3A_545 = arith.muli %get3A_538, %mul3A_544 : vector<16xi32>
      %add3A_546 = arith.constant 0 : i32
      %add3A_547 = vector.broadcast %add3A_546 : i32 to vector<16xi32>
      %add3A_548 = arith.addi %mul3A_545, %add3A_547 : vector<16xi32>
      %gather3A_549 = tpu.vector_load_idx %arg10[%add3A_548] : memref<40960xf32, #tpu.memory_space<vmem>>[vector<16xi32>], vector<16xf32>,
      %swap3A_550 = arith.constant 80 : index
      %swap3A_551 = tpu.vector_load %arg17[%swap3A_550] {strides = array<i32>} : memref<128xf32, #tpu.memory_space<vmem>>, vector<16xf32>,
      tpu.vector_store %arg17[%swap3A_550], %gather3A_549 {strides = array<i32>} : memref<128xf32, #tpu.memory_space<vmem>>, vector<16xf32>,
      %add3A_552 = arith.constant 1 : i32
      %add3A_553 = vector.broadcast %add3A_552 : i32 to vector<16xi32>
      %add3A_554 = arith.addi %mul3A_545, %add3A_553 : vector<16xi32>
      %gather3A_555 = tpu.vector_load_idx %arg10[%add3A_554] : memref<40960xf32, #tpu.memory_space<vmem>>[vector<16xi32>], vector<16xf32>,
      %swap3A_556 = arith.constant 80 : index
      %swap3A_557 = tpu.vector_load %arg18[%swap3A_556] {strides = array<i32>} : memref<128xf32, #tpu.memory_space<vmem>>, vector<16xf32>,
      tpu.vector_store %arg18[%swap3A_556], %gather3A_555 {strides = array<i32>} : memref<128xf32, #tpu.memory_space<vmem>>, vector<16xf32>,
      %add3A_558 = arith.constant 2 : i32
      %add3A_559 = vector.broadcast %add3A_558 : i32 to vector<16xi32>
      %add3A_560 = arith.addi %mul3A_545, %add3A_559 : vector<16xi32>
      %gather3A_561 = tpu.vector_load_idx %arg10[%add3A_560] : memref<40960xf32, #tpu.memory_space<vmem>>[vector<16xi32>], vector<16xf32>,
      %swap3A_562 = arith.constant 80 : index
      %swap3A_563 = tpu.vector_load %arg19[%swap3A_562] {strides = array<i32>} : memref<128xf32, #tpu.memory_space<vmem>>, vector<16xf32>,
      tpu.vector_store %arg19[%swap3A_562], %gather3A_561 {strides = array<i32>} : memref<128xf32, #tpu.memory_space<vmem>>, vector<16xf32>,
      %add3A_564 = arith.constant 3 : i32
      %add3A_565 = vector.broadcast %add3A_564 : i32 to vector<16xi32>
      %add3A_566 = arith.addi %mul3A_545, %add3A_565 : vector<16xi32>
      %gather3A_567 = tpu.vector_load_idx %arg10[%add3A_566] : memref<40960xf32, #tpu.memory_space<vmem>>[vector<16xi32>], vector<16xf32>,
      %swap3A_568 = arith.constant 80 : index
      %swap3A_569 = tpu.vector_load %arg20[%swap3A_568] {strides = array<i32>} : memref<128xf32, #tpu.memory_space<vmem>>, vector<16xf32>,
      tpu.vector_store %arg20[%swap3A_568], %gather3A_567 {strides = array<i32>} : memref<128xf32, #tpu.memory_space<vmem>>, vector<16xf32>,
      %add3A_570 = arith.constant 96 : i32
      %add3A_571 = arith.addi %mul3A_354, %add3A_570 : i32
      %get3A_572 = arith.index_cast %add3A_571 : i32 to index
      %get3A_573 = tpu.vector_load %arg7[%get3A_572] {strides = array<i32>} : memref<10240xi32, #tpu.memory_space<vmem>>, vector<16xi32>,
      %get3A_574 = arith.index_cast %add3A_571 : i32 to index
      %get3A_575 = tpu.vector_load %arg8[%get3A_574] {strides = array<i32>} : memref<10240xi32, #tpu.memory_space<vmem>>, vector<16xi32>,
      %swap3A_576 = arith.constant 96 : index
      %swap3A_577 = tpu.vector_load %arg12[%swap3A_576] {strides = array<i32>} : memref<128xi32, #tpu.memory_space<vmem>>, vector<16xi32>,
      tpu.vector_store %arg12[%swap3A_576], %get3A_575 {strides = array<i32>} : memref<128xi32, #tpu.memory_space<vmem>>, vector<16xi32>,
      %mul3A_578 = arith.constant 4 : i32
      %mul3A_579 = vector.broadcast %mul3A_578 : i32 to vector<16xi32>
      %mul3A_580 = arith.muli %get3A_573, %mul3A_579 : vector<16xi32>
      %add3A_581 = arith.constant 0 : i32
      %add3A_582 = vector.broadcast %add3A_581 : i32 to vector<16xi32>
      %add3A_583 = arith.addi %mul3A_580, %add3A_582 : vector<16xi32>
      %gather3A_584 = tpu.vector_load_idx %arg10[%add3A_583] : memref<40960xf32, #tpu.memory_space<vmem>>[vector<16xi32>], vector<16xf32>,
      %swap3A_585 = arith.constant 96 : index
      %swap3A_586 = tpu.vector_load %arg17[%swap3A_585] {strides = array<i32>} : memref<128xf32, #tpu.memory_space<vmem>>, vector<16xf32>,
      tpu.vector_store %arg17[%swap3A_585], %gather3A_584 {strides = array<i32>} : memref<128xf32, #tpu.memory_space<vmem>>, vector<16xf32>,
      %add3A_587 = arith.constant 1 : i32
      %add3A_588 = vector.broadcast %add3A_587 : i32 to vector<16xi32>
      %add3A_589 = arith.addi %mul3A_580, %add3A_588 : vector<16xi32>
      %gather3A_590 = tpu.vector_load_idx %arg10[%add3A_589] : memref<40960xf32, #tpu.memory_space<vmem>>[vector<16xi32>], vector<16xf32>,
      %swap3A_591 = arith.constant 96 : index
      %swap3A_592 = tpu.vector_load %arg18[%swap3A_591] {strides = array<i32>} : memref<128xf32, #tpu.memory_space<vmem>>, vector<16xf32>,
      tpu.vector_store %arg18[%swap3A_591], %gather3A_590 {strides = array<i32>} : memref<128xf32, #tpu.memory_space<vmem>>, vector<16xf32>,
      %add3A_593 = arith.constant 2 : i32
      %add3A_594 = vector.broadcast %add3A_593 : i32 to vector<16xi32>
      %add3A_595 = arith.addi %mul3A_580, %add3A_594 : vector<16xi32>
      %gather3A_596 = tpu.vector_load_idx %arg10[%add3A_595] : memref<40960xf32, #tpu.memory_space<vmem>>[vector<16xi32>], vector<16xf32>,
      %swap3A_597 = arith.constant 96 : index
      %swap3A_598 = tpu.vector_load %arg19[%swap3A_597] {strides = array<i32>} : memref<128xf32, #tpu.memory_space<vmem>>, vector<16xf32>,
      tpu.vector_store %arg19[%swap3A_597], %gather3A_596 {strides = array<i32>} : memref<128xf32, #tpu.memory_space<vmem>>, vector<16xf32>,
      %add3A_599 = arith.constant 3 : i32
      %add3A_600 = vector.broadcast %add3A_599 : i32 to vector<16xi32>
      %add3A_601 = arith.addi %mul3A_580, %add3A_600 : vector<16xi32>
      %gather3A_602 = tpu.vector_load_idx %arg10[%add3A_601] : memref<40960xf32, #tpu.memory_space<vmem>>[vector<16xi32>], vector<16xf32>,
      %swap3A_603 = arith.constant 96 : index
      %swap3A_604 = tpu.vector_load %arg20[%swap3A_603] {strides = array<i32>} : memref<128xf32, #tpu.memory_space<vmem>>, vector<16xf32>,
      tpu.vector_store %arg20[%swap3A_603], %gather3A_602 {strides = array<i32>} : memref<128xf32, #tpu.memory_space<vmem>>, vector<16xf32>,
      %add3A_605 = arith.constant 112 : i32
      %add3A_606 = arith.addi %mul3A_354, %add3A_605 : i32
      %get3A_607 = arith.index_cast %add3A_606 : i32 to index
      %get3A_608 = tpu.vector_load %arg7[%get3A_607] {strides = array<i32>} : memref<10240xi32, #tpu.memory_space<vmem>>, vector<16xi32>,
      %get3A_609 = arith.index_cast %add3A_606 : i32 to index
      %get3A_610 = tpu.vector_load %arg8[%get3A_609] {strides = array<i32>} : memref<10240xi32, #tpu.memory_space<vmem>>, vector<16xi32>,
      %swap3A_611 = arith.constant 112 : index
      %swap3A_612 = tpu.vector_load %arg12[%swap3A_611] {strides = array<i32>} : memref<128xi32, #tpu.memory_space<vmem>>, vector<16xi32>,
      tpu.vector_store %arg12[%swap3A_611], %get3A_610 {strides = array<i32>} : memref<128xi32, #tpu.memory_space<vmem>>, vector<16xi32>,
      %mul3A_613 = arith.constant 4 : i32
      %mul3A_614 = vector.broadcast %mul3A_613 : i32 to vector<16xi32>
      %mul3A_615 = arith.muli %get3A_608, %mul3A_614 : vector<16xi32>
      %add3A_616 = arith.constant 0 : i32
      %add3A_617 = vector.broadcast %add3A_616 : i32 to vector<16xi32>
      %add3A_618 = arith.addi %mul3A_615, %add3A_617 : vector<16xi32>
      %gather3A_619 = tpu.vector_load_idx %arg10[%add3A_618] : memref<40960xf32, #tpu.memory_space<vmem>>[vector<16xi32>], vector<16xf32>,
      %swap3A_620 = arith.constant 112 : index
      %swap3A_621 = tpu.vector_load %arg17[%swap3A_620] {strides = array<i32>} : memref<128xf32, #tpu.memory_space<vmem>>, vector<16xf32>,
      tpu.vector_store %arg17[%swap3A_620], %gather3A_619 {strides = array<i32>} : memref<128xf32, #tpu.memory_space<vmem>>, vector<16xf32>,
      %add3A_622 = arith.constant 1 : i32
      %add3A_623 = vector.broadcast %add3A_622 : i32 to vector<16xi32>
      %add3A_624 = arith.addi %mul3A_615, %add3A_623 : vector<16xi32>
      %gather3A_625 = tpu.vector_load_idx %arg10[%add3A_624] : memref<40960xf32, #tpu.memory_space<vmem>>[vector<16xi32>], vector<16xf32>,
      %swap3A_626 = arith.constant 112 : index
      %swap3A_627 = tpu.vector_load %arg18[%swap3A_626] {strides = array<i32>} : memref<128xf32, #tpu.memory_space<vmem>>, vector<16xf32>,
      tpu.vector_store %arg18[%swap3A_626], %gather3A_625 {strides = array<i32>} : memref<128xf32, #tpu.memory_space<vmem>>, vector<16xf32>,
      %add3A_628 = arith.constant 2 : i32
      %add3A_629 = vector.broadcast %add3A_628 : i32 to vector<16xi32>
      %add3A_630 = arith.addi %mul3A_615, %add3A_629 : vector<16xi32>
      %gather3A_631 = tpu.vector_load_idx %arg10[%add3A_630] : memref<40960xf32, #tpu.memory_space<vmem>>[vector<16xi32>], vector<16xf32>,
      %swap3A_632 = arith.constant 112 : index
      %swap3A_633 = tpu.vector_load %arg19[%swap3A_632] {strides = array<i32>} : memref<128xf32, #tpu.memory_space<vmem>>, vector<16xf32>,
      tpu.vector_store %arg19[%swap3A_632], %gather3A_631 {strides = array<i32>} : memref<128xf32, #tpu.memory_space<vmem>>, vector<16xf32>,
      %add3A_634 = arith.constant 3 : i32
      %add3A_635 = vector.broadcast %add3A_634 : i32 to vector<16xi32>
      %add3A_636 = arith.addi %mul3A_615, %add3A_635 : vector<16xi32>
      %gather3A_637 = tpu.vector_load_idx %arg10[%add3A_636] : memref<40960xf32, #tpu.memory_space<vmem>>[vector<16xi32>], vector<16xf32>,
      %swap3A_638 = arith.constant 112 : index
      %swap3A_639 = tpu.vector_load %arg20[%swap3A_638] {strides = array<i32>} : memref<128xf32, #tpu.memory_space<vmem>>, vector<16xf32>,
      tpu.vector_store %arg20[%swap3A_638], %gather3A_637 {strides = array<i32>} : memref<128xf32, #tpu.memory_space<vmem>>, vector<16xf32>,
      %dma_start3A_640 = arith.constant 0 : i32
      %dma_start3A_641 = tpu.memref_slice %arg22[%dma_start3A_640] : memref<10240xf32, #tpu.memory_space<vmem_shared>> -> memref<10240xf32, #tpu.memory_space<vmem_shared>>
      tpu.enqueue_indirect_dma source(%arg17 : memref<128xf32, #tpu.memory_space<vmem>>) target(%dma_start3A_641 : memref<10240xf32, #tpu.memory_space<vmem_shared>>) offsets(%arg12 : memref<128xi32, #tpu.memory_space<vmem>>) semaphore(%arg27 : memref<!tpu.dma_semaphore, #tpu.memory_space<semaphore_mem>>) {add = true}
      %dma_start3A_642 = arith.constant 0 : i32
      %dma_start3A_643 = tpu.memref_slice %arg23[%dma_start3A_642] : memref<10240xf32, #tpu.memory_space<vmem_shared>> -> memref<10240xf32, #tpu.memory_space<vmem_shared>>
      tpu.enqueue_indirect_dma source(%arg18 : memref<128xf32, #tpu.memory_space<vmem>>) target(%dma_start3A_643 : memref<10240xf32, #tpu.memory_space<vmem_shared>>) offsets(%arg12 : memref<128xi32, #tpu.memory_space<vmem>>) semaphore(%arg27 : memref<!tpu.dma_semaphore, #tpu.memory_space<semaphore_mem>>) {add = true}
      %dma_start3A_644 = arith.constant 0 : i32
      %dma_start3A_645 = tpu.memref_slice %arg24[%dma_start3A_644] : memref<10240xf32, #tpu.memory_space<vmem_shared>> -> memref<10240xf32, #tpu.memory_space<vmem_shared>>
      tpu.enqueue_indirect_dma source(%arg19 : memref<128xf32, #tpu.memory_space<vmem>>) target(%dma_start3A_645 : memref<10240xf32, #tpu.memory_space<vmem_shared>>) offsets(%arg12 : memref<128xi32, #tpu.memory_space<vmem>>) semaphore(%arg27 : memref<!tpu.dma_semaphore, #tpu.memory_space<semaphore_mem>>) {add = true}
      %dma_start3A_646 = arith.constant 0 : i32
      %dma_start3A_647 = tpu.memref_slice %arg25[%dma_start3A_646] : memref<10240xf32, #tpu.memory_space<vmem_shared>> -> memref<10240xf32, #tpu.memory_space<vmem_shared>>
      tpu.enqueue_indirect_dma source(%arg20 : memref<128xf32, #tpu.memory_space<vmem>>) target(%dma_start3A_647 : memref<10240xf32, #tpu.memory_space<vmem_shared>>) offsets(%arg12 : memref<128xi32, #tpu.memory_space<vmem>>) semaphore(%arg27 : memref<!tpu.dma_semaphore, #tpu.memory_space<semaphore_mem>>) {add = true}
      %scan3A_648 = arith.constant 0 : i32
      scf.yield %scan3A_648 : i32
    }
    %scan3A_33 = arith.constant 40 : i32
    %dma_wait3A = arith.constant 0 : i32
    %dma_wait3A_34 = tpu.memref_slice %arg22[%dma_wait3A] : memref<10240xf32, #tpu.memory_space<vmem_shared>> -> memref<10240xf32, #tpu.memory_space<vmem_shared>>
    tpu.wait_indirect_dma semaphore(%arg26 : memref<!tpu.dma_semaphore, #tpu.memory_space<semaphore_mem>>) src(%arg13 : memref<128xf32, #tpu.memory_space<vmem>>) dst(%dma_wait3A_34 : memref<10240xf32, #tpu.memory_space<vmem_shared>>)
    %dma_wait3A_35 = arith.constant 0 : i32
    %dma_wait3A_36 = tpu.memref_slice %arg23[%dma_wait3A_35] : memref<10240xf32, #tpu.memory_space<vmem_shared>> -> memref<10240xf32, #tpu.memory_space<vmem_shared>>
    tpu.wait_indirect_dma semaphore(%arg26 : memref<!tpu.dma_semaphore, #tpu.memory_space<semaphore_mem>>) src(%arg14 : memref<128xf32, #tpu.memory_space<vmem>>) dst(%dma_wait3A_36 : memref<10240xf32, #tpu.memory_space<vmem_shared>>)
    %dma_wait3A_37 = arith.constant 0 : i32
    %dma_wait3A_38 = tpu.memref_slice %arg24[%dma_wait3A_37] : memref<10240xf32, #tpu.memory_space<vmem_shared>> -> memref<10240xf32, #tpu.memory_space<vmem_shared>>
    tpu.wait_indirect_dma semaphore(%arg26 : memref<!tpu.dma_semaphore, #tpu.memory_space<semaphore_mem>>) src(%arg15 : memref<128xf32, #tpu.memory_space<vmem>>) dst(%dma_wait3A_38 : memref<10240xf32, #tpu.memory_space<vmem_shared>>)
    %dma_wait3A_39 = arith.constant 0 : i32
    %dma_wait3A_40 = tpu.memref_slice %arg25[%dma_wait3A_39] : memref<10240xf32, #tpu.memory_space<vmem_shared>> -> memref<10240xf32, #tpu.memory_space<vmem_shared>>
    tpu.wait_indirect_dma semaphore(%arg26 : memref<!tpu.dma_semaphore, #tpu.memory_space<semaphore_mem>>) src(%arg16 : memref<128xf32, #tpu.memory_space<vmem>>) dst(%dma_wait3A_40 : memref<10240xf32, #tpu.memory_space<vmem_shared>>)
    %dma_wait3A_41 = arith.constant 0 : i32
    %dma_wait3A_42 = tpu.memref_slice %arg22[%dma_wait3A_41] : memref<10240xf32, #tpu.memory_space<vmem_shared>> -> memref<10240xf32, #tpu.memory_space<vmem_shared>>
    tpu.wait_indirect_dma semaphore(%arg27 : memref<!tpu.dma_semaphore, #tpu.memory_space<semaphore_mem>>) src(%arg17 : memref<128xf32, #tpu.memory_space<vmem>>) dst(%dma_wait3A_42 : memref<10240xf32, #tpu.memory_space<vmem_shared>>)
    %dma_wait3A_43 = arith.constant 0 : i32
    %dma_wait3A_44 = tpu.memref_slice %arg23[%dma_wait3A_43] : memref<10240xf32, #tpu.memory_space<vmem_shared>> -> memref<10240xf32, #tpu.memory_space<vmem_shared>>
    tpu.wait_indirect_dma semaphore(%arg27 : memref<!tpu.dma_semaphore, #tpu.memory_space<semaphore_mem>>) src(%arg18 : memref<128xf32, #tpu.memory_space<vmem>>) dst(%dma_wait3A_44 : memref<10240xf32, #tpu.memory_space<vmem_shared>>)
    %dma_wait3A_45 = arith.constant 0 : i32
    %dma_wait3A_46 = tpu.memref_slice %arg24[%dma_wait3A_45] : memref<10240xf32, #tpu.memory_space<vmem_shared>> -> memref<10240xf32, #tpu.memory_space<vmem_shared>>
    tpu.wait_indirect_dma semaphore(%arg27 : memref<!tpu.dma_semaphore, #tpu.memory_space<semaphore_mem>>) src(%arg19 : memref<128xf32, #tpu.memory_space<vmem>>) dst(%dma_wait3A_46 : memref<10240xf32, #tpu.memory_space<vmem_shared>>)
    %dma_wait3A_47 = arith.constant 0 : i32
    %dma_wait3A_48 = tpu.memref_slice %arg25[%dma_wait3A_47] : memref<10240xf32, #tpu.memory_space<vmem_shared>> -> memref<10240xf32, #tpu.memory_space<vmem_shared>>
    tpu.wait_indirect_dma semaphore(%arg27 : memref<!tpu.dma_semaphore, #tpu.memory_space<semaphore_mem>>) src(%arg20 : memref<128xf32, #tpu.memory_space<vmem>>) dst(%dma_wait3A_48 : memref<10240xf32, #tpu.memory_space<vmem_shared>>)
    %barrier3A_49 = arith.constant 0 : index
    tpu.barrier barrier_id(%barrier3A_49)
    %mul3A_50 = arith.constant 640 : i32
    %mul3A_51 = arith.muli %arg1, %mul3A_50 : i32
    %run_scoped3A = arith.constant 0 : i32
    "tpu.region"() ({
      %run_scoped3A_55 = tpu.sem_alloc : memref<!tpu.dma_semaphore, #tpu.memory_space<semaphore_mem>>
      %dma_start3A = tpu.memref_slice %arg6[%arg0, %run_scoped3A, %mul3A_51] : memref<2x4x10240xf32, #tpu.memory_space<hbm>> -> memref<1x1x640xf32, #tpu.memory_space<hbm>>
      %dma_start3A_56 = tpu.memref_squeeze %dma_start3A : memref<1x1x640xf32, #tpu.memory_space<hbm>> -> memref<640xf32, #tpu.memory_space<hbm>>
      %dma_start3A_57 = tpu.memref_slice %arg22[%mul3A_51] : memref<10240xf32, #tpu.memory_space<vmem_shared>> -> memref<640xf32, #tpu.memory_space<vmem_shared>>
      tpu.enqueue_dma source(%dma_start3A_57 : memref<640xf32, #tpu.memory_space<vmem_shared>>) target(%dma_start3A_56 : memref<640xf32, #tpu.memory_space<hbm>>) target_semaphore(%run_scoped3A_55 : memref<!tpu.dma_semaphore, #tpu.memory_space<semaphore_mem>>)
      %dma_wait3A_58 = tpu.memref_slice %arg6[%arg0, %run_scoped3A, %mul3A_51] : memref<2x4x10240xf32, #tpu.memory_space<hbm>> -> memref<1x1x640xf32, #tpu.memory_space<hbm>>
      %dma_wait3A_59 = tpu.memref_squeeze %dma_wait3A_58 : memref<1x1x640xf32, #tpu.memory_space<hbm>> -> memref<640xf32, #tpu.memory_space<hbm>>
      %dma_wait3A_60 = tpu.memref_slice %arg22[%mul3A_51] : memref<10240xf32, #tpu.memory_space<vmem_shared>> -> memref<640xf32, #tpu.memory_space<vmem_shared>>
      tpu.wait_dma2 semaphore(%run_scoped3A_55 : memref<!tpu.dma_semaphore, #tpu.memory_space<semaphore_mem>>) src(%dma_wait3A_60 : memref<640xf32, #tpu.memory_space<vmem_shared>>) dst(%dma_wait3A_59 : memref<640xf32, #tpu.memory_space<hbm>>)
      tpu.yield
    }) : () -> ()
    %run_scoped3A_52 = arith.constant 1 : i32
    "tpu.region"() ({
      %run_scoped3A_55 = tpu.sem_alloc : memref<!tpu.dma_semaphore, #tpu.memory_space<semaphore_mem>>
      %dma_start3A = tpu.memref_slice %arg6[%arg0, %run_scoped3A_52, %mul3A_51] : memref<2x4x10240xf32, #tpu.memory_space<hbm>> -> memref<1x1x640xf32, #tpu.memory_space<hbm>>
      %dma_start3A_56 = tpu.memref_squeeze %dma_start3A : memref<1x1x640xf32, #tpu.memory_space<hbm>> -> memref<640xf32, #tpu.memory_space<hbm>>
      %dma_start3A_57 = tpu.memref_slice %arg23[%mul3A_51] : memref<10240xf32, #tpu.memory_space<vmem_shared>> -> memref<640xf32, #tpu.memory_space<vmem_shared>>
      tpu.enqueue_dma source(%dma_start3A_57 : memref<640xf32, #tpu.memory_space<vmem_shared>>) target(%dma_start3A_56 : memref<640xf32, #tpu.memory_space<hbm>>) target_semaphore(%run_scoped3A_55 : memref<!tpu.dma_semaphore, #tpu.memory_space<semaphore_mem>>)
      %dma_wait3A_58 = tpu.memref_slice %arg6[%arg0, %run_scoped3A_52, %mul3A_51] : memref<2x4x10240xf32, #tpu.memory_space<hbm>> -> memref<1x1x640xf32, #tpu.memory_space<hbm>>
      %dma_wait3A_59 = tpu.memref_squeeze %dma_wait3A_58 : memref<1x1x640xf32, #tpu.memory_space<hbm>> -> memref<640xf32, #tpu.memory_space<hbm>>
      %dma_wait3A_60 = tpu.memref_slice %arg23[%mul3A_51] : memref<10240xf32, #tpu.memory_space<vmem_shared>> -> memref<640xf32, #tpu.memory_space<vmem_shared>>
      tpu.wait_dma2 semaphore(%run_scoped3A_55 : memref<!tpu.dma_semaphore, #tpu.memory_space<semaphore_mem>>) src(%dma_wait3A_60 : memref<640xf32, #tpu.memory_space<vmem_shared>>) dst(%dma_wait3A_59 : memref<640xf32, #tpu.memory_space<hbm>>)
      tpu.yield
    }) : () -> ()
    %run_scoped3A_53 = arith.constant 2 : i32
    "tpu.region"() ({
      %run_scoped3A_55 = tpu.sem_alloc : memref<!tpu.dma_semaphore, #tpu.memory_space<semaphore_mem>>
      %dma_start3A = tpu.memref_slice %arg6[%arg0, %run_scoped3A_53, %mul3A_51] : memref<2x4x10240xf32, #tpu.memory_space<hbm>> -> memref<1x1x640xf32, #tpu.memory_space<hbm>>
      %dma_start3A_56 = tpu.memref_squeeze %dma_start3A : memref<1x1x640xf32, #tpu.memory_space<hbm>> -> memref<640xf32, #tpu.memory_space<hbm>>
      %dma_start3A_57 = tpu.memref_slice %arg24[%mul3A_51] : memref<10240xf32, #tpu.memory_space<vmem_shared>> -> memref<640xf32, #tpu.memory_space<vmem_shared>>
      tpu.enqueue_dma source(%dma_start3A_57 : memref<640xf32, #tpu.memory_space<vmem_shared>>) target(%dma_start3A_56 : memref<640xf32, #tpu.memory_space<hbm>>) target_semaphore(%run_scoped3A_55 : memref<!tpu.dma_semaphore, #tpu.memory_space<semaphore_mem>>)
      %dma_wait3A_58 = tpu.memref_slice %arg6[%arg0, %run_scoped3A_53, %mul3A_51] : memref<2x4x10240xf32, #tpu.memory_space<hbm>> -> memref<1x1x640xf32, #tpu.memory_space<hbm>>
      %dma_wait3A_59 = tpu.memref_squeeze %dma_wait3A_58 : memref<1x1x640xf32, #tpu.memory_space<hbm>> -> memref<640xf32, #tpu.memory_space<hbm>>
      %dma_wait3A_60 = tpu.memref_slice %arg24[%mul3A_51] : memref<10240xf32, #tpu.memory_space<vmem_shared>> -> memref<640xf32, #tpu.memory_space<vmem_shared>>
      tpu.wait_dma2 semaphore(%run_scoped3A_55 : memref<!tpu.dma_semaphore, #tpu.memory_space<semaphore_mem>>) src(%dma_wait3A_60 : memref<640xf32, #tpu.memory_space<vmem_shared>>) dst(%dma_wait3A_59 : memref<640xf32, #tpu.memory_space<hbm>>)
      tpu.yield
    }) : () -> ()
    %run_scoped3A_54 = arith.constant 3 : i32
    "tpu.region"() ({
      %run_scoped3A_55 = tpu.sem_alloc : memref<!tpu.dma_semaphore, #tpu.memory_space<semaphore_mem>>
      %dma_start3A = tpu.memref_slice %arg6[%arg0, %run_scoped3A_54, %mul3A_51] : memref<2x4x10240xf32, #tpu.memory_space<hbm>> -> memref<1x1x640xf32, #tpu.memory_space<hbm>>
      %dma_start3A_56 = tpu.memref_squeeze %dma_start3A : memref<1x1x640xf32, #tpu.memory_space<hbm>> -> memref<640xf32, #tpu.memory_space<hbm>>
      %dma_start3A_57 = tpu.memref_slice %arg25[%mul3A_51] : memref<10240xf32, #tpu.memory_space<vmem_shared>> -> memref<640xf32, #tpu.memory_space<vmem_shared>>
      tpu.enqueue_dma source(%dma_start3A_57 : memref<640xf32, #tpu.memory_space<vmem_shared>>) target(%dma_start3A_56 : memref<640xf32, #tpu.memory_space<hbm>>) target_semaphore(%run_scoped3A_55 : memref<!tpu.dma_semaphore, #tpu.memory_space<semaphore_mem>>)
      %dma_wait3A_58 = tpu.memref_slice %arg6[%arg0, %run_scoped3A_54, %mul3A_51] : memref<2x4x10240xf32, #tpu.memory_space<hbm>> -> memref<1x1x640xf32, #tpu.memory_space<hbm>>
      %dma_wait3A_59 = tpu.memref_squeeze %dma_wait3A_58 : memref<1x1x640xf32, #tpu.memory_space<hbm>> -> memref<640xf32, #tpu.memory_space<hbm>>
      %dma_wait3A_60 = tpu.memref_slice %arg25[%mul3A_51] : memref<10240xf32, #tpu.memory_space<vmem_shared>> -> memref<640xf32, #tpu.memory_space<vmem_shared>>
      tpu.wait_dma2 semaphore(%run_scoped3A_55 : memref<!tpu.dma_semaphore, #tpu.memory_space<semaphore_mem>>) src(%dma_wait3A_60 : memref<640xf32, #tpu.memory_space<vmem_shared>>) dst(%dma_wait3A_59 : memref<640xf32, #tpu.memory_space<hbm>>)
      tpu.yield
    }) : () -> ()
    return
  }
}

#map = affine_map<(d0, d1) -> (0)>
#map1 = affine_map<(d0, d1) -> (0, 0, 0)>
module attributes {stable_mosaic.version = 14 : i64} {
  func.func @_deg_body(%arg0: i32, %arg1: i32, %arg2: memref<320000xi32, #tpu.memory_space<hbm>>, %arg3: memref<320000xf32, #tpu.memory_space<hbm>>, %arg4: memref<2x2x10240xf32, #tpu.memory_space<hbm>>, %arg5: memref<10240xi32, #tpu.memory_space<vmem>>, %arg6: memref<10240xf32, #tpu.memory_space<vmem>>, %arg7: memref<10240xf32, #tpu.memory_space<vmem>>, %arg8: memref<128xi32, #tpu.memory_space<vmem>>, %arg9: memref<128xi32, #tpu.memory_space<vmem>>, %arg10: memref<640xf32, #tpu.memory_space<vmem>>, %arg11: memref<10240xf32, #tpu.memory_space<vmem_shared>>, %arg12: memref<10240xf32, #tpu.memory_space<vmem_shared>>, %arg13: memref<!tpu.dma_semaphore, #tpu.memory_space<semaphore_mem>>, %arg14: memref<!tpu.dma_semaphore, #tpu.memory_space<semaphore_mem>>) attributes {dimension_semantics = [#tpu.dimension_semantics<core_parallel>, #tpu.dimension_semantics<subcore_parallel>], iteration_bounds = array<i64: 2, 16>, scalar_prefetch = 0 : i64, scratch_operands = 10 : i64, tpu.core_type = #tpu.core_type<sc_vector_subcore>, window_params = [{transform_indices = #map}, {transform_indices = #map}, {transform_indices = #map1}]} {
    %mul3A = arith.constant 16 : i32
    %mul3A_0 = arith.muli %arg0, %mul3A : i32
    %add3A = arith.addi %mul3A_0, %arg1 : i32
    %broadcast_in_dim3A = arith.constant 0.000000e+00 : f32
    %broadcast_in_dim3A_1 = vector.broadcast %broadcast_in_dim3A : f32 to vector<16xf32>
    %scan3A = arith.constant 0 : i32
    %scan3A_2 = arith.constant 0 : i32
    %scan3A_3 = arith.constant 40 : i32
    %scan3A_4 = arith.addi %scan3A_2, %scan3A_3 : i32
    %scan3A_5 = arith.constant 1 : i32
    %scan3A_6 = scf.for %scan3A_56 = %scan3A_2 to %scan3A_4 step %scan3A_5 iter_args(%scan3A_57 = %scan3A) -> (i32)  : i32 {
      %mul3A_58 = arith.constant 16 : i32
      %mul3A_59 = arith.muli %scan3A_56, %mul3A_58 : i32
      %swap3A = arith.index_cast %mul3A_59 : i32 to index
      %swap3A_60 = tpu.vector_load %arg10[%swap3A] {strides = array<i32>} : memref<640xf32, #tpu.memory_space<vmem>>, vector<16xf32>,
      tpu.vector_store %arg10[%swap3A], %broadcast_in_dim3A_1 {strides = array<i32>} : memref<640xf32, #tpu.memory_space<vmem>>, vector<16xf32>,
      %scan3A_61 = arith.constant 0 : i32
      scf.yield %scan3A_61 : i32
    }
    %scan3A_7 = arith.constant 40 : i32
    %mul3A_8 = arith.constant 640 : i32
    %mul3A_9 = arith.muli %arg1, %mul3A_8 : i32
    "tpu.region"() ({
      %run_scoped3A_56 = tpu.sem_alloc : memref<!tpu.dma_semaphore, #tpu.memory_space<semaphore_mem>>
      %dma_start3A = tpu.memref_slice %arg11[%mul3A_9] : memref<10240xf32, #tpu.memory_space<vmem_shared>> -> memref<640xf32, #tpu.memory_space<vmem_shared>>
      %dma_start3A_57 = tpu.memref_slice %arg11[%mul3A_9] : memref<10240xf32, #tpu.memory_space<vmem_shared>> -> memref<640xf32, #tpu.memory_space<vmem_shared>>
      tpu.enqueue_dma source(%arg10 : memref<640xf32, #tpu.memory_space<vmem>>) target(%dma_start3A_57 : memref<640xf32, #tpu.memory_space<vmem_shared>>) target_semaphore(%run_scoped3A_56 : memref<!tpu.dma_semaphore, #tpu.memory_space<semaphore_mem>>)
      %dma_wait3A_58 = tpu.memref_slice %arg11[%mul3A_9] : memref<10240xf32, #tpu.memory_space<vmem_shared>> -> memref<640xf32, #tpu.memory_space<vmem_shared>>
      %dma_wait3A_59 = tpu.memref_slice %arg11[%mul3A_9] : memref<10240xf32, #tpu.memory_space<vmem_shared>> -> memref<640xf32, #tpu.memory_space<vmem_shared>>
      tpu.wait_dma2 semaphore(%run_scoped3A_56 : memref<!tpu.dma_semaphore, #tpu.memory_space<semaphore_mem>>) src(%arg10 : memref<640xf32, #tpu.memory_space<vmem>>) dst(%dma_wait3A_59 : memref<640xf32, #tpu.memory_space<vmem_shared>>)
      tpu.yield
    }) : () -> ()
    %mul3A_10 = arith.constant 640 : i32
    %mul3A_11 = arith.muli %arg1, %mul3A_10 : i32
    "tpu.region"() ({
      %run_scoped3A_56 = tpu.sem_alloc : memref<!tpu.dma_semaphore, #tpu.memory_space<semaphore_mem>>
      %dma_start3A = tpu.memref_slice %arg12[%mul3A_11] : memref<10240xf32, #tpu.memory_space<vmem_shared>> -> memref<640xf32, #tpu.memory_space<vmem_shared>>
      %dma_start3A_57 = tpu.memref_slice %arg12[%mul3A_11] : memref<10240xf32, #tpu.memory_space<vmem_shared>> -> memref<640xf32, #tpu.memory_space<vmem_shared>>
      tpu.enqueue_dma source(%arg10 : memref<640xf32, #tpu.memory_space<vmem>>) target(%dma_start3A_57 : memref<640xf32, #tpu.memory_space<vmem_shared>>) target_semaphore(%run_scoped3A_56 : memref<!tpu.dma_semaphore, #tpu.memory_space<semaphore_mem>>)
      %dma_wait3A_58 = tpu.memref_slice %arg12[%mul3A_11] : memref<10240xf32, #tpu.memory_space<vmem_shared>> -> memref<640xf32, #tpu.memory_space<vmem_shared>>
      %dma_wait3A_59 = tpu.memref_slice %arg12[%mul3A_11] : memref<10240xf32, #tpu.memory_space<vmem_shared>> -> memref<640xf32, #tpu.memory_space<vmem_shared>>
      tpu.wait_dma2 semaphore(%run_scoped3A_56 : memref<!tpu.dma_semaphore, #tpu.memory_space<semaphore_mem>>) src(%arg10 : memref<640xf32, #tpu.memory_space<vmem>>) dst(%dma_wait3A_59 : memref<640xf32, #tpu.memory_space<vmem_shared>>)
      tpu.yield
    }) : () -> ()
    %mul3A_12 = arith.constant 10000 : i32
    %mul3A_13 = arith.muli %add3A, %mul3A_12 : i32
    "tpu.region"() ({
      %run_scoped3A_56 = tpu.sem_alloc : memref<!tpu.dma_semaphore, #tpu.memory_space<semaphore_mem>>
      %dma_start3A = arith.constant 0 : i32
      %dma_start3A_57 = tpu.memref_slice %arg5[%dma_start3A] : memref<10240xi32, #tpu.memory_space<vmem>> -> memref<10000xi32, #tpu.memory_space<vmem>>
      %dma_start3A_58 = tpu.memref_slice %arg2[%mul3A_13] : memref<320000xi32, #tpu.memory_space<hbm>> -> memref<10000xi32, #tpu.memory_space<hbm>>
      %dma_start3A_59 = arith.constant 0 : i32
      %dma_start3A_60 = tpu.memref_slice %arg5[%dma_start3A_59] : memref<10240xi32, #tpu.memory_space<vmem>> -> memref<10000xi32, #tpu.memory_space<vmem>>
      %dma_start3A_61 = tpu.memref_slice %arg2[%mul3A_13] : memref<320000xi32, #tpu.memory_space<hbm>> -> memref<10000xi32, #tpu.memory_space<hbm>>
      tpu.enqueue_dma source(%dma_start3A_61 : memref<10000xi32, #tpu.memory_space<hbm>>) target(%dma_start3A_60 : memref<10000xi32, #tpu.memory_space<vmem>>) target_semaphore(%run_scoped3A_56 : memref<!tpu.dma_semaphore, #tpu.memory_space<semaphore_mem>>)
      %dma_wait3A_62 = arith.constant 0 : i32
      %dma_wait3A_63 = tpu.memref_slice %arg5[%dma_wait3A_62] : memref<10240xi32, #tpu.memory_space<vmem>> -> memref<10000xi32, #tpu.memory_space<vmem>>
      %dma_wait3A_64 = tpu.memref_slice %arg2[%mul3A_13] : memref<320000xi32, #tpu.memory_space<hbm>> -> memref<10000xi32, #tpu.memory_space<hbm>>
      %dma_wait3A_65 = arith.constant 0 : i32
      %dma_wait3A_66 = tpu.memref_slice %arg5[%dma_wait3A_65] : memref<10240xi32, #tpu.memory_space<vmem>> -> memref<10000xi32, #tpu.memory_space<vmem>>
      %dma_wait3A_67 = tpu.memref_slice %arg2[%mul3A_13] : memref<320000xi32, #tpu.memory_space<hbm>> -> memref<10000xi32, #tpu.memory_space<hbm>>
      tpu.wait_dma2 semaphore(%run_scoped3A_56 : memref<!tpu.dma_semaphore, #tpu.memory_space<semaphore_mem>>) src(%dma_wait3A_67 : memref<10000xi32, #tpu.memory_space<hbm>>) dst(%dma_wait3A_66 : memref<10000xi32, #tpu.memory_space<vmem>>)
      tpu.yield
    }) : () -> ()
    %mul3A_14 = arith.constant 10000 : i32
    %mul3A_15 = arith.muli %add3A, %mul3A_14 : i32
    "tpu.region"() ({
      %run_scoped3A_56 = tpu.sem_alloc : memref<!tpu.dma_semaphore, #tpu.memory_space<semaphore_mem>>
      %dma_start3A = arith.constant 0 : i32
      %dma_start3A_57 = tpu.memref_slice %arg6[%dma_start3A] : memref<10240xf32, #tpu.memory_space<vmem>> -> memref<10000xf32, #tpu.memory_space<vmem>>
      %dma_start3A_58 = tpu.memref_slice %arg3[%mul3A_15] : memref<320000xf32, #tpu.memory_space<hbm>> -> memref<10000xf32, #tpu.memory_space<hbm>>
      %dma_start3A_59 = arith.constant 0 : i32
      %dma_start3A_60 = tpu.memref_slice %arg6[%dma_start3A_59] : memref<10240xf32, #tpu.memory_space<vmem>> -> memref<10000xf32, #tpu.memory_space<vmem>>
      %dma_start3A_61 = tpu.memref_slice %arg3[%mul3A_15] : memref<320000xf32, #tpu.memory_space<hbm>> -> memref<10000xf32, #tpu.memory_space<hbm>>
      tpu.enqueue_dma source(%dma_start3A_61 : memref<10000xf32, #tpu.memory_space<hbm>>) target(%dma_start3A_60 : memref<10000xf32, #tpu.memory_space<vmem>>) target_semaphore(%run_scoped3A_56 : memref<!tpu.dma_semaphore, #tpu.memory_space<semaphore_mem>>)
      %dma_wait3A_62 = arith.constant 0 : i32
      %dma_wait3A_63 = tpu.memref_slice %arg6[%dma_wait3A_62] : memref<10240xf32, #tpu.memory_space<vmem>> -> memref<10000xf32, #tpu.memory_space<vmem>>
      %dma_wait3A_64 = tpu.memref_slice %arg3[%mul3A_15] : memref<320000xf32, #tpu.memory_space<hbm>> -> memref<10000xf32, #tpu.memory_space<hbm>>
      %dma_wait3A_65 = arith.constant 0 : i32
      %dma_wait3A_66 = tpu.memref_slice %arg6[%dma_wait3A_65] : memref<10240xf32, #tpu.memory_space<vmem>> -> memref<10000xf32, #tpu.memory_space<vmem>>
      %dma_wait3A_67 = tpu.memref_slice %arg3[%mul3A_15] : memref<320000xf32, #tpu.memory_space<hbm>> -> memref<10000xf32, #tpu.memory_space<hbm>>
      tpu.wait_dma2 semaphore(%run_scoped3A_56 : memref<!tpu.dma_semaphore, #tpu.memory_space<semaphore_mem>>) src(%dma_wait3A_67 : memref<10000xf32, #tpu.memory_space<hbm>>) dst(%dma_wait3A_66 : memref<10000xf32, #tpu.memory_space<vmem>>)
      tpu.yield
    }) : () -> ()
    %scan3A_16 = arith.constant 0 : i32
    %scan3A_17 = arith.constant 625 : i32
    %scan3A_18 = arith.constant 15 : i32
    %scan3A_19 = arith.addi %scan3A_17, %scan3A_18 : i32
    %scan3A_20 = arith.constant 1 : i32
    %scan3A_21 = scf.for %scan3A_56 = %scan3A_17 to %scan3A_19 step %scan3A_20 iter_args(%scan3A_57 = %scan3A_16) -> (i32)  : i32 {
      %mul3A_58 = arith.constant 16 : i32
      %mul3A_59 = arith.muli %scan3A_56, %mul3A_58 : i32
      %iota3A = tpu.iota {dimensions = array<i32: 0>} : vector<16xi32>
      %add3A_60 = vector.broadcast %mul3A_59 : i32 to vector<16xi32>
      %add3A_61 = arith.addi %add3A_60, %iota3A : vector<16xi32>
      %lt3A = arith.constant 10000 : i32
      %lt3A_62 = vector.broadcast %lt3A : i32 to vector<16xi32>
      %lt3A_63 = arith.cmpi slt, %add3A_61, %lt3A_62 : vector<16xi32>
      %jit3A = arith.constant 1.000000e+00 : f32
      %jit3A_64 = arith.constant 0.000000e+00 : f32
      %broadcast_in_dim3A_65 = vector.broadcast %jit3A : f32 to vector<16xf32>
      %broadcast_in_dim3A_66 = vector.broadcast %jit3A_64 : f32 to vector<16xf32>
      %select_n3A = arith.select %lt3A_63, %broadcast_in_dim3A_65, %broadcast_in_dim3A_66 : vector<16xi1>, vector<16xf32>
      %mul3A_67 = arith.constant 16 : i32
      %mul3A_68 = arith.muli %scan3A_56, %mul3A_67 : i32
      %swap3A = arith.index_cast %mul3A_68 : i32 to index
      %swap3A_69 = tpu.vector_load %arg7[%swap3A] {strides = array<i32>} : memref<10240xf32, #tpu.memory_space<vmem>>, vector<16xf32>,
      tpu.vector_store %arg7[%swap3A], %select_n3A {strides = array<i32>} : memref<10240xf32, #tpu.memory_space<vmem>>, vector<16xf32>,
      %mul3A_70 = arith.constant 16 : i32
      %mul3A_71 = arith.muli %scan3A_56, %mul3A_70 : i32
      %get3A = arith.index_cast %mul3A_71 : i32 to index
      %get3A_72 = tpu.vector_load %arg6[%get3A] {strides = array<i32>} : memref<10240xf32, #tpu.memory_space<vmem>>, vector<16xf32>,
      %jit3A_73 = arith.constant 0.000000e+00 : f32
      %broadcast_in_dim3A_74 = vector.broadcast %jit3A_73 : f32 to vector<16xf32>
      %select_n3A_75 = arith.select %lt3A_63, %get3A_72, %broadcast_in_dim3A_74 : vector<16xi1>, vector<16xf32>
      %mul3A_76 = arith.constant 16 : i32
      %mul3A_77 = arith.muli %scan3A_56, %mul3A_76 : i32
      %swap3A_78 = arith.index_cast %mul3A_77 : i32 to index
      %swap3A_79 = tpu.vector_load %arg6[%swap3A_78] {strides = array<i32>} : memref<10240xf32, #tpu.memory_space<vmem>>, vector<16xf32>,
      tpu.vector_store %arg6[%swap3A_78], %select_n3A_75 {strides = array<i32>} : memref<10240xf32, #tpu.memory_space<vmem>>, vector<16xf32>,
      %mul3A_80 = arith.constant 16 : i32
      %mul3A_81 = arith.muli %scan3A_56, %mul3A_80 : i32
      %get3A_82 = arith.index_cast %mul3A_81 : i32 to index
      %get3A_83 = tpu.vector_load %arg5[%get3A_82] {strides = array<i32>} : memref<10240xi32, #tpu.memory_space<vmem>>, vector<16xi32>,
      %jit3A_84 = arith.constant 0 : i32
      %broadcast_in_dim3A_85 = vector.broadcast %jit3A_84 : i32 to vector<16xi32>
      %select_n3A_86 = arith.select %lt3A_63, %get3A_83, %broadcast_in_dim3A_85 : vector<16xi1>, vector<16xi32>
      %mul3A_87 = arith.constant 16 : i32
      %mul3A_88 = arith.muli %scan3A_56, %mul3A_87 : i32
      %swap3A_89 = arith.index_cast %mul3A_88 : i32 to index
      %swap3A_90 = tpu.vector_load %arg5[%swap3A_89] {strides = array<i32>} : memref<10240xi32, #tpu.memory_space<vmem>>, vector<16xi32>,
      tpu.vector_store %arg5[%swap3A_89], %select_n3A_86 {strides = array<i32>} : memref<10240xi32, #tpu.memory_space<vmem>>, vector<16xi32>,
      %scan3A_91 = arith.constant 0 : i32
      scf.yield %scan3A_91 : i32
    }
    %scan3A_22 = arith.constant 15 : i32
    %scan3A_23 = arith.constant 0 : i32
    %scan3A_24 = arith.constant 0 : i32
    %scan3A_25 = arith.constant 625 : i32
    %scan3A_26 = arith.addi %scan3A_24, %scan3A_25 : i32
    %scan3A_27 = arith.constant 1 : i32
    %scan3A_28 = scf.for %scan3A_56 = %scan3A_24 to %scan3A_26 step %scan3A_27 iter_args(%scan3A_57 = %scan3A_23) -> (i32)  : i32 {
      %broadcast_in_dim3A_58 = arith.constant 1.000000e+00 : f32
      %broadcast_in_dim3A_59 = vector.broadcast %broadcast_in_dim3A_58 : f32 to vector<16xf32>
      %mul3A_60 = arith.constant 16 : i32
      %mul3A_61 = arith.muli %scan3A_56, %mul3A_60 : i32
      %swap3A = arith.index_cast %mul3A_61 : i32 to index
      %swap3A_62 = tpu.vector_load %arg7[%swap3A] {strides = array<i32>} : memref<10240xf32, #tpu.memory_space<vmem>>, vector<16xf32>,
      tpu.vector_store %arg7[%swap3A], %broadcast_in_dim3A_59 {strides = array<i32>} : memref<10240xf32, #tpu.memory_space<vmem>>, vector<16xf32>,
      %scan3A_63 = arith.constant 0 : i32
      scf.yield %scan3A_63 : i32
    }
    %scan3A_29 = arith.constant 625 : i32
    %barrier3A = arith.constant 0 : index
    tpu.barrier barrier_id(%barrier3A)
    %scan3A_30 = arith.constant 0 : i32
    %scan3A_31 = arith.constant 0 : i32
    %scan3A_32 = arith.constant 40 : i32
    %scan3A_33 = arith.addi %scan3A_31, %scan3A_32 : i32
    %scan3A_34 = arith.constant 1 : i32
    %scan3A_35 = scf.for %scan3A_56 = %scan3A_31 to %scan3A_33 step %scan3A_34 iter_args(%scan3A_57 = %scan3A_30) -> (i32)  : i32 {
      %mul3A_58 = arith.constant 2 : i32
      %mul3A_59 = arith.muli %scan3A_56, %mul3A_58 : i32
      %add3A_60 = arith.constant 0 : i32
      %add3A_61 = arith.addi %mul3A_59, %add3A_60 : i32
      %mul3A_62 = arith.constant 128 : i32
      %mul3A_63 = arith.muli %add3A_61, %mul3A_62 : i32
      %gt3A = arith.constant 0 : i32
      %gt3A_64 = arith.cmpi sgt, %scan3A_56, %gt3A : i32
      %convert_element_type3A = arith.extui %gt3A_64 : i1 to i32
      %cond3A = arith.constant 0 : i32
      %cond3A_65 = arith.cmpi ne, %convert_element_type3A, %cond3A : i32
      scf.if %cond3A_65 {
        %dma_wait3A_183 = arith.constant 0 : i32
        %dma_wait3A_184 = tpu.memref_slice %arg6[%dma_wait3A_183] : memref<10240xf32, #tpu.memory_space<vmem>> -> memref<128xf32, #tpu.memory_space<vmem>>
        %dma_wait3A_185 = arith.constant 0 : i32
        %dma_wait3A_186 = tpu.memref_slice %arg11[%dma_wait3A_185] : memref<10240xf32, #tpu.memory_space<vmem_shared>> -> memref<10240xf32, #tpu.memory_space<vmem_shared>>
        tpu.wait_indirect_dma semaphore(%arg13 : memref<!tpu.dma_semaphore, #tpu.memory_space<semaphore_mem>>) src(%dma_wait3A_184 : memref<128xf32, #tpu.memory_space<vmem>>) dst(%dma_wait3A_186 : memref<10240xf32, #tpu.memory_space<vmem_shared>>)
        %dma_wait3A_187 = arith.constant 0 : i32
        %dma_wait3A_188 = tpu.memref_slice %arg7[%dma_wait3A_187] : memref<10240xf32, #tpu.memory_space<vmem>> -> memref<128xf32, #tpu.memory_space<vmem>>
        %dma_wait3A_189 = arith.constant 0 : i32
        %dma_wait3A_190 = tpu.memref_slice %arg12[%dma_wait3A_189] : memref<10240xf32, #tpu.memory_space<vmem_shared>> -> memref<10240xf32, #tpu.memory_space<vmem_shared>>
        tpu.wait_indirect_dma semaphore(%arg13 : memref<!tpu.dma_semaphore, #tpu.memory_space<semaphore_mem>>) src(%dma_wait3A_188 : memref<128xf32, #tpu.memory_space<vmem>>) dst(%dma_wait3A_190 : memref<10240xf32, #tpu.memory_space<vmem_shared>>)
      } else {
      }
      %add3A_66 = arith.constant 0 : i32
      %add3A_67 = arith.addi %mul3A_63, %add3A_66 : i32
      %get3A = arith.index_cast %add3A_67 : i32 to index
      %get3A_68 = tpu.vector_load %arg5[%get3A] {strides = array<i32>} : memref<10240xi32, #tpu.memory_space<vmem>>, vector<16xi32>,
      %swap3A = arith.constant 0 : index
      %swap3A_69 = tpu.vector_load %arg8[%swap3A] {strides = array<i32>} : memref<128xi32, #tpu.memory_space<vmem>>, vector<16xi32>,
      tpu.vector_store %arg8[%swap3A], %get3A_68 {strides = array<i32>} : memref<128xi32, #tpu.memory_space<vmem>>, vector<16xi32>,
      %add3A_70 = arith.constant 16 : i32
      %add3A_71 = arith.addi %mul3A_63, %add3A_70 : i32
      %get3A_72 = arith.index_cast %add3A_71 : i32 to index
      %get3A_73 = tpu.vector_load %arg5[%get3A_72] {strides = array<i32>} : memref<10240xi32, #tpu.memory_space<vmem>>, vector<16xi32>,
      %swap3A_74 = arith.constant 16 : index
      %swap3A_75 = tpu.vector_load %arg8[%swap3A_74] {strides = array<i32>} : memref<128xi32, #tpu.memory_space<vmem>>, vector<16xi32>,
      tpu.vector_store %arg8[%swap3A_74], %get3A_73 {strides = array<i32>} : memref<128xi32, #tpu.memory_space<vmem>>, vector<16xi32>,
      %add3A_76 = arith.constant 32 : i32
      %add3A_77 = arith.addi %mul3A_63, %add3A_76 : i32
      %get3A_78 = arith.index_cast %add3A_77 : i32 to index
      %get3A_79 = tpu.vector_load %arg5[%get3A_78] {strides = array<i32>} : memref<10240xi32, #tpu.memory_space<vmem>>, vector<16xi32>,
      %swap3A_80 = arith.constant 32 : index
      %swap3A_81 = tpu.vector_load %arg8[%swap3A_80] {strides = array<i32>} : memref<128xi32, #tpu.memory_space<vmem>>, vector<16xi32>,
      tpu.vector_store %arg8[%swap3A_80], %get3A_79 {strides = array<i32>} : memref<128xi32, #tpu.memory_space<vmem>>, vector<16xi32>,
      %add3A_82 = arith.constant 48 : i32
      %add3A_83 = arith.addi %mul3A_63, %add3A_82 : i32
      %get3A_84 = arith.index_cast %add3A_83 : i32 to index
      %get3A_85 = tpu.vector_load %arg5[%get3A_84] {strides = array<i32>} : memref<10240xi32, #tpu.memory_space<vmem>>, vector<16xi32>,
      %swap3A_86 = arith.constant 48 : index
      %swap3A_87 = tpu.vector_load %arg8[%swap3A_86] {strides = array<i32>} : memref<128xi32, #tpu.memory_space<vmem>>, vector<16xi32>,
      tpu.vector_store %arg8[%swap3A_86], %get3A_85 {strides = array<i32>} : memref<128xi32, #tpu.memory_space<vmem>>, vector<16xi32>,
      %add3A_88 = arith.constant 64 : i32
      %add3A_89 = arith.addi %mul3A_63, %add3A_88 : i32
      %get3A_90 = arith.index_cast %add3A_89 : i32 to index
      %get3A_91 = tpu.vector_load %arg5[%get3A_90] {strides = array<i32>} : memref<10240xi32, #tpu.memory_space<vmem>>, vector<16xi32>,
      %swap3A_92 = arith.constant 64 : index
      %swap3A_93 = tpu.vector_load %arg8[%swap3A_92] {strides = array<i32>} : memref<128xi32, #tpu.memory_space<vmem>>, vector<16xi32>,
      tpu.vector_store %arg8[%swap3A_92], %get3A_91 {strides = array<i32>} : memref<128xi32, #tpu.memory_space<vmem>>, vector<16xi32>,
      %add3A_94 = arith.constant 80 : i32
      %add3A_95 = arith.addi %mul3A_63, %add3A_94 : i32
      %get3A_96 = arith.index_cast %add3A_95 : i32 to index
      %get3A_97 = tpu.vector_load %arg5[%get3A_96] {strides = array<i32>} : memref<10240xi32, #tpu.memory_space<vmem>>, vector<16xi32>,
      %swap3A_98 = arith.constant 80 : index
      %swap3A_99 = tpu.vector_load %arg8[%swap3A_98] {strides = array<i32>} : memref<128xi32, #tpu.memory_space<vmem>>, vector<16xi32>,
      tpu.vector_store %arg8[%swap3A_98], %get3A_97 {strides = array<i32>} : memref<128xi32, #tpu.memory_space<vmem>>, vector<16xi32>,
      %add3A_100 = arith.constant 96 : i32
      %add3A_101 = arith.addi %mul3A_63, %add3A_100 : i32
      %get3A_102 = arith.index_cast %add3A_101 : i32 to index
      %get3A_103 = tpu.vector_load %arg5[%get3A_102] {strides = array<i32>} : memref<10240xi32, #tpu.memory_space<vmem>>, vector<16xi32>,
      %swap3A_104 = arith.constant 96 : index
      %swap3A_105 = tpu.vector_load %arg8[%swap3A_104] {strides = array<i32>} : memref<128xi32, #tpu.memory_space<vmem>>, vector<16xi32>,
      tpu.vector_store %arg8[%swap3A_104], %get3A_103 {strides = array<i32>} : memref<128xi32, #tpu.memory_space<vmem>>, vector<16xi32>,
      %add3A_106 = arith.constant 112 : i32
      %add3A_107 = arith.addi %mul3A_63, %add3A_106 : i32
      %get3A_108 = arith.index_cast %add3A_107 : i32 to index
      %get3A_109 = tpu.vector_load %arg5[%get3A_108] {strides = array<i32>} : memref<10240xi32, #tpu.memory_space<vmem>>, vector<16xi32>,
      %swap3A_110 = arith.constant 112 : index
      %swap3A_111 = tpu.vector_load %arg8[%swap3A_110] {strides = array<i32>} : memref<128xi32, #tpu.memory_space<vmem>>, vector<16xi32>,
      tpu.vector_store %arg8[%swap3A_110], %get3A_109 {strides = array<i32>} : memref<128xi32, #tpu.memory_space<vmem>>, vector<16xi32>,
      %dma_start3A = tpu.memref_slice %arg6[%mul3A_63] : memref<10240xf32, #tpu.memory_space<vmem>> -> memref<128xf32, #tpu.memory_space<vmem>>
      %dma_start3A_112 = arith.constant 0 : i32
      %dma_start3A_113 = tpu.memref_slice %arg11[%dma_start3A_112] : memref<10240xf32, #tpu.memory_space<vmem_shared>> -> memref<10240xf32, #tpu.memory_space<vmem_shared>>
      tpu.enqueue_indirect_dma source(%dma_start3A : memref<128xf32, #tpu.memory_space<vmem>>) target(%dma_start3A_113 : memref<10240xf32, #tpu.memory_space<vmem_shared>>) offsets(%arg8 : memref<128xi32, #tpu.memory_space<vmem>>) semaphore(%arg13 : memref<!tpu.dma_semaphore, #tpu.memory_space<semaphore_mem>>) {add = true}
      %dma_start3A_114 = tpu.memref_slice %arg7[%mul3A_63] : memref<10240xf32, #tpu.memory_space<vmem>> -> memref<128xf32, #tpu.memory_space<vmem>>
      %dma_start3A_115 = arith.constant 0 : i32
      %dma_start3A_116 = tpu.memref_slice %arg12[%dma_start3A_115] : memref<10240xf32, #tpu.memory_space<vmem_shared>> -> memref<10240xf32, #tpu.memory_space<vmem_shared>>
      tpu.enqueue_indirect_dma source(%dma_start3A_114 : memref<128xf32, #tpu.memory_space<vmem>>) target(%dma_start3A_116 : memref<10240xf32, #tpu.memory_space<vmem_shared>>) offsets(%arg8 : memref<128xi32, #tpu.memory_space<vmem>>) semaphore(%arg13 : memref<!tpu.dma_semaphore, #tpu.memory_space<semaphore_mem>>) {add = true}
      %mul3A_117 = arith.constant 2 : i32
      %mul3A_118 = arith.muli %scan3A_56, %mul3A_117 : i32
      %add3A_119 = arith.constant 1 : i32
      %add3A_120 = arith.addi %mul3A_118, %add3A_119 : i32
      %mul3A_121 = arith.constant 128 : i32
      %mul3A_122 = arith.muli %add3A_120, %mul3A_121 : i32
      %gt3A_123 = arith.constant 0 : i32
      %gt3A_124 = arith.cmpi sgt, %scan3A_56, %gt3A_123 : i32
      %convert_element_type3A_125 = arith.extui %gt3A_124 : i1 to i32
      %cond3A_126 = arith.constant 0 : i32
      %cond3A_127 = arith.cmpi ne, %convert_element_type3A_125, %cond3A_126 : i32
      scf.if %cond3A_127 {
        %dma_wait3A_183 = arith.constant 0 : i32
        %dma_wait3A_184 = tpu.memref_slice %arg6[%dma_wait3A_183] : memref<10240xf32, #tpu.memory_space<vmem>> -> memref<128xf32, #tpu.memory_space<vmem>>
        %dma_wait3A_185 = arith.constant 0 : i32
        %dma_wait3A_186 = tpu.memref_slice %arg11[%dma_wait3A_185] : memref<10240xf32, #tpu.memory_space<vmem_shared>> -> memref<10240xf32, #tpu.memory_space<vmem_shared>>
        tpu.wait_indirect_dma semaphore(%arg14 : memref<!tpu.dma_semaphore, #tpu.memory_space<semaphore_mem>>) src(%dma_wait3A_184 : memref<128xf32, #tpu.memory_space<vmem>>) dst(%dma_wait3A_186 : memref<10240xf32, #tpu.memory_space<vmem_shared>>)
        %dma_wait3A_187 = arith.constant 0 : i32
        %dma_wait3A_188 = tpu.memref_slice %arg7[%dma_wait3A_187] : memref<10240xf32, #tpu.memory_space<vmem>> -> memref<128xf32, #tpu.memory_space<vmem>>
        %dma_wait3A_189 = arith.constant 0 : i32
        %dma_wait3A_190 = tpu.memref_slice %arg12[%dma_wait3A_189] : memref<10240xf32, #tpu.memory_space<vmem_shared>> -> memref<10240xf32, #tpu.memory_space<vmem_shared>>
        tpu.wait_indirect_dma semaphore(%arg14 : memref<!tpu.dma_semaphore, #tpu.memory_space<semaphore_mem>>) src(%dma_wait3A_188 : memref<128xf32, #tpu.memory_space<vmem>>) dst(%dma_wait3A_190 : memref<10240xf32, #tpu.memory_space<vmem_shared>>)
      } else {
      }
      %add3A_128 = arith.constant 0 : i32
      %add3A_129 = arith.addi %mul3A_122, %add3A_128 : i32
      %get3A_130 = arith.index_cast %add3A_129 : i32 to index
      %get3A_131 = tpu.vector_load %arg5[%get3A_130] {strides = array<i32>} : memref<10240xi32, #tpu.memory_space<vmem>>, vector<16xi32>,
      %swap3A_132 = arith.constant 0 : index
      %swap3A_133 = tpu.vector_load %arg9[%swap3A_132] {strides = array<i32>} : memref<128xi32, #tpu.memory_space<vmem>>, vector<16xi32>,
      tpu.vector_store %arg9[%swap3A_132], %get3A_131 {strides = array<i32>} : memref<128xi32, #tpu.memory_space<vmem>>, vector<16xi32>,
      %add3A_134 = arith.constant 16 : i32
      %add3A_135 = arith.addi %mul3A_122, %add3A_134 : i32
      %get3A_136 = arith.index_cast %add3A_135 : i32 to index
      %get3A_137 = tpu.vector_load %arg5[%get3A_136] {strides = array<i32>} : memref<10240xi32, #tpu.memory_space<vmem>>, vector<16xi32>,
      %swap3A_138 = arith.constant 16 : index
      %swap3A_139 = tpu.vector_load %arg9[%swap3A_138] {strides = array<i32>} : memref<128xi32, #tpu.memory_space<vmem>>, vector<16xi32>,
      tpu.vector_store %arg9[%swap3A_138], %get3A_137 {strides = array<i32>} : memref<128xi32, #tpu.memory_space<vmem>>, vector<16xi32>,
      %add3A_140 = arith.constant 32 : i32
      %add3A_141 = arith.addi %mul3A_122, %add3A_140 : i32
      %get3A_142 = arith.index_cast %add3A_141 : i32 to index
      %get3A_143 = tpu.vector_load %arg5[%get3A_142] {strides = array<i32>} : memref<10240xi32, #tpu.memory_space<vmem>>, vector<16xi32>,
      %swap3A_144 = arith.constant 32 : index
      %swap3A_145 = tpu.vector_load %arg9[%swap3A_144] {strides = array<i32>} : memref<128xi32, #tpu.memory_space<vmem>>, vector<16xi32>,
      tpu.vector_store %arg9[%swap3A_144], %get3A_143 {strides = array<i32>} : memref<128xi32, #tpu.memory_space<vmem>>, vector<16xi32>,
      %add3A_146 = arith.constant 48 : i32
      %add3A_147 = arith.addi %mul3A_122, %add3A_146 : i32
      %get3A_148 = arith.index_cast %add3A_147 : i32 to index
      %get3A_149 = tpu.vector_load %arg5[%get3A_148] {strides = array<i32>} : memref<10240xi32, #tpu.memory_space<vmem>>, vector<16xi32>,
      %swap3A_150 = arith.constant 48 : index
      %swap3A_151 = tpu.vector_load %arg9[%swap3A_150] {strides = array<i32>} : memref<128xi32, #tpu.memory_space<vmem>>, vector<16xi32>,
      tpu.vector_store %arg9[%swap3A_150], %get3A_149 {strides = array<i32>} : memref<128xi32, #tpu.memory_space<vmem>>, vector<16xi32>,
      %add3A_152 = arith.constant 64 : i32
      %add3A_153 = arith.addi %mul3A_122, %add3A_152 : i32
      %get3A_154 = arith.index_cast %add3A_153 : i32 to index
      %get3A_155 = tpu.vector_load %arg5[%get3A_154] {strides = array<i32>} : memref<10240xi32, #tpu.memory_space<vmem>>, vector<16xi32>,
      %swap3A_156 = arith.constant 64 : index
      %swap3A_157 = tpu.vector_load %arg9[%swap3A_156] {strides = array<i32>} : memref<128xi32, #tpu.memory_space<vmem>>, vector<16xi32>,
      tpu.vector_store %arg9[%swap3A_156], %get3A_155 {strides = array<i32>} : memref<128xi32, #tpu.memory_space<vmem>>, vector<16xi32>,
      %add3A_158 = arith.constant 80 : i32
      %add3A_159 = arith.addi %mul3A_122, %add3A_158 : i32
      %get3A_160 = arith.index_cast %add3A_159 : i32 to index
      %get3A_161 = tpu.vector_load %arg5[%get3A_160] {strides = array<i32>} : memref<10240xi32, #tpu.memory_space<vmem>>, vector<16xi32>,
      %swap3A_162 = arith.constant 80 : index
      %swap3A_163 = tpu.vector_load %arg9[%swap3A_162] {strides = array<i32>} : memref<128xi32, #tpu.memory_space<vmem>>, vector<16xi32>,
      tpu.vector_store %arg9[%swap3A_162], %get3A_161 {strides = array<i32>} : memref<128xi32, #tpu.memory_space<vmem>>, vector<16xi32>,
      %add3A_164 = arith.constant 96 : i32
      %add3A_165 = arith.addi %mul3A_122, %add3A_164 : i32
      %get3A_166 = arith.index_cast %add3A_165 : i32 to index
      %get3A_167 = tpu.vector_load %arg5[%get3A_166] {strides = array<i32>} : memref<10240xi32, #tpu.memory_space<vmem>>, vector<16xi32>,
      %swap3A_168 = arith.constant 96 : index
      %swap3A_169 = tpu.vector_load %arg9[%swap3A_168] {strides = array<i32>} : memref<128xi32, #tpu.memory_space<vmem>>, vector<16xi32>,
      tpu.vector_store %arg9[%swap3A_168], %get3A_167 {strides = array<i32>} : memref<128xi32, #tpu.memory_space<vmem>>, vector<16xi32>,
      %add3A_170 = arith.constant 112 : i32
      %add3A_171 = arith.addi %mul3A_122, %add3A_170 : i32
      %get3A_172 = arith.index_cast %add3A_171 : i32 to index
      %get3A_173 = tpu.vector_load %arg5[%get3A_172] {strides = array<i32>} : memref<10240xi32, #tpu.memory_space<vmem>>, vector<16xi32>,
      %swap3A_174 = arith.constant 112 : index
      %swap3A_175 = tpu.vector_load %arg9[%swap3A_174] {strides = array<i32>} : memref<128xi32, #tpu.memory_space<vmem>>, vector<16xi32>,
      tpu.vector_store %arg9[%swap3A_174], %get3A_173 {strides = array<i32>} : memref<128xi32, #tpu.memory_space<vmem>>, vector<16xi32>,
      %dma_start3A_176 = tpu.memref_slice %arg6[%mul3A_122] : memref<10240xf32, #tpu.memory_space<vmem>> -> memref<128xf32, #tpu.memory_space<vmem>>
      %dma_start3A_177 = arith.constant 0 : i32
      %dma_start3A_178 = tpu.memref_slice %arg11[%dma_start3A_177] : memref<10240xf32, #tpu.memory_space<vmem_shared>> -> memref<10240xf32, #tpu.memory_space<vmem_shared>>
      tpu.enqueue_indirect_dma source(%dma_start3A_176 : memref<128xf32, #tpu.memory_space<vmem>>) target(%dma_start3A_178 : memref<10240xf32, #tpu.memory_space<vmem_shared>>) offsets(%arg9 : memref<128xi32, #tpu.memory_space<vmem>>) semaphore(%arg14 : memref<!tpu.dma_semaphore, #tpu.memory_space<semaphore_mem>>) {add = true}
      %dma_start3A_179 = tpu.memref_slice %arg7[%mul3A_122] : memref<10240xf32, #tpu.memory_space<vmem>> -> memref<128xf32, #tpu.memory_space<vmem>>
      %dma_start3A_180 = arith.constant 0 : i32
      %dma_start3A_181 = tpu.memref_slice %arg12[%dma_start3A_180] : memref<10240xf32, #tpu.memory_space<vmem_shared>> -> memref<10240xf32, #tpu.memory_space<vmem_shared>>
      tpu.enqueue_indirect_dma source(%dma_start3A_179 : memref<128xf32, #tpu.memory_space<vmem>>) target(%dma_start3A_181 : memref<10240xf32, #tpu.memory_space<vmem_shared>>) offsets(%arg9 : memref<128xi32, #tpu.memory_space<vmem>>) semaphore(%arg14 : memref<!tpu.dma_semaphore, #tpu.memory_space<semaphore_mem>>) {add = true}
      %scan3A_182 = arith.constant 0 : i32
      scf.yield %scan3A_182 : i32
    }
    %scan3A_36 = arith.constant 40 : i32
    %dma_wait3A = arith.constant 0 : i32
    %dma_wait3A_37 = tpu.memref_slice %arg6[%dma_wait3A] : memref<10240xf32, #tpu.memory_space<vmem>> -> memref<128xf32, #tpu.memory_space<vmem>>
    %dma_wait3A_38 = arith.constant 0 : i32
    %dma_wait3A_39 = tpu.memref_slice %arg11[%dma_wait3A_38] : memref<10240xf32, #tpu.memory_space<vmem_shared>> -> memref<10240xf32, #tpu.memory_space<vmem_shared>>
    tpu.wait_indirect_dma semaphore(%arg13 : memref<!tpu.dma_semaphore, #tpu.memory_space<semaphore_mem>>) src(%dma_wait3A_37 : memref<128xf32, #tpu.memory_space<vmem>>) dst(%dma_wait3A_39 : memref<10240xf32, #tpu.memory_space<vmem_shared>>)
    %dma_wait3A_40 = arith.constant 0 : i32
    %dma_wait3A_41 = tpu.memref_slice %arg7[%dma_wait3A_40] : memref<10240xf32, #tpu.memory_space<vmem>> -> memref<128xf32, #tpu.memory_space<vmem>>
    %dma_wait3A_42 = arith.constant 0 : i32
    %dma_wait3A_43 = tpu.memref_slice %arg12[%dma_wait3A_42] : memref<10240xf32, #tpu.memory_space<vmem_shared>> -> memref<10240xf32, #tpu.memory_space<vmem_shared>>
    tpu.wait_indirect_dma semaphore(%arg13 : memref<!tpu.dma_semaphore, #tpu.memory_space<semaphore_mem>>) src(%dma_wait3A_41 : memref<128xf32, #tpu.memory_space<vmem>>) dst(%dma_wait3A_43 : memref<10240xf32, #tpu.memory_space<vmem_shared>>)
    %dma_wait3A_44 = arith.constant 0 : i32
    %dma_wait3A_45 = tpu.memref_slice %arg6[%dma_wait3A_44] : memref<10240xf32, #tpu.memory_space<vmem>> -> memref<128xf32, #tpu.memory_space<vmem>>
    %dma_wait3A_46 = arith.constant 0 : i32
    %dma_wait3A_47 = tpu.memref_slice %arg11[%dma_wait3A_46] : memref<10240xf32, #tpu.memory_space<vmem_shared>> -> memref<10240xf32, #tpu.memory_space<vmem_shared>>
    tpu.wait_indirect_dma semaphore(%arg14 : memref<!tpu.dma_semaphore, #tpu.memory_space<semaphore_mem>>) src(%dma_wait3A_45 : memref<128xf32, #tpu.memory_space<vmem>>) dst(%dma_wait3A_47 : memref<10240xf32, #tpu.memory_space<vmem_shared>>)
    %dma_wait3A_48 = arith.constant 0 : i32
    %dma_wait3A_49 = tpu.memref_slice %arg7[%dma_wait3A_48] : memref<10240xf32, #tpu.memory_space<vmem>> -> memref<128xf32, #tpu.memory_space<vmem>>
    %dma_wait3A_50 = arith.constant 0 : i32
    %dma_wait3A_51 = tpu.memref_slice %arg12[%dma_wait3A_50] : memref<10240xf32, #tpu.memory_space<vmem_shared>> -> memref<10240xf32, #tpu.memory_space<vmem_shared>>
    tpu.wait_indirect_dma semaphore(%arg14 : memref<!tpu.dma_semaphore, #tpu.memory_space<semaphore_mem>>) src(%dma_wait3A_49 : memref<128xf32, #tpu.memory_space<vmem>>) dst(%dma_wait3A_51 : memref<10240xf32, #tpu.memory_space<vmem_shared>>)
    %barrier3A_52 = arith.constant 0 : index
    tpu.barrier barrier_id(%barrier3A_52)
    %mul3A_53 = arith.constant 640 : i32
    %mul3A_54 = arith.muli %arg1, %mul3A_53 : i32
    %run_scoped3A = arith.constant 0 : i32
    "tpu.region"() ({
      %run_scoped3A_56 = tpu.sem_alloc : memref<!tpu.dma_semaphore, #tpu.memory_space<semaphore_mem>>
      %dma_start3A = tpu.memref_slice %arg4[%arg0, %run_scoped3A, %mul3A_54] : memref<2x2x10240xf32, #tpu.memory_space<hbm>> -> memref<1x1x640xf32, #tpu.memory_space<hbm>>
      %dma_start3A_57 = tpu.memref_squeeze %dma_start3A : memref<1x1x640xf32, #tpu.memory_space<hbm>> -> memref<640xf32, #tpu.memory_space<hbm>>
      %dma_start3A_58 = tpu.memref_slice %arg11[%mul3A_54] : memref<10240xf32, #tpu.memory_space<vmem_shared>> -> memref<640xf32, #tpu.memory_space<vmem_shared>>
      tpu.enqueue_dma source(%dma_start3A_58 : memref<640xf32, #tpu.memory_space<vmem_shared>>) target(%dma_start3A_57 : memref<640xf32, #tpu.memory_space<hbm>>) target_semaphore(%run_scoped3A_56 : memref<!tpu.dma_semaphore, #tpu.memory_space<semaphore_mem>>)
      %dma_wait3A_59 = tpu.memref_slice %arg4[%arg0, %run_scoped3A, %mul3A_54] : memref<2x2x10240xf32, #tpu.memory_space<hbm>> -> memref<1x1x640xf32, #tpu.memory_space<hbm>>
      %dma_wait3A_60 = tpu.memref_squeeze %dma_wait3A_59 : memref<1x1x640xf32, #tpu.memory_space<hbm>> -> memref<640xf32, #tpu.memory_space<hbm>>
      %dma_wait3A_61 = tpu.memref_slice %arg11[%mul3A_54] : memref<10240xf32, #tpu.memory_space<vmem_shared>> -> memref<640xf32, #tpu.memory_space<vmem_shared>>
      tpu.wait_dma2 semaphore(%run_scoped3A_56 : memref<!tpu.dma_semaphore, #tpu.memory_space<semaphore_mem>>) src(%dma_wait3A_61 : memref<640xf32, #tpu.memory_space<vmem_shared>>) dst(%dma_wait3A_60 : memref<640xf32, #tpu.memory_space<hbm>>)
      tpu.yield
    }) : () -> ()
    %run_scoped3A_55 = arith.constant 1 : i32
    "tpu.region"() ({
      %run_scoped3A_56 = tpu.sem_alloc : memref<!tpu.dma_semaphore, #tpu.memory_space<semaphore_mem>>
      %dma_start3A = tpu.memref_slice %arg4[%arg0, %run_scoped3A_55, %mul3A_54] : memref<2x2x10240xf32, #tpu.memory_space<hbm>> -> memref<1x1x640xf32, #tpu.memory_space<hbm>>
      %dma_start3A_57 = tpu.memref_squeeze %dma_start3A : memref<1x1x640xf32, #tpu.memory_space<hbm>> -> memref<640xf32, #tpu.memory_space<hbm>>
      %dma_start3A_58 = tpu.memref_slice %arg12[%mul3A_54] : memref<10240xf32, #tpu.memory_space<vmem_shared>> -> memref<640xf32, #tpu.memory_space<vmem_shared>>
      tpu.enqueue_dma source(%dma_start3A_58 : memref<640xf32, #tpu.memory_space<vmem_shared>>) target(%dma_start3A_57 : memref<640xf32, #tpu.memory_space<hbm>>) target_semaphore(%run_scoped3A_56 : memref<!tpu.dma_semaphore, #tpu.memory_space<semaphore_mem>>)
      %dma_wait3A_59 = tpu.memref_slice %arg4[%arg0, %run_scoped3A_55, %mul3A_54] : memref<2x2x10240xf32, #tpu.memory_space<hbm>> -> memref<1x1x640xf32, #tpu.memory_space<hbm>>
      %dma_wait3A_60 = tpu.memref_squeeze %dma_wait3A_59 : memref<1x1x640xf32, #tpu.memory_space<hbm>> -> memref<640xf32, #tpu.memory_space<hbm>>
      %dma_wait3A_61 = tpu.memref_slice %arg12[%mul3A_54] : memref<10240xf32, #tpu.memory_space<vmem_shared>> -> memref<640xf32, #tpu.memory_space<vmem_shared>>
      tpu.wait_dma2 semaphore(%run_scoped3A_56 : memref<!tpu.dma_semaphore, #tpu.memory_space<semaphore_mem>>) src(%dma_wait3A_61 : memref<640xf32, #tpu.memory_space<vmem_shared>>) dst(%dma_wait3A_60 : memref<640xf32, #tpu.memory_space<hbm>>)
      tpu.yield
    }) : () -> ()
    return
  }
}

#map = affine_map<(d0, d1) -> (0)>
#map1 = affine_map<(d0, d1) -> (0, 0, 0)>
module attributes {stable_mosaic.version = 14 : i64} {
  func.func @body(%arg0: i32, %arg1: i32, %arg2: memref<320000xi32, #tpu.memory_space<hbm>>, %arg3: memref<320000xi32, #tpu.memory_space<hbm>>, %arg4: memref<320000xf32, #tpu.memory_space<hbm>>, %arg5: memref<40960xf32, #tpu.memory_space<hbm>>, %arg6: memref<2x4x10240xf32, #tpu.memory_space<hbm>>, %arg7: memref<10240xi32, #tpu.memory_space<vmem>>, %arg8: memref<10240xi32, #tpu.memory_space<vmem>>, %arg9: memref<10240xf32, #tpu.memory_space<vmem>>, %arg10: memref<40960xf32, #tpu.memory_space<vmem>>, %arg11: memref<128xi32, #tpu.memory_space<vmem>>, %arg12: memref<128xi32, #tpu.memory_space<vmem>>, %arg13: memref<128xf32, #tpu.memory_space<vmem>>, %arg14: memref<128xf32, #tpu.memory_space<vmem>>, %arg15: memref<128xf32, #tpu.memory_space<vmem>>, %arg16: memref<128xf32, #tpu.memory_space<vmem>>, %arg17: memref<128xf32, #tpu.memory_space<vmem>>, %arg18: memref<128xf32, #tpu.memory_space<vmem>>, %arg19: memref<128xf32, #tpu.memory_space<vmem>>, %arg20: memref<128xf32, #tpu.memory_space<vmem>>, %arg21: memref<640xf32, #tpu.memory_space<vmem>>, %arg22: memref<10240xf32, #tpu.memory_space<vmem_shared>>, %arg23: memref<10240xf32, #tpu.memory_space<vmem_shared>>, %arg24: memref<10240xf32, #tpu.memory_space<vmem_shared>>, %arg25: memref<10240xf32, #tpu.memory_space<vmem_shared>>, %arg26: memref<!tpu.dma_semaphore, #tpu.memory_space<semaphore_mem>>, %arg27: memref<!tpu.dma_semaphore, #tpu.memory_space<semaphore_mem>>) attributes {dimension_semantics = [#tpu.dimension_semantics<core_parallel>, #tpu.dimension_semantics<subcore_parallel>], iteration_bounds = array<i64: 2, 16>, scalar_prefetch = 0 : i64, scratch_operands = 21 : i64, tpu.core_type = #tpu.core_type<sc_vector_subcore>, window_params = [{transform_indices = #map}, {transform_indices = #map}, {transform_indices = #map}, {transform_indices = #map}, {transform_indices = #map1}]} {
    %mul3A = arith.constant 16 : i32
    %mul3A_0 = arith.muli %arg0, %mul3A : i32
    %add3A = arith.addi %mul3A_0, %arg1 : i32
    %broadcast_in_dim3A = arith.constant 0.000000e+00 : f32
    %broadcast_in_dim3A_1 = vector.broadcast %broadcast_in_dim3A : f32 to vector<16xf32>
    %scan3A = arith.constant 0 : i32
    %scan3A_2 = arith.constant 0 : i32
    %scan3A_3 = arith.constant 40 : i32
    %scan3A_4 = arith.addi %scan3A_2, %scan3A_3 : i32
    %scan3A_5 = arith.constant 1 : i32
    %scan3A_6 = scf.for %scan3A_57 = %scan3A_2 to %scan3A_4 step %scan3A_5 iter_args(%scan3A_58 = %scan3A) -> (i32)  : i32 {
      %mul3A_59 = arith.constant 16 : i32
      %mul3A_60 = arith.muli %scan3A_57, %mul3A_59 : i32
      %swap3A = arith.index_cast %mul3A_60 : i32 to index
      %swap3A_61 = tpu.vector_load %arg21[%swap3A] {strides = array<i32>} : memref<640xf32, #tpu.memory_space<vmem>>, vector<16xf32>,
      tpu.vector_store %arg21[%swap3A], %broadcast_in_dim3A_1 {strides = array<i32>} : memref<640xf32, #tpu.memory_space<vmem>>, vector<16xf32>,
      %scan3A_62 = arith.constant 0 : i32
      scf.yield %scan3A_62 : i32
    }
    %scan3A_7 = arith.constant 40 : i32
    %mul3A_8 = arith.constant 640 : i32
    %mul3A_9 = arith.muli %arg1, %mul3A_8 : i32
    "tpu.region"() ({
      %run_scoped3A_57 = tpu.sem_alloc : memref<!tpu.dma_semaphore, #tpu.memory_space<semaphore_mem>>
      %dma_start3A = tpu.memref_slice %arg22[%mul3A_9] : memref<10240xf32, #tpu.memory_space<vmem_shared>> -> memref<640xf32, #tpu.memory_space<vmem_shared>>
      %dma_start3A_58 = tpu.memref_slice %arg22[%mul3A_9] : memref<10240xf32, #tpu.memory_space<vmem_shared>> -> memref<640xf32, #tpu.memory_space<vmem_shared>>
      tpu.enqueue_dma source(%arg21 : memref<640xf32, #tpu.memory_space<vmem>>) target(%dma_start3A_58 : memref<640xf32, #tpu.memory_space<vmem_shared>>) target_semaphore(%run_scoped3A_57 : memref<!tpu.dma_semaphore, #tpu.memory_space<semaphore_mem>>)
      %dma_wait3A_59 = tpu.memref_slice %arg22[%mul3A_9] : memref<10240xf32, #tpu.memory_space<vmem_shared>> -> memref<640xf32, #tpu.memory_space<vmem_shared>>
      %dma_wait3A_60 = tpu.memref_slice %arg22[%mul3A_9] : memref<10240xf32, #tpu.memory_space<vmem_shared>> -> memref<640xf32, #tpu.memory_space<vmem_shared>>
      tpu.wait_dma2 semaphore(%run_scoped3A_57 : memref<!tpu.dma_semaphore, #tpu.memory_space<semaphore_mem>>) src(%arg21 : memref<640xf32, #tpu.memory_space<vmem>>) dst(%dma_wait3A_60 : memref<640xf32, #tpu.memory_space<vmem_shared>>)
      tpu.yield
    }) : () -> ()
    %mul3A_10 = arith.constant 640 : i32
    %mul3A_11 = arith.muli %arg1, %mul3A_10 : i32
    "tpu.region"() ({
      %run_scoped3A_57 = tpu.sem_alloc : memref<!tpu.dma_semaphore, #tpu.memory_space<semaphore_mem>>
      %dma_start3A = tpu.memref_slice %arg23[%mul3A_11] : memref<10240xf32, #tpu.memory_space<vmem_shared>> -> memref<640xf32, #tpu.memory_space<vmem_shared>>
      %dma_start3A_58 = tpu.memref_slice %arg23[%mul3A_11] : memref<10240xf32, #tpu.memory_space<vmem_shared>> -> memref<640xf32, #tpu.memory_space<vmem_shared>>
      tpu.enqueue_dma source(%arg21 : memref<640xf32, #tpu.memory_space<vmem>>) target(%dma_start3A_58 : memref<640xf32, #tpu.memory_space<vmem_shared>>) target_semaphore(%run_scoped3A_57 : memref<!tpu.dma_semaphore, #tpu.memory_space<semaphore_mem>>)
      %dma_wait3A_59 = tpu.memref_slice %arg23[%mul3A_11] : memref<10240xf32, #tpu.memory_space<vmem_shared>> -> memref<640xf32, #tpu.memory_space<vmem_shared>>
      %dma_wait3A_60 = tpu.memref_slice %arg23[%mul3A_11] : memref<10240xf32, #tpu.memory_space<vmem_shared>> -> memref<640xf32, #tpu.memory_space<vmem_shared>>
      tpu.wait_dma2 semaphore(%run_scoped3A_57 : memref<!tpu.dma_semaphore, #tpu.memory_space<semaphore_mem>>) src(%arg21 : memref<640xf32, #tpu.memory_space<vmem>>) dst(%dma_wait3A_60 : memref<640xf32, #tpu.memory_space<vmem_shared>>)
      tpu.yield
    }) : () -> ()
    %mul3A_12 = arith.constant 640 : i32
    %mul3A_13 = arith.muli %arg1, %mul3A_12 : i32
    "tpu.region"() ({
      %run_scoped3A_57 = tpu.sem_alloc : memref<!tpu.dma_semaphore, #tpu.memory_space<semaphore_mem>>
      %dma_start3A = tpu.memref_slice %arg24[%mul3A_13] : memref<10240xf32, #tpu.memory_space<vmem_shared>> -> memref<640xf32, #tpu.memory_space<vmem_shared>>
      %dma_start3A_58 = tpu.memref_slice %arg24[%mul3A_13] : memref<10240xf32, #tpu.memory_space<vmem_shared>> -> memref<640xf32, #tpu.memory_space<vmem_shared>>
      tpu.enqueue_dma source(%arg21 : memref<640xf32, #tpu.memory_space<vmem>>) target(%dma_start3A_58 : memref<640xf32, #tpu.memory_space<vmem_shared>>) target_semaphore(%run_scoped3A_57 : memref<!tpu.dma_semaphore, #tpu.memory_space<semaphore_mem>>)
      %dma_wait3A_59 = tpu.memref_slice %arg24[%mul3A_13] : memref<10240xf32, #tpu.memory_space<vmem_shared>> -> memref<640xf32, #tpu.memory_space<vmem_shared>>
      %dma_wait3A_60 = tpu.memref_slice %arg24[%mul3A_13] : memref<10240xf32, #tpu.memory_space<vmem_shared>> -> memref<640xf32, #tpu.memory_space<vmem_shared>>
      tpu.wait_dma2 semaphore(%run_scoped3A_57 : memref<!tpu.dma_semaphore, #tpu.memory_space<semaphore_mem>>) src(%arg21 : memref<640xf32, #tpu.memory_space<vmem>>) dst(%dma_wait3A_60 : memref<640xf32, #tpu.memory_space<vmem_shared>>)
      tpu.yield
    }) : () -> ()
    %mul3A_14 = arith.constant 640 : i32
    %mul3A_15 = arith.muli %arg1, %mul3A_14 : i32
    "tpu.region"() ({
      %run_scoped3A_57 = tpu.sem_alloc : memref<!tpu.dma_semaphore, #tpu.memory_space<semaphore_mem>>
      %dma_start3A = tpu.memref_slice %arg25[%mul3A_15] : memref<10240xf32, #tpu.memory_space<vmem_shared>> -> memref<640xf32, #tpu.memory_space<vmem_shared>>
      %dma_start3A_58 = tpu.memref_slice %arg25[%mul3A_15] : memref<10240xf32, #tpu.memory_space<vmem_shared>> -> memref<640xf32, #tpu.memory_space<vmem_shared>>
      tpu.enqueue_dma source(%arg21 : memref<640xf32, #tpu.memory_space<vmem>>) target(%dma_start3A_58 : memref<640xf32, #tpu.memory_space<vmem_shared>>) target_semaphore(%run_scoped3A_57 : memref<!tpu.dma_semaphore, #tpu.memory_space<semaphore_mem>>)
      %dma_wait3A_59 = tpu.memref_slice %arg25[%mul3A_15] : memref<10240xf32, #tpu.memory_space<vmem_shared>> -> memref<640xf32, #tpu.memory_space<vmem_shared>>
      %dma_wait3A_60 = tpu.memref_slice %arg25[%mul3A_15] : memref<10240xf32, #tpu.memory_space<vmem_shared>> -> memref<640xf32, #tpu.memory_space<vmem_shared>>
      tpu.wait_dma2 semaphore(%run_scoped3A_57 : memref<!tpu.dma_semaphore, #tpu.memory_space<semaphore_mem>>) src(%arg21 : memref<640xf32, #tpu.memory_space<vmem>>) dst(%dma_wait3A_60 : memref<640xf32, #tpu.memory_space<vmem_shared>>)
      tpu.yield
    }) : () -> ()
    %mul3A_16 = arith.constant 10000 : i32
    %mul3A_17 = arith.muli %add3A, %mul3A_16 : i32
    "tpu.region"() ({
      %run_scoped3A_57 = tpu.sem_alloc : memref<!tpu.dma_semaphore, #tpu.memory_space<semaphore_mem>>
      %dma_start3A = arith.constant 0 : i32
      %dma_start3A_58 = tpu.memref_slice %arg7[%dma_start3A] : memref<10240xi32, #tpu.memory_space<vmem>> -> memref<10000xi32, #tpu.memory_space<vmem>>
      %dma_start3A_59 = tpu.memref_slice %arg2[%mul3A_17] : memref<320000xi32, #tpu.memory_space<hbm>> -> memref<10000xi32, #tpu.memory_space<hbm>>
      %dma_start3A_60 = arith.constant 0 : i32
      %dma_start3A_61 = tpu.memref_slice %arg7[%dma_start3A_60] : memref<10240xi32, #tpu.memory_space<vmem>> -> memref<10000xi32, #tpu.memory_space<vmem>>
      %dma_start3A_62 = tpu.memref_slice %arg2[%mul3A_17] : memref<320000xi32, #tpu.memory_space<hbm>> -> memref<10000xi32, #tpu.memory_space<hbm>>
      tpu.enqueue_dma source(%dma_start3A_62 : memref<10000xi32, #tpu.memory_space<hbm>>) target(%dma_start3A_61 : memref<10000xi32, #tpu.memory_space<vmem>>) target_semaphore(%run_scoped3A_57 : memref<!tpu.dma_semaphore, #tpu.memory_space<semaphore_mem>>)
      %dma_wait3A_63 = arith.constant 0 : i32
      %dma_wait3A_64 = tpu.memref_slice %arg7[%dma_wait3A_63] : memref<10240xi32, #tpu.memory_space<vmem>> -> memref<10000xi32, #tpu.memory_space<vmem>>
      %dma_wait3A_65 = tpu.memref_slice %arg2[%mul3A_17] : memref<320000xi32, #tpu.memory_space<hbm>> -> memref<10000xi32, #tpu.memory_space<hbm>>
      %dma_wait3A_66 = arith.constant 0 : i32
      %dma_wait3A_67 = tpu.memref_slice %arg7[%dma_wait3A_66] : memref<10240xi32, #tpu.memory_space<vmem>> -> memref<10000xi32, #tpu.memory_space<vmem>>
      %dma_wait3A_68 = tpu.memref_slice %arg2[%mul3A_17] : memref<320000xi32, #tpu.memory_space<hbm>> -> memref<10000xi32, #tpu.memory_space<hbm>>
      tpu.wait_dma2 semaphore(%run_scoped3A_57 : memref<!tpu.dma_semaphore, #tpu.memory_space<semaphore_mem>>) src(%dma_wait3A_68 : memref<10000xi32, #tpu.memory_space<hbm>>) dst(%dma_wait3A_67 : memref<10000xi32, #tpu.memory_space<vmem>>)
      tpu.yield
    }) : () -> ()
    %mul3A_18 = arith.constant 10000 : i32
    %mul3A_19 = arith.muli %add3A, %mul3A_18 : i32
    "tpu.region"() ({
      %run_scoped3A_57 = tpu.sem_alloc : memref<!tpu.dma_semaphore, #tpu.memory_space<semaphore_mem>>
      %dma_start3A = arith.constant 0 : i32
      %dma_start3A_58 = tpu.memref_slice %arg8[%dma_start3A] : memref<10240xi32, #tpu.memory_space<vmem>> -> memref<10000xi32, #tpu.memory_space<vmem>>
      %dma_start3A_59 = tpu.memref_slice %arg3[%mul3A_19] : memref<320000xi32, #tpu.memory_space<hbm>> -> memref<10000xi32, #tpu.memory_space<hbm>>
      %dma_start3A_60 = arith.constant 0 : i32
      %dma_start3A_61 = tpu.memref_slice %arg8[%dma_start3A_60] : memref<10240xi32, #tpu.memory_space<vmem>> -> memref<10000xi32, #tpu.memory_space<vmem>>
      %dma_start3A_62 = tpu.memref_slice %arg3[%mul3A_19] : memref<320000xi32, #tpu.memory_space<hbm>> -> memref<10000xi32, #tpu.memory_space<hbm>>
      tpu.enqueue_dma source(%dma_start3A_62 : memref<10000xi32, #tpu.memory_space<hbm>>) target(%dma_start3A_61 : memref<10000xi32, #tpu.memory_space<vmem>>) target_semaphore(%run_scoped3A_57 : memref<!tpu.dma_semaphore, #tpu.memory_space<semaphore_mem>>)
      %dma_wait3A_63 = arith.constant 0 : i32
      %dma_wait3A_64 = tpu.memref_slice %arg8[%dma_wait3A_63] : memref<10240xi32, #tpu.memory_space<vmem>> -> memref<10000xi32, #tpu.memory_space<vmem>>
      %dma_wait3A_65 = tpu.memref_slice %arg3[%mul3A_19] : memref<320000xi32, #tpu.memory_space<hbm>> -> memref<10000xi32, #tpu.memory_space<hbm>>
      %dma_wait3A_66 = arith.constant 0 : i32
      %dma_wait3A_67 = tpu.memref_slice %arg8[%dma_wait3A_66] : memref<10240xi32, #tpu.memory_space<vmem>> -> memref<10000xi32, #tpu.memory_space<vmem>>
      %dma_wait3A_68 = tpu.memref_slice %arg3[%mul3A_19] : memref<320000xi32, #tpu.memory_space<hbm>> -> memref<10000xi32, #tpu.memory_space<hbm>>
      tpu.wait_dma2 semaphore(%run_scoped3A_57 : memref<!tpu.dma_semaphore, #tpu.memory_space<semaphore_mem>>) src(%dma_wait3A_68 : memref<10000xi32, #tpu.memory_space<hbm>>) dst(%dma_wait3A_67 : memref<10000xi32, #tpu.memory_space<vmem>>)
      tpu.yield
    }) : () -> ()
    %mul3A_20 = arith.constant 10000 : i32
    %mul3A_21 = arith.muli %add3A, %mul3A_20 : i32
    "tpu.region"() ({
      %run_scoped3A_57 = tpu.sem_alloc : memref<!tpu.dma_semaphore, #tpu.memory_space<semaphore_mem>>
      %dma_start3A = arith.constant 0 : i32
      %dma_start3A_58 = tpu.memref_slice %arg9[%dma_start3A] : memref<10240xf32, #tpu.memory_space<vmem>> -> memref<10000xf32, #tpu.memory_space<vmem>>
      %dma_start3A_59 = tpu.memref_slice %arg4[%mul3A_21] : memref<320000xf32, #tpu.memory_space<hbm>> -> memref<10000xf32, #tpu.memory_space<hbm>>
      %dma_start3A_60 = arith.constant 0 : i32
      %dma_start3A_61 = tpu.memref_slice %arg9[%dma_start3A_60] : memref<10240xf32, #tpu.memory_space<vmem>> -> memref<10000xf32, #tpu.memory_space<vmem>>
      %dma_start3A_62 = tpu.memref_slice %arg4[%mul3A_21] : memref<320000xf32, #tpu.memory_space<hbm>> -> memref<10000xf32, #tpu.memory_space<hbm>>
      tpu.enqueue_dma source(%dma_start3A_62 : memref<10000xf32, #tpu.memory_space<hbm>>) target(%dma_start3A_61 : memref<10000xf32, #tpu.memory_space<vmem>>) target_semaphore(%run_scoped3A_57 : memref<!tpu.dma_semaphore, #tpu.memory_space<semaphore_mem>>)
      %dma_wait3A_63 = arith.constant 0 : i32
      %dma_wait3A_64 = tpu.memref_slice %arg9[%dma_wait3A_63] : memref<10240xf32, #tpu.memory_space<vmem>> -> memref<10000xf32, #tpu.memory_space<vmem>>
      %dma_wait3A_65 = tpu.memref_slice %arg4[%mul3A_21] : memref<320000xf32, #tpu.memory_space<hbm>> -> memref<10000xf32, #tpu.memory_space<hbm>>
      %dma_wait3A_66 = arith.constant 0 : i32
      %dma_wait3A_67 = tpu.memref_slice %arg9[%dma_wait3A_66] : memref<10240xf32, #tpu.memory_space<vmem>> -> memref<10000xf32, #tpu.memory_space<vmem>>
      %dma_wait3A_68 = tpu.memref_slice %arg4[%mul3A_21] : memref<320000xf32, #tpu.memory_space<hbm>> -> memref<10000xf32, #tpu.memory_space<hbm>>
      tpu.wait_dma2 semaphore(%run_scoped3A_57 : memref<!tpu.dma_semaphore, #tpu.memory_space<semaphore_mem>>) src(%dma_wait3A_68 : memref<10000xf32, #tpu.memory_space<hbm>>) dst(%dma_wait3A_67 : memref<10000xf32, #tpu.memory_space<vmem>>)
      tpu.yield
    }) : () -> ()
    "tpu.region"() ({
      %run_scoped3A_57 = tpu.sem_alloc : memref<!tpu.dma_semaphore, #tpu.memory_space<semaphore_mem>>
      tpu.enqueue_dma source(%arg5 : memref<40960xf32, #tpu.memory_space<hbm>>) target(%arg10 : memref<40960xf32, #tpu.memory_space<vmem>>) target_semaphore(%run_scoped3A_57 : memref<!tpu.dma_semaphore, #tpu.memory_space<semaphore_mem>>)
      tpu.wait_dma2 semaphore(%run_scoped3A_57 : memref<!tpu.dma_semaphore, #tpu.memory_space<semaphore_mem>>) src(%arg5 : memref<40960xf32, #tpu.memory_space<hbm>>) dst(%arg10 : memref<40960xf32, #tpu.memory_space<vmem>>)
      tpu.yield
    }) : () -> ()
    %scan3A_22 = arith.constant 0 : i32
    %scan3A_23 = arith.constant 625 : i32
    %scan3A_24 = arith.constant 15 : i32
    %scan3A_25 = arith.addi %scan3A_23, %scan3A_24 : i32
    %scan3A_26 = arith.constant 1 : i32
    %scan3A_27 = scf.for %scan3A_57 = %scan3A_23 to %scan3A_25 step %scan3A_26 iter_args(%scan3A_58 = %scan3A_22) -> (i32)  : i32 {
      %mul3A_59 = arith.constant 16 : i32
      %mul3A_60 = arith.muli %scan3A_57, %mul3A_59 : i32
      %iota3A = tpu.iota {dimensions = array<i32: 0>} : vector<16xi32>
      %add3A_61 = vector.broadcast %mul3A_60 : i32 to vector<16xi32>
      %add3A_62 = arith.addi %add3A_61, %iota3A : vector<16xi32>
      %lt3A = arith.constant 10000 : i32
      %lt3A_63 = vector.broadcast %lt3A : i32 to vector<16xi32>
      %lt3A_64 = arith.cmpi slt, %add3A_62, %lt3A_63 : vector<16xi32>
      %mul3A_65 = arith.constant 16 : i32
      %mul3A_66 = arith.muli %scan3A_57, %mul3A_65 : i32
      %get3A = arith.index_cast %mul3A_66 : i32 to index
      %get3A_67 = tpu.vector_load %arg7[%get3A] {strides = array<i32>} : memref<10240xi32, #tpu.memory_space<vmem>>, vector<16xi32>,
      %jit3A = arith.constant 10000 : i32
      %broadcast_in_dim3A_68 = vector.broadcast %jit3A : i32 to vector<16xi32>
      %select_n3A = arith.select %lt3A_64, %get3A_67, %broadcast_in_dim3A_68 : vector<16xi1>, vector<16xi32>
      %mul3A_69 = arith.constant 16 : i32
      %mul3A_70 = arith.muli %scan3A_57, %mul3A_69 : i32
      %swap3A = arith.index_cast %mul3A_70 : i32 to index
      %swap3A_71 = tpu.vector_load %arg7[%swap3A] {strides = array<i32>} : memref<10240xi32, #tpu.memory_space<vmem>>, vector<16xi32>,
      tpu.vector_store %arg7[%swap3A], %select_n3A {strides = array<i32>} : memref<10240xi32, #tpu.memory_space<vmem>>, vector<16xi32>,
      %mul3A_72 = arith.constant 16 : i32
      %mul3A_73 = arith.muli %scan3A_57, %mul3A_72 : i32
      %get3A_74 = arith.index_cast %mul3A_73 : i32 to index
      %get3A_75 = tpu.vector_load %arg8[%get3A_74] {strides = array<i32>} : memref<10240xi32, #tpu.memory_space<vmem>>, vector<16xi32>,
      %jit3A_76 = arith.constant 0 : i32
      %broadcast_in_dim3A_77 = vector.broadcast %jit3A_76 : i32 to vector<16xi32>
      %select_n3A_78 = arith.select %lt3A_64, %get3A_75, %broadcast_in_dim3A_77 : vector<16xi1>, vector<16xi32>
      %mul3A_79 = arith.constant 16 : i32
      %mul3A_80 = arith.muli %scan3A_57, %mul3A_79 : i32
      %swap3A_81 = arith.index_cast %mul3A_80 : i32 to index
      %swap3A_82 = tpu.vector_load %arg8[%swap3A_81] {strides = array<i32>} : memref<10240xi32, #tpu.memory_space<vmem>>, vector<16xi32>,
      tpu.vector_store %arg8[%swap3A_81], %select_n3A_78 {strides = array<i32>} : memref<10240xi32, #tpu.memory_space<vmem>>, vector<16xi32>,
      %mul3A_83 = arith.constant 16 : i32
      %mul3A_84 = arith.muli %scan3A_57, %mul3A_83 : i32
      %get3A_85 = arith.index_cast %mul3A_84 : i32 to index
      %get3A_86 = tpu.vector_load %arg9[%get3A_85] {strides = array<i32>} : memref<10240xf32, #tpu.memory_space<vmem>>, vector<16xf32>,
      %jit3A_87 = arith.constant 0.000000e+00 : f32
      %broadcast_in_dim3A_88 = vector.broadcast %jit3A_87 : f32 to vector<16xf32>
      %select_n3A_89 = arith.select %lt3A_64, %get3A_86, %broadcast_in_dim3A_88 : vector<16xi1>, vector<16xf32>
      %mul3A_90 = arith.constant 16 : i32
      %mul3A_91 = arith.muli %scan3A_57, %mul3A_90 : i32
      %swap3A_92 = arith.index_cast %mul3A_91 : i32 to index
      %swap3A_93 = tpu.vector_load %arg9[%swap3A_92] {strides = array<i32>} : memref<10240xf32, #tpu.memory_space<vmem>>, vector<16xf32>,
      tpu.vector_store %arg9[%swap3A_92], %select_n3A_89 {strides = array<i32>} : memref<10240xf32, #tpu.memory_space<vmem>>, vector<16xf32>,
      %scan3A_94 = arith.constant 0 : i32
      scf.yield %scan3A_94 : i32
    }
    %scan3A_28 = arith.constant 15 : i32
    %barrier3A = arith.constant 0 : index
    tpu.barrier barrier_id(%barrier3A)
    %scan3A_29 = arith.constant 0 : i32
    %scan3A_30 = arith.constant 0 : i32
    %scan3A_31 = arith.constant 40 : i32
    %scan3A_32 = arith.addi %scan3A_30, %scan3A_31 : i32
    %scan3A_33 = arith.constant 1 : i32
    %scan3A_34 = scf.for %scan3A_57 = %scan3A_30 to %scan3A_32 step %scan3A_33 iter_args(%scan3A_58 = %scan3A_29) -> (i32)  : i32 {
      %mul3A_59 = arith.constant 2 : i32
      %mul3A_60 = arith.muli %scan3A_57, %mul3A_59 : i32
      %add3A_61 = arith.constant 0 : i32
      %add3A_62 = arith.addi %mul3A_60, %add3A_61 : i32
      %mul3A_63 = arith.constant 128 : i32
      %mul3A_64 = arith.muli %add3A_62, %mul3A_63 : i32
      %gt3A = arith.constant 0 : i32
      %gt3A_65 = arith.cmpi sgt, %scan3A_57, %gt3A : i32
      %convert_element_type3A = arith.extui %gt3A_65 : i1 to i32
      %cond3A = arith.constant 0 : i32
      %cond3A_66 = arith.cmpi ne, %convert_element_type3A, %cond3A : i32
      scf.if %cond3A_66 {
        %dma_wait3A_747 = arith.constant 0 : i32
        %dma_wait3A_748 = tpu.memref_slice %arg22[%dma_wait3A_747] : memref<10240xf32, #tpu.memory_space<vmem_shared>> -> memref<10240xf32, #tpu.memory_space<vmem_shared>>
        tpu.wait_indirect_dma semaphore(%arg26 : memref<!tpu.dma_semaphore, #tpu.memory_space<semaphore_mem>>) src(%arg13 : memref<128xf32, #tpu.memory_space<vmem>>) dst(%dma_wait3A_748 : memref<10240xf32, #tpu.memory_space<vmem_shared>>)
        %dma_wait3A_749 = arith.constant 0 : i32
        %dma_wait3A_750 = tpu.memref_slice %arg23[%dma_wait3A_749] : memref<10240xf32, #tpu.memory_space<vmem_shared>> -> memref<10240xf32, #tpu.memory_space<vmem_shared>>
        tpu.wait_indirect_dma semaphore(%arg26 : memref<!tpu.dma_semaphore, #tpu.memory_space<semaphore_mem>>) src(%arg14 : memref<128xf32, #tpu.memory_space<vmem>>) dst(%dma_wait3A_750 : memref<10240xf32, #tpu.memory_space<vmem_shared>>)
        %dma_wait3A_751 = arith.constant 0 : i32
        %dma_wait3A_752 = tpu.memref_slice %arg24[%dma_wait3A_751] : memref<10240xf32, #tpu.memory_space<vmem_shared>> -> memref<10240xf32, #tpu.memory_space<vmem_shared>>
        tpu.wait_indirect_dma semaphore(%arg26 : memref<!tpu.dma_semaphore, #tpu.memory_space<semaphore_mem>>) src(%arg15 : memref<128xf32, #tpu.memory_space<vmem>>) dst(%dma_wait3A_752 : memref<10240xf32, #tpu.memory_space<vmem_shared>>)
        %dma_wait3A_753 = arith.constant 0 : i32
        %dma_wait3A_754 = tpu.memref_slice %arg25[%dma_wait3A_753] : memref<10240xf32, #tpu.memory_space<vmem_shared>> -> memref<10240xf32, #tpu.memory_space<vmem_shared>>
        tpu.wait_indirect_dma semaphore(%arg26 : memref<!tpu.dma_semaphore, #tpu.memory_space<semaphore_mem>>) src(%arg16 : memref<128xf32, #tpu.memory_space<vmem>>) dst(%dma_wait3A_754 : memref<10240xf32, #tpu.memory_space<vmem_shared>>)
      } else {
      }
      %add3A_67 = arith.constant 0 : i32
      %add3A_68 = arith.addi %mul3A_64, %add3A_67 : i32
      %get3A = arith.index_cast %add3A_68 : i32 to index
      %get3A_69 = tpu.vector_load %arg7[%get3A] {strides = array<i32>} : memref<10240xi32, #tpu.memory_space<vmem>>, vector<16xi32>,
      %get3A_70 = arith.index_cast %add3A_68 : i32 to index
      %get3A_71 = tpu.vector_load %arg8[%get3A_70] {strides = array<i32>} : memref<10240xi32, #tpu.memory_space<vmem>>, vector<16xi32>,
      %swap3A = arith.constant 0 : index
      %swap3A_72 = tpu.vector_load %arg11[%swap3A] {strides = array<i32>} : memref<128xi32, #tpu.memory_space<vmem>>, vector<16xi32>,
      tpu.vector_store %arg11[%swap3A], %get3A_71 {strides = array<i32>} : memref<128xi32, #tpu.memory_space<vmem>>, vector<16xi32>,
      %get3A_73 = arith.index_cast %add3A_68 : i32 to index
      %get3A_74 = tpu.vector_load %arg9[%get3A_73] {strides = array<i32>} : memref<10240xf32, #tpu.memory_space<vmem>>, vector<16xf32>,
      %mul3A_75 = arith.constant 4 : i32
      %mul3A_76 = vector.broadcast %mul3A_75 : i32 to vector<16xi32>
      %mul3A_77 = arith.muli %get3A_69, %mul3A_76 : vector<16xi32>
      %add3A_78 = arith.constant 0 : i32
      %add3A_79 = vector.broadcast %add3A_78 : i32 to vector<16xi32>
      %add3A_80 = arith.addi %mul3A_77, %add3A_79 : vector<16xi32>
      %gather3A = tpu.vector_load_idx %arg10[%add3A_80] : memref<40960xf32, #tpu.memory_space<vmem>>[vector<16xi32>], vector<16xf32>,
      %mul3A_81 = arith.mulf %get3A_74, %gather3A : vector<16xf32>
      %swap3A_82 = arith.constant 0 : index
      %swap3A_83 = tpu.vector_load %arg13[%swap3A_82] {strides = array<i32>} : memref<128xf32, #tpu.memory_space<vmem>>, vector<16xf32>,
      tpu.vector_store %arg13[%swap3A_82], %mul3A_81 {strides = array<i32>} : memref<128xf32, #tpu.memory_space<vmem>>, vector<16xf32>,
      %add3A_84 = arith.constant 1 : i32
      %add3A_85 = vector.broadcast %add3A_84 : i32 to vector<16xi32>
      %add3A_86 = arith.addi %mul3A_77, %add3A_85 : vector<16xi32>
      %gather3A_87 = tpu.vector_load_idx %arg10[%add3A_86] : memref<40960xf32, #tpu.memory_space<vmem>>[vector<16xi32>], vector<16xf32>,
      %mul3A_88 = arith.mulf %get3A_74, %gather3A_87 : vector<16xf32>
      %swap3A_89 = arith.constant 0 : index
      %swap3A_90 = tpu.vector_load %arg14[%swap3A_89] {strides = array<i32>} : memref<128xf32, #tpu.memory_space<vmem>>, vector<16xf32>,
      tpu.vector_store %arg14[%swap3A_89], %mul3A_88 {strides = array<i32>} : memref<128xf32, #tpu.memory_space<vmem>>, vector<16xf32>,
      %add3A_91 = arith.constant 2 : i32
      %add3A_92 = vector.broadcast %add3A_91 : i32 to vector<16xi32>
      %add3A_93 = arith.addi %mul3A_77, %add3A_92 : vector<16xi32>
      %gather3A_94 = tpu.vector_load_idx %arg10[%add3A_93] : memref<40960xf32, #tpu.memory_space<vmem>>[vector<16xi32>], vector<16xf32>,
      %mul3A_95 = arith.mulf %get3A_74, %gather3A_94 : vector<16xf32>
      %swap3A_96 = arith.constant 0 : index
      %swap3A_97 = tpu.vector_load %arg15[%swap3A_96] {strides = array<i32>} : memref<128xf32, #tpu.memory_space<vmem>>, vector<16xf32>,
      tpu.vector_store %arg15[%swap3A_96], %mul3A_95 {strides = array<i32>} : memref<128xf32, #tpu.memory_space<vmem>>, vector<16xf32>,
      %add3A_98 = arith.constant 3 : i32
      %add3A_99 = vector.broadcast %add3A_98 : i32 to vector<16xi32>
      %add3A_100 = arith.addi %mul3A_77, %add3A_99 : vector<16xi32>
      %gather3A_101 = tpu.vector_load_idx %arg10[%add3A_100] : memref<40960xf32, #tpu.memory_space<vmem>>[vector<16xi32>], vector<16xf32>,
      %mul3A_102 = arith.mulf %get3A_74, %gather3A_101 : vector<16xf32>
      %swap3A_103 = arith.constant 0 : index
      %swap3A_104 = tpu.vector_load %arg16[%swap3A_103] {strides = array<i32>} : memref<128xf32, #tpu.memory_space<vmem>>, vector<16xf32>,
      tpu.vector_store %arg16[%swap3A_103], %mul3A_102 {strides = array<i32>} : memref<128xf32, #tpu.memory_space<vmem>>, vector<16xf32>,
      %add3A_105 = arith.constant 16 : i32
      %add3A_106 = arith.addi %mul3A_64, %add3A_105 : i32
      %get3A_107 = arith.index_cast %add3A_106 : i32 to index
      %get3A_108 = tpu.vector_load %arg7[%get3A_107] {strides = array<i32>} : memref<10240xi32, #tpu.memory_space<vmem>>, vector<16xi32>,
      %get3A_109 = arith.index_cast %add3A_106 : i32 to index
      %get3A_110 = tpu.vector_load %arg8[%get3A_109] {strides = array<i32>} : memref<10240xi32, #tpu.memory_space<vmem>>, vector<16xi32>,
      %swap3A_111 = arith.constant 16 : index
      %swap3A_112 = tpu.vector_load %arg11[%swap3A_111] {strides = array<i32>} : memref<128xi32, #tpu.memory_space<vmem>>, vector<16xi32>,
      tpu.vector_store %arg11[%swap3A_111], %get3A_110 {strides = array<i32>} : memref<128xi32, #tpu.memory_space<vmem>>, vector<16xi32>,
      %get3A_113 = arith.index_cast %add3A_106 : i32 to index
      %get3A_114 = tpu.vector_load %arg9[%get3A_113] {strides = array<i32>} : memref<10240xf32, #tpu.memory_space<vmem>>, vector<16xf32>,
      %mul3A_115 = arith.constant 4 : i32
      %mul3A_116 = vector.broadcast %mul3A_115 : i32 to vector<16xi32>
      %mul3A_117 = arith.muli %get3A_108, %mul3A_116 : vector<16xi32>
      %add3A_118 = arith.constant 0 : i32
      %add3A_119 = vector.broadcast %add3A_118 : i32 to vector<16xi32>
      %add3A_120 = arith.addi %mul3A_117, %add3A_119 : vector<16xi32>
      %gather3A_121 = tpu.vector_load_idx %arg10[%add3A_120] : memref<40960xf32, #tpu.memory_space<vmem>>[vector<16xi32>], vector<16xf32>,
      %mul3A_122 = arith.mulf %get3A_114, %gather3A_121 : vector<16xf32>
      %swap3A_123 = arith.constant 16 : index
      %swap3A_124 = tpu.vector_load %arg13[%swap3A_123] {strides = array<i32>} : memref<128xf32, #tpu.memory_space<vmem>>, vector<16xf32>,
      tpu.vector_store %arg13[%swap3A_123], %mul3A_122 {strides = array<i32>} : memref<128xf32, #tpu.memory_space<vmem>>, vector<16xf32>,
      %add3A_125 = arith.constant 1 : i32
      %add3A_126 = vector.broadcast %add3A_125 : i32 to vector<16xi32>
      %add3A_127 = arith.addi %mul3A_117, %add3A_126 : vector<16xi32>
      %gather3A_128 = tpu.vector_load_idx %arg10[%add3A_127] : memref<40960xf32, #tpu.memory_space<vmem>>[vector<16xi32>], vector<16xf32>,
      %mul3A_129 = arith.mulf %get3A_114, %gather3A_128 : vector<16xf32>
      %swap3A_130 = arith.constant 16 : index
      %swap3A_131 = tpu.vector_load %arg14[%swap3A_130] {strides = array<i32>} : memref<128xf32, #tpu.memory_space<vmem>>, vector<16xf32>,
      tpu.vector_store %arg14[%swap3A_130], %mul3A_129 {strides = array<i32>} : memref<128xf32, #tpu.memory_space<vmem>>, vector<16xf32>,
      %add3A_132 = arith.constant 2 : i32
      %add3A_133 = vector.broadcast %add3A_132 : i32 to vector<16xi32>
      %add3A_134 = arith.addi %mul3A_117, %add3A_133 : vector<16xi32>
      %gather3A_135 = tpu.vector_load_idx %arg10[%add3A_134] : memref<40960xf32, #tpu.memory_space<vmem>>[vector<16xi32>], vector<16xf32>,
      %mul3A_136 = arith.mulf %get3A_114, %gather3A_135 : vector<16xf32>
      %swap3A_137 = arith.constant 16 : index
      %swap3A_138 = tpu.vector_load %arg15[%swap3A_137] {strides = array<i32>} : memref<128xf32, #tpu.memory_space<vmem>>, vector<16xf32>,
      tpu.vector_store %arg15[%swap3A_137], %mul3A_136 {strides = array<i32>} : memref<128xf32, #tpu.memory_space<vmem>>, vector<16xf32>,
      %add3A_139 = arith.constant 3 : i32
      %add3A_140 = vector.broadcast %add3A_139 : i32 to vector<16xi32>
      %add3A_141 = arith.addi %mul3A_117, %add3A_140 : vector<16xi32>
      %gather3A_142 = tpu.vector_load_idx %arg10[%add3A_141] : memref<40960xf32, #tpu.memory_space<vmem>>[vector<16xi32>], vector<16xf32>,
      %mul3A_143 = arith.mulf %get3A_114, %gather3A_142 : vector<16xf32>
      %swap3A_144 = arith.constant 16 : index
      %swap3A_145 = tpu.vector_load %arg16[%swap3A_144] {strides = array<i32>} : memref<128xf32, #tpu.memory_space<vmem>>, vector<16xf32>,
      tpu.vector_store %arg16[%swap3A_144], %mul3A_143 {strides = array<i32>} : memref<128xf32, #tpu.memory_space<vmem>>, vector<16xf32>,
      %add3A_146 = arith.constant 32 : i32
      %add3A_147 = arith.addi %mul3A_64, %add3A_146 : i32
      %get3A_148 = arith.index_cast %add3A_147 : i32 to index
      %get3A_149 = tpu.vector_load %arg7[%get3A_148] {strides = array<i32>} : memref<10240xi32, #tpu.memory_space<vmem>>, vector<16xi32>,
      %get3A_150 = arith.index_cast %add3A_147 : i32 to index
      %get3A_151 = tpu.vector_load %arg8[%get3A_150] {strides = array<i32>} : memref<10240xi32, #tpu.memory_space<vmem>>, vector<16xi32>,
      %swap3A_152 = arith.constant 32 : index
      %swap3A_153 = tpu.vector_load %arg11[%swap3A_152] {strides = array<i32>} : memref<128xi32, #tpu.memory_space<vmem>>, vector<16xi32>,
      tpu.vector_store %arg11[%swap3A_152], %get3A_151 {strides = array<i32>} : memref<128xi32, #tpu.memory_space<vmem>>, vector<16xi32>,
      %get3A_154 = arith.index_cast %add3A_147 : i32 to index
      %get3A_155 = tpu.vector_load %arg9[%get3A_154] {strides = array<i32>} : memref<10240xf32, #tpu.memory_space<vmem>>, vector<16xf32>,
      %mul3A_156 = arith.constant 4 : i32
      %mul3A_157 = vector.broadcast %mul3A_156 : i32 to vector<16xi32>
      %mul3A_158 = arith.muli %get3A_149, %mul3A_157 : vector<16xi32>
      %add3A_159 = arith.constant 0 : i32
      %add3A_160 = vector.broadcast %add3A_159 : i32 to vector<16xi32>
      %add3A_161 = arith.addi %mul3A_158, %add3A_160 : vector<16xi32>
      %gather3A_162 = tpu.vector_load_idx %arg10[%add3A_161] : memref<40960xf32, #tpu.memory_space<vmem>>[vector<16xi32>], vector<16xf32>,
      %mul3A_163 = arith.mulf %get3A_155, %gather3A_162 : vector<16xf32>
      %swap3A_164 = arith.constant 32 : index
      %swap3A_165 = tpu.vector_load %arg13[%swap3A_164] {strides = array<i32>} : memref<128xf32, #tpu.memory_space<vmem>>, vector<16xf32>,
      tpu.vector_store %arg13[%swap3A_164], %mul3A_163 {strides = array<i32>} : memref<128xf32, #tpu.memory_space<vmem>>, vector<16xf32>,
      %add3A_166 = arith.constant 1 : i32
      %add3A_167 = vector.broadcast %add3A_166 : i32 to vector<16xi32>
      %add3A_168 = arith.addi %mul3A_158, %add3A_167 : vector<16xi32>
      %gather3A_169 = tpu.vector_load_idx %arg10[%add3A_168] : memref<40960xf32, #tpu.memory_space<vmem>>[vector<16xi32>], vector<16xf32>,
      %mul3A_170 = arith.mulf %get3A_155, %gather3A_169 : vector<16xf32>
      %swap3A_171 = arith.constant 32 : index
      %swap3A_172 = tpu.vector_load %arg14[%swap3A_171] {strides = array<i32>} : memref<128xf32, #tpu.memory_space<vmem>>, vector<16xf32>,
      tpu.vector_store %arg14[%swap3A_171], %mul3A_170 {strides = array<i32>} : memref<128xf32, #tpu.memory_space<vmem>>, vector<16xf32>,
      %add3A_173 = arith.constant 2 : i32
      %add3A_174 = vector.broadcast %add3A_173 : i32 to vector<16xi32>
      %add3A_175 = arith.addi %mul3A_158, %add3A_174 : vector<16xi32>
      %gather3A_176 = tpu.vector_load_idx %arg10[%add3A_175] : memref<40960xf32, #tpu.memory_space<vmem>>[vector<16xi32>], vector<16xf32>,
      %mul3A_177 = arith.mulf %get3A_155, %gather3A_176 : vector<16xf32>
      %swap3A_178 = arith.constant 32 : index
      %swap3A_179 = tpu.vector_load %arg15[%swap3A_178] {strides = array<i32>} : memref<128xf32, #tpu.memory_space<vmem>>, vector<16xf32>,
      tpu.vector_store %arg15[%swap3A_178], %mul3A_177 {strides = array<i32>} : memref<128xf32, #tpu.memory_space<vmem>>, vector<16xf32>,
      %add3A_180 = arith.constant 3 : i32
      %add3A_181 = vector.broadcast %add3A_180 : i32 to vector<16xi32>
      %add3A_182 = arith.addi %mul3A_158, %add3A_181 : vector<16xi32>
      %gather3A_183 = tpu.vector_load_idx %arg10[%add3A_182] : memref<40960xf32, #tpu.memory_space<vmem>>[vector<16xi32>], vector<16xf32>,
      %mul3A_184 = arith.mulf %get3A_155, %gather3A_183 : vector<16xf32>
      %swap3A_185 = arith.constant 32 : index
      %swap3A_186 = tpu.vector_load %arg16[%swap3A_185] {strides = array<i32>} : memref<128xf32, #tpu.memory_space<vmem>>, vector<16xf32>,
      tpu.vector_store %arg16[%swap3A_185], %mul3A_184 {strides = array<i32>} : memref<128xf32, #tpu.memory_space<vmem>>, vector<16xf32>,
      %add3A_187 = arith.constant 48 : i32
      %add3A_188 = arith.addi %mul3A_64, %add3A_187 : i32
      %get3A_189 = arith.index_cast %add3A_188 : i32 to index
      %get3A_190 = tpu.vector_load %arg7[%get3A_189] {strides = array<i32>} : memref<10240xi32, #tpu.memory_space<vmem>>, vector<16xi32>,
      %get3A_191 = arith.index_cast %add3A_188 : i32 to index
      %get3A_192 = tpu.vector_load %arg8[%get3A_191] {strides = array<i32>} : memref<10240xi32, #tpu.memory_space<vmem>>, vector<16xi32>,
      %swap3A_193 = arith.constant 48 : index
      %swap3A_194 = tpu.vector_load %arg11[%swap3A_193] {strides = array<i32>} : memref<128xi32, #tpu.memory_space<vmem>>, vector<16xi32>,
      tpu.vector_store %arg11[%swap3A_193], %get3A_192 {strides = array<i32>} : memref<128xi32, #tpu.memory_space<vmem>>, vector<16xi32>,
      %get3A_195 = arith.index_cast %add3A_188 : i32 to index
      %get3A_196 = tpu.vector_load %arg9[%get3A_195] {strides = array<i32>} : memref<10240xf32, #tpu.memory_space<vmem>>, vector<16xf32>,
      %mul3A_197 = arith.constant 4 : i32
      %mul3A_198 = vector.broadcast %mul3A_197 : i32 to vector<16xi32>
      %mul3A_199 = arith.muli %get3A_190, %mul3A_198 : vector<16xi32>
      %add3A_200 = arith.constant 0 : i32
      %add3A_201 = vector.broadcast %add3A_200 : i32 to vector<16xi32>
      %add3A_202 = arith.addi %mul3A_199, %add3A_201 : vector<16xi32>
      %gather3A_203 = tpu.vector_load_idx %arg10[%add3A_202] : memref<40960xf32, #tpu.memory_space<vmem>>[vector<16xi32>], vector<16xf32>,
      %mul3A_204 = arith.mulf %get3A_196, %gather3A_203 : vector<16xf32>
      %swap3A_205 = arith.constant 48 : index
      %swap3A_206 = tpu.vector_load %arg13[%swap3A_205] {strides = array<i32>} : memref<128xf32, #tpu.memory_space<vmem>>, vector<16xf32>,
      tpu.vector_store %arg13[%swap3A_205], %mul3A_204 {strides = array<i32>} : memref<128xf32, #tpu.memory_space<vmem>>, vector<16xf32>,
      %add3A_207 = arith.constant 1 : i32
      %add3A_208 = vector.broadcast %add3A_207 : i32 to vector<16xi32>
      %add3A_209 = arith.addi %mul3A_199, %add3A_208 : vector<16xi32>
      %gather3A_210 = tpu.vector_load_idx %arg10[%add3A_209] : memref<40960xf32, #tpu.memory_space<vmem>>[vector<16xi32>], vector<16xf32>,
      %mul3A_211 = arith.mulf %get3A_196, %gather3A_210 : vector<16xf32>
      %swap3A_212 = arith.constant 48 : index
      %swap3A_213 = tpu.vector_load %arg14[%swap3A_212] {strides = array<i32>} : memref<128xf32, #tpu.memory_space<vmem>>, vector<16xf32>,
      tpu.vector_store %arg14[%swap3A_212], %mul3A_211 {strides = array<i32>} : memref<128xf32, #tpu.memory_space<vmem>>, vector<16xf32>,
      %add3A_214 = arith.constant 2 : i32
      %add3A_215 = vector.broadcast %add3A_214 : i32 to vector<16xi32>
      %add3A_216 = arith.addi %mul3A_199, %add3A_215 : vector<16xi32>
      %gather3A_217 = tpu.vector_load_idx %arg10[%add3A_216] : memref<40960xf32, #tpu.memory_space<vmem>>[vector<16xi32>], vector<16xf32>,
      %mul3A_218 = arith.mulf %get3A_196, %gather3A_217 : vector<16xf32>
      %swap3A_219 = arith.constant 48 : index
      %swap3A_220 = tpu.vector_load %arg15[%swap3A_219] {strides = array<i32>} : memref<128xf32, #tpu.memory_space<vmem>>, vector<16xf32>,
      tpu.vector_store %arg15[%swap3A_219], %mul3A_218 {strides = array<i32>} : memref<128xf32, #tpu.memory_space<vmem>>, vector<16xf32>,
      %add3A_221 = arith.constant 3 : i32
      %add3A_222 = vector.broadcast %add3A_221 : i32 to vector<16xi32>
      %add3A_223 = arith.addi %mul3A_199, %add3A_222 : vector<16xi32>
      %gather3A_224 = tpu.vector_load_idx %arg10[%add3A_223] : memref<40960xf32, #tpu.memory_space<vmem>>[vector<16xi32>], vector<16xf32>,
      %mul3A_225 = arith.mulf %get3A_196, %gather3A_224 : vector<16xf32>
      %swap3A_226 = arith.constant 48 : index
      %swap3A_227 = tpu.vector_load %arg16[%swap3A_226] {strides = array<i32>} : memref<128xf32, #tpu.memory_space<vmem>>, vector<16xf32>,
      tpu.vector_store %arg16[%swap3A_226], %mul3A_225 {strides = array<i32>} : memref<128xf32, #tpu.memory_space<vmem>>, vector<16xf32>,
      %add3A_228 = arith.constant 64 : i32
      %add3A_229 = arith.addi %mul3A_64, %add3A_228 : i32
      %get3A_230 = arith.index_cast %add3A_229 : i32 to index
      %get3A_231 = tpu.vector_load %arg7[%get3A_230] {strides = array<i32>} : memref<10240xi32, #tpu.memory_space<vmem>>, vector<16xi32>,
      %get3A_232 = arith.index_cast %add3A_229 : i32 to index
      %get3A_233 = tpu.vector_load %arg8[%get3A_232] {strides = array<i32>} : memref<10240xi32, #tpu.memory_space<vmem>>, vector<16xi32>,
      %swap3A_234 = arith.constant 64 : index
      %swap3A_235 = tpu.vector_load %arg11[%swap3A_234] {strides = array<i32>} : memref<128xi32, #tpu.memory_space<vmem>>, vector<16xi32>,
      tpu.vector_store %arg11[%swap3A_234], %get3A_233 {strides = array<i32>} : memref<128xi32, #tpu.memory_space<vmem>>, vector<16xi32>,
      %get3A_236 = arith.index_cast %add3A_229 : i32 to index
      %get3A_237 = tpu.vector_load %arg9[%get3A_236] {strides = array<i32>} : memref<10240xf32, #tpu.memory_space<vmem>>, vector<16xf32>,
      %mul3A_238 = arith.constant 4 : i32
      %mul3A_239 = vector.broadcast %mul3A_238 : i32 to vector<16xi32>
      %mul3A_240 = arith.muli %get3A_231, %mul3A_239 : vector<16xi32>
      %add3A_241 = arith.constant 0 : i32
      %add3A_242 = vector.broadcast %add3A_241 : i32 to vector<16xi32>
      %add3A_243 = arith.addi %mul3A_240, %add3A_242 : vector<16xi32>
      %gather3A_244 = tpu.vector_load_idx %arg10[%add3A_243] : memref<40960xf32, #tpu.memory_space<vmem>>[vector<16xi32>], vector<16xf32>,
      %mul3A_245 = arith.mulf %get3A_237, %gather3A_244 : vector<16xf32>
      %swap3A_246 = arith.constant 64 : index
      %swap3A_247 = tpu.vector_load %arg13[%swap3A_246] {strides = array<i32>} : memref<128xf32, #tpu.memory_space<vmem>>, vector<16xf32>,
      tpu.vector_store %arg13[%swap3A_246], %mul3A_245 {strides = array<i32>} : memref<128xf32, #tpu.memory_space<vmem>>, vector<16xf32>,
      %add3A_248 = arith.constant 1 : i32
      %add3A_249 = vector.broadcast %add3A_248 : i32 to vector<16xi32>
      %add3A_250 = arith.addi %mul3A_240, %add3A_249 : vector<16xi32>
      %gather3A_251 = tpu.vector_load_idx %arg10[%add3A_250] : memref<40960xf32, #tpu.memory_space<vmem>>[vector<16xi32>], vector<16xf32>,
      %mul3A_252 = arith.mulf %get3A_237, %gather3A_251 : vector<16xf32>
      %swap3A_253 = arith.constant 64 : index
      %swap3A_254 = tpu.vector_load %arg14[%swap3A_253] {strides = array<i32>} : memref<128xf32, #tpu.memory_space<vmem>>, vector<16xf32>,
      tpu.vector_store %arg14[%swap3A_253], %mul3A_252 {strides = array<i32>} : memref<128xf32, #tpu.memory_space<vmem>>, vector<16xf32>,
      %add3A_255 = arith.constant 2 : i32
      %add3A_256 = vector.broadcast %add3A_255 : i32 to vector<16xi32>
      %add3A_257 = arith.addi %mul3A_240, %add3A_256 : vector<16xi32>
      %gather3A_258 = tpu.vector_load_idx %arg10[%add3A_257] : memref<40960xf32, #tpu.memory_space<vmem>>[vector<16xi32>], vector<16xf32>,
      %mul3A_259 = arith.mulf %get3A_237, %gather3A_258 : vector<16xf32>
      %swap3A_260 = arith.constant 64 : index
      %swap3A_261 = tpu.vector_load %arg15[%swap3A_260] {strides = array<i32>} : memref<128xf32, #tpu.memory_space<vmem>>, vector<16xf32>,
      tpu.vector_store %arg15[%swap3A_260], %mul3A_259 {strides = array<i32>} : memref<128xf32, #tpu.memory_space<vmem>>, vector<16xf32>,
      %add3A_262 = arith.constant 3 : i32
      %add3A_263 = vector.broadcast %add3A_262 : i32 to vector<16xi32>
      %add3A_264 = arith.addi %mul3A_240, %add3A_263 : vector<16xi32>
      %gather3A_265 = tpu.vector_load_idx %arg10[%add3A_264] : memref<40960xf32, #tpu.memory_space<vmem>>[vector<16xi32>], vector<16xf32>,
      %mul3A_266 = arith.mulf %get3A_237, %gather3A_265 : vector<16xf32>
      %swap3A_267 = arith.constant 64 : index
      %swap3A_268 = tpu.vector_load %arg16[%swap3A_267] {strides = array<i32>} : memref<128xf32, #tpu.memory_space<vmem>>, vector<16xf32>,
      tpu.vector_store %arg16[%swap3A_267], %mul3A_266 {strides = array<i32>} : memref<128xf32, #tpu.memory_space<vmem>>, vector<16xf32>,
      %add3A_269 = arith.constant 80 : i32
      %add3A_270 = arith.addi %mul3A_64, %add3A_269 : i32
      %get3A_271 = arith.index_cast %add3A_270 : i32 to index
      %get3A_272 = tpu.vector_load %arg7[%get3A_271] {strides = array<i32>} : memref<10240xi32, #tpu.memory_space<vmem>>, vector<16xi32>,
      %get3A_273 = arith.index_cast %add3A_270 : i32 to index
      %get3A_274 = tpu.vector_load %arg8[%get3A_273] {strides = array<i32>} : memref<10240xi32, #tpu.memory_space<vmem>>, vector<16xi32>,
      %swap3A_275 = arith.constant 80 : index
      %swap3A_276 = tpu.vector_load %arg11[%swap3A_275] {strides = array<i32>} : memref<128xi32, #tpu.memory_space<vmem>>, vector<16xi32>,
      tpu.vector_store %arg11[%swap3A_275], %get3A_274 {strides = array<i32>} : memref<128xi32, #tpu.memory_space<vmem>>, vector<16xi32>,
      %get3A_277 = arith.index_cast %add3A_270 : i32 to index
      %get3A_278 = tpu.vector_load %arg9[%get3A_277] {strides = array<i32>} : memref<10240xf32, #tpu.memory_space<vmem>>, vector<16xf32>,
      %mul3A_279 = arith.constant 4 : i32
      %mul3A_280 = vector.broadcast %mul3A_279 : i32 to vector<16xi32>
      %mul3A_281 = arith.muli %get3A_272, %mul3A_280 : vector<16xi32>
      %add3A_282 = arith.constant 0 : i32
      %add3A_283 = vector.broadcast %add3A_282 : i32 to vector<16xi32>
      %add3A_284 = arith.addi %mul3A_281, %add3A_283 : vector<16xi32>
      %gather3A_285 = tpu.vector_load_idx %arg10[%add3A_284] : memref<40960xf32, #tpu.memory_space<vmem>>[vector<16xi32>], vector<16xf32>,
      %mul3A_286 = arith.mulf %get3A_278, %gather3A_285 : vector<16xf32>
      %swap3A_287 = arith.constant 80 : index
      %swap3A_288 = tpu.vector_load %arg13[%swap3A_287] {strides = array<i32>} : memref<128xf32, #tpu.memory_space<vmem>>, vector<16xf32>,
      tpu.vector_store %arg13[%swap3A_287], %mul3A_286 {strides = array<i32>} : memref<128xf32, #tpu.memory_space<vmem>>, vector<16xf32>,
      %add3A_289 = arith.constant 1 : i32
      %add3A_290 = vector.broadcast %add3A_289 : i32 to vector<16xi32>
      %add3A_291 = arith.addi %mul3A_281, %add3A_290 : vector<16xi32>
      %gather3A_292 = tpu.vector_load_idx %arg10[%add3A_291] : memref<40960xf32, #tpu.memory_space<vmem>>[vector<16xi32>], vector<16xf32>,
      %mul3A_293 = arith.mulf %get3A_278, %gather3A_292 : vector<16xf32>
      %swap3A_294 = arith.constant 80 : index
      %swap3A_295 = tpu.vector_load %arg14[%swap3A_294] {strides = array<i32>} : memref<128xf32, #tpu.memory_space<vmem>>, vector<16xf32>,
      tpu.vector_store %arg14[%swap3A_294], %mul3A_293 {strides = array<i32>} : memref<128xf32, #tpu.memory_space<vmem>>, vector<16xf32>,
      %add3A_296 = arith.constant 2 : i32
      %add3A_297 = vector.broadcast %add3A_296 : i32 to vector<16xi32>
      %add3A_298 = arith.addi %mul3A_281, %add3A_297 : vector<16xi32>
      %gather3A_299 = tpu.vector_load_idx %arg10[%add3A_298] : memref<40960xf32, #tpu.memory_space<vmem>>[vector<16xi32>], vector<16xf32>,
      %mul3A_300 = arith.mulf %get3A_278, %gather3A_299 : vector<16xf32>
      %swap3A_301 = arith.constant 80 : index
      %swap3A_302 = tpu.vector_load %arg15[%swap3A_301] {strides = array<i32>} : memref<128xf32, #tpu.memory_space<vmem>>, vector<16xf32>,
      tpu.vector_store %arg15[%swap3A_301], %mul3A_300 {strides = array<i32>} : memref<128xf32, #tpu.memory_space<vmem>>, vector<16xf32>,
      %add3A_303 = arith.constant 3 : i32
      %add3A_304 = vector.broadcast %add3A_303 : i32 to vector<16xi32>
      %add3A_305 = arith.addi %mul3A_281, %add3A_304 : vector<16xi32>
      %gather3A_306 = tpu.vector_load_idx %arg10[%add3A_305] : memref<40960xf32, #tpu.memory_space<vmem>>[vector<16xi32>], vector<16xf32>,
      %mul3A_307 = arith.mulf %get3A_278, %gather3A_306 : vector<16xf32>
      %swap3A_308 = arith.constant 80 : index
      %swap3A_309 = tpu.vector_load %arg16[%swap3A_308] {strides = array<i32>} : memref<128xf32, #tpu.memory_space<vmem>>, vector<16xf32>,
      tpu.vector_store %arg16[%swap3A_308], %mul3A_307 {strides = array<i32>} : memref<128xf32, #tpu.memory_space<vmem>>, vector<16xf32>,
      %add3A_310 = arith.constant 96 : i32
      %add3A_311 = arith.addi %mul3A_64, %add3A_310 : i32
      %get3A_312 = arith.index_cast %add3A_311 : i32 to index
      %get3A_313 = tpu.vector_load %arg7[%get3A_312] {strides = array<i32>} : memref<10240xi32, #tpu.memory_space<vmem>>, vector<16xi32>,
      %get3A_314 = arith.index_cast %add3A_311 : i32 to index
      %get3A_315 = tpu.vector_load %arg8[%get3A_314] {strides = array<i32>} : memref<10240xi32, #tpu.memory_space<vmem>>, vector<16xi32>,
      %swap3A_316 = arith.constant 96 : index
      %swap3A_317 = tpu.vector_load %arg11[%swap3A_316] {strides = array<i32>} : memref<128xi32, #tpu.memory_space<vmem>>, vector<16xi32>,
      tpu.vector_store %arg11[%swap3A_316], %get3A_315 {strides = array<i32>} : memref<128xi32, #tpu.memory_space<vmem>>, vector<16xi32>,
      %get3A_318 = arith.index_cast %add3A_311 : i32 to index
      %get3A_319 = tpu.vector_load %arg9[%get3A_318] {strides = array<i32>} : memref<10240xf32, #tpu.memory_space<vmem>>, vector<16xf32>,
      %mul3A_320 = arith.constant 4 : i32
      %mul3A_321 = vector.broadcast %mul3A_320 : i32 to vector<16xi32>
      %mul3A_322 = arith.muli %get3A_313, %mul3A_321 : vector<16xi32>
      %add3A_323 = arith.constant 0 : i32
      %add3A_324 = vector.broadcast %add3A_323 : i32 to vector<16xi32>
      %add3A_325 = arith.addi %mul3A_322, %add3A_324 : vector<16xi32>
      %gather3A_326 = tpu.vector_load_idx %arg10[%add3A_325] : memref<40960xf32, #tpu.memory_space<vmem>>[vector<16xi32>], vector<16xf32>,
      %mul3A_327 = arith.mulf %get3A_319, %gather3A_326 : vector<16xf32>
      %swap3A_328 = arith.constant 96 : index
      %swap3A_329 = tpu.vector_load %arg13[%swap3A_328] {strides = array<i32>} : memref<128xf32, #tpu.memory_space<vmem>>, vector<16xf32>,
      tpu.vector_store %arg13[%swap3A_328], %mul3A_327 {strides = array<i32>} : memref<128xf32, #tpu.memory_space<vmem>>, vector<16xf32>,
      %add3A_330 = arith.constant 1 : i32
      %add3A_331 = vector.broadcast %add3A_330 : i32 to vector<16xi32>
      %add3A_332 = arith.addi %mul3A_322, %add3A_331 : vector<16xi32>
      %gather3A_333 = tpu.vector_load_idx %arg10[%add3A_332] : memref<40960xf32, #tpu.memory_space<vmem>>[vector<16xi32>], vector<16xf32>,
      %mul3A_334 = arith.mulf %get3A_319, %gather3A_333 : vector<16xf32>
      %swap3A_335 = arith.constant 96 : index
      %swap3A_336 = tpu.vector_load %arg14[%swap3A_335] {strides = array<i32>} : memref<128xf32, #tpu.memory_space<vmem>>, vector<16xf32>,
      tpu.vector_store %arg14[%swap3A_335], %mul3A_334 {strides = array<i32>} : memref<128xf32, #tpu.memory_space<vmem>>, vector<16xf32>,
      %add3A_337 = arith.constant 2 : i32
      %add3A_338 = vector.broadcast %add3A_337 : i32 to vector<16xi32>
      %add3A_339 = arith.addi %mul3A_322, %add3A_338 : vector<16xi32>
      %gather3A_340 = tpu.vector_load_idx %arg10[%add3A_339] : memref<40960xf32, #tpu.memory_space<vmem>>[vector<16xi32>], vector<16xf32>,
      %mul3A_341 = arith.mulf %get3A_319, %gather3A_340 : vector<16xf32>
      %swap3A_342 = arith.constant 96 : index
      %swap3A_343 = tpu.vector_load %arg15[%swap3A_342] {strides = array<i32>} : memref<128xf32, #tpu.memory_space<vmem>>, vector<16xf32>,
      tpu.vector_store %arg15[%swap3A_342], %mul3A_341 {strides = array<i32>} : memref<128xf32, #tpu.memory_space<vmem>>, vector<16xf32>,
      %add3A_344 = arith.constant 3 : i32
      %add3A_345 = vector.broadcast %add3A_344 : i32 to vector<16xi32>
      %add3A_346 = arith.addi %mul3A_322, %add3A_345 : vector<16xi32>
      %gather3A_347 = tpu.vector_load_idx %arg10[%add3A_346] : memref<40960xf32, #tpu.memory_space<vmem>>[vector<16xi32>], vector<16xf32>,
      %mul3A_348 = arith.mulf %get3A_319, %gather3A_347 : vector<16xf32>
      %swap3A_349 = arith.constant 96 : index
      %swap3A_350 = tpu.vector_load %arg16[%swap3A_349] {strides = array<i32>} : memref<128xf32, #tpu.memory_space<vmem>>, vector<16xf32>,
      tpu.vector_store %arg16[%swap3A_349], %mul3A_348 {strides = array<i32>} : memref<128xf32, #tpu.memory_space<vmem>>, vector<16xf32>,
      %add3A_351 = arith.constant 112 : i32
      %add3A_352 = arith.addi %mul3A_64, %add3A_351 : i32
      %get3A_353 = arith.index_cast %add3A_352 : i32 to index
      %get3A_354 = tpu.vector_load %arg7[%get3A_353] {strides = array<i32>} : memref<10240xi32, #tpu.memory_space<vmem>>, vector<16xi32>,
      %get3A_355 = arith.index_cast %add3A_352 : i32 to index
      %get3A_356 = tpu.vector_load %arg8[%get3A_355] {strides = array<i32>} : memref<10240xi32, #tpu.memory_space<vmem>>, vector<16xi32>,
      %swap3A_357 = arith.constant 112 : index
      %swap3A_358 = tpu.vector_load %arg11[%swap3A_357] {strides = array<i32>} : memref<128xi32, #tpu.memory_space<vmem>>, vector<16xi32>,
      tpu.vector_store %arg11[%swap3A_357], %get3A_356 {strides = array<i32>} : memref<128xi32, #tpu.memory_space<vmem>>, vector<16xi32>,
      %get3A_359 = arith.index_cast %add3A_352 : i32 to index
      %get3A_360 = tpu.vector_load %arg9[%get3A_359] {strides = array<i32>} : memref<10240xf32, #tpu.memory_space<vmem>>, vector<16xf32>,
      %mul3A_361 = arith.constant 4 : i32
      %mul3A_362 = vector.broadcast %mul3A_361 : i32 to vector<16xi32>
      %mul3A_363 = arith.muli %get3A_354, %mul3A_362 : vector<16xi32>
      %add3A_364 = arith.constant 0 : i32
      %add3A_365 = vector.broadcast %add3A_364 : i32 to vector<16xi32>
      %add3A_366 = arith.addi %mul3A_363, %add3A_365 : vector<16xi32>
      %gather3A_367 = tpu.vector_load_idx %arg10[%add3A_366] : memref<40960xf32, #tpu.memory_space<vmem>>[vector<16xi32>], vector<16xf32>,
      %mul3A_368 = arith.mulf %get3A_360, %gather3A_367 : vector<16xf32>
      %swap3A_369 = arith.constant 112 : index
      %swap3A_370 = tpu.vector_load %arg13[%swap3A_369] {strides = array<i32>} : memref<128xf32, #tpu.memory_space<vmem>>, vector<16xf32>,
      tpu.vector_store %arg13[%swap3A_369], %mul3A_368 {strides = array<i32>} : memref<128xf32, #tpu.memory_space<vmem>>, vector<16xf32>,
      %add3A_371 = arith.constant 1 : i32
      %add3A_372 = vector.broadcast %add3A_371 : i32 to vector<16xi32>
      %add3A_373 = arith.addi %mul3A_363, %add3A_372 : vector<16xi32>
      %gather3A_374 = tpu.vector_load_idx %arg10[%add3A_373] : memref<40960xf32, #tpu.memory_space<vmem>>[vector<16xi32>], vector<16xf32>,
      %mul3A_375 = arith.mulf %get3A_360, %gather3A_374 : vector<16xf32>
      %swap3A_376 = arith.constant 112 : index
      %swap3A_377 = tpu.vector_load %arg14[%swap3A_376] {strides = array<i32>} : memref<128xf32, #tpu.memory_space<vmem>>, vector<16xf32>,
      tpu.vector_store %arg14[%swap3A_376], %mul3A_375 {strides = array<i32>} : memref<128xf32, #tpu.memory_space<vmem>>, vector<16xf32>,
      %add3A_378 = arith.constant 2 : i32
      %add3A_379 = vector.broadcast %add3A_378 : i32 to vector<16xi32>
      %add3A_380 = arith.addi %mul3A_363, %add3A_379 : vector<16xi32>
      %gather3A_381 = tpu.vector_load_idx %arg10[%add3A_380] : memref<40960xf32, #tpu.memory_space<vmem>>[vector<16xi32>], vector<16xf32>,
      %mul3A_382 = arith.mulf %get3A_360, %gather3A_381 : vector<16xf32>
      %swap3A_383 = arith.constant 112 : index
      %swap3A_384 = tpu.vector_load %arg15[%swap3A_383] {strides = array<i32>} : memref<128xf32, #tpu.memory_space<vmem>>, vector<16xf32>,
      tpu.vector_store %arg15[%swap3A_383], %mul3A_382 {strides = array<i32>} : memref<128xf32, #tpu.memory_space<vmem>>, vector<16xf32>,
      %add3A_385 = arith.constant 3 : i32
      %add3A_386 = vector.broadcast %add3A_385 : i32 to vector<16xi32>
      %add3A_387 = arith.addi %mul3A_363, %add3A_386 : vector<16xi32>
      %gather3A_388 = tpu.vector_load_idx %arg10[%add3A_387] : memref<40960xf32, #tpu.memory_space<vmem>>[vector<16xi32>], vector<16xf32>,
      %mul3A_389 = arith.mulf %get3A_360, %gather3A_388 : vector<16xf32>
      %swap3A_390 = arith.constant 112 : index
      %swap3A_391 = tpu.vector_load %arg16[%swap3A_390] {strides = array<i32>} : memref<128xf32, #tpu.memory_space<vmem>>, vector<16xf32>,
      tpu.vector_store %arg16[%swap3A_390], %mul3A_389 {strides = array<i32>} : memref<128xf32, #tpu.memory_space<vmem>>, vector<16xf32>,
      %dma_start3A = arith.constant 0 : i32
      %dma_start3A_392 = tpu.memref_slice %arg22[%dma_start3A] : memref<10240xf32, #tpu.memory_space<vmem_shared>> -> memref<10240xf32, #tpu.memory_space<vmem_shared>>
      tpu.enqueue_indirect_dma source(%arg13 : memref<128xf32, #tpu.memory_space<vmem>>) target(%dma_start3A_392 : memref<10240xf32, #tpu.memory_space<vmem_shared>>) offsets(%arg11 : memref<128xi32, #tpu.memory_space<vmem>>) semaphore(%arg26 : memref<!tpu.dma_semaphore, #tpu.memory_space<semaphore_mem>>) {add = true}
      %dma_start3A_393 = arith.constant 0 : i32
      %dma_start3A_394 = tpu.memref_slice %arg23[%dma_start3A_393] : memref<10240xf32, #tpu.memory_space<vmem_shared>> -> memref<10240xf32, #tpu.memory_space<vmem_shared>>
      tpu.enqueue_indirect_dma source(%arg14 : memref<128xf32, #tpu.memory_space<vmem>>) target(%dma_start3A_394 : memref<10240xf32, #tpu.memory_space<vmem_shared>>) offsets(%arg11 : memref<128xi32, #tpu.memory_space<vmem>>) semaphore(%arg26 : memref<!tpu.dma_semaphore, #tpu.memory_space<semaphore_mem>>) {add = true}
      %dma_start3A_395 = arith.constant 0 : i32
      %dma_start3A_396 = tpu.memref_slice %arg24[%dma_start3A_395] : memref<10240xf32, #tpu.memory_space<vmem_shared>> -> memref<10240xf32, #tpu.memory_space<vmem_shared>>
      tpu.enqueue_indirect_dma source(%arg15 : memref<128xf32, #tpu.memory_space<vmem>>) target(%dma_start3A_396 : memref<10240xf32, #tpu.memory_space<vmem_shared>>) offsets(%arg11 : memref<128xi32, #tpu.memory_space<vmem>>) semaphore(%arg26 : memref<!tpu.dma_semaphore, #tpu.memory_space<semaphore_mem>>) {add = true}
      %dma_start3A_397 = arith.constant 0 : i32
      %dma_start3A_398 = tpu.memref_slice %arg25[%dma_start3A_397] : memref<10240xf32, #tpu.memory_space<vmem_shared>> -> memref<10240xf32, #tpu.memory_space<vmem_shared>>
      tpu.enqueue_indirect_dma source(%arg16 : memref<128xf32, #tpu.memory_space<vmem>>) target(%dma_start3A_398 : memref<10240xf32, #tpu.memory_space<vmem_shared>>) offsets(%arg11 : memref<128xi32, #tpu.memory_space<vmem>>) semaphore(%arg26 : memref<!tpu.dma_semaphore, #tpu.memory_space<semaphore_mem>>) {add = true}
      %mul3A_399 = arith.constant 2 : i32
      %mul3A_400 = arith.muli %scan3A_57, %mul3A_399 : i32
      %add3A_401 = arith.constant 1 : i32
      %add3A_402 = arith.addi %mul3A_400, %add3A_401 : i32
      %mul3A_403 = arith.constant 128 : i32
      %mul3A_404 = arith.muli %add3A_402, %mul3A_403 : i32
      %gt3A_405 = arith.constant 0 : i32
      %gt3A_406 = arith.cmpi sgt, %scan3A_57, %gt3A_405 : i32
      %convert_element_type3A_407 = arith.extui %gt3A_406 : i1 to i32
      %cond3A_408 = arith.constant 0 : i32
      %cond3A_409 = arith.cmpi ne, %convert_element_type3A_407, %cond3A_408 : i32
      scf.if %cond3A_409 {
        %dma_wait3A_747 = arith.constant 0 : i32
        %dma_wait3A_748 = tpu.memref_slice %arg22[%dma_wait3A_747] : memref<10240xf32, #tpu.memory_space<vmem_shared>> -> memref<10240xf32, #tpu.memory_space<vmem_shared>>
        tpu.wait_indirect_dma semaphore(%arg27 : memref<!tpu.dma_semaphore, #tpu.memory_space<semaphore_mem>>) src(%arg17 : memref<128xf32, #tpu.memory_space<vmem>>) dst(%dma_wait3A_748 : memref<10240xf32, #tpu.memory_space<vmem_shared>>)
        %dma_wait3A_749 = arith.constant 0 : i32
        %dma_wait3A_750 = tpu.memref_slice %arg23[%dma_wait3A_749] : memref<10240xf32, #tpu.memory_space<vmem_shared>> -> memref<10240xf32, #tpu.memory_space<vmem_shared>>
        tpu.wait_indirect_dma semaphore(%arg27 : memref<!tpu.dma_semaphore, #tpu.memory_space<semaphore_mem>>) src(%arg18 : memref<128xf32, #tpu.memory_space<vmem>>) dst(%dma_wait3A_750 : memref<10240xf32, #tpu.memory_space<vmem_shared>>)
        %dma_wait3A_751 = arith.constant 0 : i32
        %dma_wait3A_752 = tpu.memref_slice %arg24[%dma_wait3A_751] : memref<10240xf32, #tpu.memory_space<vmem_shared>> -> memref<10240xf32, #tpu.memory_space<vmem_shared>>
        tpu.wait_indirect_dma semaphore(%arg27 : memref<!tpu.dma_semaphore, #tpu.memory_space<semaphore_mem>>) src(%arg19 : memref<128xf32, #tpu.memory_space<vmem>>) dst(%dma_wait3A_752 : memref<10240xf32, #tpu.memory_space<vmem_shared>>)
        %dma_wait3A_753 = arith.constant 0 : i32
        %dma_wait3A_754 = tpu.memref_slice %arg25[%dma_wait3A_753] : memref<10240xf32, #tpu.memory_space<vmem_shared>> -> memref<10240xf32, #tpu.memory_space<vmem_shared>>
        tpu.wait_indirect_dma semaphore(%arg27 : memref<!tpu.dma_semaphore, #tpu.memory_space<semaphore_mem>>) src(%arg20 : memref<128xf32, #tpu.memory_space<vmem>>) dst(%dma_wait3A_754 : memref<10240xf32, #tpu.memory_space<vmem_shared>>)
      } else {
      }
      %add3A_410 = arith.constant 0 : i32
      %add3A_411 = arith.addi %mul3A_404, %add3A_410 : i32
      %get3A_412 = arith.index_cast %add3A_411 : i32 to index
      %get3A_413 = tpu.vector_load %arg7[%get3A_412] {strides = array<i32>} : memref<10240xi32, #tpu.memory_space<vmem>>, vector<16xi32>,
      %get3A_414 = arith.index_cast %add3A_411 : i32 to index
      %get3A_415 = tpu.vector_load %arg8[%get3A_414] {strides = array<i32>} : memref<10240xi32, #tpu.memory_space<vmem>>, vector<16xi32>,
      %swap3A_416 = arith.constant 0 : index
      %swap3A_417 = tpu.vector_load %arg12[%swap3A_416] {strides = array<i32>} : memref<128xi32, #tpu.memory_space<vmem>>, vector<16xi32>,
      tpu.vector_store %arg12[%swap3A_416], %get3A_415 {strides = array<i32>} : memref<128xi32, #tpu.memory_space<vmem>>, vector<16xi32>,
      %get3A_418 = arith.index_cast %add3A_411 : i32 to index
      %get3A_419 = tpu.vector_load %arg9[%get3A_418] {strides = array<i32>} : memref<10240xf32, #tpu.memory_space<vmem>>, vector<16xf32>,
      %mul3A_420 = arith.constant 4 : i32
      %mul3A_421 = vector.broadcast %mul3A_420 : i32 to vector<16xi32>
      %mul3A_422 = arith.muli %get3A_413, %mul3A_421 : vector<16xi32>
      %add3A_423 = arith.constant 0 : i32
      %add3A_424 = vector.broadcast %add3A_423 : i32 to vector<16xi32>
      %add3A_425 = arith.addi %mul3A_422, %add3A_424 : vector<16xi32>
      %gather3A_426 = tpu.vector_load_idx %arg10[%add3A_425] : memref<40960xf32, #tpu.memory_space<vmem>>[vector<16xi32>], vector<16xf32>,
      %mul3A_427 = arith.mulf %get3A_419, %gather3A_426 : vector<16xf32>
      %swap3A_428 = arith.constant 0 : index
      %swap3A_429 = tpu.vector_load %arg17[%swap3A_428] {strides = array<i32>} : memref<128xf32, #tpu.memory_space<vmem>>, vector<16xf32>,
      tpu.vector_store %arg17[%swap3A_428], %mul3A_427 {strides = array<i32>} : memref<128xf32, #tpu.memory_space<vmem>>, vector<16xf32>,
      %add3A_430 = arith.constant 1 : i32
      %add3A_431 = vector.broadcast %add3A_430 : i32 to vector<16xi32>
      %add3A_432 = arith.addi %mul3A_422, %add3A_431 : vector<16xi32>
      %gather3A_433 = tpu.vector_load_idx %arg10[%add3A_432] : memref<40960xf32, #tpu.memory_space<vmem>>[vector<16xi32>], vector<16xf32>,
      %mul3A_434 = arith.mulf %get3A_419, %gather3A_433 : vector<16xf32>
      %swap3A_435 = arith.constant 0 : index
      %swap3A_436 = tpu.vector_load %arg18[%swap3A_435] {strides = array<i32>} : memref<128xf32, #tpu.memory_space<vmem>>, vector<16xf32>,
      tpu.vector_store %arg18[%swap3A_435], %mul3A_434 {strides = array<i32>} : memref<128xf32, #tpu.memory_space<vmem>>, vector<16xf32>,
      %add3A_437 = arith.constant 2 : i32
      %add3A_438 = vector.broadcast %add3A_437 : i32 to vector<16xi32>
      %add3A_439 = arith.addi %mul3A_422, %add3A_438 : vector<16xi32>
      %gather3A_440 = tpu.vector_load_idx %arg10[%add3A_439] : memref<40960xf32, #tpu.memory_space<vmem>>[vector<16xi32>], vector<16xf32>,
      %mul3A_441 = arith.mulf %get3A_419, %gather3A_440 : vector<16xf32>
      %swap3A_442 = arith.constant 0 : index
      %swap3A_443 = tpu.vector_load %arg19[%swap3A_442] {strides = array<i32>} : memref<128xf32, #tpu.memory_space<vmem>>, vector<16xf32>,
      tpu.vector_store %arg19[%swap3A_442], %mul3A_441 {strides = array<i32>} : memref<128xf32, #tpu.memory_space<vmem>>, vector<16xf32>,
      %add3A_444 = arith.constant 3 : i32
      %add3A_445 = vector.broadcast %add3A_444 : i32 to vector<16xi32>
      %add3A_446 = arith.addi %mul3A_422, %add3A_445 : vector<16xi32>
      %gather3A_447 = tpu.vector_load_idx %arg10[%add3A_446] : memref<40960xf32, #tpu.memory_space<vmem>>[vector<16xi32>], vector<16xf32>,
      %mul3A_448 = arith.mulf %get3A_419, %gather3A_447 : vector<16xf32>
      %swap3A_449 = arith.constant 0 : index
      %swap3A_450 = tpu.vector_load %arg20[%swap3A_449] {strides = array<i32>} : memref<128xf32, #tpu.memory_space<vmem>>, vector<16xf32>,
      tpu.vector_store %arg20[%swap3A_449], %mul3A_448 {strides = array<i32>} : memref<128xf32, #tpu.memory_space<vmem>>, vector<16xf32>,
      %add3A_451 = arith.constant 16 : i32
      %add3A_452 = arith.addi %mul3A_404, %add3A_451 : i32
      %get3A_453 = arith.index_cast %add3A_452 : i32 to index
      %get3A_454 = tpu.vector_load %arg7[%get3A_453] {strides = array<i32>} : memref<10240xi32, #tpu.memory_space<vmem>>, vector<16xi32>,
      %get3A_455 = arith.index_cast %add3A_452 : i32 to index
      %get3A_456 = tpu.vector_load %arg8[%get3A_455] {strides = array<i32>} : memref<10240xi32, #tpu.memory_space<vmem>>, vector<16xi32>,
      %swap3A_457 = arith.constant 16 : index
      %swap3A_458 = tpu.vector_load %arg12[%swap3A_457] {strides = array<i32>} : memref<128xi32, #tpu.memory_space<vmem>>, vector<16xi32>,
      tpu.vector_store %arg12[%swap3A_457], %get3A_456 {strides = array<i32>} : memref<128xi32, #tpu.memory_space<vmem>>, vector<16xi32>,
      %get3A_459 = arith.index_cast %add3A_452 : i32 to index
      %get3A_460 = tpu.vector_load %arg9[%get3A_459] {strides = array<i32>} : memref<10240xf32, #tpu.memory_space<vmem>>, vector<16xf32>,
      %mul3A_461 = arith.constant 4 : i32
      %mul3A_462 = vector.broadcast %mul3A_461 : i32 to vector<16xi32>
      %mul3A_463 = arith.muli %get3A_454, %mul3A_462 : vector<16xi32>
      %add3A_464 = arith.constant 0 : i32
      %add3A_465 = vector.broadcast %add3A_464 : i32 to vector<16xi32>
      %add3A_466 = arith.addi %mul3A_463, %add3A_465 : vector<16xi32>
      %gather3A_467 = tpu.vector_load_idx %arg10[%add3A_466] : memref<40960xf32, #tpu.memory_space<vmem>>[vector<16xi32>], vector<16xf32>,
      %mul3A_468 = arith.mulf %get3A_460, %gather3A_467 : vector<16xf32>
      %swap3A_469 = arith.constant 16 : index
      %swap3A_470 = tpu.vector_load %arg17[%swap3A_469] {strides = array<i32>} : memref<128xf32, #tpu.memory_space<vmem>>, vector<16xf32>,
      tpu.vector_store %arg17[%swap3A_469], %mul3A_468 {strides = array<i32>} : memref<128xf32, #tpu.memory_space<vmem>>, vector<16xf32>,
      %add3A_471 = arith.constant 1 : i32
      %add3A_472 = vector.broadcast %add3A_471 : i32 to vector<16xi32>
      %add3A_473 = arith.addi %mul3A_463, %add3A_472 : vector<16xi32>
      %gather3A_474 = tpu.vector_load_idx %arg10[%add3A_473] : memref<40960xf32, #tpu.memory_space<vmem>>[vector<16xi32>], vector<16xf32>,
      %mul3A_475 = arith.mulf %get3A_460, %gather3A_474 : vector<16xf32>
      %swap3A_476 = arith.constant 16 : index
      %swap3A_477 = tpu.vector_load %arg18[%swap3A_476] {strides = array<i32>} : memref<128xf32, #tpu.memory_space<vmem>>, vector<16xf32>,
      tpu.vector_store %arg18[%swap3A_476], %mul3A_475 {strides = array<i32>} : memref<128xf32, #tpu.memory_space<vmem>>, vector<16xf32>,
      %add3A_478 = arith.constant 2 : i32
      %add3A_479 = vector.broadcast %add3A_478 : i32 to vector<16xi32>
      %add3A_480 = arith.addi %mul3A_463, %add3A_479 : vector<16xi32>
      %gather3A_481 = tpu.vector_load_idx %arg10[%add3A_480] : memref<40960xf32, #tpu.memory_space<vmem>>[vector<16xi32>], vector<16xf32>,
      %mul3A_482 = arith.mulf %get3A_460, %gather3A_481 : vector<16xf32>
      %swap3A_483 = arith.constant 16 : index
      %swap3A_484 = tpu.vector_load %arg19[%swap3A_483] {strides = array<i32>} : memref<128xf32, #tpu.memory_space<vmem>>, vector<16xf32>,
      tpu.vector_store %arg19[%swap3A_483], %mul3A_482 {strides = array<i32>} : memref<128xf32, #tpu.memory_space<vmem>>, vector<16xf32>,
      %add3A_485 = arith.constant 3 : i32
      %add3A_486 = vector.broadcast %add3A_485 : i32 to vector<16xi32>
      %add3A_487 = arith.addi %mul3A_463, %add3A_486 : vector<16xi32>
      %gather3A_488 = tpu.vector_load_idx %arg10[%add3A_487] : memref<40960xf32, #tpu.memory_space<vmem>>[vector<16xi32>], vector<16xf32>,
      %mul3A_489 = arith.mulf %get3A_460, %gather3A_488 : vector<16xf32>
      %swap3A_490 = arith.constant 16 : index
      %swap3A_491 = tpu.vector_load %arg20[%swap3A_490] {strides = array<i32>} : memref<128xf32, #tpu.memory_space<vmem>>, vector<16xf32>,
      tpu.vector_store %arg20[%swap3A_490], %mul3A_489 {strides = array<i32>} : memref<128xf32, #tpu.memory_space<vmem>>, vector<16xf32>,
      %add3A_492 = arith.constant 32 : i32
      %add3A_493 = arith.addi %mul3A_404, %add3A_492 : i32
      %get3A_494 = arith.index_cast %add3A_493 : i32 to index
      %get3A_495 = tpu.vector_load %arg7[%get3A_494] {strides = array<i32>} : memref<10240xi32, #tpu.memory_space<vmem>>, vector<16xi32>,
      %get3A_496 = arith.index_cast %add3A_493 : i32 to index
      %get3A_497 = tpu.vector_load %arg8[%get3A_496] {strides = array<i32>} : memref<10240xi32, #tpu.memory_space<vmem>>, vector<16xi32>,
      %swap3A_498 = arith.constant 32 : index
      %swap3A_499 = tpu.vector_load %arg12[%swap3A_498] {strides = array<i32>} : memref<128xi32, #tpu.memory_space<vmem>>, vector<16xi32>,
      tpu.vector_store %arg12[%swap3A_498], %get3A_497 {strides = array<i32>} : memref<128xi32, #tpu.memory_space<vmem>>, vector<16xi32>,
      %get3A_500 = arith.index_cast %add3A_493 : i32 to index
      %get3A_501 = tpu.vector_load %arg9[%get3A_500] {strides = array<i32>} : memref<10240xf32, #tpu.memory_space<vmem>>, vector<16xf32>,
      %mul3A_502 = arith.constant 4 : i32
      %mul3A_503 = vector.broadcast %mul3A_502 : i32 to vector<16xi32>
      %mul3A_504 = arith.muli %get3A_495, %mul3A_503 : vector<16xi32>
      %add3A_505 = arith.constant 0 : i32
      %add3A_506 = vector.broadcast %add3A_505 : i32 to vector<16xi32>
      %add3A_507 = arith.addi %mul3A_504, %add3A_506 : vector<16xi32>
      %gather3A_508 = tpu.vector_load_idx %arg10[%add3A_507] : memref<40960xf32, #tpu.memory_space<vmem>>[vector<16xi32>], vector<16xf32>,
      %mul3A_509 = arith.mulf %get3A_501, %gather3A_508 : vector<16xf32>
      %swap3A_510 = arith.constant 32 : index
      %swap3A_511 = tpu.vector_load %arg17[%swap3A_510] {strides = array<i32>} : memref<128xf32, #tpu.memory_space<vmem>>, vector<16xf32>,
      tpu.vector_store %arg17[%swap3A_510], %mul3A_509 {strides = array<i32>} : memref<128xf32, #tpu.memory_space<vmem>>, vector<16xf32>,
      %add3A_512 = arith.constant 1 : i32
      %add3A_513 = vector.broadcast %add3A_512 : i32 to vector<16xi32>
      %add3A_514 = arith.addi %mul3A_504, %add3A_513 : vector<16xi32>
      %gather3A_515 = tpu.vector_load_idx %arg10[%add3A_514] : memref<40960xf32, #tpu.memory_space<vmem>>[vector<16xi32>], vector<16xf32>,
      %mul3A_516 = arith.mulf %get3A_501, %gather3A_515 : vector<16xf32>
      %swap3A_517 = arith.constant 32 : index
      %swap3A_518 = tpu.vector_load %arg18[%swap3A_517] {strides = array<i32>} : memref<128xf32, #tpu.memory_space<vmem>>, vector<16xf32>,
      tpu.vector_store %arg18[%swap3A_517], %mul3A_516 {strides = array<i32>} : memref<128xf32, #tpu.memory_space<vmem>>, vector<16xf32>,
      %add3A_519 = arith.constant 2 : i32
      %add3A_520 = vector.broadcast %add3A_519 : i32 to vector<16xi32>
      %add3A_521 = arith.addi %mul3A_504, %add3A_520 : vector<16xi32>
      %gather3A_522 = tpu.vector_load_idx %arg10[%add3A_521] : memref<40960xf32, #tpu.memory_space<vmem>>[vector<16xi32>], vector<16xf32>,
      %mul3A_523 = arith.mulf %get3A_501, %gather3A_522 : vector<16xf32>
      %swap3A_524 = arith.constant 32 : index
      %swap3A_525 = tpu.vector_load %arg19[%swap3A_524] {strides = array<i32>} : memref<128xf32, #tpu.memory_space<vmem>>, vector<16xf32>,
      tpu.vector_store %arg19[%swap3A_524], %mul3A_523 {strides = array<i32>} : memref<128xf32, #tpu.memory_space<vmem>>, vector<16xf32>,
      %add3A_526 = arith.constant 3 : i32
      %add3A_527 = vector.broadcast %add3A_526 : i32 to vector<16xi32>
      %add3A_528 = arith.addi %mul3A_504, %add3A_527 : vector<16xi32>
      %gather3A_529 = tpu.vector_load_idx %arg10[%add3A_528] : memref<40960xf32, #tpu.memory_space<vmem>>[vector<16xi32>], vector<16xf32>,
      %mul3A_530 = arith.mulf %get3A_501, %gather3A_529 : vector<16xf32>
      %swap3A_531 = arith.constant 32 : index
      %swap3A_532 = tpu.vector_load %arg20[%swap3A_531] {strides = array<i32>} : memref<128xf32, #tpu.memory_space<vmem>>, vector<16xf32>,
      tpu.vector_store %arg20[%swap3A_531], %mul3A_530 {strides = array<i32>} : memref<128xf32, #tpu.memory_space<vmem>>, vector<16xf32>,
      %add3A_533 = arith.constant 48 : i32
      %add3A_534 = arith.addi %mul3A_404, %add3A_533 : i32
      %get3A_535 = arith.index_cast %add3A_534 : i32 to index
      %get3A_536 = tpu.vector_load %arg7[%get3A_535] {strides = array<i32>} : memref<10240xi32, #tpu.memory_space<vmem>>, vector<16xi32>,
      %get3A_537 = arith.index_cast %add3A_534 : i32 to index
      %get3A_538 = tpu.vector_load %arg8[%get3A_537] {strides = array<i32>} : memref<10240xi32, #tpu.memory_space<vmem>>, vector<16xi32>,
      %swap3A_539 = arith.constant 48 : index
      %swap3A_540 = tpu.vector_load %arg12[%swap3A_539] {strides = array<i32>} : memref<128xi32, #tpu.memory_space<vmem>>, vector<16xi32>,
      tpu.vector_store %arg12[%swap3A_539], %get3A_538 {strides = array<i32>} : memref<128xi32, #tpu.memory_space<vmem>>, vector<16xi32>,
      %get3A_541 = arith.index_cast %add3A_534 : i32 to index
      %get3A_542 = tpu.vector_load %arg9[%get3A_541] {strides = array<i32>} : memref<10240xf32, #tpu.memory_space<vmem>>, vector<16xf32>,
      %mul3A_543 = arith.constant 4 : i32
      %mul3A_544 = vector.broadcast %mul3A_543 : i32 to vector<16xi32>
      %mul3A_545 = arith.muli %get3A_536, %mul3A_544 : vector<16xi32>
      %add3A_546 = arith.constant 0 : i32
      %add3A_547 = vector.broadcast %add3A_546 : i32 to vector<16xi32>
      %add3A_548 = arith.addi %mul3A_545, %add3A_547 : vector<16xi32>
      %gather3A_549 = tpu.vector_load_idx %arg10[%add3A_548] : memref<40960xf32, #tpu.memory_space<vmem>>[vector<16xi32>], vector<16xf32>,
      %mul3A_550 = arith.mulf %get3A_542, %gather3A_549 : vector<16xf32>
      %swap3A_551 = arith.constant 48 : index
      %swap3A_552 = tpu.vector_load %arg17[%swap3A_551] {strides = array<i32>} : memref<128xf32, #tpu.memory_space<vmem>>, vector<16xf32>,
      tpu.vector_store %arg17[%swap3A_551], %mul3A_550 {strides = array<i32>} : memref<128xf32, #tpu.memory_space<vmem>>, vector<16xf32>,
      %add3A_553 = arith.constant 1 : i32
      %add3A_554 = vector.broadcast %add3A_553 : i32 to vector<16xi32>
      %add3A_555 = arith.addi %mul3A_545, %add3A_554 : vector<16xi32>
      %gather3A_556 = tpu.vector_load_idx %arg10[%add3A_555] : memref<40960xf32, #tpu.memory_space<vmem>>[vector<16xi32>], vector<16xf32>,
      %mul3A_557 = arith.mulf %get3A_542, %gather3A_556 : vector<16xf32>
      %swap3A_558 = arith.constant 48 : index
      %swap3A_559 = tpu.vector_load %arg18[%swap3A_558] {strides = array<i32>} : memref<128xf32, #tpu.memory_space<vmem>>, vector<16xf32>,
      tpu.vector_store %arg18[%swap3A_558], %mul3A_557 {strides = array<i32>} : memref<128xf32, #tpu.memory_space<vmem>>, vector<16xf32>,
      %add3A_560 = arith.constant 2 : i32
      %add3A_561 = vector.broadcast %add3A_560 : i32 to vector<16xi32>
      %add3A_562 = arith.addi %mul3A_545, %add3A_561 : vector<16xi32>
      %gather3A_563 = tpu.vector_load_idx %arg10[%add3A_562] : memref<40960xf32, #tpu.memory_space<vmem>>[vector<16xi32>], vector<16xf32>,
      %mul3A_564 = arith.mulf %get3A_542, %gather3A_563 : vector<16xf32>
      %swap3A_565 = arith.constant 48 : index
      %swap3A_566 = tpu.vector_load %arg19[%swap3A_565] {strides = array<i32>} : memref<128xf32, #tpu.memory_space<vmem>>, vector<16xf32>,
      tpu.vector_store %arg19[%swap3A_565], %mul3A_564 {strides = array<i32>} : memref<128xf32, #tpu.memory_space<vmem>>, vector<16xf32>,
      %add3A_567 = arith.constant 3 : i32
      %add3A_568 = vector.broadcast %add3A_567 : i32 to vector<16xi32>
      %add3A_569 = arith.addi %mul3A_545, %add3A_568 : vector<16xi32>
      %gather3A_570 = tpu.vector_load_idx %arg10[%add3A_569] : memref<40960xf32, #tpu.memory_space<vmem>>[vector<16xi32>], vector<16xf32>,
      %mul3A_571 = arith.mulf %get3A_542, %gather3A_570 : vector<16xf32>
      %swap3A_572 = arith.constant 48 : index
      %swap3A_573 = tpu.vector_load %arg20[%swap3A_572] {strides = array<i32>} : memref<128xf32, #tpu.memory_space<vmem>>, vector<16xf32>,
      tpu.vector_store %arg20[%swap3A_572], %mul3A_571 {strides = array<i32>} : memref<128xf32, #tpu.memory_space<vmem>>, vector<16xf32>,
      %add3A_574 = arith.constant 64 : i32
      %add3A_575 = arith.addi %mul3A_404, %add3A_574 : i32
      %get3A_576 = arith.index_cast %add3A_575 : i32 to index
      %get3A_577 = tpu.vector_load %arg7[%get3A_576] {strides = array<i32>} : memref<10240xi32, #tpu.memory_space<vmem>>, vector<16xi32>,
      %get3A_578 = arith.index_cast %add3A_575 : i32 to index
      %get3A_579 = tpu.vector_load %arg8[%get3A_578] {strides = array<i32>} : memref<10240xi32, #tpu.memory_space<vmem>>, vector<16xi32>,
      %swap3A_580 = arith.constant 64 : index
      %swap3A_581 = tpu.vector_load %arg12[%swap3A_580] {strides = array<i32>} : memref<128xi32, #tpu.memory_space<vmem>>, vector<16xi32>,
      tpu.vector_store %arg12[%swap3A_580], %get3A_579 {strides = array<i32>} : memref<128xi32, #tpu.memory_space<vmem>>, vector<16xi32>,
      %get3A_582 = arith.index_cast %add3A_575 : i32 to index
      %get3A_583 = tpu.vector_load %arg9[%get3A_582] {strides = array<i32>} : memref<10240xf32, #tpu.memory_space<vmem>>, vector<16xf32>,
      %mul3A_584 = arith.constant 4 : i32
      %mul3A_585 = vector.broadcast %mul3A_584 : i32 to vector<16xi32>
      %mul3A_586 = arith.muli %get3A_577, %mul3A_585 : vector<16xi32>
      %add3A_587 = arith.constant 0 : i32
      %add3A_588 = vector.broadcast %add3A_587 : i32 to vector<16xi32>
      %add3A_589 = arith.addi %mul3A_586, %add3A_588 : vector<16xi32>
      %gather3A_590 = tpu.vector_load_idx %arg10[%add3A_589] : memref<40960xf32, #tpu.memory_space<vmem>>[vector<16xi32>], vector<16xf32>,
      %mul3A_591 = arith.mulf %get3A_583, %gather3A_590 : vector<16xf32>
      %swap3A_592 = arith.constant 64 : index
      %swap3A_593 = tpu.vector_load %arg17[%swap3A_592] {strides = array<i32>} : memref<128xf32, #tpu.memory_space<vmem>>, vector<16xf32>,
      tpu.vector_store %arg17[%swap3A_592], %mul3A_591 {strides = array<i32>} : memref<128xf32, #tpu.memory_space<vmem>>, vector<16xf32>,
      %add3A_594 = arith.constant 1 : i32
      %add3A_595 = vector.broadcast %add3A_594 : i32 to vector<16xi32>
      %add3A_596 = arith.addi %mul3A_586, %add3A_595 : vector<16xi32>
      %gather3A_597 = tpu.vector_load_idx %arg10[%add3A_596] : memref<40960xf32, #tpu.memory_space<vmem>>[vector<16xi32>], vector<16xf32>,
      %mul3A_598 = arith.mulf %get3A_583, %gather3A_597 : vector<16xf32>
      %swap3A_599 = arith.constant 64 : index
      %swap3A_600 = tpu.vector_load %arg18[%swap3A_599] {strides = array<i32>} : memref<128xf32, #tpu.memory_space<vmem>>, vector<16xf32>,
      tpu.vector_store %arg18[%swap3A_599], %mul3A_598 {strides = array<i32>} : memref<128xf32, #tpu.memory_space<vmem>>, vector<16xf32>,
      %add3A_601 = arith.constant 2 : i32
      %add3A_602 = vector.broadcast %add3A_601 : i32 to vector<16xi32>
      %add3A_603 = arith.addi %mul3A_586, %add3A_602 : vector<16xi32>
      %gather3A_604 = tpu.vector_load_idx %arg10[%add3A_603] : memref<40960xf32, #tpu.memory_space<vmem>>[vector<16xi32>], vector<16xf32>,
      %mul3A_605 = arith.mulf %get3A_583, %gather3A_604 : vector<16xf32>
      %swap3A_606 = arith.constant 64 : index
      %swap3A_607 = tpu.vector_load %arg19[%swap3A_606] {strides = array<i32>} : memref<128xf32, #tpu.memory_space<vmem>>, vector<16xf32>,
      tpu.vector_store %arg19[%swap3A_606], %mul3A_605 {strides = array<i32>} : memref<128xf32, #tpu.memory_space<vmem>>, vector<16xf32>,
      %add3A_608 = arith.constant 3 : i32
      %add3A_609 = vector.broadcast %add3A_608 : i32 to vector<16xi32>
      %add3A_610 = arith.addi %mul3A_586, %add3A_609 : vector<16xi32>
      %gather3A_611 = tpu.vector_load_idx %arg10[%add3A_610] : memref<40960xf32, #tpu.memory_space<vmem>>[vector<16xi32>], vector<16xf32>,
      %mul3A_612 = arith.mulf %get3A_583, %gather3A_611 : vector<16xf32>
      %swap3A_613 = arith.constant 64 : index
      %swap3A_614 = tpu.vector_load %arg20[%swap3A_613] {strides = array<i32>} : memref<128xf32, #tpu.memory_space<vmem>>, vector<16xf32>,
      tpu.vector_store %arg20[%swap3A_613], %mul3A_612 {strides = array<i32>} : memref<128xf32, #tpu.memory_space<vmem>>, vector<16xf32>,
      %add3A_615 = arith.constant 80 : i32
      %add3A_616 = arith.addi %mul3A_404, %add3A_615 : i32
      %get3A_617 = arith.index_cast %add3A_616 : i32 to index
      %get3A_618 = tpu.vector_load %arg7[%get3A_617] {strides = array<i32>} : memref<10240xi32, #tpu.memory_space<vmem>>, vector<16xi32>,
      %get3A_619 = arith.index_cast %add3A_616 : i32 to index
      %get3A_620 = tpu.vector_load %arg8[%get3A_619] {strides = array<i32>} : memref<10240xi32, #tpu.memory_space<vmem>>, vector<16xi32>,
      %swap3A_621 = arith.constant 80 : index
      %swap3A_622 = tpu.vector_load %arg12[%swap3A_621] {strides = array<i32>} : memref<128xi32, #tpu.memory_space<vmem>>, vector<16xi32>,
      tpu.vector_store %arg12[%swap3A_621], %get3A_620 {strides = array<i32>} : memref<128xi32, #tpu.memory_space<vmem>>, vector<16xi32>,
      %get3A_623 = arith.index_cast %add3A_616 : i32 to index
      %get3A_624 = tpu.vector_load %arg9[%get3A_623] {strides = array<i32>} : memref<10240xf32, #tpu.memory_space<vmem>>, vector<16xf32>,
      %mul3A_625 = arith.constant 4 : i32
      %mul3A_626 = vector.broadcast %mul3A_625 : i32 to vector<16xi32>
      %mul3A_627 = arith.muli %get3A_618, %mul3A_626 : vector<16xi32>
      %add3A_628 = arith.constant 0 : i32
      %add3A_629 = vector.broadcast %add3A_628 : i32 to vector<16xi32>
      %add3A_630 = arith.addi %mul3A_627, %add3A_629 : vector<16xi32>
      %gather3A_631 = tpu.vector_load_idx %arg10[%add3A_630] : memref<40960xf32, #tpu.memory_space<vmem>>[vector<16xi32>], vector<16xf32>,
      %mul3A_632 = arith.mulf %get3A_624, %gather3A_631 : vector<16xf32>
      %swap3A_633 = arith.constant 80 : index
      %swap3A_634 = tpu.vector_load %arg17[%swap3A_633] {strides = array<i32>} : memref<128xf32, #tpu.memory_space<vmem>>, vector<16xf32>,
      tpu.vector_store %arg17[%swap3A_633], %mul3A_632 {strides = array<i32>} : memref<128xf32, #tpu.memory_space<vmem>>, vector<16xf32>,
      %add3A_635 = arith.constant 1 : i32
      %add3A_636 = vector.broadcast %add3A_635 : i32 to vector<16xi32>
      %add3A_637 = arith.addi %mul3A_627, %add3A_636 : vector<16xi32>
      %gather3A_638 = tpu.vector_load_idx %arg10[%add3A_637] : memref<40960xf32, #tpu.memory_space<vmem>>[vector<16xi32>], vector<16xf32>,
      %mul3A_639 = arith.mulf %get3A_624, %gather3A_638 : vector<16xf32>
      %swap3A_640 = arith.constant 80 : index
      %swap3A_641 = tpu.vector_load %arg18[%swap3A_640] {strides = array<i32>} : memref<128xf32, #tpu.memory_space<vmem>>, vector<16xf32>,
      tpu.vector_store %arg18[%swap3A_640], %mul3A_639 {strides = array<i32>} : memref<128xf32, #tpu.memory_space<vmem>>, vector<16xf32>,
      %add3A_642 = arith.constant 2 : i32
      %add3A_643 = vector.broadcast %add3A_642 : i32 to vector<16xi32>
      %add3A_644 = arith.addi %mul3A_627, %add3A_643 : vector<16xi32>
      %gather3A_645 = tpu.vector_load_idx %arg10[%add3A_644] : memref<40960xf32, #tpu.memory_space<vmem>>[vector<16xi32>], vector<16xf32>,
      %mul3A_646 = arith.mulf %get3A_624, %gather3A_645 : vector<16xf32>
      %swap3A_647 = arith.constant 80 : index
      %swap3A_648 = tpu.vector_load %arg19[%swap3A_647] {strides = array<i32>} : memref<128xf32, #tpu.memory_space<vmem>>, vector<16xf32>,
      tpu.vector_store %arg19[%swap3A_647], %mul3A_646 {strides = array<i32>} : memref<128xf32, #tpu.memory_space<vmem>>, vector<16xf32>,
      %add3A_649 = arith.constant 3 : i32
      %add3A_650 = vector.broadcast %add3A_649 : i32 to vector<16xi32>
      %add3A_651 = arith.addi %mul3A_627, %add3A_650 : vector<16xi32>
      %gather3A_652 = tpu.vector_load_idx %arg10[%add3A_651] : memref<40960xf32, #tpu.memory_space<vmem>>[vector<16xi32>], vector<16xf32>,
      %mul3A_653 = arith.mulf %get3A_624, %gather3A_652 : vector<16xf32>
      %swap3A_654 = arith.constant 80 : index
      %swap3A_655 = tpu.vector_load %arg20[%swap3A_654] {strides = array<i32>} : memref<128xf32, #tpu.memory_space<vmem>>, vector<16xf32>,
      tpu.vector_store %arg20[%swap3A_654], %mul3A_653 {strides = array<i32>} : memref<128xf32, #tpu.memory_space<vmem>>, vector<16xf32>,
      %add3A_656 = arith.constant 96 : i32
      %add3A_657 = arith.addi %mul3A_404, %add3A_656 : i32
      %get3A_658 = arith.index_cast %add3A_657 : i32 to index
      %get3A_659 = tpu.vector_load %arg7[%get3A_658] {strides = array<i32>} : memref<10240xi32, #tpu.memory_space<vmem>>, vector<16xi32>,
      %get3A_660 = arith.index_cast %add3A_657 : i32 to index
      %get3A_661 = tpu.vector_load %arg8[%get3A_660] {strides = array<i32>} : memref<10240xi32, #tpu.memory_space<vmem>>, vector<16xi32>,
      %swap3A_662 = arith.constant 96 : index
      %swap3A_663 = tpu.vector_load %arg12[%swap3A_662] {strides = array<i32>} : memref<128xi32, #tpu.memory_space<vmem>>, vector<16xi32>,
      tpu.vector_store %arg12[%swap3A_662], %get3A_661 {strides = array<i32>} : memref<128xi32, #tpu.memory_space<vmem>>, vector<16xi32>,
      %get3A_664 = arith.index_cast %add3A_657 : i32 to index
      %get3A_665 = tpu.vector_load %arg9[%get3A_664] {strides = array<i32>} : memref<10240xf32, #tpu.memory_space<vmem>>, vector<16xf32>,
      %mul3A_666 = arith.constant 4 : i32
      %mul3A_667 = vector.broadcast %mul3A_666 : i32 to vector<16xi32>
      %mul3A_668 = arith.muli %get3A_659, %mul3A_667 : vector<16xi32>
      %add3A_669 = arith.constant 0 : i32
      %add3A_670 = vector.broadcast %add3A_669 : i32 to vector<16xi32>
      %add3A_671 = arith.addi %mul3A_668, %add3A_670 : vector<16xi32>
      %gather3A_672 = tpu.vector_load_idx %arg10[%add3A_671] : memref<40960xf32, #tpu.memory_space<vmem>>[vector<16xi32>], vector<16xf32>,
      %mul3A_673 = arith.mulf %get3A_665, %gather3A_672 : vector<16xf32>
      %swap3A_674 = arith.constant 96 : index
      %swap3A_675 = tpu.vector_load %arg17[%swap3A_674] {strides = array<i32>} : memref<128xf32, #tpu.memory_space<vmem>>, vector<16xf32>,
      tpu.vector_store %arg17[%swap3A_674], %mul3A_673 {strides = array<i32>} : memref<128xf32, #tpu.memory_space<vmem>>, vector<16xf32>,
      %add3A_676 = arith.constant 1 : i32
      %add3A_677 = vector.broadcast %add3A_676 : i32 to vector<16xi32>
      %add3A_678 = arith.addi %mul3A_668, %add3A_677 : vector<16xi32>
      %gather3A_679 = tpu.vector_load_idx %arg10[%add3A_678] : memref<40960xf32, #tpu.memory_space<vmem>>[vector<16xi32>], vector<16xf32>,
      %mul3A_680 = arith.mulf %get3A_665, %gather3A_679 : vector<16xf32>
      %swap3A_681 = arith.constant 96 : index
      %swap3A_682 = tpu.vector_load %arg18[%swap3A_681] {strides = array<i32>} : memref<128xf32, #tpu.memory_space<vmem>>, vector<16xf32>,
      tpu.vector_store %arg18[%swap3A_681], %mul3A_680 {strides = array<i32>} : memref<128xf32, #tpu.memory_space<vmem>>, vector<16xf32>,
      %add3A_683 = arith.constant 2 : i32
      %add3A_684 = vector.broadcast %add3A_683 : i32 to vector<16xi32>
      %add3A_685 = arith.addi %mul3A_668, %add3A_684 : vector<16xi32>
      %gather3A_686 = tpu.vector_load_idx %arg10[%add3A_685] : memref<40960xf32, #tpu.memory_space<vmem>>[vector<16xi32>], vector<16xf32>,
      %mul3A_687 = arith.mulf %get3A_665, %gather3A_686 : vector<16xf32>
      %swap3A_688 = arith.constant 96 : index
      %swap3A_689 = tpu.vector_load %arg19[%swap3A_688] {strides = array<i32>} : memref<128xf32, #tpu.memory_space<vmem>>, vector<16xf32>,
      tpu.vector_store %arg19[%swap3A_688], %mul3A_687 {strides = array<i32>} : memref<128xf32, #tpu.memory_space<vmem>>, vector<16xf32>,
      %add3A_690 = arith.constant 3 : i32
      %add3A_691 = vector.broadcast %add3A_690 : i32 to vector<16xi32>
      %add3A_692 = arith.addi %mul3A_668, %add3A_691 : vector<16xi32>
      %gather3A_693 = tpu.vector_load_idx %arg10[%add3A_692] : memref<40960xf32, #tpu.memory_space<vmem>>[vector<16xi32>], vector<16xf32>,
      %mul3A_694 = arith.mulf %get3A_665, %gather3A_693 : vector<16xf32>
      %swap3A_695 = arith.constant 96 : index
      %swap3A_696 = tpu.vector_load %arg20[%swap3A_695] {strides = array<i32>} : memref<128xf32, #tpu.memory_space<vmem>>, vector<16xf32>,
      tpu.vector_store %arg20[%swap3A_695], %mul3A_694 {strides = array<i32>} : memref<128xf32, #tpu.memory_space<vmem>>, vector<16xf32>,
      %add3A_697 = arith.constant 112 : i32
      %add3A_698 = arith.addi %mul3A_404, %add3A_697 : i32
      %get3A_699 = arith.index_cast %add3A_698 : i32 to index
      %get3A_700 = tpu.vector_load %arg7[%get3A_699] {strides = array<i32>} : memref<10240xi32, #tpu.memory_space<vmem>>, vector<16xi32>,
      %get3A_701 = arith.index_cast %add3A_698 : i32 to index
      %get3A_702 = tpu.vector_load %arg8[%get3A_701] {strides = array<i32>} : memref<10240xi32, #tpu.memory_space<vmem>>, vector<16xi32>,
      %swap3A_703 = arith.constant 112 : index
      %swap3A_704 = tpu.vector_load %arg12[%swap3A_703] {strides = array<i32>} : memref<128xi32, #tpu.memory_space<vmem>>, vector<16xi32>,
      tpu.vector_store %arg12[%swap3A_703], %get3A_702 {strides = array<i32>} : memref<128xi32, #tpu.memory_space<vmem>>, vector<16xi32>,
      %get3A_705 = arith.index_cast %add3A_698 : i32 to index
      %get3A_706 = tpu.vector_load %arg9[%get3A_705] {strides = array<i32>} : memref<10240xf32, #tpu.memory_space<vmem>>, vector<16xf32>,
      %mul3A_707 = arith.constant 4 : i32
      %mul3A_708 = vector.broadcast %mul3A_707 : i32 to vector<16xi32>
      %mul3A_709 = arith.muli %get3A_700, %mul3A_708 : vector<16xi32>
      %add3A_710 = arith.constant 0 : i32
      %add3A_711 = vector.broadcast %add3A_710 : i32 to vector<16xi32>
      %add3A_712 = arith.addi %mul3A_709, %add3A_711 : vector<16xi32>
      %gather3A_713 = tpu.vector_load_idx %arg10[%add3A_712] : memref<40960xf32, #tpu.memory_space<vmem>>[vector<16xi32>], vector<16xf32>,
      %mul3A_714 = arith.mulf %get3A_706, %gather3A_713 : vector<16xf32>
      %swap3A_715 = arith.constant 112 : index
      %swap3A_716 = tpu.vector_load %arg17[%swap3A_715] {strides = array<i32>} : memref<128xf32, #tpu.memory_space<vmem>>, vector<16xf32>,
      tpu.vector_store %arg17[%swap3A_715], %mul3A_714 {strides = array<i32>} : memref<128xf32, #tpu.memory_space<vmem>>, vector<16xf32>,
      %add3A_717 = arith.constant 1 : i32
      %add3A_718 = vector.broadcast %add3A_717 : i32 to vector<16xi32>
      %add3A_719 = arith.addi %mul3A_709, %add3A_718 : vector<16xi32>
      %gather3A_720 = tpu.vector_load_idx %arg10[%add3A_719] : memref<40960xf32, #tpu.memory_space<vmem>>[vector<16xi32>], vector<16xf32>,
      %mul3A_721 = arith.mulf %get3A_706, %gather3A_720 : vector<16xf32>
      %swap3A_722 = arith.constant 112 : index
      %swap3A_723 = tpu.vector_load %arg18[%swap3A_722] {strides = array<i32>} : memref<128xf32, #tpu.memory_space<vmem>>, vector<16xf32>,
      tpu.vector_store %arg18[%swap3A_722], %mul3A_721 {strides = array<i32>} : memref<128xf32, #tpu.memory_space<vmem>>, vector<16xf32>,
      %add3A_724 = arith.constant 2 : i32
      %add3A_725 = vector.broadcast %add3A_724 : i32 to vector<16xi32>
      %add3A_726 = arith.addi %mul3A_709, %add3A_725 : vector<16xi32>
      %gather3A_727 = tpu.vector_load_idx %arg10[%add3A_726] : memref<40960xf32, #tpu.memory_space<vmem>>[vector<16xi32>], vector<16xf32>,
      %mul3A_728 = arith.mulf %get3A_706, %gather3A_727 : vector<16xf32>
      %swap3A_729 = arith.constant 112 : index
      %swap3A_730 = tpu.vector_load %arg19[%swap3A_729] {strides = array<i32>} : memref<128xf32, #tpu.memory_space<vmem>>, vector<16xf32>,
      tpu.vector_store %arg19[%swap3A_729], %mul3A_728 {strides = array<i32>} : memref<128xf32, #tpu.memory_space<vmem>>, vector<16xf32>,
      %add3A_731 = arith.constant 3 : i32
      %add3A_732 = vector.broadcast %add3A_731 : i32 to vector<16xi32>
      %add3A_733 = arith.addi %mul3A_709, %add3A_732 : vector<16xi32>
      %gather3A_734 = tpu.vector_load_idx %arg10[%add3A_733] : memref<40960xf32, #tpu.memory_space<vmem>>[vector<16xi32>], vector<16xf32>,
      %mul3A_735 = arith.mulf %get3A_706, %gather3A_734 : vector<16xf32>
      %swap3A_736 = arith.constant 112 : index
      %swap3A_737 = tpu.vector_load %arg20[%swap3A_736] {strides = array<i32>} : memref<128xf32, #tpu.memory_space<vmem>>, vector<16xf32>,
      tpu.vector_store %arg20[%swap3A_736], %mul3A_735 {strides = array<i32>} : memref<128xf32, #tpu.memory_space<vmem>>, vector<16xf32>,
      %dma_start3A_738 = arith.constant 0 : i32
      %dma_start3A_739 = tpu.memref_slice %arg22[%dma_start3A_738] : memref<10240xf32, #tpu.memory_space<vmem_shared>> -> memref<10240xf32, #tpu.memory_space<vmem_shared>>
      tpu.enqueue_indirect_dma source(%arg17 : memref<128xf32, #tpu.memory_space<vmem>>) target(%dma_start3A_739 : memref<10240xf32, #tpu.memory_space<vmem_shared>>) offsets(%arg12 : memref<128xi32, #tpu.memory_space<vmem>>) semaphore(%arg27 : memref<!tpu.dma_semaphore, #tpu.memory_space<semaphore_mem>>) {add = true}
      %dma_start3A_740 = arith.constant 0 : i32
      %dma_start3A_741 = tpu.memref_slice %arg23[%dma_start3A_740] : memref<10240xf32, #tpu.memory_space<vmem_shared>> -> memref<10240xf32, #tpu.memory_space<vmem_shared>>
      tpu.enqueue_indirect_dma source(%arg18 : memref<128xf32, #tpu.memory_space<vmem>>) target(%dma_start3A_741 : memref<10240xf32, #tpu.memory_space<vmem_shared>>) offsets(%arg12 : memref<128xi32, #tpu.memory_space<vmem>>) semaphore(%arg27 : memref<!tpu.dma_semaphore, #tpu.memory_space<semaphore_mem>>) {add = true}
      %dma_start3A_742 = arith.constant 0 : i32
      %dma_start3A_743 = tpu.memref_slice %arg24[%dma_start3A_742] : memref<10240xf32, #tpu.memory_space<vmem_shared>> -> memref<10240xf32, #tpu.memory_space<vmem_shared>>
      tpu.enqueue_indirect_dma source(%arg19 : memref<128xf32, #tpu.memory_space<vmem>>) target(%dma_start3A_743 : memref<10240xf32, #tpu.memory_space<vmem_shared>>) offsets(%arg12 : memref<128xi32, #tpu.memory_space<vmem>>) semaphore(%arg27 : memref<!tpu.dma_semaphore, #tpu.memory_space<semaphore_mem>>) {add = true}
      %dma_start3A_744 = arith.constant 0 : i32
      %dma_start3A_745 = tpu.memref_slice %arg25[%dma_start3A_744] : memref<10240xf32, #tpu.memory_space<vmem_shared>> -> memref<10240xf32, #tpu.memory_space<vmem_shared>>
      tpu.enqueue_indirect_dma source(%arg20 : memref<128xf32, #tpu.memory_space<vmem>>) target(%dma_start3A_745 : memref<10240xf32, #tpu.memory_space<vmem_shared>>) offsets(%arg12 : memref<128xi32, #tpu.memory_space<vmem>>) semaphore(%arg27 : memref<!tpu.dma_semaphore, #tpu.memory_space<semaphore_mem>>) {add = true}
      %scan3A_746 = arith.constant 0 : i32
      scf.yield %scan3A_746 : i32
    }
    %scan3A_35 = arith.constant 40 : i32
    %dma_wait3A = arith.constant 0 : i32
    %dma_wait3A_36 = tpu.memref_slice %arg22[%dma_wait3A] : memref<10240xf32, #tpu.memory_space<vmem_shared>> -> memref<10240xf32, #tpu.memory_space<vmem_shared>>
    tpu.wait_indirect_dma semaphore(%arg26 : memref<!tpu.dma_semaphore, #tpu.memory_space<semaphore_mem>>) src(%arg13 : memref<128xf32, #tpu.memory_space<vmem>>) dst(%dma_wait3A_36 : memref<10240xf32, #tpu.memory_space<vmem_shared>>)
    %dma_wait3A_37 = arith.constant 0 : i32
    %dma_wait3A_38 = tpu.memref_slice %arg23[%dma_wait3A_37] : memref<10240xf32, #tpu.memory_space<vmem_shared>> -> memref<10240xf32, #tpu.memory_space<vmem_shared>>
    tpu.wait_indirect_dma semaphore(%arg26 : memref<!tpu.dma_semaphore, #tpu.memory_space<semaphore_mem>>) src(%arg14 : memref<128xf32, #tpu.memory_space<vmem>>) dst(%dma_wait3A_38 : memref<10240xf32, #tpu.memory_space<vmem_shared>>)
    %dma_wait3A_39 = arith.constant 0 : i32
    %dma_wait3A_40 = tpu.memref_slice %arg24[%dma_wait3A_39] : memref<10240xf32, #tpu.memory_space<vmem_shared>> -> memref<10240xf32, #tpu.memory_space<vmem_shared>>
    tpu.wait_indirect_dma semaphore(%arg26 : memref<!tpu.dma_semaphore, #tpu.memory_space<semaphore_mem>>) src(%arg15 : memref<128xf32, #tpu.memory_space<vmem>>) dst(%dma_wait3A_40 : memref<10240xf32, #tpu.memory_space<vmem_shared>>)
    %dma_wait3A_41 = arith.constant 0 : i32
    %dma_wait3A_42 = tpu.memref_slice %arg25[%dma_wait3A_41] : memref<10240xf32, #tpu.memory_space<vmem_shared>> -> memref<10240xf32, #tpu.memory_space<vmem_shared>>
    tpu.wait_indirect_dma semaphore(%arg26 : memref<!tpu.dma_semaphore, #tpu.memory_space<semaphore_mem>>) src(%arg16 : memref<128xf32, #tpu.memory_space<vmem>>) dst(%dma_wait3A_42 : memref<10240xf32, #tpu.memory_space<vmem_shared>>)
    %dma_wait3A_43 = arith.constant 0 : i32
    %dma_wait3A_44 = tpu.memref_slice %arg22[%dma_wait3A_43] : memref<10240xf32, #tpu.memory_space<vmem_shared>> -> memref<10240xf32, #tpu.memory_space<vmem_shared>>
    tpu.wait_indirect_dma semaphore(%arg27 : memref<!tpu.dma_semaphore, #tpu.memory_space<semaphore_mem>>) src(%arg17 : memref<128xf32, #tpu.memory_space<vmem>>) dst(%dma_wait3A_44 : memref<10240xf32, #tpu.memory_space<vmem_shared>>)
    %dma_wait3A_45 = arith.constant 0 : i32
    %dma_wait3A_46 = tpu.memref_slice %arg23[%dma_wait3A_45] : memref<10240xf32, #tpu.memory_space<vmem_shared>> -> memref<10240xf32, #tpu.memory_space<vmem_shared>>
    tpu.wait_indirect_dma semaphore(%arg27 : memref<!tpu.dma_semaphore, #tpu.memory_space<semaphore_mem>>) src(%arg18 : memref<128xf32, #tpu.memory_space<vmem>>) dst(%dma_wait3A_46 : memref<10240xf32, #tpu.memory_space<vmem_shared>>)
    %dma_wait3A_47 = arith.constant 0 : i32
    %dma_wait3A_48 = tpu.memref_slice %arg24[%dma_wait3A_47] : memref<10240xf32, #tpu.memory_space<vmem_shared>> -> memref<10240xf32, #tpu.memory_space<vmem_shared>>
    tpu.wait_indirect_dma semaphore(%arg27 : memref<!tpu.dma_semaphore, #tpu.memory_space<semaphore_mem>>) src(%arg19 : memref<128xf32, #tpu.memory_space<vmem>>) dst(%dma_wait3A_48 : memref<10240xf32, #tpu.memory_space<vmem_shared>>)
    %dma_wait3A_49 = arith.constant 0 : i32
    %dma_wait3A_50 = tpu.memref_slice %arg25[%dma_wait3A_49] : memref<10240xf32, #tpu.memory_space<vmem_shared>> -> memref<10240xf32, #tpu.memory_space<vmem_shared>>
    tpu.wait_indirect_dma semaphore(%arg27 : memref<!tpu.dma_semaphore, #tpu.memory_space<semaphore_mem>>) src(%arg20 : memref<128xf32, #tpu.memory_space<vmem>>) dst(%dma_wait3A_50 : memref<10240xf32, #tpu.memory_space<vmem_shared>>)
    %barrier3A_51 = arith.constant 0 : index
    tpu.barrier barrier_id(%barrier3A_51)
    %mul3A_52 = arith.constant 640 : i32
    %mul3A_53 = arith.muli %arg1, %mul3A_52 : i32
    %run_scoped3A = arith.constant 0 : i32
    "tpu.region"() ({
      %run_scoped3A_57 = tpu.sem_alloc : memref<!tpu.dma_semaphore, #tpu.memory_space<semaphore_mem>>
      %dma_start3A = tpu.memref_slice %arg6[%arg0, %run_scoped3A, %mul3A_53] : memref<2x4x10240xf32, #tpu.memory_space<hbm>> -> memref<1x1x640xf32, #tpu.memory_space<hbm>>
      %dma_start3A_58 = tpu.memref_squeeze %dma_start3A : memref<1x1x640xf32, #tpu.memory_space<hbm>> -> memref<640xf32, #tpu.memory_space<hbm>>
      %dma_start3A_59 = tpu.memref_slice %arg22[%mul3A_53] : memref<10240xf32, #tpu.memory_space<vmem_shared>> -> memref<640xf32, #tpu.memory_space<vmem_shared>>
      tpu.enqueue_dma source(%dma_start3A_59 : memref<640xf32, #tpu.memory_space<vmem_shared>>) target(%dma_start3A_58 : memref<640xf32, #tpu.memory_space<hbm>>) target_semaphore(%run_scoped3A_57 : memref<!tpu.dma_semaphore, #tpu.memory_space<semaphore_mem>>)
      %dma_wait3A_60 = tpu.memref_slice %arg6[%arg0, %run_scoped3A, %mul3A_53] : memref<2x4x10240xf32, #tpu.memory_space<hbm>> -> memref<1x1x640xf32, #tpu.memory_space<hbm>>
      %dma_wait3A_61 = tpu.memref_squeeze %dma_wait3A_60 : memref<1x1x640xf32, #tpu.memory_space<hbm>> -> memref<640xf32, #tpu.memory_space<hbm>>
      %dma_wait3A_62 = tpu.memref_slice %arg22[%mul3A_53] : memref<10240xf32, #tpu.memory_space<vmem_shared>> -> memref<640xf32, #tpu.memory_space<vmem_shared>>
      tpu.wait_dma2 semaphore(%run_scoped3A_57 : memref<!tpu.dma_semaphore, #tpu.memory_space<semaphore_mem>>) src(%dma_wait3A_62 : memref<640xf32, #tpu.memory_space<vmem_shared>>) dst(%dma_wait3A_61 : memref<640xf32, #tpu.memory_space<hbm>>)
      tpu.yield
    }) : () -> ()
    %run_scoped3A_54 = arith.constant 1 : i32
    "tpu.region"() ({
      %run_scoped3A_57 = tpu.sem_alloc : memref<!tpu.dma_semaphore, #tpu.memory_space<semaphore_mem>>
      %dma_start3A = tpu.memref_slice %arg6[%arg0, %run_scoped3A_54, %mul3A_53] : memref<2x4x10240xf32, #tpu.memory_space<hbm>> -> memref<1x1x640xf32, #tpu.memory_space<hbm>>
      %dma_start3A_58 = tpu.memref_squeeze %dma_start3A : memref<1x1x640xf32, #tpu.memory_space<hbm>> -> memref<640xf32, #tpu.memory_space<hbm>>
      %dma_start3A_59 = tpu.memref_slice %arg23[%mul3A_53] : memref<10240xf32, #tpu.memory_space<vmem_shared>> -> memref<640xf32, #tpu.memory_space<vmem_shared>>
      tpu.enqueue_dma source(%dma_start3A_59 : memref<640xf32, #tpu.memory_space<vmem_shared>>) target(%dma_start3A_58 : memref<640xf32, #tpu.memory_space<hbm>>) target_semaphore(%run_scoped3A_57 : memref<!tpu.dma_semaphore, #tpu.memory_space<semaphore_mem>>)
      %dma_wait3A_60 = tpu.memref_slice %arg6[%arg0, %run_scoped3A_54, %mul3A_53] : memref<2x4x10240xf32, #tpu.memory_space<hbm>> -> memref<1x1x640xf32, #tpu.memory_space<hbm>>
      %dma_wait3A_61 = tpu.memref_squeeze %dma_wait3A_60 : memref<1x1x640xf32, #tpu.memory_space<hbm>> -> memref<640xf32, #tpu.memory_space<hbm>>
      %dma_wait3A_62 = tpu.memref_slice %arg23[%mul3A_53] : memref<10240xf32, #tpu.memory_space<vmem_shared>> -> memref<640xf32, #tpu.memory_space<vmem_shared>>
      tpu.wait_dma2 semaphore(%run_scoped3A_57 : memref<!tpu.dma_semaphore, #tpu.memory_space<semaphore_mem>>) src(%dma_wait3A_62 : memref<640xf32, #tpu.memory_space<vmem_shared>>) dst(%dma_wait3A_61 : memref<640xf32, #tpu.memory_space<hbm>>)
      tpu.yield
    }) : () -> ()
    %run_scoped3A_55 = arith.constant 2 : i32
    "tpu.region"() ({
      %run_scoped3A_57 = tpu.sem_alloc : memref<!tpu.dma_semaphore, #tpu.memory_space<semaphore_mem>>
      %dma_start3A = tpu.memref_slice %arg6[%arg0, %run_scoped3A_55, %mul3A_53] : memref<2x4x10240xf32, #tpu.memory_space<hbm>> -> memref<1x1x640xf32, #tpu.memory_space<hbm>>
      %dma_start3A_58 = tpu.memref_squeeze %dma_start3A : memref<1x1x640xf32, #tpu.memory_space<hbm>> -> memref<640xf32, #tpu.memory_space<hbm>>
      %dma_start3A_59 = tpu.memref_slice %arg24[%mul3A_53] : memref<10240xf32, #tpu.memory_space<vmem_shared>> -> memref<640xf32, #tpu.memory_space<vmem_shared>>
      tpu.enqueue_dma source(%dma_start3A_59 : memref<640xf32, #tpu.memory_space<vmem_shared>>) target(%dma_start3A_58 : memref<640xf32, #tpu.memory_space<hbm>>) target_semaphore(%run_scoped3A_57 : memref<!tpu.dma_semaphore, #tpu.memory_space<semaphore_mem>>)
      %dma_wait3A_60 = tpu.memref_slice %arg6[%arg0, %run_scoped3A_55, %mul3A_53] : memref<2x4x10240xf32, #tpu.memory_space<hbm>> -> memref<1x1x640xf32, #tpu.memory_space<hbm>>
      %dma_wait3A_61 = tpu.memref_squeeze %dma_wait3A_60 : memref<1x1x640xf32, #tpu.memory_space<hbm>> -> memref<640xf32, #tpu.memory_space<hbm>>
      %dma_wait3A_62 = tpu.memref_slice %arg24[%mul3A_53] : memref<10240xf32, #tpu.memory_space<vmem_shared>> -> memref<640xf32, #tpu.memory_space<vmem_shared>>
      tpu.wait_dma2 semaphore(%run_scoped3A_57 : memref<!tpu.dma_semaphore, #tpu.memory_space<semaphore_mem>>) src(%dma_wait3A_62 : memref<640xf32, #tpu.memory_space<vmem_shared>>) dst(%dma_wait3A_61 : memref<640xf32, #tpu.memory_space<hbm>>)
      tpu.yield
    }) : () -> ()
    %run_scoped3A_56 = arith.constant 3 : i32
    "tpu.region"() ({
      %run_scoped3A_57 = tpu.sem_alloc : memref<!tpu.dma_semaphore, #tpu.memory_space<semaphore_mem>>
      %dma_start3A = tpu.memref_slice %arg6[%arg0, %run_scoped3A_56, %mul3A_53] : memref<2x4x10240xf32, #tpu.memory_space<hbm>> -> memref<1x1x640xf32, #tpu.memory_space<hbm>>
      %dma_start3A_58 = tpu.memref_squeeze %dma_start3A : memref<1x1x640xf32, #tpu.memory_space<hbm>> -> memref<640xf32, #tpu.memory_space<hbm>>
      %dma_start3A_59 = tpu.memref_slice %arg25[%mul3A_53] : memref<10240xf32, #tpu.memory_space<vmem_shared>> -> memref<640xf32, #tpu.memory_space<vmem_shared>>
      tpu.enqueue_dma source(%dma_start3A_59 : memref<640xf32, #tpu.memory_space<vmem_shared>>) target(%dma_start3A_58 : memref<640xf32, #tpu.memory_space<hbm>>) target_semaphore(%run_scoped3A_57 : memref<!tpu.dma_semaphore, #tpu.memory_space<semaphore_mem>>)
      %dma_wait3A_60 = tpu.memref_slice %arg6[%arg0, %run_scoped3A_56, %mul3A_53] : memref<2x4x10240xf32, #tpu.memory_space<hbm>> -> memref<1x1x640xf32, #tpu.memory_space<hbm>>
      %dma_wait3A_61 = tpu.memref_squeeze %dma_wait3A_60 : memref<1x1x640xf32, #tpu.memory_space<hbm>> -> memref<640xf32, #tpu.memory_space<hbm>>
      %dma_wait3A_62 = tpu.memref_slice %arg25[%mul3A_53] : memref<10240xf32, #tpu.memory_space<vmem_shared>> -> memref<640xf32, #tpu.memory_space<vmem_shared>>
      tpu.wait_dma2 semaphore(%run_scoped3A_57 : memref<!tpu.dma_semaphore, #tpu.memory_space<semaphore_mem>>) src(%dma_wait3A_62 : memref<640xf32, #tpu.memory_space<vmem_shared>>) dst(%dma_wait3A_61 : memref<640xf32, #tpu.memory_space<hbm>>)
      tpu.yield
    }) : () -> ()
    return
  }
}

module attributes {stable_mosaic.version = 14 : i64} {
  func.func @_gru_body(%arg0: memref<128x128xf32, #tpu.memory_space<vmem>>, %arg1: memref<128x1xf32, #tpu.memory_space<vmem>>, %arg2: memref<128x128xf32, #tpu.memory_space<vmem>>, %arg3: memref<384x128xf32, #tpu.memory_space<vmem>>, %arg4: memref<384x128xf32, #tpu.memory_space<vmem>>, %arg5: memref<1x384xf32, #tpu.memory_space<vmem>>, %arg6: memref<1x384xf32, #tpu.memory_space<vmem>>, %arg7: memref<128x4xf32, #tpu.memory_space<vmem>>, %arg8: memref<128x4xf32, #tpu.memory_space<vmem>>) attributes {dimension_semantics = [], scalar_prefetch = 0 : i64, scratch_operands = 0 : i64, tpu.core_type = #tpu.core_type<tc>} {
    %get3A = arith.constant 0 : index
    %get3A_0 = arith.constant 0 : index
    %get3A_1 = vector.load %arg0[%get3A, %get3A_0] : memref<128x128xf32, #tpu.memory_space<vmem>>, vector<128x128xf32>
    %get3A_2 = arith.constant 0 : index
    %get3A_3 = arith.constant 0 : index
    %get3A_4 = vector.load %arg1[%get3A_2, %get3A_3] : memref<128x1xf32, #tpu.memory_space<vmem>>, vector<128x1xf32>
    %tanh3A = math.tanh %get3A_4 : vector<128x1xf32>
    %mul3A = vector.broadcast %tanh3A : vector<128x1xf32> to vector<128x128xf32>
    %mul3A_5 = arith.mulf %get3A_1, %mul3A : vector<128x128xf32>
    %get3A_6 = arith.constant 0 : index
    %get3A_7 = arith.constant 0 : index
    %get3A_8 = vector.load %arg2[%get3A_6, %get3A_7] : memref<128x128xf32, #tpu.memory_space<vmem>>, vector<128x128xf32>
    %get3A_9 = arith.constant 0 : index
    %get3A_10 = arith.constant 0 : index
    %get3A_11 = vector.load %arg3[%get3A_9, %get3A_10] : memref<384x128xf32, #tpu.memory_space<vmem>>, vector<384x128xf32>
    %dot_general3A = arith.constant dense<0.000000e+00> : vector<128x384xf32>
    %dot_general3A_12 = tpu.matmul %mul3A_5, %get3A_11, %dot_general3A {dimension_numbers = #tpu.dot_dimension_numbers<[1], [1], [0], [0], [0, 0, 1, 0], [], []>, precision = #tpu.contract_precision<fp32>, transpose_lhs_hint = false} : vector<128x128xf32>, vector<384x128xf32>, vector<128x384xf32> -> vector<128x384xf32>
    %get3A_13 = arith.constant 0 : index
    %get3A_14 = arith.constant 0 : index
    %get3A_15 = vector.load %arg5[%get3A_13, %get3A_14] : memref<1x384xf32, #tpu.memory_space<vmem>>, vector<1x384xf32>
    %add3A = vector.broadcast %get3A_15 : vector<1x384xf32> to vector<128x384xf32>
    %add3A_16 = arith.addf %dot_general3A_12, %add3A : vector<128x384xf32>
    %get3A_17 = arith.constant 0 : index
    %get3A_18 = arith.constant 0 : index
    %get3A_19 = vector.load %arg4[%get3A_17, %get3A_18] : memref<384x128xf32, #tpu.memory_space<vmem>>, vector<384x128xf32>
    %dot_general3A_20 = arith.constant dense<0.000000e+00> : vector<128x384xf32>
    %dot_general3A_21 = tpu.matmul %get3A_8, %get3A_19, %dot_general3A_20 {dimension_numbers = #tpu.dot_dimension_numbers<[1], [1], [0], [0], [0, 0, 1, 0], [], []>, precision = #tpu.contract_precision<fp32>, transpose_lhs_hint = false} : vector<128x128xf32>, vector<384x128xf32>, vector<128x384xf32> -> vector<128x384xf32>
    %get3A_22 = arith.constant 0 : index
    %get3A_23 = arith.constant 0 : index
    %get3A_24 = vector.load %arg6[%get3A_22, %get3A_23] : memref<1x384xf32, #tpu.memory_space<vmem>>, vector<1x384xf32>
    %add3A_25 = vector.broadcast %get3A_24 : vector<1x384xf32> to vector<128x384xf32>
    %add3A_26 = arith.addf %dot_general3A_21, %add3A_25 : vector<128x384xf32>
    %slice3A = vector.extract_strided_slice %add3A_16 {offsets = [0, 0], sizes = [128, 128], strides = [1, 1]} : vector<128x384xf32> to vector<128x128xf32>
    %slice3A_27 = vector.extract_strided_slice %add3A_26 {offsets = [0, 0], sizes = [128, 128], strides = [1, 1]} : vector<128x384xf32> to vector<128x128xf32>
    %add3A_28 = arith.addf %slice3A, %slice3A_27 : vector<128x128xf32>
    %neg3A = arith.constant 0.000000e+00 : f32
    %neg3A_29 = vector.broadcast %neg3A : f32 to vector<128x128xf32>
    %neg3A_30 = arith.subf %neg3A_29, %add3A_28 : vector<128x128xf32>
    %exp3A = math.exp %neg3A_30 : vector<128x128xf32>
    %add3A_31 = arith.constant 1.000000e+00 : f32
    %add3A_32 = vector.broadcast %add3A_31 : f32 to vector<128x128xf32>
    %add3A_33 = arith.addf %add3A_32, %exp3A : vector<128x128xf32>
    %div3A = arith.constant 1.000000e+00 : f32
    %div3A_34 = vector.broadcast %div3A : f32 to vector<128x128xf32>
    %div3A_35 = arith.divf %div3A_34, %add3A_33 : vector<128x128xf32>
    %slice3A_36 = vector.extract_strided_slice %add3A_16 {offsets = [0, 128], sizes = [128, 128], strides = [1, 1]} : vector<128x384xf32> to vector<128x128xf32>
    %slice3A_37 = vector.extract_strided_slice %add3A_26 {offsets = [0, 128], sizes = [128, 128], strides = [1, 1]} : vector<128x384xf32> to vector<128x128xf32>
    %add3A_38 = arith.addf %slice3A_36, %slice3A_37 : vector<128x128xf32>
    %neg3A_39 = arith.constant 0.000000e+00 : f32
    %neg3A_40 = vector.broadcast %neg3A_39 : f32 to vector<128x128xf32>
    %neg3A_41 = arith.subf %neg3A_40, %add3A_38 : vector<128x128xf32>
    %exp3A_42 = math.exp %neg3A_41 : vector<128x128xf32>
    %add3A_43 = arith.constant 1.000000e+00 : f32
    %add3A_44 = vector.broadcast %add3A_43 : f32 to vector<128x128xf32>
    %add3A_45 = arith.addf %add3A_44, %exp3A_42 : vector<128x128xf32>
    %div3A_46 = arith.constant 1.000000e+00 : f32
    %div3A_47 = vector.broadcast %div3A_46 : f32 to vector<128x128xf32>
    %div3A_48 = arith.divf %div3A_47, %add3A_45 : vector<128x128xf32>
    %slice3A_49 = vector.extract_strided_slice %add3A_16 {offsets = [0, 256], sizes = [128, 128], strides = [1, 1]} : vector<128x384xf32> to vector<128x128xf32>
    %slice3A_50 = vector.extract_strided_slice %add3A_26 {offsets = [0, 256], sizes = [128, 128], strides = [1, 1]} : vector<128x384xf32> to vector<128x128xf32>
    %mul3A_51 = arith.mulf %div3A_35, %slice3A_50 : vector<128x128xf32>
    %add3A_52 = arith.addf %slice3A_49, %mul3A_51 : vector<128x128xf32>
    %tanh3A_53 = math.tanh %add3A_52 : vector<128x128xf32>
    %sub3A = arith.constant 1.000000e+00 : f32
    %sub3A_54 = vector.broadcast %sub3A : f32 to vector<128x128xf32>
    %sub3A_55 = arith.subf %sub3A_54, %div3A_48 : vector<128x128xf32>
    %mul3A_56 = arith.mulf %sub3A_55, %tanh3A_53 : vector<128x128xf32>
    %mul3A_57 = arith.mulf %div3A_48, %get3A_8 : vector<128x128xf32>
    %add3A_58 = arith.addf %mul3A_56, %mul3A_57 : vector<128x128xf32>
    %get3A_59 = arith.constant 0 : index
    %get3A_60 = arith.constant 0 : index
    %get3A_61 = vector.load %arg7[%get3A_59, %get3A_60] : memref<128x4xf32, #tpu.memory_space<vmem>>, vector<128x4xf32>
    %dot_general3A_62 = arith.constant dense<0.000000e+00> : vector<128x4xf32>
    %dot_general3A_63 = tpu.matmul %add3A_58, %get3A_61, %dot_general3A_62 {dimension_numbers = #tpu.dot_dimension_numbers<[1], [0], [0], [1], [0, 0, 1, 1], [], []>, precision = #tpu.contract_precision<fp32>, transpose_lhs_hint = false} : vector<128x128xf32>, vector<128x4xf32>, vector<128x4xf32> -> vector<128x4xf32>
    %swap3A = arith.constant 0 : index
    %swap3A_64 = arith.constant 0 : index
    %swap3A_65 = vector.load %arg8[%swap3A, %swap3A_64] : memref<128x4xf32, #tpu.memory_space<vmem>>, vector<128x4xf32>
    tpu.vector_store %arg8[%swap3A, %swap3A_64], %dot_general3A_63 {strides = array<i32>} : memref<128x4xf32, #tpu.memory_space<vmem>>, vector<128x4xf32>,
    return
  }
}

module attributes {stable_mosaic.version = 14 : i64} {
  func.func @_z_body(%arg0: memref<10000x128xf32, #tpu.memory_space<vmem>>, %arg1: memref<128x4xf32, #tpu.memory_space<vmem>>, %arg2: memref<10000x1xf32, #tpu.memory_space<vmem>>, %arg3: memref<10240x4xf32, #tpu.memory_space<vmem>>) attributes {dimension_semantics = [], scalar_prefetch = 0 : i64, scratch_operands = 0 : i64, tpu.core_type = #tpu.core_type<tc>} {
    %get3A = arith.constant 0 : index
    %get3A_0 = arith.constant 0 : index
    %get3A_1 = vector.load %arg0[%get3A, %get3A_0] : memref<10000x128xf32, #tpu.memory_space<vmem>>, vector<10000x128xf32>
    %get3A_2 = arith.constant 0 : index
    %get3A_3 = arith.constant 0 : index
    %get3A_4 = vector.load %arg1[%get3A_2, %get3A_3] : memref<128x4xf32, #tpu.memory_space<vmem>>, vector<128x4xf32>
    %dot_general3A = arith.constant dense<0.000000e+00> : vector<10000x4xf32>
    %dot_general3A_5 = tpu.matmul %get3A_1, %get3A_4, %dot_general3A {dimension_numbers = #tpu.dot_dimension_numbers<[1], [0], [0], [1], [0, 0, 1, 1], [], []>, precision = #tpu.contract_precision<fp32>, transpose_lhs_hint = false} : vector<10000x128xf32>, vector<128x4xf32>, vector<10000x4xf32> -> vector<10000x4xf32>
    %get3A_6 = arith.constant 0 : index
    %get3A_7 = arith.constant 0 : index
    %get3A_8 = vector.load %arg2[%get3A_6, %get3A_7] : memref<10000x1xf32, #tpu.memory_space<vmem>>, vector<10000x1xf32>
    %mul3A = vector.broadcast %get3A_8 : vector<10000x1xf32> to vector<10000x4xf32>
    %mul3A_9 = arith.mulf %dot_general3A_5, %mul3A : vector<10000x4xf32>
    %swap3A = arith.constant 0 : index
    %swap3A_10 = arith.constant 0 : index
    %swap3A_11 = vector.load %arg3[%swap3A, %swap3A_10] : memref<10240x4xf32, #tpu.memory_space<vmem>>, vector<10000x4xf32>
    tpu.vector_store %arg3[%swap3A, %swap3A_10], %mul3A_9 {strides = array<i32>} : memref<10240x4xf32, #tpu.memory_space<vmem>>, vector<10000x4xf32>,
    %broadcast_in_dim3A = arith.constant 0.000000e+00 : f32
    %broadcast_in_dim3A_12 = vector.broadcast %broadcast_in_dim3A : f32 to vector<240x4xf32>
    %swap3A_13 = arith.constant 10000 : index
    %swap3A_14 = arith.constant 0 : index
    %swap3A_15 = vector.load %arg3[%swap3A_13, %swap3A_14] : memref<10240x4xf32, #tpu.memory_space<vmem>>, vector<240x4xf32>
    tpu.vector_store %arg3[%swap3A_13, %swap3A_14], %broadcast_in_dim3A_12 {strides = array<i32>} : memref<10240x4xf32, #tpu.memory_space<vmem>>, vector<240x4xf32>,
    return
  }
}

module attributes {stable_mosaic.version = 14 : i64} {
  func.func @_mid_body(%arg0: memref<10240x4xf32, #tpu.memory_space<vmem>>, %arg1: memref<10240x4xf32, #tpu.memory_space<vmem>>, %arg2: memref<10240x1xf32, #tpu.memory_space<vmem>>, %arg3: memref<10240x1xf32, #tpu.memory_space<vmem>>, %arg4: memref<10240x4xf32, #tpu.memory_space<vmem>>) attributes {dimension_semantics = [], scalar_prefetch = 0 : i64, scratch_operands = 0 : i64, tpu.core_type = #tpu.core_type<tc>} {
    %get3A = arith.constant 0 : index
    %get3A_0 = arith.constant 0 : index
    %get3A_1 = vector.load %arg2[%get3A, %get3A_0] : memref<10240x1xf32, #tpu.memory_space<vmem>>, vector<10240x1xf32>
    %get3A_2 = arith.constant 0 : index
    %get3A_3 = arith.constant 0 : index
    %get3A_4 = vector.load %arg3[%get3A_2, %get3A_3] : memref<10240x1xf32, #tpu.memory_space<vmem>>, vector<10240x1xf32>
    %mul3A = arith.mulf %get3A_1, %get3A_4 : vector<10240x1xf32>
    %get3A_5 = arith.constant 0 : index
    %get3A_6 = arith.constant 0 : index
    %get3A_7 = vector.load %arg0[%get3A_5, %get3A_6] : memref<10240x4xf32, #tpu.memory_space<vmem>>, vector<10240x4xf32>
    %get3A_8 = arith.constant 0 : index
    %get3A_9 = arith.constant 0 : index
    %get3A_10 = vector.load %arg1[%get3A_8, %get3A_9] : memref<10240x4xf32, #tpu.memory_space<vmem>>, vector<10240x4xf32>
    %mul3A_11 = arith.constant 2.000000e+00 : f32
    %mul3A_12 = vector.broadcast %mul3A_11 : f32 to vector<10240x4xf32>
    %mul3A_13 = arith.mulf %mul3A_12, %get3A_10 : vector<10240x4xf32>
    %add3A = arith.addf %get3A_7, %mul3A_13 : vector<10240x4xf32>
    %mul3A_14 = vector.broadcast %mul3A : vector<10240x1xf32> to vector<10240x4xf32>
    %mul3A_15 = arith.mulf %mul3A_14, %add3A : vector<10240x4xf32>
    %swap3A = arith.constant 0 : index
    %swap3A_16 = arith.constant 0 : index
    %swap3A_17 = vector.load %arg4[%swap3A, %swap3A_16] : memref<10240x4xf32, #tpu.memory_space<vmem>>, vector<10240x4xf32>
    tpu.vector_store %arg4[%swap3A, %swap3A_16], %mul3A_15 {strides = array<i32>} : memref<10240x4xf32, #tpu.memory_space<vmem>>, vector<10240x4xf32>,
    return
  }
}

module attributes {stable_mosaic.version = 14 : i64} {
  func.func @_fin_body(%arg0: memref<10000x4xf32, #tpu.memory_space<vmem>>, %arg1: memref<10000x4xf32, #tpu.memory_space<vmem>>, %arg2: memref<10000x1xf32, #tpu.memory_space<vmem>>, %arg3: memref<1x4xf32, #tpu.memory_space<vmem>>, %arg4: memref<4x1xf32, #tpu.memory_space<vmem>>, %arg5: memref<1x1xf32, #tpu.memory_space<vmem>>, %arg6: memref<10000x1xf32, #tpu.memory_space<vmem>>, %arg7: memref<10000x4xf32, #tpu.memory_space<vmem>>) attributes {dimension_semantics = [], scalar_prefetch = 0 : i64, scratch_operands = 0 : i64, tpu.core_type = #tpu.core_type<tc>} {
    %get3A = arith.constant 0 : index
    %get3A_0 = arith.constant 0 : index
    %get3A_1 = vector.load %arg2[%get3A, %get3A_0] : memref<10000x1xf32, #tpu.memory_space<vmem>>, vector<10000x1xf32>
    %get3A_2 = arith.constant 0 : index
    %get3A_3 = arith.constant 0 : index
    %get3A_4 = vector.load %arg0[%get3A_2, %get3A_3] : memref<10000x4xf32, #tpu.memory_space<vmem>>, vector<10000x4xf32>
    %get3A_5 = arith.constant 0 : index
    %get3A_6 = arith.constant 0 : index
    %get3A_7 = vector.load %arg1[%get3A_5, %get3A_6] : memref<10000x4xf32, #tpu.memory_space<vmem>>, vector<10000x4xf32>
    %add3A = arith.addf %get3A_4, %get3A_7 : vector<10000x4xf32>
    %mul3A = vector.broadcast %get3A_1 : vector<10000x1xf32> to vector<10000x4xf32>
    %mul3A_8 = arith.mulf %mul3A, %add3A : vector<10000x4xf32>
    %get3A_9 = arith.constant 0 : index
    %get3A_10 = arith.constant 0 : index
    %get3A_11 = vector.load %arg3[%get3A_9, %get3A_10] : memref<1x4xf32, #tpu.memory_space<vmem>>, vector<1x4xf32>
    %add3A_12 = vector.broadcast %get3A_11 : vector<1x4xf32> to vector<10000x4xf32>
    %add3A_13 = arith.addf %mul3A_8, %add3A_12 : vector<10000x4xf32>
    %tanh3A = math.tanh %add3A_13 : vector<10000x4xf32>
    %swap3A = arith.constant 0 : index
    %swap3A_14 = arith.constant 0 : index
    %swap3A_15 = vector.load %arg7[%swap3A, %swap3A_14] : memref<10000x4xf32, #tpu.memory_space<vmem>>, vector<10000x4xf32>
    tpu.vector_store %arg7[%swap3A, %swap3A_14], %tanh3A {strides = array<i32>} : memref<10000x4xf32, #tpu.memory_space<vmem>>, vector<10000x4xf32>,
    %get3A_16 = arith.constant 0 : index
    %get3A_17 = arith.constant 0 : index
    %get3A_18 = vector.load %arg4[%get3A_16, %get3A_17] : memref<4x1xf32, #tpu.memory_space<vmem>>, vector<4x1xf32>
    %dot_general3A = arith.constant dense<0.000000e+00> : vector<10000x1xf32>
    %dot_general3A_19 = tpu.matmul %add3A_13, %get3A_18, %dot_general3A {dimension_numbers = #tpu.dot_dimension_numbers<[1], [0], [0], [1], [0, 0, 1, 1], [], []>, precision = #tpu.contract_precision<fp32>, transpose_lhs_hint = false} : vector<10000x4xf32>, vector<4x1xf32>, vector<10000x1xf32> -> vector<10000x1xf32>
    %get3A_20 = arith.constant 0 : index
    %get3A_21 = arith.constant 0 : index
    %get3A_22 = vector.load %arg5[%get3A_20, %get3A_21] : memref<1x1xf32, #tpu.memory_space<vmem>>, vector<1x1xf32>
    %add3A_23 = vector.broadcast %get3A_22 : vector<1x1xf32> to vector<10000x1xf32>
    %add3A_24 = arith.addf %dot_general3A_19, %add3A_23 : vector<10000x1xf32>
    %swap3A_25 = arith.constant 0 : index
    %swap3A_26 = arith.constant 0 : index
    %swap3A_27 = vector.load %arg6[%swap3A_25, %swap3A_26] : memref<10000x1xf32, #tpu.memory_space<vmem>>, vector<10000x1xf32>
    tpu.vector_store %arg6[%swap3A_25, %swap3A_26], %add3A_24 {strides = array<i32>} : memref<10000x1xf32, #tpu.memory_space<vmem>>, vector<10000x1xf32>,
    return
  }
}

</mosaic_0001>

<sc_bundles>
// kernel: kernel.12.cloned.1.call-start
scs
__scs_entry_jumppad:
0x0: {  	(pc) =	sbr.rel $0x88, $3  }
0x1: {  	(tag) =	ssettag $0x0;
	lr =	simm.s32 $0x1  }
0x2: {  	[smem:$0x3F94] =	sst lr;
	_ =	strace $0xD0000000  }
0x3: {  	_ = 	snop  }
0x4: {  	_ = 	snop  }
0x5: {  	_ = 	snop  }
0x6: {  	_ = 	snop  }
0x7: {  	_ = 	snop  }
__scs_overlays_trampoline_lowered:
0x8: {  	[smem:$0x3FA3] =	sst s0  }
0x9: {  	[smem:$0x3FA4] =	sst s1  }
0xa: {  	[smem:$0x3FA5] =	sst s2  }
0xb: {  	[smem:$0x3FA6] =	sst s3  }
0xc: {  	[smem:$0x3FA7] =	sst s4  }
0xd: {  	[smem:$0x3FA8] =	sst s5  }
0xe: {  	[smem:$0x3FA9] =	sst s6  }
0xf: {  	[smem:$0x3FAA] =	sst s7  }
0x10: {  	[smem:$0x3FAB] =	sst s8  }
0x11: {  	[smem:$0x3FAC] =	sst s9;
	s0 =	simm.s32 @!p0 $0x0  }
0x12: {  	s1 =	sld [smem:$0x3F92];
	s0 =	simm.s32 @p0 $0x1  }
0x13: {  	[smem:$0x3FAD] =	sst s0;
	s0 =	simm.s32 @!p1 $0x0  }
0x14: {  	s2 =	sld [smem:$0x3F91];
	s0 =	simm.s32 @p1 $0x1  }
0x15: {  	[smem:$0x3FAE] =	sst s0;
	s0 =	simm.s32 @!p2 $0x0  }
0x16: {  	s3 =	sld [smem:$0x3FDB];
	s0 =	simm.s32 @p2 $0x1  }
0x17: {  	s4 =	simm.s32 $0x1BF5;
	[smem:$0x3FB0] =	sst s0  }
0x18: {  	s0 =	sld [smem:$0x3F93];
	_ =	swait.ge [sflag:s4], $0x0  }
0x19: {  	s7 =	sld [smem:$0x3F94]  }
0x1a: {  	s8 =	sadd.s32 $0xFFFFE003, lr  }
0x1b: {  	s9 =	sadd.s32 $0xFFFFFEF7, lr;
	s5 =	simm.s32 $0xFFFFFFFF;
	p2 =	slt.u32 s8, $0xFFFFF086  }
0x1c: {  	p1 =	slt.u32 s9, $0xF7A;
	s5 =	simm.s32 @!p2 $0x0  }
0x1d: {  	s5 =	simm.s32 @p1 $0x1;
	p0 =	seq.s32 s7, s2  }
0x1e: {  	s7 =	smul.u32 @!p0 $0xF7A, s2;
	p2 =	seq.s32 @!p0 s5, $0x0  }
0x1f: {  	s9 =	smul.u32 $0xF7A, s1;
	s8 =	simm.s32 @!p0 $0x1BF5;
	p2 =	por !p2, p0  }
0x20: {  	[sflag:s8] =	ssyncset.s32 @!p0 $0xFFFFF086;
	s6 =	sadd.s32 @!p0 s3, s7;
	s7 =	simm.s32 @!p0 $0x108  }
0x21: {  	s3 =	sadd.s32 s3, s9;
	s6 =	sadd.s32 @!p0 $0x88, s6;
	s7 =	simm.s32 @p2 $0x1082  }
0x22: {  	[simem:s7], [sflag:s8] =	dma.local @!p0 [hbm:s6], $0xF7A  }
0x23: {  	s9 =	sor.u32 $0xD0000000, s2;
	s6 =	simm.s32 $0x108;
	_ =	swait.ge @!p0 [sflag:s8], $0x0  }
0x24: {  	s3 =	sadd.s32 $0x88, s3;
	s6 =	simm.s32 @!p1 $0x1082;
	[sflag:s4] =	ssyncset.s32 $0xFFFFF086  }
0x25: {  	[simem:s6], [sflag:s4] =	dma.local [hbm:s3], $0xF7A  }
0x26: {  	[smem:$0x3F94] =	sst s1;
	(tag) =	ssettag s2;
	_ =	strace s9  }
0x27: {  	s1 =	sld [smem:$0x3FA4]  }
0x28: {  	s2 =	sld [smem:$0x3FA5]  }
0x29: {  	s4 =	sld [smem:$0x3FA7]  }
0x2a: {  	p0 =	seq.s32 s5, $0x0;
	s5 =	sld [smem:$0x3FA8]  }
0x2b: {  	s6 =	sld [smem:$0x3FA9]  }
0x2c: {  	s7 =	sld [smem:$0x3FAA]  }
0x2d: {  	s3 =	simm.s32 $0x108;
	s8 =	sld [smem:$0x3FAB]  }
0x2e: {  	s3 =	simm.s32 @!p0 $0x1082;
	s9 =	sld [smem:$0x3FAC]  }
0x2f: {  	lr =	sadd.s32 s0, s3;
	s0 =	sld [smem:$0x3FA3]  }
0x30: {  	s3 =	sld [smem:$0x3FA6]  }
0x31: {  	[smem:$0x3FAF] =	sst s10  }
0x32: {  	s10 =	sld [smem:$0x3FAD];
	_ =	sdelay $0x3  }
0x33: {  	p0 =	seq.s32 s10, $0x1;
	s10 =	sld [smem:$0x3FAF];
	_ =	sdelay $0x3  }
0x34: {  	[smem:$0x3FAF] =	sst s10  }
0x35: {  	s10 =	sld [smem:$0x3FAE];
	_ =	sdelay $0x3  }
0x36: {  	p1 =	seq.s32 s10, $0x1;
	s10 =	sld [smem:$0x3FAF];
	_ =	sdelay $0x3  }
0x37: {  	[smem:$0x3FAF] =	sst s10  }
0x38: {  	s10 =	sld [smem:$0x3FB0]  }
0x39: {  	_ = 	snop;
	(pc) =	sbr.ind lr, $3  }
0x3a: {  	_ = 	snop  }
0x3b: {  	_ = 	snop  }
0x3c: {  	p2 =	seq.s32 s10, $0x1;
	s10 =	sld [smem:$0x3FAF]  }
0x3d: {  	_ =	shalt  }
0x3e: {  	_ =	shalt  }
0x3f: {  	_ =	shalt  }
0x40: {  	_ =	shalt  }
0x41: {  	_ =	shalt  }
0x42: {  	_ =	shalt  }
0x43: {  	_ =	shalt  }
0x44: {  	_ =	shalt  }
0x45: {  	_ =	shalt  }
0x46: {  	_ =	shalt  }
0x47: {  	_ =	shalt  }
0x48: {  	_ =	shalt  }
0x49: {  	_ =	shalt  }
0x4a: {  	_ =	shalt  }
0x4b: {  	_ =	shalt  }
0x4c: {  	_ =	shalt  }
0x4d: {  	_ =	shalt  }
0x4e: {  	_ =	shalt  }
0x4f: {  	_ =	shalt  }
0x50: {  	_ =	shalt  }
0x51: {  	_ =	shalt  }
0x52: {  	_ =	shalt  }
0x53: {  	_ =	shalt  }
0x54: {  	_ =	shalt  }
0x55: {  	_ =	shalt  }
0x56: {  	_ =	shalt  }
0x57: {  	_ =	shalt  }
0x58: {  	_ =	shalt  }
0x59: {  	_ =	shalt  }
0x5a: {  	_ =	shalt  }
0x5b: {  	_ =	shalt  }
0x5c: {  	_ =	shalt  }
0x5d: {  	_ =	shalt  }
0x5e: {  	_ =	shalt  }
0x5f: {  	_ =	shalt  }
0x60: {  	_ =	shalt  }
0x61: {  	_ =	shalt  }
0x62: {  	_ =	shalt  }
0x63: {  	_ =	shalt  }
0x64: {  	_ =	shalt  }
0x65: {  	_ =	shalt  }
0x66: {  	_ =	shalt  }
0x67: {  	_ =	shalt  }
0x68: {  	_ =	shalt  }
0x69: {  	_ =	shalt  }
0x6a: {  	_ =	shalt  }
0x6b: {  	_ =	shalt  }
0x6c: {  	_ =	shalt  }
0x6d: {  	_ =	shalt  }
0x6e: {  	_ =	shalt  }
0x6f: {  	_ =	shalt  }
0x70: {  	_ =	shalt  }
0x71: {  	_ =	shalt  }
0x72: {  	_ =	shalt  }
0x73: {  	_ =	shalt  }
0x74: {  	_ =	shalt  }
0x75: {  	_ =	shalt  }
0x76: {  	_ =	shalt  }
0x77: {  	_ =	shalt  }
0x78: {  	_ =	shalt  }
0x79: {  	_ =	shalt  }
0x7a: {  	_ =	shalt  }
0x7b: {  	_ =	shalt  }
0x7c: {  	_ =	shalt  }
0x7d: {  	_ =	shalt  }
0x7e: {  	_ =	shalt  }
0x7f: {  	_ =	shalt  }
0x80: {  	_ =	shalt  }
0x81: {  	_ =	shalt  }
0x82: {  	_ =	shalt  }
0x83: {  	_ =	shalt  }
0x84: {  	_ =	shalt  }
0x85: {  	_ =	shalt  }
0x86: {  	_ =	shalt  }
0x87: {  	_ =	shalt  }
.Lfunc_end0:
.L_simem_size_0:
called_computation.1_lowered:
.L_overlay_start_0:
0x88: {  	s2 =	sld [smem:$0x3FD9]  }
0x89: {  	s3 =	sld [smem:$0x3FFE];
	_ =	sdelay $0x1  }
0x8a: {  	s1 =	srdreg.scid  }
0x8b: {  	s0 =	sand.u32 $0x1, s1  }
0x8c: {  	s17 =	sshll.u32 s0, $0xA;
	s2 =	sadd.s32 s3, s2  }
0x8d: {  	s2 =	sadd.s32 s2, s17  }
0x8e: {  	[smem:$0x3FBB] =	sst s2  }
0x8f: {  	_ = 	snop  }
0x90: {  	s2 =	sld [smem:$0x3FC7];
	(tm) =	ssettm $0x1  }
0x91: {  	s18 =	sld [smem:$0x3FFB];
	_ =	sdelay $0x3  }
0x92: {  	_ =	strace s18  }
0x93: {  	s3 =	sld [smem:$0x3FFC];
	_ =	sdelay $0x3  }
0x94: {  	_ =	strace s3  }
0x95: {  	s3 =	sld [smem:$0x3FFD];
	_ =	sdelay $0x3  }
0x96: {  	_ =	strace s3  }
0x97: {  	_ =	strace $0x8FFFFFFF  }
0x98: {  	s19 =	sld [smem:$0x3FDB];
	_ =	sdelay $0x1  }
0x99: {  	s4 =	simm.s32 $_scs_section_size  }
0x9a: {  	s5 =	simm.s32 $_size__tile_overlayer_lowered;
	s6 =	simm.s32 $_tile_overlayer_lowered  }
0x9b: {  	s22 =	simm.s32 $0x1BFF;
	s21 =	sshll.u32 s6, $0x1;
	s3 =	sadd.s32 s4, s19  }
0x9c: {  	s7 =	simm.s32 $0x0;
	s20 =	sshll.u32 s5, $0x1;
	s5 =	sadd.s32 s21, s3  }
0x9d: {  	[timem:s7], [sflag:s22] =	dma.local [hbm:s5], s20  }
0x9e: {  	_ =	swait.ge [sflag:s22], s20  }
0x9f: {  	s4 =	ssub.s32 $0x0, s20;
	[sflag:s22] =	ssyncset.done $0x0  }
0xa0: {  	[sflag:s22] =	ssyncadd.s32 s4;
	_ =	sdelay $0x1  }
0xa1: {  	s23 =	simm.s32 $0x1B8B  }
0xa2: {  	_ =	swait.ge [sflag:s23], $0x1  }
0xa3: {  	[sflag:s23] =	ssyncset.done $0x0  }
0xa4: {  	s25 =	simm.s32 $0x1B8E;
	s24 =	sld [smem:$0x3FFE];
	[sflag:s23] =	ssyncadd.s32 $0xFFFFFFFF  }
0xa5: {  	s26 =	simm.s32 $execute0_lowered;
	[smem:$0x3FD2] =	sst s25  }
0xa6: {  	s5 =	sshll.u32 s26, $0x1;
	_ =	strace $0x80000049;
	[dreg:$0x1] =	wrdreg $0xFFFFFFFF  }
0xa7: {  	s28 =	simm.s32 $_size_execute0_lowered;
	s3 =	sadd.s32 s3, s5;
	[dreg:$0x0] =	wrdreg $0x0  }
0xa8: {  	s5 =	sshll.u32 s28, $0x1;
	[dreg:$0x2] =	wrdreg s3  }
0xa9: {  	[dreg:$0x3] =	wrdreg s5  }
0xaa: {  	[dreg:$0x4] =	wrdreg $0xC0  }
0xab: {  	_ =	task [dreg:s7], $0x5FFFF  }
0xac: {  	[dreg:$0x1] =	wrdreg $0xFFFFFFFF  }
0xad: {  	[dreg:$0x0] =	wrdreg $0x60  }
0xae: {  	[dreg:$0x2] =	wrdreg s24  }
0xaf: {  	[dreg:$0x3] =	wrdreg s2  }
0xb0: {  	[dreg:$0x4] =	wrdreg $0x11F800  }
0xb1: {  	[dreg:$0x5] =	wrdreg $0x122000  }
0xb2: {  	[dreg:$0x6] =	wrdreg $0x124800  }
0xb3: {  	[dreg:$0x7] =	wrdreg $0x127000  }
0xb4: {  	[dreg:$0x8] =	wrdreg $0x9  }
0xb5: {  	_ =	task.clear_ibuf [dreg:s7], $0x9FFFF;
	_ =	strace $0x90000049  }
0xb6: {  	s29 =	simm.s32 $0x9;
	_ =	strace $0x8000004B  }
0xb7: {  	_ =	swait.ge [sflag:s29], $0x1  }
0xb8: {  	[sflag:s29] =	ssyncadd.s32 $0xFFFFFFFF  }
0xb9: {  	_ =	strace $0x9000004B  }
0xba: {  	_ =	sfence  }
0xbb: {  	s30 =	sld [smem:$0x0];
	_ =	sdelay $0x2  }
0xbc: {  	s31 =	sshll.u32 s1, $0xD;
	s1 =	sshrl.u32 s1, $0x2  }
0xbd: {  	s3 =	sand.u32 $0x4000, s31;
	s1 =	sadd.s32 s1, s30  }
0xbe: {  	s0 =	sor.u32 s3, s0;
	s1 =	sshll.u32 s1, $0x11  }
0xbf: {  	s0 =	sor.u32 s1, s0  }
0xc0: {  	s0 =	sadd.s32 $0x8F2B, s0  }
0xc1: {  	[sflag:s0] =	ssyncadd.remote.s32 $0x1  }
0xc2: {  	_ =	sfence.sel $0xFFFF  }
0xc3: {  	[dreg:$0x0] =	wrdreg $0xFFFFFFFF;
	(pc) =	sbr.abs _section_cstart, $3  }
0xc4: {  	[dreg:$0x1] =	wrdreg $0xFFFFFFFF  }
0xc5: {  	_ =	task.clear_ibuf [dreg:s7], $0x2FFFF;
	_ =	strace $0x9FFFFFFF  }
0xc6: {  	(tm) =	ssettm $0x7FFFFFFF  }
0xc7: {  	_ =	shalt  }
tec
execute0_lowered:
.L_overlay_start_1:
0x0: {  	(tag) =	ssettag $0x1  }
0x1: {  	s2 =	rddreg [dreg:$0x0]  }
0x2: {  	s3 =	rddreg [dreg:$0x1]  }
0x3: {  	s0 =	rddreg [dreg:$0x2]  }
0x4: {  	s1 =	rddreg [dreg:$0x3]  }
0x5: {  	s4 =	rddreg [dreg:$0x4];
	s6 =	srdreg.scid  }
0x6: {  	s5 =	rddreg [dreg:$0x5];
	s9 =	stileid.u32  }
0x7: {  	s10 =	simm.s32 $0x0;
	s28 =	simm.s32 $0x11900;
	s29 =	simm.s32 $0x11980  }
0x8: {  	s30 =	simm.s32 $0x11A00;
	s31 =	simm.s32 $0x11A80;
	s8 =	smul.u32 $0xA00, s9  }
0x9: {  	s6 =	sand.u32 $0x1, s6;
	[smem:$0x7FF] =	sst s10;
	s14 =	smul.u32 $0x280, s9  }
0xa: {  	s16 =	sadd.s32 $0x13C00, s2;
	s7 =	smul.u32 $0xA000, s6;
	_ =	strace $0x8000004A  }
0xb: {  	s13 =	sshll.u32 s6, $0x4;
	s6 =	ssub.s32 $0x2, s6;
	[dreg:$0x7] =	wrdreg s16  }
0xc: {  	s16 =	simm.s32 $0x10;
	s15 =	sshrl.u32 s6, $0x1;
	s18 =	sadd.s32 s14, s0  }
0xd: {  	s19 =	sadd.s32 s14, s1;
	s17 =	sadd.s32 s14, s4;
	s20 =	sadd.s32 s14, s5  }
0xe: {  	s14 =	simm.s32 $0x2;
	s7 =	sadd.s32 s8, s7;
	s8 =	sor.u32 s9, s13  }
0xf: {  	s6 =	ssub.s32 s6, s15;
	s10 =	smov.u32 s17;
	s13 =	smul.u32 $0x4E2, s8  }
0x10: {  	s15 =	simm.s32 $0x40;
	s7 =	sshrl.u32 s7, $0x3;
	s26 =	smax.u32 s6, $0x1  }
0x11: {  	s7 =	sadd.s32 s7, s2;
	[dreg:$0xf] =	wrdreg s26;
	s2 =	sadd.s32 s2, s13  }
0x12: {  	s17 =	simm.s32 $0x0;
	s21 =	sadd.s32 s3, s13;
	[dreg:$0x8] =	wrdreg s2  }
0x13: {  	s26 =	simm.s32 $0x11800;
	s22 =	sadd.s32 $0x15000, s7;
	[dreg:$0xa] =	wrdreg s21  }
0x14: {  	s23 =	sadd.s32 $0x15010, s7;
	s24 =	sadd.s32 $0x15020, s7;
	[dreg:$0xb] =	wrdreg s22  }
0x15: {  	s25 =	sadd.s32 $0x15030, s7;
	s3 =	simm.s32 $0x11C00;
	[dreg:$0xc] =	wrdreg s23  }
0x16: {  	s7 =	simm.s32 $0x11C80;
	s13 =	simm.s32 $0x1;
	[dreg:$0xd] =	wrdreg s24  }
0x17: {  	s2 =	sadd.s32 $0x9E00, s2;
	[dreg:$0xe] =	wrdreg s25;
	s21 =	simm.s32 $0x3  }
0x18: {  	s24 =	simm.s32 $0x7800;
	s25 =	simm.s32 $0x80;
	s22 =	simm.s32 $0x11B00  }
0x19: {  	v0 =	vimm.f32 $0.0e+00;
	s23 =	simm.s32 $0x11B80;
	[dreg:$0x9] =	wrdreg s2;
	s2 =	simm.s32 $0x11880  }
.LBB2_1:
0x1a: {  	[tilespmem:$0x11D00] =	vst v0  }
0x1b: {  	[tilespmem:$0x11D10] =	vst v0  }
0x1c: {  	[tilespmem:$0x11D20] =	vst v0  }
0x1d: {  	[tilespmem:$0x11D30] =	vst v0  }
0x1e: {  	[tilespmem:$0x11D40] =	vst v0  }
0x1f: {  	[tilespmem:$0x11D50] =	vst v0  }
0x20: {  	[tilespmem:$0x11D60] =	vst v0  }
0x21: {  	[tilespmem:$0x11D70] =	vst v0  }
0x22: {  	[tilespmem:$0x11D80] =	vst v0  }
0x23: {  	[tilespmem:$0x11D90] =	vst v0  }
0x24: {  	[tilespmem:$0x11DA0] =	vst v0  }
0x25: {  	[tilespmem:$0x11DB0] =	vst v0  }
0x26: {  	[tilespmem:$0x11DC0] =	vst v0  }
0x27: {  	[tilespmem:$0x11DD0] =	vst v0  }
0x28: {  	[tilespmem:$0x11DE0] =	vst v0  }
0x29: {  	[tilespmem:$0x11DF0] =	vst v0  }
0x2a: {  	[tilespmem:$0x11E00] =	vst v0  }
0x2b: {  	[tilespmem:$0x11E10] =	vst v0  }
0x2c: {  	[tilespmem:$0x11E20] =	vst v0  }
0x2d: {  	[tilespmem:$0x11E30] =	vst v0  }
0x2e: {  	[tilespmem:$0x11E40] =	vst v0  }
0x2f: {  	[tilespmem:$0x11E50] =	vst v0  }
0x30: {  	[tilespmem:$0x11E60] =	vst v0  }
0x31: {  	[tilespmem:$0x11E70] =	vst v0  }
0x32: {  	[tilespmem:$0x11E80] =	vst v0  }
0x33: {  	[tilespmem:$0x11E90] =	vst v0  }
0x34: {  	[tilespmem:$0x11EA0] =	vst v0  }
0x35: {  	[tilespmem:$0x11EB0] =	vst v0  }
0x36: {  	[tilespmem:$0x11EC0] =	vst v0  }
0x37: {  	[tilespmem:$0x11ED0] =	vst v0  }
0x38: {  	[tilespmem:$0x11EE0] =	vst v0  }
0x39: {  	[tilespmem:$0x11EF0] =	vst v0  }
0x3a: {  	[tilespmem:$0x11F00] =	vst v0  }
0x3b: {  	[tilespmem:$0x11F10] =	vst v0  }
0x3c: {  	[tilespmem:$0x11F20] =	vst v0  }
0x3d: {  	[tilespmem:$0x11F30] =	vst v0  }
0x3e: {  	[tilespmem:$0x11F40] =	vst v0  }
0x3f: {  	[tilespmem:$0x11F50] =	vst v0  }
0x40: {  	[tilespmem:$0x11F60] =	vst v0  }
0x41: {  	[tilespmem:$0x11F70] =	vst v0;
	s8 =	simm.s32 $0x11D00  }
0x42: {  	[spmem:s18] =	stream.linear.scatter [tilespmem:s8], [sflag:$0x3], $0x280, $0x38;
	[tilespmem:$0x12980] =	vst v63  }
0x43: {  	_ =	swait.ge [sflag:s21], $0x280  }
0x44: {  	[sflag:s21] =	ssyncset.done $0x0  }
0x45: {  	[sflag:s21] =	ssyncadd.s32 $0xFFFFFD80  }
0x46: {  	[spmem:s19] =	stream.linear.scatter [tilespmem:s8], [sflag:$0x3], $0x280, $0x38;
	[tilespmem:$0x12980] =	vst v63  }
0x47: {  	_ =	swait.ge [sflag:s21], $0x280  }
0x48: {  	[sflag:s21] =	ssyncset.done $0x0  }
0x49: {  	[sflag:s21] =	ssyncadd.s32 $0xFFFFFD80  }
0x4a: {  	[spmem:s10] =	stream.linear.scatter [tilespmem:s8], [sflag:$0x3], $0x280, $0x38;
	[tilespmem:$0x12980] =	vst v63  }
0x4b: {  	_ =	swait.ge [sflag:s21], $0x280  }
0x4c: {  	[sflag:s21] =	ssyncset.done $0x0  }
0x4d: {  	[sflag:s21] =	ssyncadd.s32 $0xFFFFFD80  }
0x4e: {  	[spmem:s20] =	stream.linear.scatter [tilespmem:s8], [sflag:$0x3], $0x280, $0x38;
	[tilespmem:$0x12980] =	vst v63  }
0x4f: {  	_ =	swait.ge [sflag:s21], $0x280  }
0x50: {  	s12 =	smov.u32 s10;
	[sflag:s21] =	ssyncset.done $0x0  }
0x51: {  	s6 =	simm.s32 $0x0;
	s10 =	rddreg [dreg:$0x9];
	[sflag:s21] =	ssyncadd.s32 $0xFFFFFD80  }
0x52: {  	[tilespmem:s6], [sflag:$0x3] =	stream.linear.gather [hbm4b:s10+s6], $0x2710, $0x38;
	[tilespmem:$0x12980] =	vst v63  }
0x53: {  	_ =	swait.ge [sflag:s21], $0x2710  }
0x54: {  	s9 =	smov.u32 s18;
	s11 =	smov.u32 s19;
	[sflag:s21] =	ssyncset.done $0x0  }
0x55: {  	s19 =	simm.s32 $0x2800;
	s18 =	rddreg [dreg:$0x8];
	[sflag:s21] =	ssyncadd.s32 $0xFFFFD8F0  }
0x56: {  	[tilespmem:s19], [sflag:$0x3] =	stream.linear.gather [hbm4b:s18+s6], $0x2710, $0x38;
	[tilespmem:$0x12980] =	vst v63  }
0x57: {  	_ =	swait.ge [sflag:s21], $0x2710  }
0x58: {  	[sflag:s21] =	ssyncset.done $0x0  }
0x59: {  	s18 =	simm.s32 $0x5000;
	s10 =	rddreg [dreg:$0xa];
	[sflag:s21] =	ssyncadd.s32 $0xFFFFD8F0  }
0x5a: {  	[tilespmem:s18], [sflag:$0x3] =	stream.linear.gather [hbm4b:s10+s6], $0x2710, $0x38;
	[tilespmem:$0x12980] =	vst v63  }
0x5b: {  	_ =	swait.ge [sflag:s21], $0x2710  }
0x5c: {  	[sflag:s21] =	ssyncset.done $0x0  }
0x5d: {  	s19 =	rddreg [dreg:$0x7];
	[sflag:s21] =	ssyncadd.s32 $0xFFFFD8F0  }
0x5e: {  	[tilespmem:s24], [sflag:$0x3] =	stream.linear.gather [hbm4b:s19+s6], $0xA000, $0x38;
	[tilespmem:$0x12980] =	vst v63  }
0x5f: {  	_ =	swait.ge [sflag:s21], $0xA000  }
0x60: {  	[sflag:s21] =	ssyncset.done $0x0  }
0x61: {  	s18 =	simm.s32 $0x2710;
	[sflag:s21] =	ssyncadd.s32 $0xFFFF6000  }
0x62: {  	v1 =	vld [tilespmem:s18+$0x0];
	_ =	sdelay $0x3  }
0x63: {  	p0 =	por $0x0, $0x0  }
0x64: {  	v1 =	vpsel !p0, $0x2710, v1  }
0x65: {  	s19 =	simm.s32 $0x4F10;
	[tilespmem:s18+$0x0] =	vst v1  }
0x66: {  	v1 =	vld [tilespmem:s19+$0x0];
	_ =	sdelay $0x4  }
0x67: {  	v1 =	vpsel !p0, $0x0, v1  }
0x68: {  	s10 =	simm.s32 $0x7710;
	[tilespmem:s19+$0x0] =	vst v1  }
0x69: {  	v1 =	vld [tilespmem:s10+$0x0];
	_ =	sdelay $0x4  }
0x6a: {  	s6 =	simm.s32 $0x2720;
	v1 =	vpsel !p0, $0x0, v1  }
.LBB2_2:
0x6b: {  	[tilespmem:s10+$0x0] =	vst v1;
	s18 =	sadd.s32 $0x10, s18;
	s19 =	sadd.s32 $0x10, s19;
	s10 =	sadd.s32 $0x10, s10  }
0x6c: {  	p0 =	sne.s32 s6, $0x27F0;
	s8 =	smov.u32 s6;
	s6 =	sadd.s32 $0x10, s6;
	v1 =	vld [tilespmem:s18+$0x0]  }
0x6d: {  	_ =	sdelay $0x2  }
0x6e: {  	p1 =	slt.u32 s8, $0x2710  }
0x6f: {  	v1 =	vpsel !p1, $0x2710, v1  }
0x70: {  	[tilespmem:s18+$0x0] =	vst v1  }
0x71: {  	v1 =	vld [tilespmem:s19+$0x0];
	_ =	sdelay $0x4  }
0x72: {  	v1 =	vpsel !p1, $0x0, v1  }
0x73: {  	[tilespmem:s19+$0x0] =	vst v1  }
0x74: {  	v1 =	vld [tilespmem:s10+$0x0]  }
.Ltmp0:
0x75: {  	(pc) =	sbr.rel @p0 .LBB2_2-.Ltmp0, $2  }
0x76: {  	_ =	sdelay $0x2  }
0x77: {  	v1 =	vpsel !p1, $0x0, v1  }
0x78: {  	[tilespmem:s10+$0x0] =	vst v1  }
0x79: {  	s18 =	simm.s32 $0x0;
	[bflag:$0x0] =	sbarrier.arrive $0xFFFF  }
.LBB2_4:
0x7a: {  	p0 =	seq.s32 s18, $0x0  }
0x7b: {  	s6 =	simm.s32 @!p0 $0x1  }
0x7c: {  	_ =	swait.ge @!p0 [sflag:s6], $0x80  }
0x7d: {  	[sflag:s6] =	ssyncset.done @!p0 $0x0  }
0x7e: {  	[sflag:s6] =	ssyncadd.s32 @!p0 $0xFFFFFF80  }
0x7f: {  	_ =	swait.ge @!p0 [sflag:s6], $0x80  }
0x80: {  	[sflag:s6] =	ssyncset.done @!p0 $0x0  }
0x81: {  	[sflag:s6] =	ssyncadd.s32 @!p0 $0xFFFFFF80  }
0x82: {  	_ =	swait.ge @!p0 [sflag:s6], $0x80  }
0x83: {  	[sflag:s6] =	ssyncset.done @!p0 $0x0  }
0x84: {  	[sflag:s6] =	ssyncadd.s32 @!p0 $0xFFFFFF80  }
0x85: {  	_ =	swait.ge @!p0 [sflag:s6], $0x80  }
0x86: {  	[sflag:s6] =	ssyncset.done @!p0 $0x0  }
0x87: {  	s19 =	sshra.s32 s18, $0x2;
	[sflag:s6] =	ssyncadd.s32 @!p0 $0xFFFFFF80  }
0x88: {  	v1 =	vld [tilespmem:s19+$0x0];
	_ =	sdelay $0x2  }
0x89: {  	v2 =	vld [tilespmem:s19+$0x2800];
	_ =	sdelay $0x1  }
0x8a: {  	v1 =	vshll.u32 v1, $0x2;
	_ =	sdelay $0x2  }
0x8b: {  	[tilespmem:$0x11800] =	vst v2  }
0x8c: {  	v2 =	vld [tilespmem:s19+$0x5000]  }
0x8d: {  	v3 =	vld.idx.msk [tilespmem:v1+s24+$0x0], $0xffff;
	_ =	sdelay $0x2  }
0x8e: {  	v4 =	vor.u32 $0x1, v1;
	_ =	sdelay $0x1  }
0x8f: {  	v3 =	vmul.f32 v3, v2;
	_ =	sdelay $0x1  }
0x90: {  	[tilespmem:$0x11900] =	vst v3  }
0x91: {  	v3 =	vld.idx.msk [tilespmem:v4+s24+$0x0], $0xffff;
	_ =	sdelay $0x2  }
0x92: {  	v33 =	vor.u32 $0x2, v1;
	_ =	sdelay $0x1  }
0x93: {  	v3 =	vmul.f32 v3, v2;
	_ =	sdelay $0x1  }
0x94: {  	[tilespmem:$0x11980] =	vst v3  }
0x95: {  	v3 =	vld.idx.msk [tilespmem:v33+s24+$0x0], $0xffff;
	_ =	sdelay $0x2  }
0x96: {  	v1 =	vor.u32 $0x3, v1;
	_ =	sdelay $0x1  }
0x97: {  	v3 =	vmul.f32 v3, v2;
	_ =	sdelay $0x1  }
0x98: {  	[tilespmem:$0x11A00] =	vst v3  }
0x99: {  	v1 =	vld.idx.msk [tilespmem:v1+s24+$0x0], $0xffff;
	_ =	sdelay $0x4  }
0x9a: {  	v1 =	vmul.f32 v1, v2;
	_ =	sdelay $0x1  }
0x9b: {  	[tilespmem:$0x11A80] =	vst v1  }
0x9c: {  	v1 =	vld [tilespmem:s19+$0x10];
	_ =	sdelay $0x2  }
0x9d: {  	v2 =	vld [tilespmem:s19+$0x2810];
	_ =	sdelay $0x1  }
0x9e: {  	v1 =	vshll.u32 v1, $0x2;
	_ =	sdelay $0x2  }
0x9f: {  	[tilespmem:$0x11810] =	vst v2  }
0xa0: {  	v2 =	vld [tilespmem:s19+$0x5010]  }
0xa1: {  	v3 =	vld.idx.msk [tilespmem:v1+s24+$0x0], $0xffff;
	_ =	sdelay $0x2  }
0xa2: {  	v34 =	vor.u32 $0x1, v1;
	_ =	sdelay $0x1  }
0xa3: {  	v3 =	vmul.f32 v3, v2;
	_ =	sdelay $0x1  }
0xa4: {  	[tilespmem:$0x11910] =	vst v3  }
0xa5: {  	v3 =	vld.idx.msk [tilespmem:v34+s24+$0x0], $0xffff;
	_ =	sdelay $0x2  }
0xa6: {  	v35 =	vor.u32 $0x2, v1;
	_ =	sdelay $0x1  }
0xa7: {  	v3 =	vmul.f32 v3, v2;
	_ =	sdelay $0x1  }
0xa8: {  	[tilespmem:$0x11990] =	vst v3  }
0xa9: {  	v3 =	vld.idx.msk [tilespmem:v35+s24+$0x0], $0xffff;
	_ =	sdelay $0x2  }
0xaa: {  	v1 =	vor.u32 $0x3, v1;
	_ =	sdelay $0x1  }
0xab: {  	v3 =	vmul.f32 v3, v2;
	_ =	sdelay $0x1  }
0xac: {  	[tilespmem:$0x11A10] =	vst v3  }
0xad: {  	v1 =	vld.idx.msk [tilespmem:v1+s24+$0x0], $0xffff;
	_ =	sdelay $0x4  }
0xae: {  	v1 =	vmul.f32 v1, v2;
	_ =	sdelay $0x1  }
0xaf: {  	[tilespmem:$0x11A90] =	vst v1  }
0xb0: {  	v1 =	vld [tilespmem:s19+$0x20];
	_ =	sdelay $0x2  }
0xb1: {  	v2 =	vld [tilespmem:s19+$0x2820];
	_ =	sdelay $0x1  }
0xb2: {  	v1 =	vshll.u32 v1, $0x2;
	_ =	sdelay $0x2  }
0xb3: {  	[tilespmem:$0x11820] =	vst v2  }
0xb4: {  	v2 =	vld [tilespmem:s19+$0x5020]  }
0xb5: {  	v3 =	vld.idx.msk [tilespmem:v1+s24+$0x0], $0xffff;
	_ =	sdelay $0x2  }
0xb6: {  	v36 =	vor.u32 $0x1, v1;
	_ =	sdelay $0x1  }
0xb7: {  	v3 =	vmul.f32 v3, v2;
	_ =	sdelay $0x1  }
0xb8: {  	[tilespmem:$0x11920] =	vst v3  }
0xb9: {  	v3 =	vld.idx.msk [tilespmem:v36+s24+$0x0], $0xffff;
	_ =	sdelay $0x2  }
0xba: {  	v37 =	vor.u32 $0x2, v1;
	_ =	sdelay $0x1  }
0xbb: {  	v3 =	vmul.f32 v3, v2;
	_ =	sdelay $0x1  }
0xbc: {  	[tilespmem:$0x119A0] =	vst v3  }
0xbd: {  	v3 =	vld.idx.msk [tilespmem:v37+s24+$0x0], $0xffff;
	_ =	sdelay $0x2  }
0xbe: {  	v1 =	vor.u32 $0x3, v1;
	_ =	sdelay $0x1  }
0xbf: {  	v3 =	vmul.f32 v3, v2;
	_ =	sdelay $0x1  }
0xc0: {  	[tilespmem:$0x11A20] =	vst v3  }
0xc1: {  	v1 =	vld.idx.msk [tilespmem:v1+s24+$0x0], $0xffff;
	_ =	sdelay $0x4  }
0xc2: {  	v1 =	vmul.f32 v1, v2;
	_ =	sdelay $0x1  }
0xc3: {  	[tilespmem:$0x11AA0] =	vst v1  }
0xc4: {  	v1 =	vld [tilespmem:s19+$0x30];
	_ =	sdelay $0x2  }
0xc5: {  	v2 =	vld [tilespmem:s19+$0x2830];
	_ =	sdelay $0x1  }
0xc6: {  	v1 =	vshll.u32 v1, $0x2;
	_ =	sdelay $0x2  }
0xc7: {  	[tilespmem:$0x11830] =	vst v2  }
0xc8: {  	v2 =	vld [tilespmem:s19+$0x5030]  }
0xc9: {  	v3 =	vld.idx.msk [tilespmem:v1+s24+$0x0], $0xffff;
	_ =	sdelay $0x2  }
0xca: {  	v38 =	vor.u32 $0x1, v1;
	_ =	sdelay $0x1  }
0xcb: {  	v3 =	vmul.f32 v3, v2;
	_ =	sdelay $0x1  }
0xcc: {  	[tilespmem:$0x11930] =	vst v3  }
0xcd: {  	v3 =	vld.idx.msk [tilespmem:v38+s24+$0x0], $0xffff;
	_ =	sdelay $0x2  }
0xce: {  	v39 =	vor.u32 $0x2, v1;
	_ =	sdelay $0x1  }
0xcf: {  	v3 =	vmul.f32 v3, v2;
	_ =	sdelay $0x1  }
0xd0: {  	[tilespmem:$0x119B0] =	vst v3  }
0xd1: {  	v3 =	vld.idx.msk [tilespmem:v39+s24+$0x0], $0xffff;
	_ =	sdelay $0x2  }
0xd2: {  	v1 =	vor.u32 $0x3, v1;
	_ =	sdelay $0x1  }
0xd3: {  	v3 =	vmul.f32 v3, v2;
	_ =	sdelay $0x1  }
0xd4: {  	[tilespmem:$0x11A30] =	vst v3  }
0xd5: {  	v1 =	vld.idx.msk [tilespmem:v1+s24+$0x0], $0xffff;
	_ =	sdelay $0x4  }
0xd6: {  	v1 =	vmul.f32 v1, v2;
	_ =	sdelay $0x1  }
0xd7: {  	[tilespmem:$0x11AB0] =	vst v1  }
0xd8: {  	v1 =	vld [tilespmem:s19+$0x40];
	_ =	sdelay $0x2  }
0xd9: {  	v2 =	vld [tilespmem:s19+$0x2840];
	_ =	sdelay $0x1  }
0xda: {  	v1 =	vshll.u32 v1, $0x2;
	_ =	sdelay $0x2  }
0xdb: {  	[tilespmem:$0x11840] =	vst v2  }
0xdc: {  	v2 =	vld [tilespmem:s19+$0x5040]  }
0xdd: {  	v3 =	vld.idx.msk [tilespmem:v1+s24+$0x0], $0xffff;
	_ =	sdelay $0x2  }
0xde: {  	v40 =	vor.u32 $0x1, v1;
	_ =	sdelay $0x1  }
0xdf: {  	v3 =	vmul.f32 v3, v2;
	_ =	sdelay $0x1  }
0xe0: {  	[tilespmem:$0x11940] =	vst v3  }
0xe1: {  	v3 =	vld.idx.msk [tilespmem:v40+s24+$0x0], $0xffff;
	_ =	sdelay $0x2  }
0xe2: {  	v41 =	vor.u32 $0x2, v1;
	_ =	sdelay $0x1  }
0xe3: {  	v3 =	vmul.f32 v3, v2;
	_ =	sdelay $0x1  }
0xe4: {  	[tilespmem:$0x119C0] =	vst v3  }
0xe5: {  	v3 =	vld.idx.msk [tilespmem:v41+s24+$0x0], $0xffff;
	_ =	sdelay $0x2  }
0xe6: {  	v1 =	vor.u32 $0x3, v1;
	_ =	sdelay $0x1  }
0xe7: {  	v3 =	vmul.f32 v3, v2;
	_ =	sdelay $0x1  }
0xe8: {  	[tilespmem:$0x11A40] =	vst v3  }
0xe9: {  	v1 =	vld.idx.msk [tilespmem:v1+s24+$0x0], $0xffff;
	_ =	sdelay $0x4  }
0xea: {  	v1 =	vmul.f32 v1, v2;
	_ =	sdelay $0x1  }
0xeb: {  	[tilespmem:$0x11AC0] =	vst v1  }
0xec: {  	v1 =	vld [tilespmem:s19+$0x50];
	_ =	sdelay $0x2  }
0xed: {  	v2 =	vld [tilespmem:s19+$0x2850];
	_ =	sdelay $0x1  }
0xee: {  	v1 =	vshll.u32 v1, $0x2;
	_ =	sdelay $0x2  }
0xef: {  	[tilespmem:$0x11850] =	vst v2  }
0xf0: {  	v2 =	vld [tilespmem:s19+$0x5050]  }
0xf1: {  	v3 =	vld.idx.msk [tilespmem:v1+s24+$0x0], $0xffff;
	_ =	sdelay $0x2  }
0xf2: {  	v42 =	vor.u32 $0x1, v1;
	_ =	sdelay $0x1  }
0xf3: {  	v3 =	vmul.f32 v3, v2;
	_ =	sdelay $0x1  }
0xf4: {  	[tilespmem:$0x11950] =	vst v3  }
0xf5: {  	v3 =	vld.idx.msk [tilespmem:v42+s24+$0x0], $0xffff;
	_ =	sdelay $0x2  }
0xf6: {  	v43 =	vor.u32 $0x2, v1;
	_ =	sdelay $0x1  }
0xf7: {  	v3 =	vmul.f32 v3, v2;
	_ =	sdelay $0x1  }
0xf8: {  	[tilespmem:$0x119D0] =	vst v3  }
0xf9: {  	v3 =	vld.idx.msk [tilespmem:v43+s24+$0x0], $0xffff;
	_ =	sdelay $0x2  }
0xfa: {  	v1 =	vor.u32 $0x3, v1;
	_ =	sdelay $0x1  }
0xfb: {  	v3 =	vmul.f32 v3, v2;
	_ =	sdelay $0x1  }
0xfc: {  	[tilespmem:$0x11A50] =	vst v3  }
0xfd: {  	v1 =	vld.idx.msk [tilespmem:v1+s24+$0x0], $0xffff;
	_ =	sdelay $0x4  }
0xfe: {  	v1 =	vmul.f32 v1, v2;
	_ =	sdelay $0x1  }
0xff: {  	[tilespmem:$0x11AD0] =	vst v1  }
0x100: {  	v1 =	vld [tilespmem:s19+$0x60];
	_ =	sdelay $0x2  }
0x101: {  	v2 =	vld [tilespmem:s19+$0x2860];
	_ =	sdelay $0x1  }
0x102: {  	v1 =	vshll.u32 v1, $0x2;
	_ =	sdelay $0x2  }
0x103: {  	[tilespmem:$0x11860] =	vst v2  }
0x104: {  	v2 =	vld [tilespmem:s19+$0x5060]  }
0x105: {  	v3 =	vld.idx.msk [tilespmem:v1+s24+$0x0], $0xffff;
	_ =	sdelay $0x2  }
0x106: {  	v44 =	vor.u32 $0x1, v1;
	_ =	sdelay $0x1  }
0x107: {  	v3 =	vmul.f32 v3, v2;
	_ =	sdelay $0x1  }
0x108: {  	[tilespmem:$0x11960] =	vst v3  }
0x109: {  	v3 =	vld.idx.msk [tilespmem:v44+s24+$0x0], $0xffff;
	_ =	sdelay $0x2  }
0x10a: {  	v45 =	vor.u32 $0x2, v1;
	_ =	sdelay $0x1  }
0x10b: {  	v3 =	vmul.f32 v3, v2;
	_ =	sdelay $0x1  }
0x10c: {  	[tilespmem:$0x119E0] =	vst v3  }
0x10d: {  	v3 =	vld.idx.msk [tilespmem:v45+s24+$0x0], $0xffff;
	_ =	sdelay $0x2  }
0x10e: {  	v1 =	vor.u32 $0x3, v1;
	_ =	sdelay $0x1  }
0x10f: {  	v3 =	vmul.f32 v3, v2;
	_ =	sdelay $0x1  }
0x110: {  	[tilespmem:$0x11A60] =	vst v3  }
0x111: {  	v1 =	vld.idx.msk [tilespmem:v1+s24+$0x0], $0xffff;
	_ =	sdelay $0x4  }
0x112: {  	v1 =	vmul.f32 v1, v2;
	_ =	sdelay $0x1  }
0x113: {  	[tilespmem:$0x11AE0] =	vst v1  }
0x114: {  	v1 =	vld [tilespmem:s19+$0x70];
	_ =	sdelay $0x2  }
0x115: {  	v2 =	vld [tilespmem:s19+$0x2870];
	_ =	sdelay $0x1  }
0x116: {  	v1 =	vshll.u32 v1, $0x2;
	_ =	sdelay $0x2  }
0x117: {  	[tilespmem:$0x11870] =	vst v2  }
0x118: {  	v2 =	vld [tilespmem:s19+$0x5070]  }
0x119: {  	v3 =	vld.idx.msk [tilespmem:v1+s24+$0x0], $0xffff;
	_ =	sdelay $0x2  }
0x11a: {  	v46 =	vor.u32 $0x1, v1;
	_ =	sdelay $0x1  }
0x11b: {  	v3 =	vmul.f32 v3, v2;
	_ =	sdelay $0x1  }
0x11c: {  	[tilespmem:$0x11970] =	vst v3  }
0x11d: {  	v3 =	vld.idx.msk [tilespmem:v46+s24+$0x0], $0xffff;
	_ =	sdelay $0x2  }
0x11e: {  	v47 =	vor.u32 $0x2, v1;
	_ =	sdelay $0x1  }
0x11f: {  	v3 =	vmul.f32 v3, v2;
	_ =	sdelay $0x1  }
0x120: {  	[tilespmem:$0x119F0] =	vst v3  }
0x121: {  	v3 =	vld.idx.msk [tilespmem:v47+s24+$0x0], $0xffff;
	_ =	sdelay $0x2  }
0x122: {  	v1 =	vor.u32 $0x3, v1;
	_ =	sdelay $0x1  }
0x123: {  	v3 =	vmul.f32 v3, v2;
	_ =	sdelay $0x1  }
0x124: {  	[tilespmem:$0x11A70] =	vst v3  }
0x125: {  	v1 =	vld.idx.msk [tilespmem:v1+s24+$0x0], $0xffff;
	_ =	sdelay $0x4  }
0x126: {  	v1 =	vmul.f32 v1, v2;
	_ =	sdelay $0x1  }
0x127: {  	[tilespmem:$0x11AF0] =	vst v1  }
0x128: {  	[spmem:s0] =	stream.indirect.scatter.add.f32 [tilespmem:s28], [sflag:$0x1], $0x1, s26, s25, $0xb8;
	[tilespmem:$0x12980] =	vst v63  }
0x129: {  	_ = 	snop  }
0x12a: {  	[spmem:s1] =	stream.indirect.scatter.add.f32 [tilespmem:s29], [sflag:$0x1], $0x1, s26, s25, $0xb8;
	[tilespmem:$0x12980] =	vst v63  }
0x12b: {  	_ = 	snop  }
0x12c: {  	[spmem:s4] =	stream.indirect.scatter.add.f32 [tilespmem:s30], [sflag:$0x1], $0x1, s26, s25, $0xb8;
	[tilespmem:$0x12980] =	vst v63  }
0x12d: {  	s6 =	simm.s32 @!p0 $0x2  }
0x12e: {  	[spmem:s5] =	stream.indirect.scatter.add.f32 [tilespmem:s31], [sflag:$0x1], $0x1, s26, s25, $0xb8;
	[tilespmem:$0x12980] =	vst v63  }
0x12f: {  	_ =	swait.ge @!p0 [sflag:s6], $0x80  }
0x130: {  	[sflag:s6] =	ssyncset.done @!p0 $0x0  }
0x131: {  	[sflag:s6] =	ssyncadd.s32 @!p0 $0xFFFFFF80  }
0x132: {  	_ =	swait.ge @!p0 [sflag:s6], $0x80  }
0x133: {  	[sflag:s6] =	ssyncset.done @!p0 $0x0  }
0x134: {  	[sflag:s6] =	ssyncadd.s32 @!p0 $0xFFFFFF80  }
0x135: {  	_ =	swait.ge @!p0 [sflag:s6], $0x80  }
0x136: {  	[sflag:s6] =	ssyncset.done @!p0 $0x0  }
0x137: {  	[sflag:s6] =	ssyncadd.s32 @!p0 $0xFFFFFF80  }
0x138: {  	_ =	swait.ge @!p0 [sflag:s6], $0x80  }
0x139: {  	[sflag:s6] =	ssyncset.done @!p0 $0x0  }
0x13a: {  	[sflag:s6] =	ssyncadd.s32 @!p0 $0xFFFFFF80  }
0x13b: {  	v1 =	vld [tilespmem:s19+$0x80];
	_ =	sdelay $0x2  }
0x13c: {  	v2 =	vld [tilespmem:s19+$0x2880];
	_ =	sdelay $0x1  }
0x13d: {  	v1 =	vshll.u32 v1, $0x2;
	_ =	sdelay $0x2  }
0x13e: {  	[tilespmem:$0x11880] =	vst v2  }
0x13f: {  	v2 =	vld [tilespmem:s19+$0x5080]  }
0x140: {  	v3 =	vld.idx.msk [tilespmem:v1+s24+$0x0], $0xffff;
	_ =	sdelay $0x2  }
0x141: {  	v48 =	vor.u32 $0x1, v1;
	_ =	sdelay $0x1  }
0x142: {  	v3 =	vmul.f32 v3, v2;
	_ =	sdelay $0x1  }
0x143: {  	[tilespmem:$0x11B00] =	vst v3  }
0x144: {  	v3 =	vld.idx.msk [tilespmem:v48+s24+$0x0], $0xffff;
	_ =	sdelay $0x2  }
0x145: {  	v49 =	vor.u32 $0x2, v1;
	_ =	sdelay $0x1  }
0x146: {  	v3 =	vmul.f32 v3, v2;
	_ =	sdelay $0x1  }
0x147: {  	[tilespmem:$0x11B80] =	vst v3  }
0x148: {  	v3 =	vld.idx.msk [tilespmem:v49+s24+$0x0], $0xffff;
	_ =	sdelay $0x2  }
0x149: {  	v1 =	vor.u32 $0x3, v1;
	_ =	sdelay $0x1  }
0x14a: {  	v3 =	vmul.f32 v3, v2;
	_ =	sdelay $0x1  }
0x14b: {  	[tilespmem:$0x11C00] =	vst v3  }
0x14c: {  	v1 =	vld.idx.msk [tilespmem:v1+s24+$0x0], $0xffff;
	_ =	sdelay $0x4  }
0x14d: {  	v1 =	vmul.f32 v1, v2;
	_ =	sdelay $0x1  }
0x14e: {  	[tilespmem:$0x11C80] =	vst v1  }
0x14f: {  	v1 =	vld [tilespmem:s19+$0x90];
	_ =	sdelay $0x2  }
0x150: {  	v2 =	vld [tilespmem:s19+$0x2890];
	_ =	sdelay $0x1  }
0x151: {  	v1 =	vshll.u32 v1, $0x2;
	_ =	sdelay $0x2  }
0x152: {  	[tilespmem:$0x11890] =	vst v2  }
0x153: {  	v2 =	vld [tilespmem:s19+$0x5090]  }
0x154: {  	v3 =	vld.idx.msk [tilespmem:v1+s24+$0x0], $0xffff;
	_ =	sdelay $0x2  }
0x155: {  	v50 =	vor.u32 $0x1, v1;
	_ =	sdelay $0x1  }
0x156: {  	v3 =	vmul.f32 v3, v2;
	_ =	sdelay $0x1  }
0x157: {  	[tilespmem:$0x11B10] =	vst v3  }
0x158: {  	v3 =	vld.idx.msk [tilespmem:v50+s24+$0x0], $0xffff;
	_ =	sdelay $0x2  }
0x159: {  	v51 =	vor.u32 $0x2, v1;
	_ =	sdelay $0x1  }
0x15a: {  	v3 =	vmul.f32 v3, v2;
	_ =	sdelay $0x1  }
0x15b: {  	[tilespmem:$0x11B90] =	vst v3  }
0x15c: {  	v3 =	vld.idx.msk [tilespmem:v51+s24+$0x0], $0xffff;
	_ =	sdelay $0x2  }
0x15d: {  	v1 =	vor.u32 $0x3, v1;
	_ =	sdelay $0x1  }
0x15e: {  	v3 =	vmul.f32 v3, v2;
	_ =	sdelay $0x1  }
0x15f: {  	[tilespmem:$0x11C10] =	vst v3  }
0x160: {  	v1 =	vld.idx.msk [tilespmem:v1+s24+$0x0], $0xffff;
	_ =	sdelay $0x4  }
0x161: {  	v1 =	vmul.f32 v1, v2;
	_ =	sdelay $0x1  }
0x162: {  	[tilespmem:$0x11C90] =	vst v1  }
0x163: {  	v1 =	vld [tilespmem:s19+$0xA0];
	_ =	sdelay $0x2  }
0x164: {  	v2 =	vld [tilespmem:s19+$0x28A0];
	_ =	sdelay $0x1  }
0x165: {  	v1 =	vshll.u32 v1, $0x2;
	_ =	sdelay $0x2  }
0x166: {  	[tilespmem:$0x118A0] =	vst v2  }
0x167: {  	v2 =	vld [tilespmem:s19+$0x50A0]  }
0x168: {  	v3 =	vld.idx.msk [tilespmem:v1+s24+$0x0], $0xffff;
	_ =	sdelay $0x2  }
0x169: {  	v52 =	vor.u32 $0x1, v1;
	_ =	sdelay $0x1  }
0x16a: {  	v3 =	vmul.f32 v3, v2;
	_ =	sdelay $0x1  }
0x16b: {  	[tilespmem:$0x11B20] =	vst v3  }
0x16c: {  	v3 =	vld.idx.msk [tilespmem:v52+s24+$0x0], $0xffff;
	_ =	sdelay $0x2  }
0x16d: {  	v53 =	vor.u32 $0x2, v1;
	_ =	sdelay $0x1  }
0x16e: {  	v3 =	vmul.f32 v3, v2;
	_ =	sdelay $0x1  }
0x16f: {  	[tilespmem:$0x11BA0] =	vst v3  }
0x170: {  	v3 =	vld.idx.msk [tilespmem:v53+s24+$0x0], $0xffff;
	_ =	sdelay $0x2  }
0x171: {  	v1 =	vor.u32 $0x3, v1;
	_ =	sdelay $0x1  }
0x172: {  	v3 =	vmul.f32 v3, v2;
	_ =	sdelay $0x1  }
0x173: {  	[tilespmem:$0x11C20] =	vst v3  }
0x174: {  	v1 =	vld.idx.msk [tilespmem:v1+s24+$0x0], $0xffff;
	_ =	sdelay $0x4  }
0x175: {  	v1 =	vmul.f32 v1, v2;
	_ =	sdelay $0x1  }
0x176: {  	[tilespmem:$0x11CA0] =	vst v1  }
0x177: {  	v1 =	vld [tilespmem:s19+$0xB0];
	_ =	sdelay $0x2  }
0x178: {  	v2 =	vld [tilespmem:s19+$0x28B0];
	_ =	sdelay $0x1  }
0x179: {  	v1 =	vshll.u32 v1, $0x2;
	_ =	sdelay $0x2  }
0x17a: {  	[tilespmem:$0x118B0] =	vst v2  }
0x17b: {  	v2 =	vld [tilespmem:s19+$0x50B0]  }
0x17c: {  	v3 =	vld.idx.msk [tilespmem:v1+s24+$0x0], $0xffff;
	_ =	sdelay $0x2  }
0x17d: {  	v54 =	vor.u32 $0x1, v1;
	_ =	sdelay $0x1  }
0x17e: {  	v3 =	vmul.f32 v3, v2;
	_ =	sdelay $0x1  }
0x17f: {  	[tilespmem:$0x11B30] =	vst v3  }
0x180: {  	v3 =	vld.idx.msk [tilespmem:v54+s24+$0x0], $0xffff;
	_ =	sdelay $0x2  }
0x181: {  	v55 =	vor.u32 $0x2, v1;
	_ =	sdelay $0x1  }
0x182: {  	v3 =	vmul.f32 v3, v2;
	_ =	sdelay $0x1  }
0x183: {  	[tilespmem:$0x11BB0] =	vst v3  }
0x184: {  	v3 =	vld.idx.msk [tilespmem:v55+s24+$0x0], $0xffff;
	_ =	sdelay $0x2  }
0x185: {  	v1 =	vor.u32 $0x3, v1;
	_ =	sdelay $0x1  }
0x186: {  	v3 =	vmul.f32 v3, v2;
	_ =	sdelay $0x1  }
0x187: {  	[tilespmem:$0x11C30] =	vst v3  }
0x188: {  	v1 =	vld.idx.msk [tilespmem:v1+s24+$0x0], $0xffff;
	_ =	sdelay $0x4  }
0x189: {  	v1 =	vmul.f32 v1, v2;
	_ =	sdelay $0x1  }
0x18a: {  	[tilespmem:$0x11CB0] =	vst v1  }
0x18b: {  	v1 =	vld [tilespmem:s19+$0xC0];
	_ =	sdelay $0x2  }
0x18c: {  	v2 =	vld [tilespmem:s19+$0x28C0];
	_ =	sdelay $0x1  }
0x18d: {  	v1 =	vshll.u32 v1, $0x2;
	_ =	sdelay $0x2  }
0x18e: {  	[tilespmem:$0x118C0] =	vst v2  }
0x18f: {  	v2 =	vld [tilespmem:s19+$0x50C0]  }
0x190: {  	v3 =	vld.idx.msk [tilespmem:v1+s24+$0x0], $0xffff;
	_ =	sdelay $0x2  }
0x191: {  	v56 =	vor.u32 $0x1, v1;
	_ =	sdelay $0x1  }
0x192: {  	v3 =	vmul.f32 v3, v2;
	_ =	sdelay $0x1  }
0x193: {  	[tilespmem:$0x11B40] =	vst v3  }
0x194: {  	v3 =	vld.idx.msk [tilespmem:v56+s24+$0x0], $0xffff;
	_ =	sdelay $0x2  }
0x195: {  	v57 =	vor.u32 $0x2, v1;
	_ =	sdelay $0x1  }
0x196: {  	v3 =	vmul.f32 v3, v2;
	_ =	sdelay $0x1  }
0x197: {  	[tilespmem:$0x11BC0] =	vst v3  }
0x198: {  	v3 =	vld.idx.msk [tilespmem:v57+s24+$0x0], $0xffff;
	_ =	sdelay $0x2  }
0x199: {  	v1 =	vor.u32 $0x3, v1;
	_ =	sdelay $0x1  }
0x19a: {  	v3 =	vmul.f32 v3, v2;
	_ =	sdelay $0x1  }
0x19b: {  	[tilespmem:$0x11C40] =	vst v3  }
0x19c: {  	v1 =	vld.idx.msk [tilespmem:v1+s24+$0x0], $0xffff;
	_ =	sdelay $0x4  }
0x19d: {  	v1 =	vmul.f32 v1, v2;
	_ =	sdelay $0x1  }
0x19e: {  	[tilespmem:$0x11CC0] =	vst v1  }
0x19f: {  	v1 =	vld [tilespmem:s19+$0xD0];
	_ =	sdelay $0x2  }
0x1a0: {  	v2 =	vld [tilespmem:s19+$0x28D0];
	_ =	sdelay $0x1  }
0x1a1: {  	v1 =	vshll.u32 v1, $0x2;
	_ =	sdelay $0x2  }
0x1a2: {  	[tilespmem:$0x118D0] =	vst v2  }
0x1a3: {  	v2 =	vld [tilespmem:s19+$0x50D0]  }
0x1a4: {  	v3 =	vld.idx.msk [tilespmem:v1+s24+$0x0], $0xffff;
	_ =	sdelay $0x2  }
0x1a5: {  	v58 =	vor.u32 $0x1, v1;
	_ =	sdelay $0x1  }
0x1a6: {  	v3 =	vmul.f32 v3, v2;
	_ =	sdelay $0x1  }
0x1a7: {  	[tilespmem:$0x11B50] =	vst v3  }
0x1a8: {  	v3 =	vld.idx.msk [tilespmem:v58+s24+$0x0], $0xffff;
	_ =	sdelay $0x2  }
0x1a9: {  	v59 =	vor.u32 $0x2, v1;
	_ =	sdelay $0x1  }
0x1aa: {  	v3 =	vmul.f32 v3, v2;
	_ =	sdelay $0x1  }
0x1ab: {  	[tilespmem:$0x11BD0] =	vst v3  }
0x1ac: {  	v3 =	vld.idx.msk [tilespmem:v59+s24+$0x0], $0xffff;
	_ =	sdelay $0x2  }
0x1ad: {  	v1 =	vor.u32 $0x3, v1;
	_ =	sdelay $0x1  }
0x1ae: {  	v3 =	vmul.f32 v3, v2;
	_ =	sdelay $0x1  }
0x1af: {  	[tilespmem:$0x11C50] =	vst v3  }
0x1b0: {  	v1 =	vld.idx.msk [tilespmem:v1+s24+$0x0], $0xffff;
	_ =	sdelay $0x4  }
0x1b1: {  	v1 =	vmul.f32 v1, v2;
	_ =	sdelay $0x1  }
0x1b2: {  	[tilespmem:$0x11CD0] =	vst v1  }
0x1b3: {  	v1 =	vld [tilespmem:s19+$0xE0];
	_ =	sdelay $0x2  }
0x1b4: {  	v2 =	vld [tilespmem:s19+$0x28E0];
	_ =	sdelay $0x1  }
0x1b5: {  	v1 =	vshll.u32 v1, $0x2;
	_ =	sdelay $0x2  }
0x1b6: {  	[tilespmem:$0x118E0] =	vst v2  }
0x1b7: {  	v2 =	vld [tilespmem:s19+$0x50E0]  }
0x1b8: {  	v3 =	vld.idx.msk [tilespmem:v1+s24+$0x0], $0xffff;
	_ =	sdelay $0x2  }
0x1b9: {  	v60 =	vor.u32 $0x1, v1;
	_ =	sdelay $0x1  }
0x1ba: {  	v3 =	vmul.f32 v3, v2;
	_ =	sdelay $0x1  }
0x1bb: {  	[tilespmem:$0x11B60] =	vst v3  }
0x1bc: {  	v3 =	vld.idx.msk [tilespmem:v60+s24+$0x0], $0xffff;
	_ =	sdelay $0x2  }
0x1bd: {  	v61 =	vor.u32 $0x2, v1;
	_ =	sdelay $0x1  }
0x1be: {  	v3 =	vmul.f32 v3, v2;
	_ =	sdelay $0x1  }
0x1bf: {  	[tilespmem:$0x11BE0] =	vst v3  }
0x1c0: {  	v3 =	vld.idx.msk [tilespmem:v61+s24+$0x0], $0xffff;
	_ =	sdelay $0x2  }
0x1c1: {  	v1 =	vor.u32 $0x3, v1;
	_ =	sdelay $0x1  }
0x1c2: {  	v3 =	vmul.f32 v3, v2;
	_ =	sdelay $0x1  }
0x1c3: {  	[tilespmem:$0x11C60] =	vst v3  }
0x1c4: {  	v1 =	vld.idx.msk [tilespmem:v1+s24+$0x0], $0xffff;
	_ =	sdelay $0x4  }
0x1c5: {  	v1 =	vmul.f32 v1, v2;
	_ =	sdelay $0x1  }
0x1c6: {  	[tilespmem:$0x11CE0] =	vst v1  }
0x1c7: {  	v1 =	vld [tilespmem:s19+$0xF0];
	_ =	sdelay $0x2  }
0x1c8: {  	v2 =	vld [tilespmem:s19+$0x28F0];
	_ =	sdelay $0x1  }
0x1c9: {  	v1 =	vshll.u32 v1, $0x2;
	_ =	sdelay $0x2  }
0x1ca: {  	[tilespmem:$0x118F0] =	vst v2  }
0x1cb: {  	v2 =	vld [tilespmem:s19+$0x50F0]  }
0x1cc: {  	v3 =	vld.idx.msk [tilespmem:v1+s24+$0x0], $0xffff;
	_ =	sdelay $0x2  }
0x1cd: {  	v62 =	vor.u32 $0x1, v1;
	_ =	sdelay $0x1  }
0x1ce: {  	v3 =	vmul.f32 v3, v2;
	_ =	sdelay $0x1  }
0x1cf: {  	[tilespmem:$0x11B70] =	vst v3  }
0x1d0: {  	v3 =	vld.idx.msk [tilespmem:v62+s24+$0x0], $0xffff;
	_ =	sdelay $0x2  }
0x1d1: {  	v63 =	vor.u32 $0x2, v1;
	_ =	sdelay $0x1  }
0x1d2: {  	v3 =	vmul.f32 v3, v2;
	_ =	sdelay $0x1  }
0x1d3: {  	[tilespmem:$0x11BF0] =	vst v3  }
0x1d4: {  	v3 =	vld.idx.msk [tilespmem:v63+s24+$0x0], $0xffff;
	_ =	sdelay $0x2  }
0x1d5: {  	v1 =	vor.u32 $0x3, v1;
	_ =	sdelay $0x1  }
0x1d6: {  	v3 =	vmul.f32 v3, v2;
	_ =	sdelay $0x1  }
0x1d7: {  	[tilespmem:$0x11C70] =	vst v3  }
0x1d8: {  	v1 =	vld.idx.msk [tilespmem:v1+s24+$0x0], $0xffff;
	_ =	sdelay $0x4  }
0x1d9: {  	v1 =	vmul.f32 v1, v2;
	_ =	sdelay $0x1  }
0x1da: {  	s18 =	sadd.s32 $0x400, s18;
	[tilespmem:$0x11CF0] =	vst v1  }
0x1db: {  	[spmem:s0] =	stream.indirect.scatter.add.f32 [tilespmem:s22], [sflag:$0x2], $0x1, s2, s25, $0xb8;
	[tilespmem:$0x12980] =	vst v63  }
0x1dc: {  	p0 =	sne.s32 s18, $0xA000  }
0x1dd: {  	[spmem:s1] =	stream.indirect.scatter.add.f32 [tilespmem:s23], [sflag:$0x2], $0x1, s2, s25, $0xb8;
	[tilespmem:$0x12980] =	vst v63  }
.Ltmp1:
0x1de: {  	_ = 	snop;
	(pc) =	sbr.rel @p0 .LBB2_4-.Ltmp1, $4  }
0x1df: {  	_ = 	snop  }
0x1e0: {  	[spmem:s4] =	stream.indirect.scatter.add.f32 [tilespmem:s3], [sflag:$0x2], $0x1, s2, s25, $0xb8;
	[tilespmem:$0x12980] =	vst v63  }
0x1e1: {  	_ = 	snop  }
0x1e2: {  	[spmem:s5] =	stream.indirect.scatter.add.f32 [tilespmem:s7], [sflag:$0x2], $0x1, s2, s25, $0xb8;
	[tilespmem:$0x12980] =	vst v63  }
0x1e3: {  	_ =	swait.ge [sflag:s13], $0x80  }
0x1e4: {  	[sflag:s13] =	ssyncset.done $0x0  }
0x1e5: {  	[sflag:s13] =	ssyncadd.s32 $0xFFFFFF80  }
0x1e6: {  	_ =	swait.ge [sflag:s13], $0x80  }
0x1e7: {  	[sflag:s13] =	ssyncset.done $0x0  }
0x1e8: {  	[sflag:s13] =	ssyncadd.s32 $0xFFFFFF80  }
0x1e9: {  	_ =	swait.ge [sflag:s13], $0x80  }
0x1ea: {  	[sflag:s13] =	ssyncset.done $0x0  }
0x1eb: {  	[sflag:s13] =	ssyncadd.s32 $0xFFFFFF80  }
0x1ec: {  	_ =	swait.ge [sflag:s13], $0x80  }
0x1ed: {  	[sflag:s13] =	ssyncset.done $0x0  }
0x1ee: {  	[sflag:s13] =	ssyncadd.s32 $0xFFFFFF80  }
0x1ef: {  	_ =	swait.ge [sflag:s14], $0x80  }
0x1f0: {  	[sflag:s14] =	ssyncset.done $0x0  }
0x1f1: {  	[sflag:s14] =	ssyncadd.s32 $0xFFFFFF80  }
0x1f2: {  	_ =	swait.ge [sflag:s14], $0x80  }
0x1f3: {  	[sflag:s14] =	ssyncset.done $0x0  }
0x1f4: {  	[sflag:s14] =	ssyncadd.s32 $0xFFFFFF80  }
0x1f5: {  	_ =	swait.ge [sflag:s14], $0x80  }
0x1f6: {  	[sflag:s14] =	ssyncset.done $0x0  }
0x1f7: {  	[sflag:s14] =	ssyncadd.s32 $0xFFFFFF80  }
0x1f8: {  	_ =	swait.ge [sflag:s14], $0x80  }
0x1f9: {  	[sflag:s14] =	ssyncset.done $0x0  }
0x1fa: {  	s6 =	stileid.u32;
	[sflag:s14] =	ssyncadd.s32 $0xFFFFFF80  }
0x1fb: {  	s6 =	sshll.u32 s6, $0x6;
	[bflag:$0x0] =	sbarrier.arrive $0xFFFF  }
0x1fc: {  	s8 =	sshrl.u32 s9, $0x3;
	s6 =	sor.u32 $0x1C03, s6;
	s19 =	rddreg [dreg:$0xb]  }
0x1fd: {  	[hbm:s19@s15], [sflag:s6] =	dma.strided [spmem:s8@s16], $0x50, s13, $0x10   }
0x1fe: {  	_ =	swait.ge [sflag:s21], $0x50  }
0x1ff: {  	s18 =	smov.u32 s9;
	[sflag:s21] =	ssyncset.done $0x0  }
0x200: {  	s9 =	sshrl.u32 s11, $0x3;
	s10 =	rddreg [dreg:$0xc];
	[sflag:s21] =	ssyncadd.s32 $0xFFFFFFB0  }
0x201: {  	[hbm:s10@s15], [sflag:s6] =	dma.strided [spmem:s9@s16], $0x50, s13, $0x10   }
0x202: {  	_ =	swait.ge [sflag:s21], $0x50  }
0x203: {  	s19 =	smov.u32 s11;
	s11 =	sshrl.u32 s12, $0x3;
	[sflag:s21] =	ssyncset.done $0x0  }
0x204: {  	s10 =	smov.u32 s12;
	s12 =	rddreg [dreg:$0xd];
	[sflag:s21] =	ssyncadd.s32 $0xFFFFFFB0  }
0x205: {  	[hbm:s12@s15], [sflag:s6] =	dma.strided [spmem:s11@s16], $0x50, s13, $0x10   }
0x206: {  	_ =	swait.ge [sflag:s21], $0x50  }
0x207: {  	[sflag:s21] =	ssyncset.done $0x0  }
0x208: {  	s9 =	sshrl.u32 s20, $0x3;
	s11 =	rddreg [dreg:$0xe];
	[sflag:s21] =	ssyncadd.s32 $0xFFFFFFB0  }
0x209: {  	[hbm:s11@s15], [sflag:s6] =	dma.strided [spmem:s9@s16], $0x50, s13, $0x10   }
0x20a: {  	_ =	swait.ge [sflag:s21], $0x50  }
0x20b: {  	s17 =	sadd.s32 $0x1, s17;
	s12 =	rddreg [dreg:$0xf]  }
0x20c: {  	p0 =	sne.s32 s17, s12  }
.Ltmp2:
0x20d: {  	_ = 	snop;
	(pc) =	sbr.rel @p0 .LBB2_1-.Ltmp2, $3  }
0x20e: {  	_ =	sdelay $0x1  }
0x20f: {  	[sflag:s21] =	ssyncset.done $0x0  }
0x210: {  	[sflag:s21] =	ssyncadd.s32 $0xFFFFFFB0  }
0x211: {  	_ =	sfence.sel $0x180000  }
0x212: {  	[bflag:$0x0] =	sbarrier.arrive $0xFFFF  }
0x213: {  	_ =	strace $0x9000004A  }
0x214: {  	s0 =	stileid.u32;
	[bflag:$0x2] =	sbarrier.arrive $0xFFFF  }
0x215: {  	p0 =	sne.s32 s0, $0x0;
	s0 =	rddreg [dreg:$0x6]  }
0x216: {  	s0 =	sadd.s32 @!p0 $0x100000, s0  }
0x217: {  	[sflag:s0] =	ssyncadd.tile.s32 @!p0 $0x1;
	_ =	shalt  }
.Lfunc_end2:
_tile_overlayer_lowered:
.L_overlay_start_2:
0x218: {  	(tag) =	ssettag $0x2  }
0x219: {  	s0 =	rddreg [dreg:$0x0];
	s2 =	stileid.u32  }
0x21a: {  	s1 =	rddreg [dreg:$0x1];
	p0 =	sne.s32 s2, $0x0  }
0x21b: {  	s3 =	rddreg [dreg:$0x2];
	[bflag:$0x3] =	sbarrier.arrive $0xFFFF;
	s2 =	simm.s32 @!p0 $0x1C03  }
0x21c: {  	[timem:s3], [sflag:s2] =	dma.local @!p0 [hbm:s0], s1  }
0x21d: {  	s0 =	simm.s32 @!p0 $0x3  }
0x21e: {  	_ =	swait.ge @!p0 [sflag:s0], s1  }
0x21f: {  	s1 =	ssub.s32 @!p0 $0x0, s1;
	[sflag:s0] =	ssyncset.done @!p0 $0x0  }
0x220: {  	[sflag:s0] =	ssyncadd.s32 @!p0 s1  }
0x221: {  	[bflag:$0x3] =	sbarrier.arrive $0xFFFF  }
0x222: {  	_ =	shalt  }

// kernel: kernel.15.cloned.1.call-start
scs
__scs_entry_jumppad:
0x0: {  	(pc) =	sbr.rel $0x88, $3  }
0x1: {  	(tag) =	ssettag $0x0;
	lr =	simm.s32 $0x1  }
0x2: {  	[smem:$0x3F94] =	sst lr;
	_ =	strace $0xD0000000  }
0x3: {  	_ = 	snop  }
0x4: {  	_ = 	snop  }
0x5: {  	_ = 	snop  }
0x6: {  	_ = 	snop  }
0x7: {  	_ = 	snop  }
__scs_overlays_trampoline_lowered:
0x8: {  	[smem:$0x3FA3] =	sst s0  }
0x9: {  	[smem:$0x3FA4] =	sst s1  }
0xa: {  	[smem:$0x3FA5] =	sst s2  }
0xb: {  	[smem:$0x3FA6] =	sst s3  }
0xc: {  	[smem:$0x3FA7] =	sst s4  }
0xd: {  	[smem:$0x3FA8] =	sst s5  }
0xe: {  	[smem:$0x3FA9] =	sst s6  }
0xf: {  	[smem:$0x3FAA] =	sst s7  }
0x10: {  	[smem:$0x3FAB] =	sst s8  }
0x11: {  	[smem:$0x3FAC] =	sst s9;
	s0 =	simm.s32 @!p0 $0x0  }
0x12: {  	s1 =	sld [smem:$0x3F92];
	s0 =	simm.s32 @p0 $0x1  }
0x13: {  	[smem:$0x3FAD] =	sst s0;
	s0 =	simm.s32 @!p1 $0x0  }
0x14: {  	s2 =	sld [smem:$0x3F91];
	s0 =	simm.s32 @p1 $0x1  }
0x15: {  	[smem:$0x3FAE] =	sst s0;
	s0 =	simm.s32 @!p2 $0x0  }
0x16: {  	s3 =	sld [smem:$0x3FDB];
	s0 =	simm.s32 @p2 $0x1  }
0x17: {  	s4 =	simm.s32 $0x1BF5;
	[smem:$0x3FB0] =	sst s0  }
0x18: {  	s0 =	sld [smem:$0x3F93];
	_ =	swait.ge [sflag:s4], $0x0  }
0x19: {  	s7 =	sld [smem:$0x3F94]  }
0x1a: {  	s8 =	sadd.s32 $0xFFFFE003, lr  }
0x1b: {  	s9 =	sadd.s32 $0xFFFFFEF7, lr;
	s5 =	simm.s32 $0xFFFFFFFF;
	p2 =	slt.u32 s8, $0xFFFFF086  }
0x1c: {  	p1 =	slt.u32 s9, $0xF7A;
	s5 =	simm.s32 @!p2 $0x0  }
0x1d: {  	s5 =	simm.s32 @p1 $0x1;
	p0 =	seq.s32 s7, s2  }
0x1e: {  	s7 =	smul.u32 @!p0 $0xF7A, s2;
	p2 =	seq.s32 @!p0 s5, $0x0  }
0x1f: {  	s9 =	smul.u32 $0xF7A, s1;
	s8 =	simm.s32 @!p0 $0x1BF5;
	p2 =	por !p2, p0  }
0x20: {  	[sflag:s8] =	ssyncset.s32 @!p0 $0xFFFFF086;
	s6 =	sadd.s32 @!p0 s3, s7;
	s7 =	simm.s32 @!p0 $0x108  }
0x21: {  	s3 =	sadd.s32 s3, s9;
	s6 =	sadd.s32 @!p0 $0x88, s6;
	s7 =	simm.s32 @p2 $0x1082  }
0x22: {  	[simem:s7], [sflag:s8] =	dma.local @!p0 [hbm:s6], $0xF7A  }
0x23: {  	s9 =	sor.u32 $0xD0000000, s2;
	s6 =	simm.s32 $0x108;
	_ =	swait.ge @!p0 [sflag:s8], $0x0  }
0x24: {  	s3 =	sadd.s32 $0x88, s3;
	s6 =	simm.s32 @!p1 $0x1082;
	[sflag:s4] =	ssyncset.s32 $0xFFFFF086  }
0x25: {  	[simem:s6], [sflag:s4] =	dma.local [hbm:s3], $0xF7A  }
0x26: {  	[smem:$0x3F94] =	sst s1;
	(tag) =	ssettag s2;
	_ =	strace s9  }
0x27: {  	s1 =	sld [smem:$0x3FA4]  }
0x28: {  	s2 =	sld [smem:$0x3FA5]  }
0x29: {  	s4 =	sld [smem:$0x3FA7]  }
0x2a: {  	p0 =	seq.s32 s5, $0x0;
	s5 =	sld [smem:$0x3FA8]  }
0x2b: {  	s6 =	sld [smem:$0x3FA9]  }
0x2c: {  	s7 =	sld [smem:$0x3FAA]  }
0x2d: {  	s3 =	simm.s32 $0x108;
	s8 =	sld [smem:$0x3FAB]  }
0x2e: {  	s3 =	simm.s32 @!p0 $0x1082;
	s9 =	sld [smem:$0x3FAC]  }
0x2f: {  	lr =	sadd.s32 s0, s3;
	s0 =	sld [smem:$0x3FA3]  }
0x30: {  	s3 =	sld [smem:$0x3FA6]  }
0x31: {  	[smem:$0x3FAF] =	sst s10  }
0x32: {  	s10 =	sld [smem:$0x3FAD];
	_ =	sdelay $0x3  }
0x33: {  	p0 =	seq.s32 s10, $0x1;
	s10 =	sld [smem:$0x3FAF];
	_ =	sdelay $0x3  }
0x34: {  	[smem:$0x3FAF] =	sst s10  }
0x35: {  	s10 =	sld [smem:$0x3FAE];
	_ =	sdelay $0x3  }
0x36: {  	p1 =	seq.s32 s10, $0x1;
	s10 =	sld [smem:$0x3FAF];
	_ =	sdelay $0x3  }
0x37: {  	[smem:$0x3FAF] =	sst s10  }
0x38: {  	s10 =	sld [smem:$0x3FB0]  }
0x39: {  	_ = 	snop;
	(pc) =	sbr.ind lr, $3  }
0x3a: {  	_ = 	snop  }
0x3b: {  	_ = 	snop  }
0x3c: {  	p2 =	seq.s32 s10, $0x1;
	s10 =	sld [smem:$0x3FAF]  }
0x3d: {  	_ =	shalt  }
0x3e: {  	_ =	shalt  }
0x3f: {  	_ =	shalt  }
0x40: {  	_ =	shalt  }
0x41: {  	_ =	shalt  }
0x42: {  	_ =	shalt  }
0x43: {  	_ =	shalt  }
0x44: {  	_ =	shalt  }
0x45: {  	_ =	shalt  }
0x46: {  	_ =	shalt  }
0x47: {  	_ =	shalt  }
0x48: {  	_ =	shalt  }
0x49: {  	_ =	shalt  }
0x4a: {  	_ =	shalt  }
0x4b: {  	_ =	shalt  }
0x4c: {  	_ =	shalt  }
0x4d: {  	_ =	shalt  }
0x4e: {  	_ =	shalt  }
0x4f: {  	_ =	shalt  }
0x50: {  	_ =	shalt  }
0x51: {  	_ =	shalt  }
0x52: {  	_ =	shalt  }
0x53: {  	_ =	shalt  }
0x54: {  	_ =	shalt  }
0x55: {  	_ =	shalt  }
0x56: {  	_ =	shalt  }
0x57: {  	_ =	shalt  }
0x58: {  	_ =	shalt  }
0x59: {  	_ =	shalt  }
0x5a: {  	_ =	shalt  }
0x5b: {  	_ =	shalt  }
0x5c: {  	_ =	shalt  }
0x5d: {  	_ =	shalt  }
0x5e: {  	_ =	shalt  }
0x5f: {  	_ =	shalt  }
0x60: {  	_ =	shalt  }
0x61: {  	_ =	shalt  }
0x62: {  	_ =	shalt  }
0x63: {  	_ =	shalt  }
0x64: {  	_ =	shalt  }
0x65: {  	_ =	shalt  }
0x66: {  	_ =	shalt  }
0x67: {  	_ =	shalt  }
0x68: {  	_ =	shalt  }
0x69: {  	_ =	shalt  }
0x6a: {  	_ =	shalt  }
0x6b: {  	_ =	shalt  }
0x6c: {  	_ =	shalt  }
0x6d: {  	_ =	shalt  }
0x6e: {  	_ =	shalt  }
0x6f: {  	_ =	shalt  }
0x70: {  	_ =	shalt  }
0x71: {  	_ =	shalt  }
0x72: {  	_ =	shalt  }
0x73: {  	_ =	shalt  }
0x74: {  	_ =	shalt  }
0x75: {  	_ =	shalt  }
0x76: {  	_ =	shalt  }
0x77: {  	_ =	shalt  }
0x78: {  	_ =	shalt  }
0x79: {  	_ =	shalt  }
0x7a: {  	_ =	shalt  }
0x7b: {  	_ =	shalt  }
0x7c: {  	_ =	shalt  }
0x7d: {  	_ =	shalt  }
0x7e: {  	_ =	shalt  }
0x7f: {  	_ =	shalt  }
0x80: {  	_ =	shalt  }
0x81: {  	_ =	shalt  }
0x82: {  	_ =	shalt  }
0x83: {  	_ =	shalt  }
0x84: {  	_ =	shalt  }
0x85: {  	_ =	shalt  }
0x86: {  	_ =	shalt  }
0x87: {  	_ =	shalt  }
.Lfunc_end0:
.L_simem_size_0:
called_computation.2_lowered:
.L_overlay_start_0:
0x88: {  	s2 =	sld [smem:$0x3FD9]  }
0x89: {  	s3 =	sld [smem:$0x3FFE];
	_ =	sdelay $0x1  }
0x8a: {  	s1 =	srdreg.scid  }
0x8b: {  	s0 =	sand.u32 $0x1, s1  }
0x8c: {  	s16 =	sshll.u32 s0, $0xA;
	s2 =	sadd.s32 s3, s2  }
0x8d: {  	s2 =	sadd.s32 s2, s16  }
0x8e: {  	[smem:$0x3FBB] =	sst s2  }
0x8f: {  	_ = 	snop  }
0x90: {  	(tm) =	ssettm $0x1  }
0x91: {  	s17 =	sld [smem:$0x3FFB];
	_ =	sdelay $0x3  }
0x92: {  	_ =	strace s17  }
0x93: {  	s2 =	sld [smem:$0x3FFC];
	_ =	sdelay $0x3  }
0x94: {  	_ =	strace s2  }
0x95: {  	s2 =	sld [smem:$0x3FFD];
	_ =	sdelay $0x3  }
0x96: {  	_ =	strace s2  }
0x97: {  	_ =	strace $0x8FFFFFFF  }
0x98: {  	s18 =	sld [smem:$0x3FDB];
	_ =	sdelay $0x1  }
0x99: {  	s19 =	simm.s32 $_scs_section_size  }
0x9a: {  	s4 =	simm.s32 $_size__tile_overlayer_lowered;
	s5 =	simm.s32 $_tile_overlayer_lowered  }
0x9b: {  	s22 =	simm.s32 $0x1BFF;
	s21 =	sshll.u32 s5, $0x1;
	s2 =	sadd.s32 s19, s18  }
0x9c: {  	s6 =	simm.s32 $0x0;
	s20 =	sshll.u32 s4, $0x1;
	s4 =	sadd.s32 s21, s2  }
0x9d: {  	[timem:s6], [sflag:s22] =	dma.local [hbm:s4], s20  }
0x9e: {  	_ =	swait.ge [sflag:s22], s20  }
0x9f: {  	s3 =	ssub.s32 $0x0, s20;
	[sflag:s22] =	ssyncset.done $0x0  }
0xa0: {  	[sflag:s22] =	ssyncadd.s32 s3;
	_ =	sdelay $0x1  }
0xa1: {  	s23 =	simm.s32 $0x1B8B  }
0xa2: {  	_ =	swait.ge [sflag:s23], $0x1  }
0xa3: {  	[sflag:s23] =	ssyncset.done $0x0  }
0xa4: {  	s25 =	simm.s32 $0x1B8E;
	s24 =	sld [smem:$0x3FFE];
	[sflag:s23] =	ssyncadd.s32 $0xFFFFFFFF  }
0xa5: {  	s26 =	simm.s32 $execute0_lowered;
	[smem:$0x3FD2] =	sst s25  }
0xa6: {  	s4 =	sshll.u32 s26, $0x1;
	_ =	strace $0x8000004C;
	[dreg:$0x1] =	wrdreg $0xFFFFFFFF  }
0xa7: {  	s28 =	simm.s32 $_size_execute0_lowered;
	s2 =	sadd.s32 s2, s4;
	[dreg:$0x0] =	wrdreg $0x0  }
0xa8: {  	s4 =	sshll.u32 s28, $0x1;
	[dreg:$0x2] =	wrdreg s2  }
0xa9: {  	[dreg:$0x3] =	wrdreg s4  }
0xaa: {  	[dreg:$0x4] =	wrdreg $0xC0  }
0xab: {  	_ =	task [dreg:s6], $0x5FFFF  }
0xac: {  	[dreg:$0x1] =	wrdreg $0xFFFFFFFF  }
0xad: {  	[dreg:$0x0] =	wrdreg $0x60  }
0xae: {  	[dreg:$0x2] =	wrdreg s24  }
0xaf: {  	[dreg:$0x3] =	wrdreg $0x11F800  }
0xb0: {  	[dreg:$0x4] =	wrdreg $0x122000  }
0xb1: {  	[dreg:$0x5] =	wrdreg $0x124800  }
0xb2: {  	[dreg:$0x6] =	wrdreg $0x127000  }
0xb3: {  	[dreg:$0x7] =	wrdreg $0x9  }
0xb4: {  	_ =	task.clear_ibuf [dreg:s6], $0x8FFFF;
	_ =	strace $0x9000004C  }
0xb5: {  	s29 =	simm.s32 $0x9;
	_ =	strace $0x8000004E  }
0xb6: {  	_ =	swait.ge [sflag:s29], $0x1  }
0xb7: {  	[sflag:s29] =	ssyncadd.s32 $0xFFFFFFFF  }
0xb8: {  	_ =	strace $0x9000004E  }
0xb9: {  	_ =	sfence  }
0xba: {  	s30 =	sld [smem:$0x0];
	_ =	sdelay $0x2  }
0xbb: {  	s31 =	sshll.u32 s1, $0xD;
	s1 =	sshrl.u32 s1, $0x2  }
0xbc: {  	s3 =	sand.u32 $0x4000, s31;
	s1 =	sadd.s32 s1, s30  }
0xbd: {  	s0 =	sor.u32 s3, s0;
	s1 =	sshll.u32 s1, $0x11  }
0xbe: {  	s0 =	sor.u32 s1, s0  }
0xbf: {  	s0 =	sadd.s32 $0x8F2B, s0  }
0xc0: {  	[sflag:s0] =	ssyncadd.remote.s32 $0x1  }
0xc1: {  	_ =	sfence.sel $0xFFFF  }
0xc2: {  	[dreg:$0x0] =	wrdreg $0xFFFFFFFF;
	(pc) =	sbr.abs _section_cstart, $3  }
0xc3: {  	[dreg:$0x1] =	wrdreg $0xFFFFFFFF  }
0xc4: {  	_ =	task.clear_ibuf [dreg:s6], $0x2FFFF;
	_ =	strace $0x9FFFFFFF  }
0xc5: {  	(tm) =	ssettm $0x7FFFFFFF  }
tec
execute0_lowered:
.L_overlay_start_1:
0x0: {  	(tag) =	ssettag $0x1  }
0x1: {  	s0 =	rddreg [dreg:$0x0]  }
0x2: {  	s1 =	rddreg [dreg:$0x1]  }
0x3: {  	s2 =	rddreg [dreg:$0x2]  }
0x4: {  	s3 =	rddreg [dreg:$0x3]  }
0x5: {  	s4 =	rddreg [dreg:$0x4]  }
0x6: {  	s5 =	srdreg.scid;
	s7 =	simm.s32 $0x0;
	s8 =	stileid.u32  }
0x7: {  	s28 =	simm.s32 $0x11A00;
	s29 =	simm.s32 $0x11A80;
	s30 =	simm.s32 $0x11880  }
0x8: {  	s31 =	simm.s32 $0x11B00;
	s13 =	simm.s32 $0x2;
	s14 =	simm.s32 $0x40  }
0x9: {  	s15 =	simm.s32 $0x10;
	s16 =	simm.s32 $0x0;
	s18 =	smul.u32 $0xA00, s8  }
0xa: {  	s5 =	sand.u32 $0x1, s5;
	[smem:$0x7FF] =	sst s7;
	s11 =	smul.u32 $0x280, s8  }
0xb: {  	s9 =	sadd.s32 $0x13C00, s0;
	s6 =	smul.u32 $0xA000, s5;
	_ =	strace $0x8000004D  }
0xc: {  	[dreg:$0x6] =	wrdreg s9;
	s19 =	sshll.u32 s5, $0x4;
	s5 =	ssub.s32 $0x2, s5  }
0xd: {  	s7 =	sor.u32 s8, s19;
	s20 =	sshrl.u32 s5, $0x1;
	s17 =	sadd.s32 s11, s1  }
0xe: {  	s21 =	sadd.s32 s11, s3;
	s19 =	sadd.s32 s11, s4;
	s6 =	sadd.s32 s18, s6  }
0xf: {  	s7 =	smul.u32 $0x4E2, s7;
	s5 =	ssub.s32 s5, s20;
	s18 =	sadd.s32 s11, s2  }
0x10: {  	s11 =	smov.u32 s21;
	s6 =	sshrl.u32 s6, $0x3;
	s26 =	smax.u32 s5, $0x1  }
0x11: {  	s6 =	sadd.s32 s6, s0;
	s0 =	sadd.s32 s0, s7;
	[dreg:$0xd] =	wrdreg s26  }
0x12: {  	s20 =	simm.s32 $0x3;
	[dreg:$0x7] =	wrdreg s0;
	s0 =	sadd.s32 $0x9E00, s0  }
0x13: {  	s21 =	simm.s32 $0x11C00;
	s22 =	sadd.s32 $0x15000, s6;
	[dreg:$0x8] =	wrdreg s0  }
0x14: {  	s5 =	simm.s32 $0x11C80;
	s23 =	sadd.s32 $0x15010, s6;
	[dreg:$0x9] =	wrdreg s22  }
0x15: {  	s26 =	simm.s32 $0x11980;
	s24 =	sadd.s32 $0x15020, s6;
	[dreg:$0xa] =	wrdreg s23  }
0x16: {  	s7 =	simm.s32 $0x1;
	s25 =	sadd.s32 $0x15030, s6;
	[dreg:$0xb] =	wrdreg s24  }
0x17: {  	[dreg:$0xc] =	wrdreg s25;
	s22 =	simm.s32 $0x7800;
	s23 =	simm.s32 $0x80  }
0x18: {  	v0 =	vimm.f32 $0.0e+00;
	s24 =	simm.s32 $0x11800;
	s25 =	simm.s32 $0x11900;
	s0 =	simm.s32 $0x11B80  }
.LBB2_1:
0x19: {  	[tilespmem:$0x11D00] =	vst v0  }
0x1a: {  	[tilespmem:$0x11D10] =	vst v0  }
0x1b: {  	[tilespmem:$0x11D20] =	vst v0  }
0x1c: {  	[tilespmem:$0x11D30] =	vst v0  }
0x1d: {  	[tilespmem:$0x11D40] =	vst v0  }
0x1e: {  	[tilespmem:$0x11D50] =	vst v0  }
0x1f: {  	[tilespmem:$0x11D60] =	vst v0  }
0x20: {  	[tilespmem:$0x11D70] =	vst v0  }
0x21: {  	[tilespmem:$0x11D80] =	vst v0  }
0x22: {  	[tilespmem:$0x11D90] =	vst v0  }
0x23: {  	[tilespmem:$0x11DA0] =	vst v0  }
0x24: {  	[tilespmem:$0x11DB0] =	vst v0  }
0x25: {  	[tilespmem:$0x11DC0] =	vst v0  }
0x26: {  	[tilespmem:$0x11DD0] =	vst v0  }
0x27: {  	[tilespmem:$0x11DE0] =	vst v0  }
0x28: {  	[tilespmem:$0x11DF0] =	vst v0  }
0x29: {  	[tilespmem:$0x11E00] =	vst v0  }
0x2a: {  	[tilespmem:$0x11E10] =	vst v0  }
0x2b: {  	[tilespmem:$0x11E20] =	vst v0  }
0x2c: {  	[tilespmem:$0x11E30] =	vst v0  }
0x2d: {  	[tilespmem:$0x11E40] =	vst v0  }
0x2e: {  	[tilespmem:$0x11E50] =	vst v0  }
0x2f: {  	[tilespmem:$0x11E60] =	vst v0  }
0x30: {  	[tilespmem:$0x11E70] =	vst v0  }
0x31: {  	[tilespmem:$0x11E80] =	vst v0  }
0x32: {  	[tilespmem:$0x11E90] =	vst v0  }
0x33: {  	[tilespmem:$0x11EA0] =	vst v0  }
0x34: {  	[tilespmem:$0x11EB0] =	vst v0  }
0x35: {  	[tilespmem:$0x11EC0] =	vst v0  }
0x36: {  	[tilespmem:$0x11ED0] =	vst v0  }
0x37: {  	[tilespmem:$0x11EE0] =	vst v0  }
0x38: {  	[tilespmem:$0x11EF0] =	vst v0  }
0x39: {  	[tilespmem:$0x11F00] =	vst v0  }
0x3a: {  	[tilespmem:$0x11F10] =	vst v0  }
0x3b: {  	[tilespmem:$0x11F20] =	vst v0  }
0x3c: {  	[tilespmem:$0x11F30] =	vst v0  }
0x3d: {  	[tilespmem:$0x11F40] =	vst v0  }
0x3e: {  	[tilespmem:$0x11F50] =	vst v0  }
0x3f: {  	[tilespmem:$0x11F60] =	vst v0  }
0x40: {  	[tilespmem:$0x11F70] =	vst v0;
	s8 =	simm.s32 $0x11D00  }
0x41: {  	[spmem:s17] =	stream.linear.scatter [tilespmem:s8], [sflag:$0x3], $0x280, $0x38;
	[tilespmem:$0x12980] =	vst v63  }
0x42: {  	_ =	swait.ge [sflag:s20], $0x280  }
0x43: {  	[sflag:s20] =	ssyncset.done $0x0  }
0x44: {  	[sflag:s20] =	ssyncadd.s32 $0xFFFFFD80  }
0x45: {  	[spmem:s18] =	stream.linear.scatter [tilespmem:s8], [sflag:$0x3], $0x280, $0x38;
	[tilespmem:$0x12980] =	vst v63  }
0x46: {  	_ =	swait.ge [sflag:s20], $0x280  }
0x47: {  	[sflag:s20] =	ssyncset.done $0x0  }
0x48: {  	[sflag:s20] =	ssyncadd.s32 $0xFFFFFD80  }
0x49: {  	[spmem:s11] =	stream.linear.scatter [tilespmem:s8], [sflag:$0x3], $0x280, $0x38;
	[tilespmem:$0x12980] =	vst v63  }
0x4a: {  	_ =	swait.ge [sflag:s20], $0x280  }
0x4b: {  	[sflag:s20] =	ssyncset.done $0x0  }
0x4c: {  	[sflag:s20] =	ssyncadd.s32 $0xFFFFFD80  }
0x4d: {  	[spmem:s19] =	stream.linear.scatter [tilespmem:s8], [sflag:$0x3], $0x280, $0x38;
	[tilespmem:$0x12980] =	vst v63  }
0x4e: {  	_ =	swait.ge [sflag:s20], $0x280  }
0x4f: {  	s10 =	smov.u32 s18;
	[sflag:s20] =	ssyncset.done $0x0  }
0x50: {  	s6 =	simm.s32 $0x0;
	s18 =	rddreg [dreg:$0x8];
	[sflag:s20] =	ssyncadd.s32 $0xFFFFFD80  }
0x51: {  	[tilespmem:s6], [sflag:$0x3] =	stream.linear.gather [hbm4b:s18+s6], $0x2710, $0x38;
	[tilespmem:$0x12980] =	vst v63  }
0x52: {  	_ =	swait.ge [sflag:s20], $0x2710  }
0x53: {  	s9 =	smov.u32 s17;
	s12 =	smov.u32 s11;
	[sflag:s20] =	ssyncset.done $0x0  }
0x54: {  	s17 =	simm.s32 $0x2800;
	s11 =	rddreg [dreg:$0x7];
	[sflag:s20] =	ssyncadd.s32 $0xFFFFD8F0  }
0x55: {  	[tilespmem:s17], [sflag:$0x3] =	stream.linear.gather [hbm4b:s11+s6], $0x2710, $0x38;
	[tilespmem:$0x12980] =	vst v63  }
0x56: {  	_ =	swait.ge [sflag:s20], $0x2710  }
0x57: {  	[sflag:s20] =	ssyncset.done $0x0  }
0x58: {  	s18 =	rddreg [dreg:$0x6];
	[sflag:s20] =	ssyncadd.s32 $0xFFFFD8F0  }
0x59: {  	[tilespmem:s22], [sflag:$0x3] =	stream.linear.gather [hbm4b:s18+s6], $0xA000, $0x38;
	[tilespmem:$0x12980] =	vst v63  }
0x5a: {  	_ =	swait.ge [sflag:s20], $0xA000  }
0x5b: {  	[sflag:s20] =	ssyncset.done $0x0  }
0x5c: {  	s17 =	simm.s32 $0x2710;
	[sflag:s20] =	ssyncadd.s32 $0xFFFF6000  }
0x5d: {  	v1 =	vld [tilespmem:s17+$0x0];
	_ =	sdelay $0x3  }
0x5e: {  	p0 =	por $0x0, $0x0  }
0x5f: {  	v1 =	vpsel !p0, $0x2710, v1  }
0x60: {  	s18 =	simm.s32 $0x4F10;
	[tilespmem:s17+$0x0] =	vst v1  }
0x61: {  	v1 =	vld [tilespmem:s18+$0x0];
	_ =	sdelay $0x4  }
0x62: {  	v1 =	vpsel !p0, $0x0, v1  }
0x63: {  	s11 =	simm.s32 $0x7710;
	[tilespmem:s18+$0x0] =	vst v1  }
0x64: {  	v1 =	vld [tilespmem:s11+$0x0];
	_ =	sdelay $0x4  }
0x65: {  	s6 =	simm.s32 $0x2720;
	v1 =	vpsel !p0, $0x0, v1  }
.LBB2_2:
0x66: {  	[tilespmem:s11+$0x0] =	vst v1;
	s17 =	sadd.s32 $0x10, s17;
	s18 =	sadd.s32 $0x10, s18;
	s11 =	sadd.s32 $0x10, s11  }
0x67: {  	p0 =	sne.s32 s6, $0x27F0;
	s8 =	smov.u32 s6;
	s6 =	sadd.s32 $0x10, s6;
	v1 =	vld [tilespmem:s17+$0x0]  }
0x68: {  	_ =	sdelay $0x2  }
0x69: {  	p1 =	slt.u32 s8, $0x2710  }
0x6a: {  	v1 =	vpsel !p1, $0x2710, v1  }
0x6b: {  	[tilespmem:s17+$0x0] =	vst v1  }
0x6c: {  	v1 =	vld [tilespmem:s18+$0x0];
	_ =	sdelay $0x4  }
0x6d: {  	v1 =	vpsel !p1, $0x0, v1  }
0x6e: {  	[tilespmem:s18+$0x0] =	vst v1  }
0x6f: {  	v1 =	vld [tilespmem:s11+$0x0]  }
.Ltmp0:
0x70: {  	(pc) =	sbr.rel @p0 .LBB2_2-.Ltmp0, $2  }
0x71: {  	_ =	sdelay $0x2  }
0x72: {  	v1 =	vpsel !p1, $0x0, v1  }
0x73: {  	[tilespmem:s11+$0x0] =	vst v1  }
0x74: {  	s17 =	simm.s32 $0x0;
	[bflag:$0x0] =	sbarrier.arrive $0xFFFF  }
.LBB2_4:
0x75: {  	p0 =	seq.s32 s17, $0x0  }
0x76: {  	s6 =	simm.s32 @!p0 $0x1  }
0x77: {  	_ =	swait.ge @!p0 [sflag:s6], $0x80  }
0x78: {  	[sflag:s6] =	ssyncset.done @!p0 $0x0  }
0x79: {  	[sflag:s6] =	ssyncadd.s32 @!p0 $0xFFFFFF80  }
0x7a: {  	_ =	swait.ge @!p0 [sflag:s6], $0x80  }
0x7b: {  	[sflag:s6] =	ssyncset.done @!p0 $0x0  }
0x7c: {  	[sflag:s6] =	ssyncadd.s32 @!p0 $0xFFFFFF80  }
0x7d: {  	_ =	swait.ge @!p0 [sflag:s6], $0x80  }
0x7e: {  	[sflag:s6] =	ssyncset.done @!p0 $0x0  }
0x7f: {  	[sflag:s6] =	ssyncadd.s32 @!p0 $0xFFFFFF80  }
0x80: {  	_ =	swait.ge @!p0 [sflag:s6], $0x80  }
0x81: {  	[sflag:s6] =	ssyncset.done @!p0 $0x0  }
0x82: {  	s18 =	sshra.s32 s17, $0x2;
	[sflag:s6] =	ssyncadd.s32 @!p0 $0xFFFFFF80  }
0x83: {  	v1 =	vld [tilespmem:s18+$0x0];
	_ =	sdelay $0x3  }
0x84: {  	v2 =	vld [tilespmem:s18+$0x2800]  }
0x85: {  	v1 =	vshll.u32 v1, $0x2;
	_ =	sdelay $0x3  }
0x86: {  	[tilespmem:$0x11800] =	vst v2  }
0x87: {  	v2 =	vld.idx.msk [tilespmem:v1+s22+$0x0], $0xffff  }
0x88: {  	v3 =	vor.u32 $0x1, v1;
	_ =	sdelay $0x3  }
0x89: {  	[tilespmem:$0x11900] =	vst v2  }
0x8a: {  	v2 =	vld.idx.msk [tilespmem:v3+s22+$0x0], $0xffff  }
0x8b: {  	v3 =	vor.u32 $0x2, v1;
	_ =	sdelay $0x3  }
0x8c: {  	[tilespmem:$0x11980] =	vst v2  }
0x8d: {  	v2 =	vld.idx.msk [tilespmem:v3+s22+$0x0], $0xffff  }
0x8e: {  	v1 =	vor.u32 $0x3, v1;
	_ =	sdelay $0x3  }
0x8f: {  	[tilespmem:$0x11A00] =	vst v2  }
0x90: {  	v1 =	vld.idx.msk [tilespmem:v1+s22+$0x0], $0xffff;
	_ =	sdelay $0x4  }
0x91: {  	[tilespmem:$0x11A80] =	vst v1  }
0x92: {  	v1 =	vld [tilespmem:s18+$0x10];
	_ =	sdelay $0x3  }
0x93: {  	v2 =	vld [tilespmem:s18+$0x2810]  }
0x94: {  	v1 =	vshll.u32 v1, $0x2;
	_ =	sdelay $0x3  }
0x95: {  	[tilespmem:$0x11810] =	vst v2  }
0x96: {  	v2 =	vld.idx.msk [tilespmem:v1+s22+$0x0], $0xffff  }
0x97: {  	v3 =	vor.u32 $0x1, v1;
	_ =	sdelay $0x3  }
0x98: {  	[tilespmem:$0x11910] =	vst v2  }
0x99: {  	v2 =	vld.idx.msk [tilespmem:v3+s22+$0x0], $0xffff  }
0x9a: {  	v3 =	vor.u32 $0x2, v1;
	_ =	sdelay $0x3  }
0x9b: {  	[tilespmem:$0x11990] =	vst v2  }
0x9c: {  	v2 =	vld.idx.msk [tilespmem:v3+s22+$0x0], $0xffff  }
0x9d: {  	v1 =	vor.u32 $0x3, v1;
	_ =	sdelay $0x3  }
0x9e: {  	[tilespmem:$0x11A10] =	vst v2  }
0x9f: {  	v1 =	vld.idx.msk [tilespmem:v1+s22+$0x0], $0xffff;
	_ =	sdelay $0x4  }
0xa0: {  	[tilespmem:$0x11A90] =	vst v1  }
0xa1: {  	v1 =	vld [tilespmem:s18+$0x20];
	_ =	sdelay $0x3  }
0xa2: {  	v2 =	vld [tilespmem:s18+$0x2820]  }
0xa3: {  	v1 =	vshll.u32 v1, $0x2;
	_ =	sdelay $0x3  }
0xa4: {  	[tilespmem:$0x11820] =	vst v2  }
0xa5: {  	v2 =	vld.idx.msk [tilespmem:v1+s22+$0x0], $0xffff  }
0xa6: {  	v3 =	vor.u32 $0x1, v1;
	_ =	sdelay $0x3  }
0xa7: {  	[tilespmem:$0x11920] =	vst v2  }
0xa8: {  	v2 =	vld.idx.msk [tilespmem:v3+s22+$0x0], $0xffff  }
0xa9: {  	v3 =	vor.u32 $0x2, v1;
	_ =	sdelay $0x3  }
0xaa: {  	[tilespmem:$0x119A0] =	vst v2  }
0xab: {  	v2 =	vld.idx.msk [tilespmem:v3+s22+$0x0], $0xffff  }
0xac: {  	v1 =	vor.u32 $0x3, v1;
	_ =	sdelay $0x3  }
0xad: {  	[tilespmem:$0x11A20] =	vst v2  }
0xae: {  	v1 =	vld.idx.msk [tilespmem:v1+s22+$0x0], $0xffff;
	_ =	sdelay $0x4  }
0xaf: {  	[tilespmem:$0x11AA0] =	vst v1  }
0xb0: {  	v1 =	vld [tilespmem:s18+$0x30];
	_ =	sdelay $0x3  }
0xb1: {  	v2 =	vld [tilespmem:s18+$0x2830]  }
0xb2: {  	v1 =	vshll.u32 v1, $0x2;
	_ =	sdelay $0x3  }
0xb3: {  	[tilespmem:$0x11830] =	vst v2  }
0xb4: {  	v2 =	vld.idx.msk [tilespmem:v1+s22+$0x0], $0xffff  }
0xb5: {  	v3 =	vor.u32 $0x1, v1;
	_ =	sdelay $0x3  }
0xb6: {  	[tilespmem:$0x11930] =	vst v2  }
0xb7: {  	v2 =	vld.idx.msk [tilespmem:v3+s22+$0x0], $0xffff  }
0xb8: {  	v3 =	vor.u32 $0x2, v1;
	_ =	sdelay $0x3  }
0xb9: {  	[tilespmem:$0x119B0] =	vst v2  }
0xba: {  	v2 =	vld.idx.msk [tilespmem:v3+s22+$0x0], $0xffff  }
0xbb: {  	v1 =	vor.u32 $0x3, v1;
	_ =	sdelay $0x3  }
0xbc: {  	[tilespmem:$0x11A30] =	vst v2  }
0xbd: {  	v1 =	vld.idx.msk [tilespmem:v1+s22+$0x0], $0xffff;
	_ =	sdelay $0x4  }
0xbe: {  	[tilespmem:$0x11AB0] =	vst v1  }
0xbf: {  	v1 =	vld [tilespmem:s18+$0x40];
	_ =	sdelay $0x3  }
0xc0: {  	v2 =	vld [tilespmem:s18+$0x2840]  }
0xc1: {  	v1 =	vshll.u32 v1, $0x2;
	_ =	sdelay $0x3  }
0xc2: {  	[tilespmem:$0x11840] =	vst v2  }
0xc3: {  	v2 =	vld.idx.msk [tilespmem:v1+s22+$0x0], $0xffff  }
0xc4: {  	v3 =	vor.u32 $0x1, v1;
	_ =	sdelay $0x3  }
0xc5: {  	[tilespmem:$0x11940] =	vst v2  }
0xc6: {  	v2 =	vld.idx.msk [tilespmem:v3+s22+$0x0], $0xffff  }
0xc7: {  	v3 =	vor.u32 $0x2, v1;
	_ =	sdelay $0x3  }
0xc8: {  	[tilespmem:$0x119C0] =	vst v2  }
0xc9: {  	v2 =	vld.idx.msk [tilespmem:v3+s22+$0x0], $0xffff  }
0xca: {  	v1 =	vor.u32 $0x3, v1;
	_ =	sdelay $0x3  }
0xcb: {  	[tilespmem:$0x11A40] =	vst v2  }
0xcc: {  	v1 =	vld.idx.msk [tilespmem:v1+s22+$0x0], $0xffff;
	_ =	sdelay $0x4  }
0xcd: {  	[tilespmem:$0x11AC0] =	vst v1  }
0xce: {  	v1 =	vld [tilespmem:s18+$0x50];
	_ =	sdelay $0x3  }
0xcf: {  	v2 =	vld [tilespmem:s18+$0x2850]  }
0xd0: {  	v1 =	vshll.u32 v1, $0x2;
	_ =	sdelay $0x3  }
0xd1: {  	[tilespmem:$0x11850] =	vst v2  }
0xd2: {  	v2 =	vld.idx.msk [tilespmem:v1+s22+$0x0], $0xffff  }
0xd3: {  	v3 =	vor.u32 $0x1, v1;
	_ =	sdelay $0x3  }
0xd4: {  	[tilespmem:$0x11950] =	vst v2  }
0xd5: {  	v2 =	vld.idx.msk [tilespmem:v3+s22+$0x0], $0xffff  }
0xd6: {  	v3 =	vor.u32 $0x2, v1;
	_ =	sdelay $0x3  }
0xd7: {  	[tilespmem:$0x119D0] =	vst v2  }
0xd8: {  	v2 =	vld.idx.msk [tilespmem:v3+s22+$0x0], $0xffff  }
0xd9: {  	v1 =	vor.u32 $0x3, v1;
	_ =	sdelay $0x3  }
0xda: {  	[tilespmem:$0x11A50] =	vst v2  }
0xdb: {  	v1 =	vld.idx.msk [tilespmem:v1+s22+$0x0], $0xffff;
	_ =	sdelay $0x4  }
0xdc: {  	[tilespmem:$0x11AD0] =	vst v1  }
0xdd: {  	v1 =	vld [tilespmem:s18+$0x60];
	_ =	sdelay $0x3  }
0xde: {  	v2 =	vld [tilespmem:s18+$0x2860]  }
0xdf: {  	v1 =	vshll.u32 v1, $0x2;
	_ =	sdelay $0x3  }
0xe0: {  	[tilespmem:$0x11860] =	vst v2  }
0xe1: {  	v2 =	vld.idx.msk [tilespmem:v1+s22+$0x0], $0xffff  }
0xe2: {  	v3 =	vor.u32 $0x1, v1;
	_ =	sdelay $0x3  }
0xe3: {  	[tilespmem:$0x11960] =	vst v2  }
0xe4: {  	v2 =	vld.idx.msk [tilespmem:v3+s22+$0x0], $0xffff  }
0xe5: {  	v3 =	vor.u32 $0x2, v1;
	_ =	sdelay $0x3  }
0xe6: {  	[tilespmem:$0x119E0] =	vst v2  }
0xe7: {  	v2 =	vld.idx.msk [tilespmem:v3+s22+$0x0], $0xffff  }
0xe8: {  	v1 =	vor.u32 $0x3, v1;
	_ =	sdelay $0x3  }
0xe9: {  	[tilespmem:$0x11A60] =	vst v2  }
0xea: {  	v1 =	vld.idx.msk [tilespmem:v1+s22+$0x0], $0xffff;
	_ =	sdelay $0x4  }
0xeb: {  	[tilespmem:$0x11AE0] =	vst v1  }
0xec: {  	v1 =	vld [tilespmem:s18+$0x70];
	_ =	sdelay $0x3  }
0xed: {  	v2 =	vld [tilespmem:s18+$0x2870]  }
0xee: {  	v1 =	vshll.u32 v1, $0x2;
	_ =	sdelay $0x3  }
0xef: {  	[tilespmem:$0x11870] =	vst v2  }
0xf0: {  	v2 =	vld.idx.msk [tilespmem:v1+s22+$0x0], $0xffff  }
0xf1: {  	v3 =	vor.u32 $0x1, v1;
	_ =	sdelay $0x3  }
0xf2: {  	[tilespmem:$0x11970] =	vst v2  }
0xf3: {  	v2 =	vld.idx.msk [tilespmem:v3+s22+$0x0], $0xffff  }
0xf4: {  	v3 =	vor.u32 $0x2, v1;
	_ =	sdelay $0x3  }
0xf5: {  	[tilespmem:$0x119F0] =	vst v2  }
0xf6: {  	v2 =	vld.idx.msk [tilespmem:v3+s22+$0x0], $0xffff  }
0xf7: {  	v1 =	vor.u32 $0x3, v1;
	_ =	sdelay $0x3  }
0xf8: {  	[tilespmem:$0x11A70] =	vst v2  }
0xf9: {  	v1 =	vld.idx.msk [tilespmem:v1+s22+$0x0], $0xffff;
	_ =	sdelay $0x4  }
0xfa: {  	[tilespmem:$0x11AF0] =	vst v1  }
0xfb: {  	[spmem:s1] =	stream.indirect.scatter.add.f32 [tilespmem:s25], [sflag:$0x1], $0x1, s24, s23, $0xb8;
	[tilespmem:$0x12980] =	vst v63  }
0xfc: {  	_ = 	snop  }
0xfd: {  	[spmem:s2] =	stream.indirect.scatter.add.f32 [tilespmem:s26], [sflag:$0x1], $0x1, s24, s23, $0xb8;
	[tilespmem:$0x12980] =	vst v63  }
0xfe: {  	_ = 	snop  }
0xff: {  	[spmem:s3] =	stream.indirect.scatter.add.f32 [tilespmem:s28], [sflag:$0x1], $0x1, s24, s23, $0xb8;
	[tilespmem:$0x12980] =	vst v63  }
0x100: {  	s6 =	simm.s32 @!p0 $0x2  }
0x101: {  	[spmem:s4] =	stream.indirect.scatter.add.f32 [tilespmem:s29], [sflag:$0x1], $0x1, s24, s23, $0xb8;
	[tilespmem:$0x12980] =	vst v63  }
0x102: {  	_ =	swait.ge @!p0 [sflag:s6], $0x80  }
0x103: {  	[sflag:s6] =	ssyncset.done @!p0 $0x0  }
0x104: {  	[sflag:s6] =	ssyncadd.s32 @!p0 $0xFFFFFF80  }
0x105: {  	_ =	swait.ge @!p0 [sflag:s6], $0x80  }
0x106: {  	[sflag:s6] =	ssyncset.done @!p0 $0x0  }
0x107: {  	[sflag:s6] =	ssyncadd.s32 @!p0 $0xFFFFFF80  }
0x108: {  	_ =	swait.ge @!p0 [sflag:s6], $0x80  }
0x109: {  	[sflag:s6] =	ssyncset.done @!p0 $0x0  }
0x10a: {  	[sflag:s6] =	ssyncadd.s32 @!p0 $0xFFFFFF80  }
0x10b: {  	_ =	swait.ge @!p0 [sflag:s6], $0x80  }
0x10c: {  	[sflag:s6] =	ssyncset.done @!p0 $0x0  }
0x10d: {  	[sflag:s6] =	ssyncadd.s32 @!p0 $0xFFFFFF80  }
0x10e: {  	v1 =	vld [tilespmem:s18+$0x80];
	_ =	sdelay $0x3  }
0x10f: {  	v2 =	vld [tilespmem:s18+$0x2880]  }
0x110: {  	v1 =	vshll.u32 v1, $0x2;
	_ =	sdelay $0x3  }
0x111: {  	[tilespmem:$0x11880] =	vst v2  }
0x112: {  	v2 =	vld.idx.msk [tilespmem:v1+s22+$0x0], $0xffff  }
0x113: {  	v3 =	vor.u32 $0x1, v1;
	_ =	sdelay $0x3  }
0x114: {  	[tilespmem:$0x11B00] =	vst v2  }
0x115: {  	v2 =	vld.idx.msk [tilespmem:v3+s22+$0x0], $0xffff  }
0x116: {  	v3 =	vor.u32 $0x2, v1;
	_ =	sdelay $0x3  }
0x117: {  	[tilespmem:$0x11B80] =	vst v2  }
0x118: {  	v2 =	vld.idx.msk [tilespmem:v3+s22+$0x0], $0xffff  }
0x119: {  	v1 =	vor.u32 $0x3, v1;
	_ =	sdelay $0x3  }
0x11a: {  	[tilespmem:$0x11C00] =	vst v2  }
0x11b: {  	v1 =	vld.idx.msk [tilespmem:v1+s22+$0x0], $0xffff;
	_ =	sdelay $0x4  }
0x11c: {  	[tilespmem:$0x11C80] =	vst v1  }
0x11d: {  	v1 =	vld [tilespmem:s18+$0x90];
	_ =	sdelay $0x3  }
0x11e: {  	v2 =	vld [tilespmem:s18+$0x2890]  }
0x11f: {  	v1 =	vshll.u32 v1, $0x2;
	_ =	sdelay $0x3  }
0x120: {  	[tilespmem:$0x11890] =	vst v2  }
0x121: {  	v2 =	vld.idx.msk [tilespmem:v1+s22+$0x0], $0xffff  }
0x122: {  	v3 =	vor.u32 $0x1, v1;
	_ =	sdelay $0x3  }
0x123: {  	[tilespmem:$0x11B10] =	vst v2  }
0x124: {  	v2 =	vld.idx.msk [tilespmem:v3+s22+$0x0], $0xffff  }
0x125: {  	v3 =	vor.u32 $0x2, v1;
	_ =	sdelay $0x3  }
0x126: {  	[tilespmem:$0x11B90] =	vst v2  }
0x127: {  	v2 =	vld.idx.msk [tilespmem:v3+s22+$0x0], $0xffff  }
0x128: {  	v1 =	vor.u32 $0x3, v1;
	_ =	sdelay $0x3  }
0x129: {  	[tilespmem:$0x11C10] =	vst v2  }
0x12a: {  	v1 =	vld.idx.msk [tilespmem:v1+s22+$0x0], $0xffff;
	_ =	sdelay $0x4  }
0x12b: {  	[tilespmem:$0x11C90] =	vst v1  }
0x12c: {  	v1 =	vld [tilespmem:s18+$0xA0];
	_ =	sdelay $0x3  }
0x12d: {  	v2 =	vld [tilespmem:s18+$0x28A0]  }
0x12e: {  	v1 =	vshll.u32 v1, $0x2;
	_ =	sdelay $0x3  }
0x12f: {  	[tilespmem:$0x118A0] =	vst v2  }
0x130: {  	v2 =	vld.idx.msk [tilespmem:v1+s22+$0x0], $0xffff  }
0x131: {  	v3 =	vor.u32 $0x1, v1;
	_ =	sdelay $0x3  }
0x132: {  	[tilespmem:$0x11B20] =	vst v2  }
0x133: {  	v2 =	vld.idx.msk [tilespmem:v3+s22+$0x0], $0xffff  }
0x134: {  	v3 =	vor.u32 $0x2, v1;
	_ =	sdelay $0x3  }
0x135: {  	[tilespmem:$0x11BA0] =	vst v2  }
0x136: {  	v2 =	vld.idx.msk [tilespmem:v3+s22+$0x0], $0xffff  }
0x137: {  	v1 =	vor.u32 $0x3, v1;
	_ =	sdelay $0x3  }
0x138: {  	[tilespmem:$0x11C20] =	vst v2  }
0x139: {  	v1 =	vld.idx.msk [tilespmem:v1+s22+$0x0], $0xffff;
	_ =	sdelay $0x4  }
0x13a: {  	[tilespmem:$0x11CA0] =	vst v1  }
0x13b: {  	v1 =	vld [tilespmem:s18+$0xB0];
	_ =	sdelay $0x3  }
0x13c: {  	v2 =	vld [tilespmem:s18+$0x28B0]  }
0x13d: {  	v1 =	vshll.u32 v1, $0x2;
	_ =	sdelay $0x3  }
0x13e: {  	[tilespmem:$0x118B0] =	vst v2  }
0x13f: {  	v2 =	vld.idx.msk [tilespmem:v1+s22+$0x0], $0xffff  }
0x140: {  	v3 =	vor.u32 $0x1, v1;
	_ =	sdelay $0x3  }
0x141: {  	[tilespmem:$0x11B30] =	vst v2  }
0x142: {  	v2 =	vld.idx.msk [tilespmem:v3+s22+$0x0], $0xffff  }
0x143: {  	v3 =	vor.u32 $0x2, v1;
	_ =	sdelay $0x3  }
0x144: {  	[tilespmem:$0x11BB0] =	vst v2  }
0x145: {  	v2 =	vld.idx.msk [tilespmem:v3+s22+$0x0], $0xffff  }
0x146: {  	v1 =	vor.u32 $0x3, v1;
	_ =	sdelay $0x3  }
0x147: {  	[tilespmem:$0x11C30] =	vst v2  }
0x148: {  	v1 =	vld.idx.msk [tilespmem:v1+s22+$0x0], $0xffff;
	_ =	sdelay $0x4  }
0x149: {  	[tilespmem:$0x11CB0] =	vst v1  }
0x14a: {  	v1 =	vld [tilespmem:s18+$0xC0];
	_ =	sdelay $0x3  }
0x14b: {  	v2 =	vld [tilespmem:s18+$0x28C0]  }
0x14c: {  	v1 =	vshll.u32 v1, $0x2;
	_ =	sdelay $0x3  }
0x14d: {  	[tilespmem:$0x118C0] =	vst v2  }
0x14e: {  	v2 =	vld.idx.msk [tilespmem:v1+s22+$0x0], $0xffff  }
0x14f: {  	v3 =	vor.u32 $0x1, v1;
	_ =	sdelay $0x3  }
0x150: {  	[tilespmem:$0x11B40] =	vst v2  }
0x151: {  	v2 =	vld.idx.msk [tilespmem:v3+s22+$0x0], $0xffff  }
0x152: {  	v3 =	vor.u32 $0x2, v1;
	_ =	sdelay $0x3  }
0x153: {  	[tilespmem:$0x11BC0] =	vst v2  }
0x154: {  	v2 =	vld.idx.msk [tilespmem:v3+s22+$0x0], $0xffff  }
0x155: {  	v1 =	vor.u32 $0x3, v1;
	_ =	sdelay $0x3  }
0x156: {  	[tilespmem:$0x11C40] =	vst v2  }
0x157: {  	v1 =	vld.idx.msk [tilespmem:v1+s22+$0x0], $0xffff;
	_ =	sdelay $0x4  }
0x158: {  	[tilespmem:$0x11CC0] =	vst v1  }
0x159: {  	v1 =	vld [tilespmem:s18+$0xD0];
	_ =	sdelay $0x3  }
0x15a: {  	v2 =	vld [tilespmem:s18+$0x28D0]  }
0x15b: {  	v1 =	vshll.u32 v1, $0x2;
	_ =	sdelay $0x3  }
0x15c: {  	[tilespmem:$0x118D0] =	vst v2  }
0x15d: {  	v2 =	vld.idx.msk [tilespmem:v1+s22+$0x0], $0xffff  }
0x15e: {  	v3 =	vor.u32 $0x1, v1;
	_ =	sdelay $0x3  }
0x15f: {  	[tilespmem:$0x11B50] =	vst v2  }
0x160: {  	v2 =	vld.idx.msk [tilespmem:v3+s22+$0x0], $0xffff  }
0x161: {  	v3 =	vor.u32 $0x2, v1;
	_ =	sdelay $0x3  }
0x162: {  	[tilespmem:$0x11BD0] =	vst v2  }
0x163: {  	v2 =	vld.idx.msk [tilespmem:v3+s22+$0x0], $0xffff  }
0x164: {  	v1 =	vor.u32 $0x3, v1;
	_ =	sdelay $0x3  }
0x165: {  	[tilespmem:$0x11C50] =	vst v2  }
0x166: {  	v1 =	vld.idx.msk [tilespmem:v1+s22+$0x0], $0xffff;
	_ =	sdelay $0x4  }
0x167: {  	[tilespmem:$0x11CD0] =	vst v1  }
0x168: {  	v1 =	vld [tilespmem:s18+$0xE0];
	_ =	sdelay $0x3  }
0x169: {  	v2 =	vld [tilespmem:s18+$0x28E0]  }
0x16a: {  	v1 =	vshll.u32 v1, $0x2;
	_ =	sdelay $0x3  }
0x16b: {  	[tilespmem:$0x118E0] =	vst v2  }
0x16c: {  	v2 =	vld.idx.msk [tilespmem:v1+s22+$0x0], $0xffff  }
0x16d: {  	v3 =	vor.u32 $0x1, v1;
	_ =	sdelay $0x3  }
0x16e: {  	[tilespmem:$0x11B60] =	vst v2  }
0x16f: {  	v2 =	vld.idx.msk [tilespmem:v3+s22+$0x0], $0xffff  }
0x170: {  	v3 =	vor.u32 $0x2, v1;
	_ =	sdelay $0x3  }
0x171: {  	[tilespmem:$0x11BE0] =	vst v2  }
0x172: {  	v2 =	vld.idx.msk [tilespmem:v3+s22+$0x0], $0xffff  }
0x173: {  	v1 =	vor.u32 $0x3, v1;
	_ =	sdelay $0x3  }
0x174: {  	[tilespmem:$0x11C60] =	vst v2  }
0x175: {  	v1 =	vld.idx.msk [tilespmem:v1+s22+$0x0], $0xffff;
	_ =	sdelay $0x4  }
0x176: {  	[tilespmem:$0x11CE0] =	vst v1  }
0x177: {  	v1 =	vld [tilespmem:s18+$0xF0];
	_ =	sdelay $0x3  }
0x178: {  	v2 =	vld [tilespmem:s18+$0x28F0]  }
0x179: {  	v1 =	vshll.u32 v1, $0x2;
	_ =	sdelay $0x3  }
0x17a: {  	[tilespmem:$0x118F0] =	vst v2  }
0x17b: {  	v2 =	vld.idx.msk [tilespmem:v1+s22+$0x0], $0xffff  }
0x17c: {  	v3 =	vor.u32 $0x1, v1;
	_ =	sdelay $0x3  }
0x17d: {  	[tilespmem:$0x11B70] =	vst v2  }
0x17e: {  	v2 =	vld.idx.msk [tilespmem:v3+s22+$0x0], $0xffff  }
0x17f: {  	v3 =	vor.u32 $0x2, v1;
	_ =	sdelay $0x3  }
0x180: {  	[tilespmem:$0x11BF0] =	vst v2  }
0x181: {  	v2 =	vld.idx.msk [tilespmem:v3+s22+$0x0], $0xffff  }
0x182: {  	v1 =	vor.u32 $0x3, v1;
	_ =	sdelay $0x3  }
0x183: {  	[tilespmem:$0x11C70] =	vst v2  }
0x184: {  	v1 =	vld.idx.msk [tilespmem:v1+s22+$0x0], $0xffff;
	_ =	sdelay $0x4  }
0x185: {  	s17 =	sadd.s32 $0x400, s17;
	[tilespmem:$0x11CF0] =	vst v1  }
0x186: {  	[spmem:s1] =	stream.indirect.scatter.add.f32 [tilespmem:s31], [sflag:$0x2], $0x1, s30, s23, $0xb8;
	[tilespmem:$0x12980] =	vst v63  }
0x187: {  	p0 =	sne.s32 s17, $0xA000  }
0x188: {  	[spmem:s2] =	stream.indirect.scatter.add.f32 [tilespmem:s0], [sflag:$0x2], $0x1, s30, s23, $0xb8;
	[tilespmem:$0x12980] =	vst v63  }
.Ltmp1:
0x189: {  	_ = 	snop;
	(pc) =	sbr.rel @p0 .LBB2_4-.Ltmp1, $4  }
0x18a: {  	_ = 	snop  }
0x18b: {  	[spmem:s3] =	stream.indirect.scatter.add.f32 [tilespmem:s21], [sflag:$0x2], $0x1, s30, s23, $0xb8;
	[tilespmem:$0x12980] =	vst v63  }
0x18c: {  	_ = 	snop  }
0x18d: {  	[spmem:s4] =	stream.indirect.scatter.add.f32 [tilespmem:s5], [sflag:$0x2], $0x1, s30, s23, $0xb8;
	[tilespmem:$0x12980] =	vst v63  }
0x18e: {  	_ =	swait.ge [sflag:s7], $0x80  }
0x18f: {  	[sflag:s7] =	ssyncset.done $0x0  }
0x190: {  	[sflag:s7] =	ssyncadd.s32 $0xFFFFFF80  }
0x191: {  	_ =	swait.ge [sflag:s7], $0x80  }
0x192: {  	[sflag:s7] =	ssyncset.done $0x0  }
0x193: {  	[sflag:s7] =	ssyncadd.s32 $0xFFFFFF80  }
0x194: {  	_ =	swait.ge [sflag:s7], $0x80  }
0x195: {  	[sflag:s7] =	ssyncset.done $0x0  }
0x196: {  	[sflag:s7] =	ssyncadd.s32 $0xFFFFFF80  }
0x197: {  	_ =	swait.ge [sflag:s7], $0x80  }
0x198: {  	[sflag:s7] =	ssyncset.done $0x0  }
0x199: {  	[sflag:s7] =	ssyncadd.s32 $0xFFFFFF80  }
0x19a: {  	_ =	swait.ge [sflag:s13], $0x80  }
0x19b: {  	[sflag:s13] =	ssyncset.done $0x0  }
0x19c: {  	[sflag:s13] =	ssyncadd.s32 $0xFFFFFF80  }
0x19d: {  	_ =	swait.ge [sflag:s13], $0x80  }
0x19e: {  	[sflag:s13] =	ssyncset.done $0x0  }
0x19f: {  	[sflag:s13] =	ssyncadd.s32 $0xFFFFFF80  }
0x1a0: {  	_ =	swait.ge [sflag:s13], $0x80  }
0x1a1: {  	[sflag:s13] =	ssyncset.done $0x0  }
0x1a2: {  	[sflag:s13] =	ssyncadd.s32 $0xFFFFFF80  }
0x1a3: {  	_ =	swait.ge [sflag:s13], $0x80  }
0x1a4: {  	[sflag:s13] =	ssyncset.done $0x0  }
0x1a5: {  	s6 =	stileid.u32;
	[sflag:s13] =	ssyncadd.s32 $0xFFFFFF80  }
0x1a6: {  	s6 =	sshll.u32 s6, $0x6;
	[bflag:$0x0] =	sbarrier.arrive $0xFFFF  }
0x1a7: {  	s8 =	sshrl.u32 s9, $0x3;
	s6 =	sor.u32 $0x1C03, s6;
	s18 =	rddreg [dreg:$0x9]  }
0x1a8: {  	[hbm:s18@s14], [sflag:s6] =	dma.strided [spmem:s8@s15], $0x50, s7, $0x10   }
0x1a9: {  	_ =	swait.ge [sflag:s20], $0x50  }
0x1aa: {  	s18 =	smov.u32 s10;
	[sflag:s20] =	ssyncset.done $0x0  }
0x1ab: {  	s10 =	sshrl.u32 s10, $0x3;
	s11 =	rddreg [dreg:$0xa];
	[sflag:s20] =	ssyncadd.s32 $0xFFFFFFB0  }
0x1ac: {  	[hbm:s11@s14], [sflag:s6] =	dma.strided [spmem:s10@s15], $0x50, s7, $0x10   }
0x1ad: {  	_ =	swait.ge [sflag:s20], $0x50  }
0x1ae: {  	s11 =	smov.u32 s12;
	[sflag:s20] =	ssyncset.done $0x0  }
0x1af: {  	s10 =	sshrl.u32 s12, $0x3;
	s12 =	rddreg [dreg:$0xb];
	[sflag:s20] =	ssyncadd.s32 $0xFFFFFFB0  }
0x1b0: {  	[hbm:s12@s14], [sflag:s6] =	dma.strided [spmem:s10@s15], $0x50, s7, $0x10   }
0x1b1: {  	_ =	swait.ge [sflag:s20], $0x50  }
0x1b2: {  	s17 =	smov.u32 s9;
	[sflag:s20] =	ssyncset.done $0x0  }
0x1b3: {  	s9 =	sshrl.u32 s19, $0x3;
	s10 =	rddreg [dreg:$0xc];
	[sflag:s20] =	ssyncadd.s32 $0xFFFFFFB0  }
0x1b4: {  	[hbm:s10@s14], [sflag:s6] =	dma.strided [spmem:s9@s15], $0x50, s7, $0x10   }
0x1b5: {  	_ =	swait.ge [sflag:s20], $0x50  }
0x1b6: {  	s16 =	sadd.s32 $0x1, s16;
	s12 =	rddreg [dreg:$0xd]  }
0x1b7: {  	p0 =	sne.s32 s16, s12  }
.Ltmp2:
0x1b8: {  	_ = 	snop;
	(pc) =	sbr.rel @p0 .LBB2_1-.Ltmp2, $3  }
0x1b9: {  	_ =	sdelay $0x1  }
0x1ba: {  	[sflag:s20] =	ssyncset.done $0x0  }
0x1bb: {  	[sflag:s20] =	ssyncadd.s32 $0xFFFFFFB0  }
0x1bc: {  	_ =	sfence.sel $0x180000  }
0x1bd: {  	[bflag:$0x0] =	sbarrier.arrive $0xFFFF  }
0x1be: {  	_ =	strace $0x9000004D  }
0x1bf: {  	s0 =	stileid.u32;
	[bflag:$0x2] =	sbarrier.arrive $0xFFFF  }
0x1c0: {  	p0 =	sne.s32 s0, $0x0;
	s0 =	rddreg [dreg:$0x5]  }
0x1c1: {  	s0 =	sadd.s32 @!p0 $0x100000, s0  }
0x1c2: {  	[sflag:s0] =	ssyncadd.tile.s32 @!p0 $0x1;
	_ =	shalt  }
.Lfunc_end2:
_tile_overlayer_lowered:
.L_overlay_start_2:
0x1c3: {  	(tag) =	ssettag $0x2  }
0x1c4: {  	s0 =	rddreg [dreg:$0x0];
	s2 =	stileid.u32  }
0x1c5: {  	s1 =	rddreg [dreg:$0x1];
	p0 =	sne.s32 s2, $0x0  }
0x1c6: {  	s3 =	rddreg [dreg:$0x2];
	[bflag:$0x3] =	sbarrier.arrive $0xFFFF;
	s2 =	simm.s32 @!p0 $0x1C03  }
0x1c7: {  	[timem:s3], [sflag:s2] =	dma.local @!p0 [hbm:s0], s1  }
0x1c8: {  	s0 =	simm.s32 @!p0 $0x3  }
0x1c9: {  	_ =	swait.ge @!p0 [sflag:s0], s1  }
0x1ca: {  	s1 =	ssub.s32 @!p0 $0x0, s1;
	[sflag:s0] =	ssyncset.done @!p0 $0x0  }
0x1cb: {  	[sflag:s0] =	ssyncadd.s32 @!p0 s1  }
0x1cc: {  	[bflag:$0x3] =	sbarrier.arrive $0xFFFF  }
0x1cd: {  	_ =	shalt  }

// kernel: kernel.9.cloned.1.call-start
scs
__scs_entry_jumppad:
0x0: {  	(pc) =	sbr.rel $0x88, $3  }
0x1: {  	(tag) =	ssettag $0x0;
	lr =	simm.s32 $0x1  }
0x2: {  	[smem:$0x3F94] =	sst lr;
	_ =	strace $0xD0000000  }
0x3: {  	_ = 	snop  }
0x4: {  	_ = 	snop  }
0x5: {  	_ = 	snop  }
0x6: {  	_ = 	snop  }
0x7: {  	_ = 	snop  }
__scs_overlays_trampoline_lowered:
0x8: {  	[smem:$0x3FA3] =	sst s0  }
0x9: {  	[smem:$0x3FA4] =	sst s1  }
0xa: {  	[smem:$0x3FA5] =	sst s2  }
0xb: {  	[smem:$0x3FA6] =	sst s3  }
0xc: {  	[smem:$0x3FA7] =	sst s4  }
0xd: {  	[smem:$0x3FA8] =	sst s5  }
0xe: {  	[smem:$0x3FA9] =	sst s6  }
0xf: {  	[smem:$0x3FAA] =	sst s7  }
0x10: {  	[smem:$0x3FAB] =	sst s8  }
0x11: {  	[smem:$0x3FAC] =	sst s9;
	s0 =	simm.s32 @!p0 $0x0  }
0x12: {  	s1 =	sld [smem:$0x3F92];
	s0 =	simm.s32 @p0 $0x1  }
0x13: {  	[smem:$0x3FAD] =	sst s0;
	s0 =	simm.s32 @!p1 $0x0  }
0x14: {  	s2 =	sld [smem:$0x3F91];
	s0 =	simm.s32 @p1 $0x1  }
0x15: {  	[smem:$0x3FAE] =	sst s0;
	s0 =	simm.s32 @!p2 $0x0  }
0x16: {  	s3 =	sld [smem:$0x3FDB];
	s0 =	simm.s32 @p2 $0x1  }
0x17: {  	s4 =	simm.s32 $0x1BF5;
	[smem:$0x3FB0] =	sst s0  }
0x18: {  	s0 =	sld [smem:$0x3F93];
	_ =	swait.ge [sflag:s4], $0x0  }
0x19: {  	s7 =	sld [smem:$0x3F94]  }
0x1a: {  	s8 =	sadd.s32 $0xFFFFE003, lr  }
0x1b: {  	s9 =	sadd.s32 $0xFFFFFEF7, lr;
	s5 =	simm.s32 $0xFFFFFFFF;
	p2 =	slt.u32 s8, $0xFFFFF086  }
0x1c: {  	p1 =	slt.u32 s9, $0xF7A;
	s5 =	simm.s32 @!p2 $0x0  }
0x1d: {  	s5 =	simm.s32 @p1 $0x1;
	p0 =	seq.s32 s7, s2  }
0x1e: {  	s7 =	smul.u32 @!p0 $0xF7A, s2;
	p2 =	seq.s32 @!p0 s5, $0x0  }
0x1f: {  	s9 =	smul.u32 $0xF7A, s1;
	s8 =	simm.s32 @!p0 $0x1BF5;
	p2 =	por !p2, p0  }
0x20: {  	[sflag:s8] =	ssyncset.s32 @!p0 $0xFFFFF086;
	s6 =	sadd.s32 @!p0 s3, s7;
	s7 =	simm.s32 @!p0 $0x108  }
0x21: {  	s3 =	sadd.s32 s3, s9;
	s6 =	sadd.s32 @!p0 $0x88, s6;
	s7 =	simm.s32 @p2 $0x1082  }
0x22: {  	[simem:s7], [sflag:s8] =	dma.local @!p0 [hbm:s6], $0xF7A  }
0x23: {  	s9 =	sor.u32 $0xD0000000, s2;
	s6 =	simm.s32 $0x108;
	_ =	swait.ge @!p0 [sflag:s8], $0x0  }
0x24: {  	s3 =	sadd.s32 $0x88, s3;
	s6 =	simm.s32 @!p1 $0x1082;
	[sflag:s4] =	ssyncset.s32 $0xFFFFF086  }
0x25: {  	[simem:s6], [sflag:s4] =	dma.local [hbm:s3], $0xF7A  }
0x26: {  	[smem:$0x3F94] =	sst s1;
	(tag) =	ssettag s2;
	_ =	strace s9  }
0x27: {  	s1 =	sld [smem:$0x3FA4]  }
0x28: {  	s2 =	sld [smem:$0x3FA5]  }
0x29: {  	s4 =	sld [smem:$0x3FA7]  }
0x2a: {  	p0 =	seq.s32 s5, $0x0;
	s5 =	sld [smem:$0x3FA8]  }
0x2b: {  	s6 =	sld [smem:$0x3FA9]  }
0x2c: {  	s7 =	sld [smem:$0x3FAA]  }
0x2d: {  	s3 =	simm.s32 $0x108;
	s8 =	sld [smem:$0x3FAB]  }
0x2e: {  	s3 =	simm.s32 @!p0 $0x1082;
	s9 =	sld [smem:$0x3FAC]  }
0x2f: {  	lr =	sadd.s32 s0, s3;
	s0 =	sld [smem:$0x3FA3]  }
0x30: {  	s3 =	sld [smem:$0x3FA6]  }
0x31: {  	[smem:$0x3FAF] =	sst s10  }
0x32: {  	s10 =	sld [smem:$0x3FAD];
	_ =	sdelay $0x3  }
0x33: {  	p0 =	seq.s32 s10, $0x1;
	s10 =	sld [smem:$0x3FAF];
	_ =	sdelay $0x3  }
0x34: {  	[smem:$0x3FAF] =	sst s10  }
0x35: {  	s10 =	sld [smem:$0x3FAE];
	_ =	sdelay $0x3  }
0x36: {  	p1 =	seq.s32 s10, $0x1;
	s10 =	sld [smem:$0x3FAF];
	_ =	sdelay $0x3  }
0x37: {  	[smem:$0x3FAF] =	sst s10  }
0x38: {  	s10 =	sld [smem:$0x3FB0]  }
0x39: {  	_ = 	snop;
	(pc) =	sbr.ind lr, $3  }
0x3a: {  	_ = 	snop  }
0x3b: {  	_ = 	snop  }
0x3c: {  	p2 =	seq.s32 s10, $0x1;
	s10 =	sld [smem:$0x3FAF]  }
0x3d: {  	_ =	shalt  }
0x3e: {  	_ =	shalt  }
0x3f: {  	_ =	shalt  }
0x40: {  	_ =	shalt  }
0x41: {  	_ =	shalt  }
0x42: {  	_ =	shalt  }
0x43: {  	_ =	shalt  }
0x44: {  	_ =	shalt  }
0x45: {  	_ =	shalt  }
0x46: {  	_ =	shalt  }
0x47: {  	_ =	shalt  }
0x48: {  	_ =	shalt  }
0x49: {  	_ =	shalt  }
0x4a: {  	_ =	shalt  }
0x4b: {  	_ =	shalt  }
0x4c: {  	_ =	shalt  }
0x4d: {  	_ =	shalt  }
0x4e: {  	_ =	shalt  }
0x4f: {  	_ =	shalt  }
0x50: {  	_ =	shalt  }
0x51: {  	_ =	shalt  }
0x52: {  	_ =	shalt  }
0x53: {  	_ =	shalt  }
0x54: {  	_ =	shalt  }
0x55: {  	_ =	shalt  }
0x56: {  	_ =	shalt  }
0x57: {  	_ =	shalt  }
0x58: {  	_ =	shalt  }
0x59: {  	_ =	shalt  }
0x5a: {  	_ =	shalt  }
0x5b: {  	_ =	shalt  }
0x5c: {  	_ =	shalt  }
0x5d: {  	_ =	shalt  }
0x5e: {  	_ =	shalt  }
0x5f: {  	_ =	shalt  }
0x60: {  	_ =	shalt  }
0x61: {  	_ =	shalt  }
0x62: {  	_ =	shalt  }
0x63: {  	_ =	shalt  }
0x64: {  	_ =	shalt  }
0x65: {  	_ =	shalt  }
0x66: {  	_ =	shalt  }
0x67: {  	_ =	shalt  }
0x68: {  	_ =	shalt  }
0x69: {  	_ =	shalt  }
0x6a: {  	_ =	shalt  }
0x6b: {  	_ =	shalt  }
0x6c: {  	_ =	shalt  }
0x6d: {  	_ =	shalt  }
0x6e: {  	_ =	shalt  }
0x6f: {  	_ =	shalt  }
0x70: {  	_ =	shalt  }
0x71: {  	_ =	shalt  }
0x72: {  	_ =	shalt  }
0x73: {  	_ =	shalt  }
0x74: {  	_ =	shalt  }
0x75: {  	_ =	shalt  }
0x76: {  	_ =	shalt  }
0x77: {  	_ =	shalt  }
0x78: {  	_ =	shalt  }
0x79: {  	_ =	shalt  }
0x7a: {  	_ =	shalt  }
0x7b: {  	_ =	shalt  }
0x7c: {  	_ =	shalt  }
0x7d: {  	_ =	shalt  }
0x7e: {  	_ =	shalt  }
0x7f: {  	_ =	shalt  }
0x80: {  	_ =	shalt  }
0x81: {  	_ =	shalt  }
0x82: {  	_ =	shalt  }
0x83: {  	_ =	shalt  }
0x84: {  	_ =	shalt  }
0x85: {  	_ =	shalt  }
0x86: {  	_ =	shalt  }
0x87: {  	_ =	shalt  }
.Lfunc_end0:
.L_simem_size_0:
called_computation_lowered:
.L_overlay_start_0:
0x88: {  	s2 =	sld [smem:$0x3FD9]  }
0x89: {  	s3 =	sld [smem:$0x3FFE];
	_ =	sdelay $0x1  }
0x8a: {  	s1 =	srdreg.scid  }
0x8b: {  	s0 =	sand.u32 $0x1, s1  }
0x8c: {  	s17 =	sshll.u32 s0, $0xA;
	s2 =	sadd.s32 s3, s2  }
0x8d: {  	s2 =	sadd.s32 s2, s17  }
0x8e: {  	[smem:$0x3FBB] =	sst s2  }
0x8f: {  	_ = 	snop  }
0x90: {  	s2 =	sld [smem:$0x3FC7];
	(tm) =	ssettm $0x1  }
0x91: {  	s18 =	sld [smem:$0x3FFB];
	_ =	sdelay $0x3  }
0x92: {  	_ =	strace s18  }
0x93: {  	s3 =	sld [smem:$0x3FFC];
	_ =	sdelay $0x3  }
0x94: {  	_ =	strace s3  }
0x95: {  	s3 =	sld [smem:$0x3FFD];
	_ =	sdelay $0x3  }
0x96: {  	_ =	strace s3  }
0x97: {  	_ =	strace $0x8FFFFFFF  }
0x98: {  	s19 =	sld [smem:$0x3FDB];
	_ =	sdelay $0x1  }
0x99: {  	s4 =	simm.s32 $_scs_section_size  }
0x9a: {  	s5 =	simm.s32 $_size__tile_overlayer_lowered;
	s6 =	simm.s32 $_tile_overlayer_lowered  }
0x9b: {  	s22 =	simm.s32 $0x1BFF;
	s21 =	sshll.u32 s6, $0x1;
	s3 =	sadd.s32 s4, s19  }
0x9c: {  	s7 =	simm.s32 $0x0;
	s20 =	sshll.u32 s5, $0x1;
	s5 =	sadd.s32 s21, s3  }
0x9d: {  	[timem:s7], [sflag:s22] =	dma.local [hbm:s5], s20  }
0x9e: {  	_ =	swait.ge [sflag:s22], s20  }
0x9f: {  	s4 =	ssub.s32 $0x0, s20;
	[sflag:s22] =	ssyncset.done $0x0  }
0xa0: {  	[sflag:s22] =	ssyncadd.s32 s4;
	_ =	sdelay $0x1  }
0xa1: {  	s23 =	simm.s32 $0x1B8B  }
0xa2: {  	_ =	swait.ge [sflag:s23], $0x1  }
0xa3: {  	[sflag:s23] =	ssyncset.done $0x0  }
0xa4: {  	s25 =	simm.s32 $0x1B8E;
	s24 =	sld [smem:$0x3FFE];
	[sflag:s23] =	ssyncadd.s32 $0xFFFFFFFF  }
0xa5: {  	s26 =	simm.s32 $execute0_lowered;
	[smem:$0x3FD2] =	sst s25  }
0xa6: {  	s5 =	sshll.u32 s26, $0x1;
	_ =	strace $0x80000046;
	[dreg:$0x1] =	wrdreg $0xFFFFFFFF  }
0xa7: {  	s28 =	simm.s32 $_size_execute0_lowered;
	s3 =	sadd.s32 s3, s5;
	[dreg:$0x0] =	wrdreg $0x0  }
0xa8: {  	s5 =	sshll.u32 s28, $0x1;
	[dreg:$0x2] =	wrdreg s3  }
0xa9: {  	[dreg:$0x3] =	wrdreg s5  }
0xaa: {  	[dreg:$0x4] =	wrdreg $0xC0  }
0xab: {  	_ =	task [dreg:s7], $0x5FFFF  }
0xac: {  	[dreg:$0x1] =	wrdreg $0xFFFFFFFF  }
0xad: {  	[dreg:$0x0] =	wrdreg $0x60  }
0xae: {  	[dreg:$0x2] =	wrdreg s24  }
0xaf: {  	[dreg:$0x3] =	wrdreg s2  }
0xb0: {  	[dreg:$0x4] =	wrdreg $0x7B800  }
0xb1: {  	[dreg:$0x5] =	wrdreg $0x7E000  }
0xb2: {  	[dreg:$0x6] =	wrdreg $0x9  }
0xb3: {  	_ =	task.clear_ibuf [dreg:s7], $0x7FFFF;
	_ =	strace $0x90000046  }
0xb4: {  	s29 =	simm.s32 $0x9;
	_ =	strace $0x80000048  }
0xb5: {  	_ =	swait.ge [sflag:s29], $0x1  }
0xb6: {  	[sflag:s29] =	ssyncadd.s32 $0xFFFFFFFF  }
0xb7: {  	_ =	strace $0x90000048  }
0xb8: {  	_ =	sfence  }
0xb9: {  	s30 =	sld [smem:$0x0];
	_ =	sdelay $0x2  }
0xba: {  	s31 =	sshll.u32 s1, $0xD;
	s1 =	sshrl.u32 s1, $0x2  }
0xbb: {  	s3 =	sand.u32 $0x4000, s31;
	s1 =	sadd.s32 s1, s30  }
0xbc: {  	s0 =	sor.u32 s3, s0;
	s1 =	sshll.u32 s1, $0x11  }
0xbd: {  	s0 =	sor.u32 s1, s0  }
0xbe: {  	s0 =	sadd.s32 $0x8F2B, s0  }
0xbf: {  	[sflag:s0] =	ssyncadd.remote.s32 $0x1  }
0xc0: {  	_ =	sfence.sel $0xFFFF  }
0xc1: {  	[dreg:$0x0] =	wrdreg $0xFFFFFFFF;
	(pc) =	sbr.abs _section_cstart, $3  }
0xc2: {  	[dreg:$0x1] =	wrdreg $0xFFFFFFFF  }
0xc3: {  	_ =	task.clear_ibuf [dreg:s7], $0x2FFFF;
	_ =	strace $0x9FFFFFFF  }
0xc4: {  	(tm) =	ssettm $0x7FFFFFFF  }
0xc5: {  	_ =	shalt  }
tec
execute0_lowered:
.L_overlay_start_1:
0x0: {  	(tag) =	ssettag $0x1  }
0x1: {  	s7 =	rddreg [dreg:$0x0]  }
0x2: {  	s8 =	rddreg [dreg:$0x1]  }
0x3: {  	s2 =	rddreg [dreg:$0x2]  }
0x4: {  	s0 =	srdreg.scid;
	s3 =	rddreg [dreg:$0x3]  }
0x5: {  	s1 =	rddreg [dreg:$0x4];
	s4 =	simm.s32 $0x0;
	s13 =	simm.s32 $0x3  }
0x6: {  	s14 =	simm.s32 $0x2800;
	s15 =	simm.s32 $0x80;
	s16 =	simm.s32 $0x7800  }
0x7: {  	s17 =	simm.s32 $0x5000;
	s18 =	simm.s32 $0x7880;
	s19 =	simm.s32 $0x2880  }
0x8: {  	s20 =	simm.s32 $0x5080;
	s21 =	simm.s32 $0x1;
	s22 =	simm.s32 $0x2  }
0x9: {  	s23 =	simm.s32 $0x20;
	s24 =	simm.s32 $0x10;
	s5 =	sand.u32 $0x1, s0  }
0xa: {  	s25 =	simm.s32 $0x0;
	s0 =	stileid.u32;
	s6 =	smul.u32 $0x5000, s5  }
0xb: {  	[smem:$0x7FF] =	sst s4;
	s9 =	smul.u32 $0x500, s0;
	s31 =	sshll.u32 s5, $0x4  }
0xc: {  	s5 =	ssub.s32 $0x2, s5;
	s10 =	smul.u32 $0x280, s0;
	_ =	strace $0x80000047  }
0xd: {  	s11 =	sshrl.u32 s5, $0x1;
	s6 =	sadd.s32 s9, s6;
	s9 =	sor.u32 s0, s31  }
0xe: {  	s11 =	ssub.s32 s5, s11;
	s6 =	sshrl.u32 s6, $0x3;
	s9 =	smul.u32 $0x4E2, s9  }
0xf: {  	s5 =	sadd.s32 s10, s2;
	s11 =	smax.u32 s11, $0x1;
	s12 =	sadd.s32 s6, s7  }
0x10: {  	s6 =	sadd.s32 s10, s3;
	s7 =	sadd.s32 s7, s9;
	s8 =	sadd.s32 s8, s9  }
0x11: {  	v0 =	vimm.f32 $0.0e+00;
	v1 =	vimm.f32 $1.000000000e+00;
	s9 =	sadd.s32 $0x13C00, s12;
	s10 =	sadd.s32 $0x13C10, s12;
	s12 =	simm.s32 $0x7900  }
.LBB2_1:
0x12: {  	[tilespmem:$0x7900] =	vst v0  }
0x13: {  	[tilespmem:$0x7910] =	vst v0  }
0x14: {  	[tilespmem:$0x7920] =	vst v0  }
0x15: {  	[tilespmem:$0x7930] =	vst v0  }
0x16: {  	[tilespmem:$0x7940] =	vst v0  }
0x17: {  	[tilespmem:$0x7950] =	vst v0  }
0x18: {  	[tilespmem:$0x7960] =	vst v0  }
0x19: {  	[tilespmem:$0x7970] =	vst v0  }
0x1a: {  	[tilespmem:$0x7980] =	vst v0  }
0x1b: {  	[tilespmem:$0x7990] =	vst v0  }
0x1c: {  	[tilespmem:$0x79A0] =	vst v0  }
0x1d: {  	[tilespmem:$0x79B0] =	vst v0  }
0x1e: {  	[tilespmem:$0x79C0] =	vst v0  }
0x1f: {  	[tilespmem:$0x79D0] =	vst v0  }
0x20: {  	[tilespmem:$0x79E0] =	vst v0  }
0x21: {  	[tilespmem:$0x79F0] =	vst v0  }
0x22: {  	[tilespmem:$0x7A00] =	vst v0  }
0x23: {  	[tilespmem:$0x7A10] =	vst v0  }
0x24: {  	[tilespmem:$0x7A20] =	vst v0  }
0x25: {  	[tilespmem:$0x7A30] =	vst v0  }
0x26: {  	[tilespmem:$0x7A40] =	vst v0  }
0x27: {  	[tilespmem:$0x7A50] =	vst v0  }
0x28: {  	[tilespmem:$0x7A60] =	vst v0  }
0x29: {  	[tilespmem:$0x7A70] =	vst v0  }
0x2a: {  	[tilespmem:$0x7A80] =	vst v0  }
0x2b: {  	[tilespmem:$0x7A90] =	vst v0  }
0x2c: {  	[tilespmem:$0x7AA0] =	vst v0  }
0x2d: {  	[tilespmem:$0x7AB0] =	vst v0  }
0x2e: {  	[tilespmem:$0x7AC0] =	vst v0  }
0x2f: {  	[tilespmem:$0x7AD0] =	vst v0  }
0x30: {  	[tilespmem:$0x7AE0] =	vst v0  }
0x31: {  	[tilespmem:$0x7AF0] =	vst v0  }
0x32: {  	[tilespmem:$0x7B00] =	vst v0  }
0x33: {  	[tilespmem:$0x7B10] =	vst v0  }
0x34: {  	[tilespmem:$0x7B20] =	vst v0  }
0x35: {  	[tilespmem:$0x7B30] =	vst v0  }
0x36: {  	[tilespmem:$0x7B40] =	vst v0  }
0x37: {  	[tilespmem:$0x7B50] =	vst v0  }
0x38: {  	[tilespmem:$0x7B60] =	vst v0  }
0x39: {  	[tilespmem:$0x7B70] =	vst v0  }
0x3a: {  	[spmem:s5] =	stream.linear.scatter [tilespmem:s12], [sflag:$0x3], $0x280, $0x38;
	[tilespmem:$0x8080] =	vst v63  }
0x3b: {  	_ =	swait.ge [sflag:s13], $0x280  }
0x3c: {  	[sflag:s13] =	ssyncset.done $0x0  }
0x3d: {  	[sflag:s13] =	ssyncadd.s32 $0xFFFFFD80  }
0x3e: {  	[spmem:s6] =	stream.linear.scatter [tilespmem:s12], [sflag:$0x3], $0x280, $0x38;
	[tilespmem:$0x8080] =	vst v63  }
0x3f: {  	_ =	swait.ge [sflag:s13], $0x280  }
0x40: {  	[sflag:s13] =	ssyncset.done $0x0  }
0x41: {  	[sflag:s13] =	ssyncadd.s32 $0xFFFFFD80  }
0x42: {  	[tilespmem:s4], [sflag:$0x3] =	stream.linear.gather [hbm4b:s7+s4], $0x2710, $0x38;
	[tilespmem:$0x8080] =	vst v63  }
0x43: {  	_ =	swait.ge [sflag:s13], $0x2710  }
0x44: {  	[sflag:s13] =	ssyncset.done $0x0  }
0x45: {  	[sflag:s13] =	ssyncadd.s32 $0xFFFFD8F0  }
0x46: {  	[tilespmem:s14], [sflag:$0x3] =	stream.linear.gather [hbm4b:s8+s4], $0x2710, $0x38;
	[tilespmem:$0x8080] =	vst v63  }
0x47: {  	_ =	swait.ge [sflag:s13], $0x2710  }
0x48: {  	p1 =	por $0x0, $0x0;
	[sflag:s13] =	ssyncset.done $0x0  }
0x49: {  	s28 =	simm.s32 $0x7710;
	v2 =	vpsel !p1, $0x0, v1;
	[sflag:s13] =	ssyncadd.s32 $0xFFFFD8F0  }
0x4a: {  	s29 =	simm.s32 $0x4F10;
	[tilespmem:s28+$0x0] =	vst v2  }
0x4b: {  	v2 =	vld [tilespmem:s29+$0x0];
	_ =	sdelay $0x4  }
0x4c: {  	v2 =	vpsel !p1, $0x0, v2  }
0x4d: {  	s26 =	simm.s32 $0x2710;
	[tilespmem:s29+$0x0] =	vst v2  }
0x4e: {  	v2 =	vld [tilespmem:s26+$0x0];
	_ =	sdelay $0x4  }
0x4f: {  	p0 =	por $0x0, $0x0;
	s30 =	simm.s32 $0x2730;
	v2 =	vpsel !p1, $0x0, v2  }
.LBB2_2:
0x50: {  	p1 =	sne.s32 s30, $0x27F0;
	v3 =	vpsel !p0, $0x0, v1;
	[tilespmem:s26+$0x0] =	vst v2;
	s28 =	sadd.s32 $0x10, s28  }
0x51: {  	s29 =	sadd.s32 $0x10, s29;
	[tilespmem:s28+$0x0] =	vst v3  }
0x52: {  	v2 =	vld [tilespmem:s29+$0x0];
	_ =	sdelay $0x4  }
0x53: {  	v2 =	vpsel !p0, $0x0, v2  }
0x54: {  	s26 =	sadd.s32 $0x10, s26;
	[tilespmem:s29+$0x0] =	vst v2  }
0x55: {  	v2 =	vld [tilespmem:s26+$0x0]  }
.Ltmp0:
0x56: {  	(pc) =	sbr.rel @p1 .LBB2_2-.Ltmp0, $2  }
0x57: {  	_ =	sdelay $0x2  }
0x58: {  	v2 =	vpsel !p0, $0x0, v2;
	p0 =	slt.u32 s30, $0x2710;
	s30 =	sadd.s32 $0x10, s30  }
0x59: {  	v3 =	vpsel !p0, $0x0, v1;
	[tilespmem:s26+$0x0] =	vst v2;
	s28 =	sadd.s32 $0x10, s28  }
0x5a: {  	[tilespmem:s28+$0x0] =	vst v3;
	s28 =	sadd.s32 $0x10, s29  }
0x5b: {  	v2 =	vld [tilespmem:s28+$0x0];
	_ =	sdelay $0x4  }
0x5c: {  	v2 =	vpsel !p0, $0x0, v2  }
0x5d: {  	s31 =	sadd.s32 $0x10, s26;
	[tilespmem:s28+$0x0] =	vst v2  }
0x5e: {  	v2 =	vld [tilespmem:s31+$0x0];
	_ =	sdelay $0x4  }
0x5f: {  	v2 =	vpsel !p0, $0x0, v2  }
0x60: {  	s26 =	simm.s32 $0x40;
	s28 =	simm.s32 $0x0;
	[tilespmem:s31+$0x0] =	vst v2  }
.LBB2_4:
0x61: {  	p0 =	sne.s32 s26, $0x9C00;
	[tilespmem:s28+$0x5000] =	vst v1;
	s28 =	smov.u32 s26;
	s26 =	sadd.s32 $0x40, s26  }
.Ltmp1:
0x62: {  	(pc) =	sbr.rel @p0 .LBB2_4-.Ltmp1, $2  }
0x63: {  	_ =	sdelay $0x2  }
0x64: {  	s28 =	sshra.s32 s28, $0x2  }
0x65: {  	[tilespmem:s28+$0x5000] =	vst v1  }
0x66: {  	[bflag:$0x0] =	sbarrier.arrive $0xFFFF  }
0x67: {  	v2 =	vld [tilespmem:$0x0]  }
0x68: {  	v3 =	vld [tilespmem:$0x10]  }
0x69: {  	v4 =	vld [tilespmem:$0x20]  }
0x6a: {  	v5 =	vld [tilespmem:$0x30]  }
0x6b: {  	v6 =	vld [tilespmem:$0x40]  }
0x6c: {  	v59 =	vld [tilespmem:$0x70];
	[tilespmem:$0x7800] =	vst v2  }
0x6d: {  	v2 =	vld [tilespmem:$0x50];
	[tilespmem:$0x7810] =	vst v3  }
0x6e: {  	v3 =	vld [tilespmem:$0x60];
	[tilespmem:$0x7820] =	vst v4  }
0x6f: {  	[tilespmem:$0x7830] =	vst v5  }
0x70: {  	[tilespmem:$0x7840] =	vst v6  }
0x71: {  	[tilespmem:$0x7870] =	vst v59  }
0x72: {  	[tilespmem:$0x7850] =	vst v2  }
0x73: {  	[tilespmem:$0x7860] =	vst v3  }
0x74: {  	[spmem:s2] =	stream.indirect.scatter.add.f32 [tilespmem:s14], [sflag:$0x1], $0x1, s16, s15, $0xb8;
	[tilespmem:$0x8080] =	vst v63  }
0x75: {  	_ = 	snop  }
0x76: {  	[spmem:s3] =	stream.indirect.scatter.add.f32 [tilespmem:s17], [sflag:$0x1], $0x1, s16, s15, $0xb8;
	[tilespmem:$0x8080] =	vst v63  }
0x77: {  	v2 =	vld [tilespmem:$0x80]  }
0x78: {  	v3 =	vld [tilespmem:$0x90]  }
0x79: {  	v60 =	vld [tilespmem:$0xA0]  }
0x7a: {  	v61 =	vld [tilespmem:$0xB0]  }
0x7b: {  	v62 =	vld [tilespmem:$0xC0]  }
0x7c: {  	v63 =	vld [tilespmem:$0xF0];
	[tilespmem:$0x7880] =	vst v2  }
0x7d: {  	v2 =	vld [tilespmem:$0xD0];
	[tilespmem:$0x7890] =	vst v3  }
0x7e: {  	v3 =	vld [tilespmem:$0xE0];
	[tilespmem:$0x78A0] =	vst v60  }
0x7f: {  	[tilespmem:$0x78B0] =	vst v61  }
0x80: {  	[tilespmem:$0x78C0] =	vst v62  }
0x81: {  	[tilespmem:$0x78F0] =	vst v63  }
0x82: {  	[tilespmem:$0x78D0] =	vst v2  }
0x83: {  	[tilespmem:$0x78E0] =	vst v3  }
0x84: {  	[spmem:s2] =	stream.indirect.scatter.add.f32 [tilespmem:s19], [sflag:$0x2], $0x1, s18, s15, $0xb8;
	[tilespmem:$0x8080] =	vst v63  }
0x85: {  	_ = 	snop  }
0x86: {  	[spmem:s3] =	stream.indirect.scatter.add.f32 [tilespmem:s20], [sflag:$0x2], $0x1, s18, s15, $0xb8;
	[tilespmem:$0x8080] =	vst v63  }
0x87: {  	_ =	swait.ge [sflag:s21], $0x80  }
0x88: {  	[sflag:s21] =	ssyncset.done $0x0  }
0x89: {  	[sflag:s21] =	ssyncadd.s32 $0xFFFFFF80  }
0x8a: {  	_ =	swait.ge [sflag:s21], $0x80  }
0x8b: {  	[sflag:s21] =	ssyncset.done $0x0  }
0x8c: {  	s26 =	simm.s32 $0x0;
	[sflag:s21] =	ssyncadd.s32 $0xFFFFFF80  }
0x8d: {  	v2 =	vld [tilespmem:s26+$0x100];
	_ =	sdelay $0x4  }
0x8e: {  	[tilespmem:$0x7800] =	vst v2  }
0x8f: {  	v2 =	vld [tilespmem:s26+$0x110];
	_ =	sdelay $0x4  }
0x90: {  	[tilespmem:$0x7810] =	vst v2  }
0x91: {  	v2 =	vld [tilespmem:s26+$0x120];
	_ =	sdelay $0x4  }
0x92: {  	[tilespmem:$0x7820] =	vst v2  }
0x93: {  	v2 =	vld [tilespmem:s26+$0x130];
	_ =	sdelay $0x4  }
0x94: {  	[tilespmem:$0x7830] =	vst v2  }
0x95: {  	v2 =	vld [tilespmem:s26+$0x140];
	_ =	sdelay $0x4  }
0x96: {  	[tilespmem:$0x7840] =	vst v2  }
0x97: {  	v2 =	vld [tilespmem:s26+$0x150];
	_ =	sdelay $0x4  }
0x98: {  	[tilespmem:$0x7850] =	vst v2  }
0x99: {  	v2 =	vld [tilespmem:s26+$0x160];
	_ =	sdelay $0x4  }
0x9a: {  	[tilespmem:$0x7860] =	vst v2  }
0x9b: {  	v2 =	vld [tilespmem:s26+$0x170];
	_ =	sdelay $0x4  }
0x9c: {  	s28 =	simm.s32 $0x2900;
	[tilespmem:$0x7870] =	vst v2  }
0x9d: {  	[spmem:s2] =	stream.indirect.scatter.add.f32 [tilespmem:s28], [sflag:$0x1], $0x1, s16, s15, $0xb8;
	[tilespmem:$0x8080] =	vst v63  }
0x9e: {  	s28 =	simm.s32 $0x5100  }
0x9f: {  	[spmem:s3] =	stream.indirect.scatter.add.f32 [tilespmem:s28], [sflag:$0x1], $0x1, s16, s15, $0xb8;
	[tilespmem:$0x8080] =	vst v63  }
0xa0: {  	_ =	swait.ge [sflag:s22], $0x80  }
0xa1: {  	[sflag:s22] =	ssyncset.done $0x0  }
0xa2: {  	[sflag:s22] =	ssyncadd.s32 $0xFFFFFF80  }
0xa3: {  	_ =	swait.ge [sflag:s22], $0x80  }
0xa4: {  	[sflag:s22] =	ssyncset.done $0x0  }
0xa5: {  	[sflag:s22] =	ssyncadd.s32 $0xFFFFFF80  }
0xa6: {  	v2 =	vld [tilespmem:s26+$0x180];
	_ =	sdelay $0x4  }
0xa7: {  	[tilespmem:$0x7880] =	vst v2  }
0xa8: {  	v2 =	vld [tilespmem:s26+$0x190];
	_ =	sdelay $0x4  }
0xa9: {  	[tilespmem:$0x7890] =	vst v2  }
0xaa: {  	v2 =	vld [tilespmem:s26+$0x1A0];
	_ =	sdelay $0x4  }
0xab: {  	[tilespmem:$0x78A0] =	vst v2  }
0xac: {  	v2 =	vld [tilespmem:s26+$0x1B0];
	_ =	sdelay $0x4  }
0xad: {  	[tilespmem:$0x78B0] =	vst v2  }
0xae: {  	v2 =	vld [tilespmem:s26+$0x1C0];
	_ =	sdelay $0x4  }
0xaf: {  	[tilespmem:$0x78C0] =	vst v2  }
0xb0: {  	v2 =	vld [tilespmem:s26+$0x1D0];
	_ =	sdelay $0x4  }
0xb1: {  	[tilespmem:$0x78D0] =	vst v2  }
0xb2: {  	v2 =	vld [tilespmem:s26+$0x1E0];
	_ =	sdelay $0x4  }
0xb3: {  	[tilespmem:$0x78E0] =	vst v2  }
0xb4: {  	v2 =	vld [tilespmem:s26+$0x1F0];
	_ =	sdelay $0x4  }
0xb5: {  	s31 =	simm.s32 $0x2980;
	s28 =	simm.s32 $0x5180;
	s26 =	simm.s32 $0x400;
	[tilespmem:$0x78F0] =	vst v2  }
0xb6: {  	[spmem:s2] =	stream.indirect.scatter.add.f32 [tilespmem:s31], [sflag:$0x2], $0x1, s18, s15, $0xb8;
	[tilespmem:$0x8080] =	vst v63  }
.LBB2_6:
0xb7: {  	[spmem:s3] =	stream.indirect.scatter.add.f32 [tilespmem:s28], [sflag:$0x2], $0x1, s18, s15, $0xb8;
	[tilespmem:$0x8080] =	vst v63  }
0xb8: {  	s28 =	smov.u32 s26  }
0xb9: {  	p0 =	sne.s32 s26, $0x9800;
	s26 =	sadd.s32 $0x400, s26;
	_ =	swait.ge [sflag:s21], $0x80  }
0xba: {  	[sflag:s21] =	ssyncset.done $0x0  }
0xbb: {  	[sflag:s21] =	ssyncadd.s32 $0xFFFFFF80  }
0xbc: {  	_ =	swait.ge [sflag:s21], $0x80  }
0xbd: {  	[sflag:s21] =	ssyncset.done $0x0  }
0xbe: {  	s28 =	sshra.s32 s28, $0x2;
	[sflag:s21] =	ssyncadd.s32 $0xFFFFFF80  }
0xbf: {  	v2 =	vld [tilespmem:s28+$0x100];
	_ =	sdelay $0x4  }
0xc0: {  	[tilespmem:$0x7800] =	vst v2  }
0xc1: {  	v2 =	vld [tilespmem:s28+$0x110];
	_ =	sdelay $0x4  }
0xc2: {  	[tilespmem:$0x7810] =	vst v2  }
0xc3: {  	v2 =	vld [tilespmem:s28+$0x120];
	_ =	sdelay $0x4  }
0xc4: {  	[tilespmem:$0x7820] =	vst v2  }
0xc5: {  	v2 =	vld [tilespmem:s28+$0x130];
	_ =	sdelay $0x4  }
0xc6: {  	[tilespmem:$0x7830] =	vst v2  }
0xc7: {  	v2 =	vld [tilespmem:s28+$0x140];
	_ =	sdelay $0x4  }
0xc8: {  	[tilespmem:$0x7840] =	vst v2  }
0xc9: {  	v2 =	vld [tilespmem:s28+$0x150];
	_ =	sdelay $0x4  }
0xca: {  	[tilespmem:$0x7850] =	vst v2  }
0xcb: {  	v2 =	vld [tilespmem:s28+$0x160];
	_ =	sdelay $0x4  }
0xcc: {  	[tilespmem:$0x7860] =	vst v2  }
0xcd: {  	v2 =	vld [tilespmem:s28+$0x170];
	_ =	sdelay $0x4  }
0xce: {  	s29 =	sadd.s32 $0x2900, s28;
	[tilespmem:$0x7870] =	vst v2  }
0xcf: {  	[spmem:s2] =	stream.indirect.scatter.add.f32 [tilespmem:s29], [sflag:$0x1], $0x1, s16, s15, $0xb8;
	[tilespmem:$0x8080] =	vst v63  }
0xd0: {  	s29 =	sadd.s32 $0x5100, s28  }
0xd1: {  	[spmem:s3] =	stream.indirect.scatter.add.f32 [tilespmem:s29], [sflag:$0x1], $0x1, s16, s15, $0xb8;
	[tilespmem:$0x8080] =	vst v63  }
0xd2: {  	_ =	swait.ge [sflag:s22], $0x80  }
0xd3: {  	[sflag:s22] =	ssyncset.done $0x0  }
0xd4: {  	[sflag:s22] =	ssyncadd.s32 $0xFFFFFF80  }
0xd5: {  	_ =	swait.ge [sflag:s22], $0x80  }
0xd6: {  	[sflag:s22] =	ssyncset.done $0x0  }
0xd7: {  	[sflag:s22] =	ssyncadd.s32 $0xFFFFFF80  }
0xd8: {  	v2 =	vld [tilespmem:s28+$0x180];
	_ =	sdelay $0x4  }
0xd9: {  	[tilespmem:$0x7880] =	vst v2  }
0xda: {  	v2 =	vld [tilespmem:s28+$0x190];
	_ =	sdelay $0x4  }
0xdb: {  	[tilespmem:$0x7890] =	vst v2  }
0xdc: {  	v2 =	vld [tilespmem:s28+$0x1A0];
	_ =	sdelay $0x4  }
0xdd: {  	[tilespmem:$0x78A0] =	vst v2  }
0xde: {  	v2 =	vld [tilespmem:s28+$0x1B0];
	_ =	sdelay $0x4  }
0xdf: {  	[tilespmem:$0x78B0] =	vst v2  }
0xe0: {  	v2 =	vld [tilespmem:s28+$0x1C0];
	_ =	sdelay $0x4  }
0xe1: {  	[tilespmem:$0x78C0] =	vst v2  }
0xe2: {  	v2 =	vld [tilespmem:s28+$0x1D0];
	_ =	sdelay $0x4  }
0xe3: {  	[tilespmem:$0x78D0] =	vst v2  }
0xe4: {  	v2 =	vld [tilespmem:s28+$0x1E0];
	_ =	sdelay $0x4  }
0xe5: {  	[tilespmem:$0x78E0] =	vst v2  }
0xe6: {  	v2 =	vld [tilespmem:s28+$0x1F0];
	_ =	sdelay $0x2  }
.Ltmp2:
0xe7: {  	(pc) =	sbr.rel @p0 .LBB2_6-.Ltmp2, $4  }
0xe8: {  	_ = 	snop  }
0xe9: {  	s29 =	sadd.s32 $0x2980, s28;
	[tilespmem:$0x78F0] =	vst v2  }
0xea: {  	[spmem:s2] =	stream.indirect.scatter.add.f32 [tilespmem:s29], [sflag:$0x2], $0x1, s18, s15, $0xb8;
	[tilespmem:$0x8080] =	vst v63  }
0xeb: {  	s28 =	sadd.s32 $0x5180, s28  }
0xec: {  	[spmem:s3] =	stream.indirect.scatter.add.f32 [tilespmem:s28], [sflag:$0x2], $0x1, s18, s15, $0xb8;
	[tilespmem:$0x8080] =	vst v63  }
0xed: {  	_ =	swait.ge [sflag:s21], $0x80  }
0xee: {  	[sflag:s21] =	ssyncset.done $0x0  }
0xef: {  	[sflag:s21] =	ssyncadd.s32 $0xFFFFFF80  }
0xf0: {  	_ =	swait.ge [sflag:s21], $0x80  }
0xf1: {  	[sflag:s21] =	ssyncset.done $0x0  }
0xf2: {  	[sflag:s21] =	ssyncadd.s32 $0xFFFFFF80  }
0xf3: {  	_ =	swait.ge [sflag:s22], $0x80  }
0xf4: {  	[sflag:s22] =	ssyncset.done $0x0  }
0xf5: {  	[sflag:s22] =	ssyncadd.s32 $0xFFFFFF80  }
0xf6: {  	_ =	swait.ge [sflag:s22], $0x80  }
0xf7: {  	[sflag:s22] =	ssyncset.done $0x0  }
0xf8: {  	s26 =	sshll.u32 s0, $0x6;
	[sflag:s22] =	ssyncadd.s32 $0xFFFFFF80  }
0xf9: {  	s30 =	sshrl.u32 s5, $0x3;
	s26 =	sor.u32 $0x1C03, s26;
	[bflag:$0x0] =	sbarrier.arrive $0xFFFF  }
0xfa: {  	[hbm:s9@s23], [sflag:s26] =	dma.strided [spmem:s30@s24], $0x50, s21, $0x10   }
0xfb: {  	s25 =	sadd.s32 $0x1, s25;
	_ =	swait.ge [sflag:s13], $0x50  }
0xfc: {  	p0 =	sne.s32 s25, s11;
	[sflag:s13] =	ssyncset.done $0x0  }
.Ltmp3:
0xfd: {  	s31 =	sshrl.u32 s6, $0x3;
	[sflag:s13] =	ssyncadd.s32 $0xFFFFFFB0;
	(pc) =	sbr.rel @p0 .LBB2_1-.Ltmp3, $4  }
0xfe: {  	[hbm:s10@s23], [sflag:s26] =	dma.strided [spmem:s31@s24], $0x50, s21, $0x10   }
0xff: {  	_ =	swait.ge [sflag:s13], $0x50  }
0x100: {  	[sflag:s13] =	ssyncset.done $0x0  }
0x101: {  	[sflag:s13] =	ssyncadd.s32 $0xFFFFFFB0  }
0x102: {  	_ =	sfence.sel $0x180000  }
0x103: {  	[bflag:$0x0] =	sbarrier.arrive $0xFFFF  }
0x104: {  	p0 =	sne.s32 s0, $0x0;
	_ =	strace $0x90000047  }
0x105: {  	s0 =	sadd.s32 @!p0 $0x100000, s1;
	[bflag:$0x2] =	sbarrier.arrive $0xFFFF  }
0x106: {  	[sflag:s0] =	ssyncadd.tile.s32 @!p0 $0x1;
	_ =	shalt  }
.Lfunc_end2:
_tile_overlayer_lowered:
.L_overlay_start_2:
0x107: {  	(tag) =	ssettag $0x2  }
0x108: {  	s0 =	rddreg [dreg:$0x0];
	s2 =	stileid.u32  }
0x109: {  	s1 =	rddreg [dreg:$0x1];
	p0 =	sne.s32 s2, $0x0  }
0x10a: {  	s3 =	rddreg [dreg:$0x2];
	[bflag:$0x3] =	sbarrier.arrive $0xFFFF;
	s2 =	simm.s32 @!p0 $0x1C03  }
0x10b: {  	[timem:s3], [sflag:s2] =	dma.local @!p0 [hbm:s0], s1  }
0x10c: {  	s0 =	simm.s32 @!p0 $0x3  }
0x10d: {  	_ =	swait.ge @!p0 [sflag:s0], s1  }
0x10e: {  	s1 =	ssub.s32 @!p0 $0x0, s1;
	[sflag:s0] =	ssyncset.done @!p0 $0x0  }
0x10f: {  	[sflag:s0] =	ssyncadd.s32 @!p0 s1  }
0x110: {  	[bflag:$0x3] =	sbarrier.arrive $0xFFFF  }
0x111: {  	_ =	shalt  }

</sc_bundles>
